<compile_context>
chip_gen: v7x
topology: tpu7x:2x2x1
jax: 0.10.2.dev20260603
libtpu: 0.0.44.dev20260713+nightly
codegen_flags: <defaults>
</compile_context>

<pallas_src>
import functools

import jax
import jax.numpy as jnp
from jax import lax
from jax.experimental import pallas as pl
from jax.experimental.pallas import tpu as pltpu
from jax.experimental.pallas import tpu_sc as plsc
from jax._src.pallas import mpmd

VOCAB = 49408
D = 512
N_CLS = 48
N_CTX = 8
MAX_LEN = 40
SAMPLE_RATE = 4
B = 8
T = 1024 // SAMPLE_RATE
P = 15
L_LAB = 5
SOS_ID = VOCAB - 2
EOS_ID = VOCAB - 1

NC = 2
NS = 16
NW = NC * NS
BT = B * T
CHUNK = BT // NW
ROWS = BT * MAX_LEN
NBUF = 4
GRP = 2
LA = 2
CLS_ROWS = 24


def _tec_body(emb, ctxf, labels, prefix, labtok, out_p, out_m,
              shared, shmask, ready, labsm, sem_s):
    pl.run_scoped(
        functools.partial(_tec_inner, emb, ctxf, labels, prefix, labtok,
                          out_p, out_m, shared, shmask, ready),
        [pltpu.VMEM((GRP * 16, D), jnp.float32) for _ in range(NBUF)],
        [pltpu.VMEM((GRP * 16,), jnp.int32) for _ in range(NBUF)],
        pltpu.VMEM((16,), jnp.int32),
        pltpu.VMEM((CHUNK * P,), jnp.int32),
        pltpu.VMEM((CHUNK + 16,), jnp.int32),
        pltpu.VMEM((N_CLS * L_LAB,), jnp.int32),
        pltpu.VMEM((N_CLS * 16,), jnp.float32),
        pltpu.VMEM((16,), jnp.float32),
        pltpu.VMEM((CHUNK * MAX_LEN + 16,), jnp.float32),
        [pltpu.SemaphoreType.DMA for _ in range(NBUF)],
        [pltpu.SemaphoreType.DMA for _ in range(NBUF)],
    )


def _tec_inner(emb, ctxf, labels, prefix, labtok, out_p, out_m,
               shared, shmask, ready,
               blks, idxs, idx_p, prefv, labv, ltokv, cmaskv, cmask16, maskv,
               sems_g, sems_o):
    c = lax.axis_index("c")
    s = lax.axis_index("s")
    wid = s * NC + c
    base = wid * CHUNK
    iota = lax.iota(jnp.int32, 16)
    zeros_f = jnp.zeros((16,), jnp.float32)
    zeros_i = jnp.zeros((16,), jnp.int32)
    one = jnp.ones((16,), jnp.float32)

    pltpu.sync_copy(labtok, ltokv)
    ta, tb, tz = blks[0], blks[1], blks[2]
    for r in range(8):
        for col in range(D // 16):
            tz[r, pl.ds(col * 16, 16)] = zeros_f
    for k in range(N_CLS // NS):
        cls = s + NS * k
        idx_p[...] = jnp.minimum(cls * N_CTX + iota, N_CLS * N_CTX - 1)
        pltpu.async_copy(ctxf.at[idx_p], ta.at[pl.ds(0, 16)],
                         sems_g[0]).wait()
        ltv = plsc.load_gather(ltokv, [jnp.minimum(cls * L_LAB + iota,
                                                   N_CLS * L_LAB - 1)])
        reg = jnp.where(iota < L_LAB, ltv,
                        jnp.where(iota == L_LAB, jnp.full((16,), EOS_ID,
                                                          jnp.int32), zeros_i))
        idx_p[...] = reg
        pltpu.async_copy(emb.at[idx_p], tb.at[pl.ds(0, 16)],
                         sems_g[0]).wait()
        for r in (6, 7):
            for col in range(D // 16):
                tb[r, pl.ds(col * 16, 16)] = zeros_f
        pltpu.sync_copy(ta.at[pl.ds(0, 8)],
                        shared.at[pl.ds(cls * CLS_ROWS, 8)])
        pltpu.sync_copy(tb.at[pl.ds(0, 8)],
                        shared.at[pl.ds(cls * CLS_ROWS + 8, 8)])
        pltpu.sync_copy(tz.at[pl.ds(0, 8)],
                        shared.at[pl.ds(cls * CLS_ROWS + 16, 8)])
        ga = plsc.load_gather(ta, [iota, zeros_i])
        gb = plsc.load_gather(tb, [jnp.clip(iota - 8, 0, 15), zeros_i])
        val = jnp.where(iota < 8, ga, gb)
        mrow = jnp.where(iota < 14,
                         jnp.where(val != 0.0, one, zeros_f), zeros_f)
        cmask16[...] = mrow
        pltpu.sync_copy(cmask16, shmask.at[pl.ds(cls * 16, 16)])
    plsc.subcore_barrier()

    @pl.when(s == 0)
    def _():
        pl.semaphore_signal(ready)

    pltpu.sync_copy(shmask, cmaskv)

    pltpu.sync_copy(labels.at[pl.ds(base, CHUNK)], labv.at[pl.ds(0, CHUNK)])
    pltpu.sync_copy(prefix.at[pl.ds(base * P, CHUNK * P)], prefv)

    def issue_gathers(ss, b):
        for q in range(GRP):
            j = ss * GRP + q
            pv = plsc.load_gather(prefv, [jnp.maximum(j * P - 1 + iota, 0)])
            idxs[b][pl.ds(q * 16, 16)] = jnp.where(
                iota == 0, jnp.full((16,), SOS_ID, jnp.int32), pv)
        pltpu.async_copy(emb.at[idxs[b]], blks[b], sems_g[b])

    def wait_gathers(b):
        pltpu.make_async_copy(emb.at[idxs[b]], blks[b], sems_g[b]).wait()

    def wait_out(b):
        for q in range(GRP):
            pltpu.make_async_copy(blks[b].at[pl.ds(q * 16, 16)],
                                  out_p.at[pl.ds(0, 16)], sems_o[b]).wait()

    NSS = CHUNK // GRP

    for t0 in range(LA):
        issue_gathers(t0, t0)

    def body(i, carry):
        for b in range(NBUF):
            ss = i * NBUF + b
            wait_gathers(b)
            for q in range(GRP):
                j = ss * GRP + q
                bt = base + j
                lab = labv[pl.ds(j, 16)][0]
                m0 = plsc.load_gather(blks[b], [q * 16 + iota, zeros_i])
                m1 = plsc.load_gather(cmaskv, [lab * 16 + iota])
                maskv[pl.ds(j * MAX_LEN, 16)] = jnp.where(m0 != 0.0, one,
                                                          zeros_f)
                maskv[pl.ds(j * MAX_LEN + 16, 16)] = m1
                maskv[pl.ds(j * MAX_LEN + 32, 16)] = zeros_f
                pltpu.async_copy(blks[b].at[pl.ds(q * 16, 16)],
                                 out_p.at[pl.ds(bt * MAX_LEN, 16)],
                                 sems_o[b])
            nb = (b + LA) % NBUF

            @pl.when(ss >= NBUF - LA)
            def _():
                wait_out(nb)

            @pl.when(ss + LA < NSS)
            def _():
                issue_gathers(ss + LA, nb)
        return carry

    lax.fori_loop(0, NSS // NBUF, body, 0)
    for t1 in range(NSS - (NBUF - LA), NSS):
        wait_out(t1 % NBUF)
    pltpu.sync_copy(maskv.at[pl.ds(0, CHUNK * MAX_LEN)],
                    out_m.at[pl.ds(base * MAX_LEN, CHUNK * MAX_LEN)])


def _scs_body(emb, ctxf, labels, prefix, labtok, out_p, out_m,
              shared, shmask, ready, labsm, sem_s):
    c = lax.axis_index("c")
    half = BT // NC
    pl.semaphore_wait(ready)
    for w in range(half // 128):
        base = c * half + w * 128
        pltpu.sync_copy(labels.at[pl.ds(base, 128)], labsm)

        def body(j, carry):
            lab = labsm[j]
            bt = base + j
            pltpu.async_copy(shared.at[pl.ds(lab * CLS_ROWS, CLS_ROWS)],
                             out_p.at[pl.ds(bt * MAX_LEN + 16, CLS_ROWS)],
                             sem_s)
            return carry

        lax.fori_loop(0, 128, body, 0)

    def drain(j, carry):
        pltpu.make_async_copy(shared.at[pl.ds(0, CLS_ROWS)],
                              out_p.at[pl.ds(0, CLS_ROWS)], sem_s).wait()
        return carry

    lax.fori_loop(0, half, drain, 0)


@functools.partial(jax.jit, static_argnums=())
def _sc_call(emb, ctxf, labels, prefix, labtok):
    smesh = plsc.ScalarSubcoreMesh(axis_name="c", num_cores=NC)
    vmesh = plsc.VectorSubcoreMesh(core_axis_name="c", subcore_axis_name="s",
                                   num_cores=NC, num_subcores=NS)
    fn = mpmd.mpmd_map(
        [(smesh, _scs_body), (vmesh, _tec_body)],
        out_types=[
            jax.ShapeDtypeStruct((ROWS, D), jnp.float32),
            jax.ShapeDtypeStruct((ROWS,), jnp.float32),
        ],
        compiler_params=pltpu.CompilerParams(needs_layout_passes=False),
        scratch_types=[
            pltpu.VMEM_SHARED((N_CLS * CLS_ROWS, D), jnp.float32),
            pltpu.VMEM_SHARED((N_CLS * 16,), jnp.float32),
            pltpu.SemaphoreType.REGULAR(()) @ smesh,
            pltpu.SMEM((128,), jnp.int32) @ smesh,
            pltpu.SemaphoreType.DMA(()) @ smesh,
        ],
    )
    return fn(emb, ctxf, labels, prefix, labtok)


def kernel(token_embedding, ctx, last_clip_labels, prompt_prefix_tokens,
           label_tokens):
    labels_s = last_clip_labels[:, ::SAMPLE_RATE].reshape(-1)
    prefix = prompt_prefix_tokens.reshape(-1)
    ctxf = ctx.reshape(N_CLS * N_CTX, D)
    ltok = label_tokens.reshape(-1)
    prompts_flat, mask_flat = _sc_call(token_embedding, ctxf, labels_s,
                                       prefix, ltok)
    prompts = prompts_flat.reshape(B, T, MAX_LEN, D)
    pad_masks = mask_flat.reshape(B, T, MAX_LEN, 1)
    return (prompts, pad_masks)

# --- scband reference (transcript-rebuilt; emitter-appended) ---
"""Pipeline reference for scband-learner-prompt-text-encoder-16509854285939 (READ-ONLY COPY).

The authoritative reference and input builder live on the scoring server;
editing this copy changes nothing except your own understanding.
"""

import jax, jax.numpy as jnp
import numpy as np

VOCAB = 49408
D = 512
N_CLS = 48
N_CTX = 8
MAX_LEN = 40
SAMPLE_RATE = 4
B = 8
T_FULL = 1024
T = T_FULL // SAMPLE_RATE
P = 15
L_LAB = 5
SOS_ID = VOCAB - 2
EOS_ID = VOCAB - 1


def setup_inputs(seed: int = 0) -> dict:
    key = jax.random.key(seed)
    k1, k2, k3, k4, k5 = jax.random.split(key, 5)
    last_clip_labels = jax.random.randint(k1, (B, T_FULL), 0, N_CLS, dtype=jnp.int32)
    prompt_prefix_tokens = jax.random.randint(k2, (B, T, P), 0, VOCAB - 2, dtype=jnp.int32)
    label_tokens = jax.random.randint(k3, (N_CLS, L_LAB), 0, VOCAB - 2, dtype=jnp.int32)
    token_embedding = jax.random.normal(k4, (VOCAB, D), dtype=jnp.float32) * 0.02
    ctx = jax.random.normal(k5, (N_CLS, N_CTX, D), dtype=jnp.float32) * 0.2
    return {
        "token_embedding": token_embedding,
        "ctx": ctx,
        "last_clip_labels": last_clip_labels,
        "prompt_prefix_tokens": prompt_prefix_tokens,
        "label_tokens": label_tokens,
    }


def _build_prompts(token_embedding, ctx, last_clip_labels, prompt_prefix_tokens, label_tokens):
    # subsample frames as in forward: last_clip_labels[b, ::sample_rate]
    labels_s = last_clip_labels[:, ::SAMPLE_RATE]  # [B, T]
    # SOS / EOS token embeddings (token_prefix / token_suffix in the torch code)
    sos = jnp.broadcast_to(token_embedding[SOS_ID][None, None, None, :], (B, T, 1, D))
    eos = jnp.broadcast_to(token_embedding[EOS_ID][None, None, None, :], (B, T, 1, D))
    # ordinal/seg-len/frame-position prefix string -> pre-tokenized ids, embedded
    prefix_emb = jnp.take(token_embedding, prompt_prefix_tokens, axis=0)  # [B, T, P, D]
    # class-specific learned context vectors, selected per frame label
    ctx_emb = jnp.take(ctx, labels_s, axis=0)  # [B, T, N_CTX, D]
    # class-name tokens (incl trailing '.'), embedded
    lab_tok = jnp.take(label_tokens, labels_s, axis=0)  # [B, T, L_LAB]
    lab_emb = jnp.take(token_embedding, lab_tok, axis=0)  # [B, T, L_LAB, D]
    # class_token_position == 'end': [SOS, prefix, ctx, label, EOS]
    prompts = jnp.concatenate([sos, prefix_emb, ctx_emb, lab_emb, eos], axis=2)
    seq = prompts.shape[2]
    if seq < MAX_LEN:
        prompts = jnp.pad(prompts, ((0, 0), (0, 0), (0, MAX_LEN - seq), (0, 0)))
    else:
        prompts = prompts[:, :, :MAX_LEN, :]
    return prompts


def reference(token_embedding, ctx, last_clip_labels, prompt_prefix_tokens, label_tokens):
    prompts = _build_prompts(token_embedding, ctx, last_clip_labels, prompt_prefix_tokens, label_tokens)
    pad_masks = jnp.where(prompts != 0.0, jnp.ones_like(prompts), jnp.zeros_like(prompts))[:, :, :, 0:1]
    return (prompts, pad_masks)

if __name__ == "__main__":
    import jax
    _d = setup_inputs()
    print(jax.jit(kernel)(*tuple(_d.values())))

</pallas_src>

<mosaic_0001>
#map = affine_map<(d0) -> (0, 0)>
#map1 = affine_map<(d0) -> (0)>
#map2 = affine_map<(d0, d1) -> (0, 0)>
#map3 = affine_map<(d0, d1) -> (0)>
module attributes {stable_mosaic.version = 14 : i64} {
  func.func @_scs_body(%arg0: i32, %arg1: memref<49408x512xf32, #tpu.memory_space<hbm>>, %arg2: memref<384x512xf32, #tpu.memory_space<hbm>>, %arg3: memref<2048xi32, #tpu.memory_space<hbm>>, %arg4: memref<30720xi32, #tpu.memory_space<hbm>>, %arg5: memref<240xi32, #tpu.memory_space<hbm>>, %arg6: memref<81920x512xf32, #tpu.memory_space<hbm>>, %arg7: memref<81920xf32, #tpu.memory_space<hbm>>, %arg8: memref<1152x512xf32, #tpu.memory_space<vmem_shared>>, %arg9: memref<768xf32, #tpu.memory_space<vmem_shared>>, %arg10: memref<!tpu.semaphore, #tpu.memory_space<semaphore_mem>>, %arg11: memref<128xi32, #tpu.memory_space<smem>>, %arg12: memref<!tpu.dma_semaphore, #tpu.memory_space<semaphore_mem>>) attributes {dimension_semantics = [#tpu.dimension_semantics<core_parallel>], iteration_bounds = array<i64: 2>, scalar_prefetch = 0 : i64, scratch_operands = 5 : i64, tpu.core_type = #tpu.core_type<sc_scalar_subcore>, window_params = [{transform_indices = #map}, {transform_indices = #map}, {transform_indices = #map1}, {transform_indices = #map1}, {transform_indices = #map1}, {transform_indices = #map}, {transform_indices = #map1}]} {
    %semaphore_wait3A = arith.constant 1 : i32
    %semaphore_wait3A_0 = arith.constant true
    tpu.sem_wait %arg10, %semaphore_wait3A : memref<!tpu.semaphore, #tpu.memory_space<semaphore_mem>>
    %mul3A = arith.constant 1024 : i32
    %mul3A_1 = arith.muli %arg0, %mul3A : i32
    %add3A = arith.constant 0 : i32
    %add3A_2 = arith.addi %mul3A_1, %add3A : i32
    "tpu.region"() ({
      %run_scoped3A = tpu.sem_alloc : memref<!tpu.dma_semaphore, #tpu.memory_space<semaphore_mem>>
      %dma_start3A = tpu.memref_slice %arg3[%add3A_2] : memref<2048xi32, #tpu.memory_space<hbm>> -> memref<128xi32, #tpu.memory_space<hbm>>
      tpu.enqueue_dma source(%dma_start3A : memref<128xi32, #tpu.memory_space<hbm>>) target(%arg11 : memref<128xi32, #tpu.memory_space<smem>>) target_semaphore(%run_scoped3A : memref<!tpu.dma_semaphore, #tpu.memory_space<semaphore_mem>>)
      %dma_wait3A = tpu.memref_slice %arg3[%add3A_2] : memref<2048xi32, #tpu.memory_space<hbm>> -> memref<128xi32, #tpu.memory_space<hbm>>
      tpu.wait_dma2 semaphore(%run_scoped3A : memref<!tpu.dma_semaphore, #tpu.memory_space<semaphore_mem>>) src(%dma_wait3A : memref<128xi32, #tpu.memory_space<hbm>>) dst(%arg11 : memref<128xi32, #tpu.memory_space<smem>>)
      tpu.yield
    }) : () -> ()
    %scan3A = arith.constant 0 : i32
    %scan3A_3 = arith.constant 0 : i32
    %scan3A_4 = arith.constant 128 : i32
    %scan3A_5 = arith.addi %scan3A_3, %scan3A_4 : i32
    %scan3A_6 = arith.constant 1 : i32
    scf.for %scan3A_84 = %scan3A_3 to %scan3A_5 step %scan3A_6  : i32 {
      %get3A = arith.index_cast %scan3A_84 : i32 to index
      %get3A_85 = memref.load %arg11[%get3A] : memref<128xi32, #tpu.memory_space<smem>>
      %add3A_86 = arith.addi %add3A_2, %scan3A_84 : i32
      %mul3A_87 = arith.constant 24 : i32
      %mul3A_88 = arith.muli %get3A_85, %mul3A_87 : i32
      %mul3A_89 = arith.constant 40 : i32
      %mul3A_90 = arith.muli %add3A_86, %mul3A_89 : i32
      %add3A_91 = arith.constant 16 : i32
      %add3A_92 = arith.addi %mul3A_90, %add3A_91 : i32
      %dma_start3A = arith.constant 0 : i32
      %dma_start3A_93 = tpu.memref_slice %arg6[%add3A_92, %dma_start3A] : memref<81920x512xf32, #tpu.memory_space<hbm>> -> memref<24x512xf32, #tpu.memory_space<hbm>>
      %dma_start3A_94 = arith.constant 0 : i32
      %dma_start3A_95 = tpu.memref_slice %arg8[%mul3A_88, %dma_start3A_94] : memref<1152x512xf32, #tpu.memory_space<vmem_shared>> -> memref<24x512xf32, #tpu.memory_space<vmem_shared>>
      tpu.enqueue_dma source(%dma_start3A_95 : memref<24x512xf32, #tpu.memory_space<vmem_shared>>) target(%dma_start3A_93 : memref<24x512xf32, #tpu.memory_space<hbm>>) target_semaphore(%arg12 : memref<!tpu.dma_semaphore, #tpu.memory_space<semaphore_mem>>)
    }
    %scan3A_7 = arith.constant 128 : i32
    %mul3A_8 = arith.constant 1024 : i32
    %mul3A_9 = arith.muli %arg0, %mul3A_8 : i32
    %add3A_10 = arith.constant 128 : i32
    %add3A_11 = arith.addi %mul3A_9, %add3A_10 : i32
    "tpu.region"() ({
      %run_scoped3A = tpu.sem_alloc : memref<!tpu.dma_semaphore, #tpu.memory_space<semaphore_mem>>
      %dma_start3A = tpu.memref_slice %arg3[%add3A_11] : memref<2048xi32, #tpu.memory_space<hbm>> -> memref<128xi32, #tpu.memory_space<hbm>>
      tpu.enqueue_dma source(%dma_start3A : memref<128xi32, #tpu.memory_space<hbm>>) target(%arg11 : memref<128xi32, #tpu.memory_space<smem>>) target_semaphore(%run_scoped3A : memref<!tpu.dma_semaphore, #tpu.memory_space<semaphore_mem>>)
      %dma_wait3A = tpu.memref_slice %arg3[%add3A_11] : memref<2048xi32, #tpu.memory_space<hbm>> -> memref<128xi32, #tpu.memory_space<hbm>>
      tpu.wait_dma2 semaphore(%run_scoped3A : memref<!tpu.dma_semaphore, #tpu.memory_space<semaphore_mem>>) src(%dma_wait3A : memref<128xi32, #tpu.memory_space<hbm>>) dst(%arg11 : memref<128xi32, #tpu.memory_space<smem>>)
      tpu.yield
    }) : () -> ()
    %scan3A_12 = arith.constant 0 : i32
    %scan3A_13 = arith.constant 0 : i32
    %scan3A_14 = arith.constant 128 : i32
    %scan3A_15 = arith.addi %scan3A_13, %scan3A_14 : i32
    %scan3A_16 = arith.constant 1 : i32
    scf.for %scan3A_84 = %scan3A_13 to %scan3A_15 step %scan3A_16  : i32 {
      %get3A = arith.index_cast %scan3A_84 : i32 to index
      %get3A_85 = memref.load %arg11[%get3A] : memref<128xi32, #tpu.memory_space<smem>>
      %add3A_86 = arith.addi %add3A_11, %scan3A_84 : i32
      %mul3A_87 = arith.constant 24 : i32
      %mul3A_88 = arith.muli %get3A_85, %mul3A_87 : i32
      %mul3A_89 = arith.constant 40 : i32
      %mul3A_90 = arith.muli %add3A_86, %mul3A_89 : i32
      %add3A_91 = arith.constant 16 : i32
      %add3A_92 = arith.addi %mul3A_90, %add3A_91 : i32
      %dma_start3A = arith.constant 0 : i32
      %dma_start3A_93 = tpu.memref_slice %arg6[%add3A_92, %dma_start3A] : memref<81920x512xf32, #tpu.memory_space<hbm>> -> memref<24x512xf32, #tpu.memory_space<hbm>>
      %dma_start3A_94 = arith.constant 0 : i32
      %dma_start3A_95 = tpu.memref_slice %arg8[%mul3A_88, %dma_start3A_94] : memref<1152x512xf32, #tpu.memory_space<vmem_shared>> -> memref<24x512xf32, #tpu.memory_space<vmem_shared>>
      tpu.enqueue_dma source(%dma_start3A_95 : memref<24x512xf32, #tpu.memory_space<vmem_shared>>) target(%dma_start3A_93 : memref<24x512xf32, #tpu.memory_space<hbm>>) target_semaphore(%arg12 : memref<!tpu.dma_semaphore, #tpu.memory_space<semaphore_mem>>)
    }
    %scan3A_17 = arith.constant 128 : i32
    %mul3A_18 = arith.constant 1024 : i32
    %mul3A_19 = arith.muli %arg0, %mul3A_18 : i32
    %add3A_20 = arith.constant 256 : i32
    %add3A_21 = arith.addi %mul3A_19, %add3A_20 : i32
    "tpu.region"() ({
      %run_scoped3A = tpu.sem_alloc : memref<!tpu.dma_semaphore, #tpu.memory_space<semaphore_mem>>
      %dma_start3A = tpu.memref_slice %arg3[%add3A_21] : memref<2048xi32, #tpu.memory_space<hbm>> -> memref<128xi32, #tpu.memory_space<hbm>>
      tpu.enqueue_dma source(%dma_start3A : memref<128xi32, #tpu.memory_space<hbm>>) target(%arg11 : memref<128xi32, #tpu.memory_space<smem>>) target_semaphore(%run_scoped3A : memref<!tpu.dma_semaphore, #tpu.memory_space<semaphore_mem>>)
      %dma_wait3A = tpu.memref_slice %arg3[%add3A_21] : memref<2048xi32, #tpu.memory_space<hbm>> -> memref<128xi32, #tpu.memory_space<hbm>>
      tpu.wait_dma2 semaphore(%run_scoped3A : memref<!tpu.dma_semaphore, #tpu.memory_space<semaphore_mem>>) src(%dma_wait3A : memref<128xi32, #tpu.memory_space<hbm>>) dst(%arg11 : memref<128xi32, #tpu.memory_space<smem>>)
      tpu.yield
    }) : () -> ()
    %scan3A_22 = arith.constant 0 : i32
    %scan3A_23 = arith.constant 0 : i32
    %scan3A_24 = arith.constant 128 : i32
    %scan3A_25 = arith.addi %scan3A_23, %scan3A_24 : i32
    %scan3A_26 = arith.constant 1 : i32
    scf.for %scan3A_84 = %scan3A_23 to %scan3A_25 step %scan3A_26  : i32 {
      %get3A = arith.index_cast %scan3A_84 : i32 to index
      %get3A_85 = memref.load %arg11[%get3A] : memref<128xi32, #tpu.memory_space<smem>>
      %add3A_86 = arith.addi %add3A_21, %scan3A_84 : i32
      %mul3A_87 = arith.constant 24 : i32
      %mul3A_88 = arith.muli %get3A_85, %mul3A_87 : i32
      %mul3A_89 = arith.constant 40 : i32
      %mul3A_90 = arith.muli %add3A_86, %mul3A_89 : i32
      %add3A_91 = arith.constant 16 : i32
      %add3A_92 = arith.addi %mul3A_90, %add3A_91 : i32
      %dma_start3A = arith.constant 0 : i32
      %dma_start3A_93 = tpu.memref_slice %arg6[%add3A_92, %dma_start3A] : memref<81920x512xf32, #tpu.memory_space<hbm>> -> memref<24x512xf32, #tpu.memory_space<hbm>>
      %dma_start3A_94 = arith.constant 0 : i32
      %dma_start3A_95 = tpu.memref_slice %arg8[%mul3A_88, %dma_start3A_94] : memref<1152x512xf32, #tpu.memory_space<vmem_shared>> -> memref<24x512xf32, #tpu.memory_space<vmem_shared>>
      tpu.enqueue_dma source(%dma_start3A_95 : memref<24x512xf32, #tpu.memory_space<vmem_shared>>) target(%dma_start3A_93 : memref<24x512xf32, #tpu.memory_space<hbm>>) target_semaphore(%arg12 : memref<!tpu.dma_semaphore, #tpu.memory_space<semaphore_mem>>)
    }
    %scan3A_27 = arith.constant 128 : i32
    %mul3A_28 = arith.constant 1024 : i32
    %mul3A_29 = arith.muli %arg0, %mul3A_28 : i32
    %add3A_30 = arith.constant 384 : i32
    %add3A_31 = arith.addi %mul3A_29, %add3A_30 : i32
    "tpu.region"() ({
      %run_scoped3A = tpu.sem_alloc : memref<!tpu.dma_semaphore, #tpu.memory_space<semaphore_mem>>
      %dma_start3A = tpu.memref_slice %arg3[%add3A_31] : memref<2048xi32, #tpu.memory_space<hbm>> -> memref<128xi32, #tpu.memory_space<hbm>>
      tpu.enqueue_dma source(%dma_start3A : memref<128xi32, #tpu.memory_space<hbm>>) target(%arg11 : memref<128xi32, #tpu.memory_space<smem>>) target_semaphore(%run_scoped3A : memref<!tpu.dma_semaphore, #tpu.memory_space<semaphore_mem>>)
      %dma_wait3A = tpu.memref_slice %arg3[%add3A_31] : memref<2048xi32, #tpu.memory_space<hbm>> -> memref<128xi32, #tpu.memory_space<hbm>>
      tpu.wait_dma2 semaphore(%run_scoped3A : memref<!tpu.dma_semaphore, #tpu.memory_space<semaphore_mem>>) src(%dma_wait3A : memref<128xi32, #tpu.memory_space<hbm>>) dst(%arg11 : memref<128xi32, #tpu.memory_space<smem>>)
      tpu.yield
    }) : () -> ()
    %scan3A_32 = arith.constant 0 : i32
    %scan3A_33 = arith.constant 0 : i32
    %scan3A_34 = arith.constant 128 : i32
    %scan3A_35 = arith.addi %scan3A_33, %scan3A_34 : i32
    %scan3A_36 = arith.constant 1 : i32
    scf.for %scan3A_84 = %scan3A_33 to %scan3A_35 step %scan3A_36  : i32 {
      %get3A = arith.index_cast %scan3A_84 : i32 to index
      %get3A_85 = memref.load %arg11[%get3A] : memref<128xi32, #tpu.memory_space<smem>>
      %add3A_86 = arith.addi %add3A_31, %scan3A_84 : i32
      %mul3A_87 = arith.constant 24 : i32
      %mul3A_88 = arith.muli %get3A_85, %mul3A_87 : i32
      %mul3A_89 = arith.constant 40 : i32
      %mul3A_90 = arith.muli %add3A_86, %mul3A_89 : i32
      %add3A_91 = arith.constant 16 : i32
      %add3A_92 = arith.addi %mul3A_90, %add3A_91 : i32
      %dma_start3A = arith.constant 0 : i32
      %dma_start3A_93 = tpu.memref_slice %arg6[%add3A_92, %dma_start3A] : memref<81920x512xf32, #tpu.memory_space<hbm>> -> memref<24x512xf32, #tpu.memory_space<hbm>>
      %dma_start3A_94 = arith.constant 0 : i32
      %dma_start3A_95 = tpu.memref_slice %arg8[%mul3A_88, %dma_start3A_94] : memref<1152x512xf32, #tpu.memory_space<vmem_shared>> -> memref<24x512xf32, #tpu.memory_space<vmem_shared>>
      tpu.enqueue_dma source(%dma_start3A_95 : memref<24x512xf32, #tpu.memory_space<vmem_shared>>) target(%dma_start3A_93 : memref<24x512xf32, #tpu.memory_space<hbm>>) target_semaphore(%arg12 : memref<!tpu.dma_semaphore, #tpu.memory_space<semaphore_mem>>)
    }
    %scan3A_37 = arith.constant 128 : i32
    %mul3A_38 = arith.constant 1024 : i32
    %mul3A_39 = arith.muli %arg0, %mul3A_38 : i32
    %add3A_40 = arith.constant 512 : i32
    %add3A_41 = arith.addi %mul3A_39, %add3A_40 : i32
    "tpu.region"() ({
      %run_scoped3A = tpu.sem_alloc : memref<!tpu.dma_semaphore, #tpu.memory_space<semaphore_mem>>
      %dma_start3A = tpu.memref_slice %arg3[%add3A_41] : memref<2048xi32, #tpu.memory_space<hbm>> -> memref<128xi32, #tpu.memory_space<hbm>>
      tpu.enqueue_dma source(%dma_start3A : memref<128xi32, #tpu.memory_space<hbm>>) target(%arg11 : memref<128xi32, #tpu.memory_space<smem>>) target_semaphore(%run_scoped3A : memref<!tpu.dma_semaphore, #tpu.memory_space<semaphore_mem>>)
      %dma_wait3A = tpu.memref_slice %arg3[%add3A_41] : memref<2048xi32, #tpu.memory_space<hbm>> -> memref<128xi32, #tpu.memory_space<hbm>>
      tpu.wait_dma2 semaphore(%run_scoped3A : memref<!tpu.dma_semaphore, #tpu.memory_space<semaphore_mem>>) src(%dma_wait3A : memref<128xi32, #tpu.memory_space<hbm>>) dst(%arg11 : memref<128xi32, #tpu.memory_space<smem>>)
      tpu.yield
    }) : () -> ()
    %scan3A_42 = arith.constant 0 : i32
    %scan3A_43 = arith.constant 0 : i32
    %scan3A_44 = arith.constant 128 : i32
    %scan3A_45 = arith.addi %scan3A_43, %scan3A_44 : i32
    %scan3A_46 = arith.constant 1 : i32
    scf.for %scan3A_84 = %scan3A_43 to %scan3A_45 step %scan3A_46  : i32 {
      %get3A = arith.index_cast %scan3A_84 : i32 to index
      %get3A_85 = memref.load %arg11[%get3A] : memref<128xi32, #tpu.memory_space<smem>>
      %add3A_86 = arith.addi %add3A_41, %scan3A_84 : i32
      %mul3A_87 = arith.constant 24 : i32
      %mul3A_88 = arith.muli %get3A_85, %mul3A_87 : i32
      %mul3A_89 = arith.constant 40 : i32
      %mul3A_90 = arith.muli %add3A_86, %mul3A_89 : i32
      %add3A_91 = arith.constant 16 : i32
      %add3A_92 = arith.addi %mul3A_90, %add3A_91 : i32
      %dma_start3A = arith.constant 0 : i32
      %dma_start3A_93 = tpu.memref_slice %arg6[%add3A_92, %dma_start3A] : memref<81920x512xf32, #tpu.memory_space<hbm>> -> memref<24x512xf32, #tpu.memory_space<hbm>>
      %dma_start3A_94 = arith.constant 0 : i32
      %dma_start3A_95 = tpu.memref_slice %arg8[%mul3A_88, %dma_start3A_94] : memref<1152x512xf32, #tpu.memory_space<vmem_shared>> -> memref<24x512xf32, #tpu.memory_space<vmem_shared>>
      tpu.enqueue_dma source(%dma_start3A_95 : memref<24x512xf32, #tpu.memory_space<vmem_shared>>) target(%dma_start3A_93 : memref<24x512xf32, #tpu.memory_space<hbm>>) target_semaphore(%arg12 : memref<!tpu.dma_semaphore, #tpu.memory_space<semaphore_mem>>)
    }
    %scan3A_47 = arith.constant 128 : i32
    %mul3A_48 = arith.constant 1024 : i32
    %mul3A_49 = arith.muli %arg0, %mul3A_48 : i32
    %add3A_50 = arith.constant 640 : i32
    %add3A_51 = arith.addi %mul3A_49, %add3A_50 : i32
    "tpu.region"() ({
      %run_scoped3A = tpu.sem_alloc : memref<!tpu.dma_semaphore, #tpu.memory_space<semaphore_mem>>
      %dma_start3A = tpu.memref_slice %arg3[%add3A_51] : memref<2048xi32, #tpu.memory_space<hbm>> -> memref<128xi32, #tpu.memory_space<hbm>>
      tpu.enqueue_dma source(%dma_start3A : memref<128xi32, #tpu.memory_space<hbm>>) target(%arg11 : memref<128xi32, #tpu.memory_space<smem>>) target_semaphore(%run_scoped3A : memref<!tpu.dma_semaphore, #tpu.memory_space<semaphore_mem>>)
      %dma_wait3A = tpu.memref_slice %arg3[%add3A_51] : memref<2048xi32, #tpu.memory_space<hbm>> -> memref<128xi32, #tpu.memory_space<hbm>>
      tpu.wait_dma2 semaphore(%run_scoped3A : memref<!tpu.dma_semaphore, #tpu.memory_space<semaphore_mem>>) src(%dma_wait3A : memref<128xi32, #tpu.memory_space<hbm>>) dst(%arg11 : memref<128xi32, #tpu.memory_space<smem>>)
      tpu.yield
    }) : () -> ()
    %scan3A_52 = arith.constant 0 : i32
    %scan3A_53 = arith.constant 0 : i32
    %scan3A_54 = arith.constant 128 : i32
    %scan3A_55 = arith.addi %scan3A_53, %scan3A_54 : i32
    %scan3A_56 = arith.constant 1 : i32
    scf.for %scan3A_84 = %scan3A_53 to %scan3A_55 step %scan3A_56  : i32 {
      %get3A = arith.index_cast %scan3A_84 : i32 to index
      %get3A_85 = memref.load %arg11[%get3A] : memref<128xi32, #tpu.memory_space<smem>>
      %add3A_86 = arith.addi %add3A_51, %scan3A_84 : i32
      %mul3A_87 = arith.constant 24 : i32
      %mul3A_88 = arith.muli %get3A_85, %mul3A_87 : i32
      %mul3A_89 = arith.constant 40 : i32
      %mul3A_90 = arith.muli %add3A_86, %mul3A_89 : i32
      %add3A_91 = arith.constant 16 : i32
      %add3A_92 = arith.addi %mul3A_90, %add3A_91 : i32
      %dma_start3A = arith.constant 0 : i32
      %dma_start3A_93 = tpu.memref_slice %arg6[%add3A_92, %dma_start3A] : memref<81920x512xf32, #tpu.memory_space<hbm>> -> memref<24x512xf32, #tpu.memory_space<hbm>>
      %dma_start3A_94 = arith.constant 0 : i32
      %dma_start3A_95 = tpu.memref_slice %arg8[%mul3A_88, %dma_start3A_94] : memref<1152x512xf32, #tpu.memory_space<vmem_shared>> -> memref<24x512xf32, #tpu.memory_space<vmem_shared>>
      tpu.enqueue_dma source(%dma_start3A_95 : memref<24x512xf32, #tpu.memory_space<vmem_shared>>) target(%dma_start3A_93 : memref<24x512xf32, #tpu.memory_space<hbm>>) target_semaphore(%arg12 : memref<!tpu.dma_semaphore, #tpu.memory_space<semaphore_mem>>)
    }
    %scan3A_57 = arith.constant 128 : i32
    %mul3A_58 = arith.constant 1024 : i32
    %mul3A_59 = arith.muli %arg0, %mul3A_58 : i32
    %add3A_60 = arith.constant 768 : i32
    %add3A_61 = arith.addi %mul3A_59, %add3A_60 : i32
    "tpu.region"() ({
      %run_scoped3A = tpu.sem_alloc : memref<!tpu.dma_semaphore, #tpu.memory_space<semaphore_mem>>
      %dma_start3A = tpu.memref_slice %arg3[%add3A_61] : memref<2048xi32, #tpu.memory_space<hbm>> -> memref<128xi32, #tpu.memory_space<hbm>>
      tpu.enqueue_dma source(%dma_start3A : memref<128xi32, #tpu.memory_space<hbm>>) target(%arg11 : memref<128xi32, #tpu.memory_space<smem>>) target_semaphore(%run_scoped3A : memref<!tpu.dma_semaphore, #tpu.memory_space<semaphore_mem>>)
      %dma_wait3A = tpu.memref_slice %arg3[%add3A_61] : memref<2048xi32, #tpu.memory_space<hbm>> -> memref<128xi32, #tpu.memory_space<hbm>>
      tpu.wait_dma2 semaphore(%run_scoped3A : memref<!tpu.dma_semaphore, #tpu.memory_space<semaphore_mem>>) src(%dma_wait3A : memref<128xi32, #tpu.memory_space<hbm>>) dst(%arg11 : memref<128xi32, #tpu.memory_space<smem>>)
      tpu.yield
    }) : () -> ()
    %scan3A_62 = arith.constant 0 : i32
    %scan3A_63 = arith.constant 0 : i32
    %scan3A_64 = arith.constant 128 : i32
    %scan3A_65 = arith.addi %scan3A_63, %scan3A_64 : i32
    %scan3A_66 = arith.constant 1 : i32
    scf.for %scan3A_84 = %scan3A_63 to %scan3A_65 step %scan3A_66  : i32 {
      %get3A = arith.index_cast %scan3A_84 : i32 to index
      %get3A_85 = memref.load %arg11[%get3A] : memref<128xi32, #tpu.memory_space<smem>>
      %add3A_86 = arith.addi %add3A_61, %scan3A_84 : i32
      %mul3A_87 = arith.constant 24 : i32
      %mul3A_88 = arith.muli %get3A_85, %mul3A_87 : i32
      %mul3A_89 = arith.constant 40 : i32
      %mul3A_90 = arith.muli %add3A_86, %mul3A_89 : i32
      %add3A_91 = arith.constant 16 : i32
      %add3A_92 = arith.addi %mul3A_90, %add3A_91 : i32
      %dma_start3A = arith.constant 0 : i32
      %dma_start3A_93 = tpu.memref_slice %arg6[%add3A_92, %dma_start3A] : memref<81920x512xf32, #tpu.memory_space<hbm>> -> memref<24x512xf32, #tpu.memory_space<hbm>>
      %dma_start3A_94 = arith.constant 0 : i32
      %dma_start3A_95 = tpu.memref_slice %arg8[%mul3A_88, %dma_start3A_94] : memref<1152x512xf32, #tpu.memory_space<vmem_shared>> -> memref<24x512xf32, #tpu.memory_space<vmem_shared>>
      tpu.enqueue_dma source(%dma_start3A_95 : memref<24x512xf32, #tpu.memory_space<vmem_shared>>) target(%dma_start3A_93 : memref<24x512xf32, #tpu.memory_space<hbm>>) target_semaphore(%arg12 : memref<!tpu.dma_semaphore, #tpu.memory_space<semaphore_mem>>)
    }
    %scan3A_67 = arith.constant 128 : i32
    %mul3A_68 = arith.constant 1024 : i32
    %mul3A_69 = arith.muli %arg0, %mul3A_68 : i32
    %add3A_70 = arith.constant 896 : i32
    %add3A_71 = arith.addi %mul3A_69, %add3A_70 : i32
    "tpu.region"() ({
      %run_scoped3A = tpu.sem_alloc : memref<!tpu.dma_semaphore, #tpu.memory_space<semaphore_mem>>
      %dma_start3A = tpu.memref_slice %arg3[%add3A_71] : memref<2048xi32, #tpu.memory_space<hbm>> -> memref<128xi32, #tpu.memory_space<hbm>>
      tpu.enqueue_dma source(%dma_start3A : memref<128xi32, #tpu.memory_space<hbm>>) target(%arg11 : memref<128xi32, #tpu.memory_space<smem>>) target_semaphore(%run_scoped3A : memref<!tpu.dma_semaphore, #tpu.memory_space<semaphore_mem>>)
      %dma_wait3A = tpu.memref_slice %arg3[%add3A_71] : memref<2048xi32, #tpu.memory_space<hbm>> -> memref<128xi32, #tpu.memory_space<hbm>>
      tpu.wait_dma2 semaphore(%run_scoped3A : memref<!tpu.dma_semaphore, #tpu.memory_space<semaphore_mem>>) src(%dma_wait3A : memref<128xi32, #tpu.memory_space<hbm>>) dst(%arg11 : memref<128xi32, #tpu.memory_space<smem>>)
      tpu.yield
    }) : () -> ()
    %scan3A_72 = arith.constant 0 : i32
    %scan3A_73 = arith.constant 0 : i32
    %scan3A_74 = arith.constant 128 : i32
    %scan3A_75 = arith.addi %scan3A_73, %scan3A_74 : i32
    %scan3A_76 = arith.constant 1 : i32
    scf.for %scan3A_84 = %scan3A_73 to %scan3A_75 step %scan3A_76  : i32 {
      %get3A = arith.index_cast %scan3A_84 : i32 to index
      %get3A_85 = memref.load %arg11[%get3A] : memref<128xi32, #tpu.memory_space<smem>>
      %add3A_86 = arith.addi %add3A_71, %scan3A_84 : i32
      %mul3A_87 = arith.constant 24 : i32
      %mul3A_88 = arith.muli %get3A_85, %mul3A_87 : i32
      %mul3A_89 = arith.constant 40 : i32
      %mul3A_90 = arith.muli %add3A_86, %mul3A_89 : i32
      %add3A_91 = arith.constant 16 : i32
      %add3A_92 = arith.addi %mul3A_90, %add3A_91 : i32
      %dma_start3A = arith.constant 0 : i32
      %dma_start3A_93 = tpu.memref_slice %arg6[%add3A_92, %dma_start3A] : memref<81920x512xf32, #tpu.memory_space<hbm>> -> memref<24x512xf32, #tpu.memory_space<hbm>>
      %dma_start3A_94 = arith.constant 0 : i32
      %dma_start3A_95 = tpu.memref_slice %arg8[%mul3A_88, %dma_start3A_94] : memref<1152x512xf32, #tpu.memory_space<vmem_shared>> -> memref<24x512xf32, #tpu.memory_space<vmem_shared>>
      tpu.enqueue_dma source(%dma_start3A_95 : memref<24x512xf32, #tpu.memory_space<vmem_shared>>) target(%dma_start3A_93 : memref<24x512xf32, #tpu.memory_space<hbm>>) target_semaphore(%arg12 : memref<!tpu.dma_semaphore, #tpu.memory_space<semaphore_mem>>)
    }
    %scan3A_77 = arith.constant 128 : i32
    %scan3A_78 = arith.constant 0 : i32
    %scan3A_79 = arith.constant 0 : i32
    %scan3A_80 = arith.constant 1024 : i32
    %scan3A_81 = arith.addi %scan3A_79, %scan3A_80 : i32
    %scan3A_82 = arith.constant 1 : i32
    scf.for %scan3A_84 = %scan3A_79 to %scan3A_81 step %scan3A_82  : i32 {
      %dma_wait3A = arith.constant 0 : i32
      %dma_wait3A_85 = arith.constant 0 : i32
      %dma_wait3A_86 = tpu.memref_slice %arg6[%dma_wait3A, %dma_wait3A_85] : memref<81920x512xf32, #tpu.memory_space<hbm>> -> memref<24x512xf32, #tpu.memory_space<hbm>>
      %dma_wait3A_87 = arith.constant 0 : i32
      %dma_wait3A_88 = arith.constant 0 : i32
      %dma_wait3A_89 = tpu.memref_slice %arg8[%dma_wait3A_87, %dma_wait3A_88] : memref<1152x512xf32, #tpu.memory_space<vmem_shared>> -> memref<24x512xf32, #tpu.memory_space<vmem_shared>>
      tpu.wait_dma2 semaphore(%arg12 : memref<!tpu.dma_semaphore, #tpu.memory_space<semaphore_mem>>) src(%dma_wait3A_89 : memref<24x512xf32, #tpu.memory_space<vmem_shared>>) dst(%dma_wait3A_86 : memref<24x512xf32, #tpu.memory_space<hbm>>)
    }
    %scan3A_83 = arith.constant 1024 : i32
    return
  }
  func.func @_tec_body(%arg0: i32, %arg1: i32, %arg2: memref<49408x512xf32, #tpu.memory_space<hbm>>, %arg3: memref<384x512xf32, #tpu.memory_space<hbm>>, %arg4: memref<2048xi32, #tpu.memory_space<hbm>>, %arg5: memref<30720xi32, #tpu.memory_space<hbm>>, %arg6: memref<240xi32, #tpu.memory_space<hbm>>, %arg7: memref<81920x512xf32, #tpu.memory_space<hbm>>, %arg8: memref<81920xf32, #tpu.memory_space<hbm>>, %arg9: memref<1152x512xf32, #tpu.memory_space<vmem_shared>>, %arg10: memref<768xf32, #tpu.memory_space<vmem_shared>>, %arg11: memref<!tpu.semaphore, #tpu.memory_space<semaphore_mem, sc_scalar_subcore>>, %arg12: memref<128xi32, #tpu.memory_space<smem, sc_scalar_subcore>>, %arg13: memref<!tpu.dma_semaphore, #tpu.memory_space<semaphore_mem, sc_scalar_subcore>>) attributes {dimension_semantics = [#tpu.dimension_semantics<core_parallel>, #tpu.dimension_semantics<subcore_parallel>], iteration_bounds = array<i64: 2, 16>, scalar_prefetch = 0 : i64, scratch_operands = 5 : i64, tpu.core_type = #tpu.core_type<sc_vector_subcore>, window_params = [{transform_indices = #map2}, {transform_indices = #map2}, {transform_indices = #map3}, {transform_indices = #map3}, {transform_indices = #map3}, {transform_indices = #map2}, {transform_indices = #map3}]} {
    "tpu.region"() ({
      %run_scoped3A = memref.alloca() : memref<32x512xf32, #tpu.memory_space<vmem>>
      %run_scoped3A_0 = memref.alloca() : memref<32x512xf32, #tpu.memory_space<vmem>>
      %run_scoped3A_1 = memref.alloca() : memref<32x512xf32, #tpu.memory_space<vmem>>
      %run_scoped3A_2 = memref.alloca() : memref<32x512xf32, #tpu.memory_space<vmem>>
      %run_scoped3A_3 = memref.alloca() : memref<32xi32, #tpu.memory_space<vmem>>
      %run_scoped3A_4 = memref.alloca() : memref<32xi32, #tpu.memory_space<vmem>>
      %run_scoped3A_5 = memref.alloca() : memref<32xi32, #tpu.memory_space<vmem>>
      %run_scoped3A_6 = memref.alloca() : memref<32xi32, #tpu.memory_space<vmem>>
      %run_scoped3A_7 = memref.alloca() : memref<16xi32, #tpu.memory_space<vmem>>
      %run_scoped3A_8 = memref.alloca() : memref<960xi32, #tpu.memory_space<vmem>>
      %run_scoped3A_9 = memref.alloca() : memref<80xi32, #tpu.memory_space<vmem>>
      %run_scoped3A_10 = memref.alloca() : memref<240xi32, #tpu.memory_space<vmem>>
      %run_scoped3A_11 = memref.alloca() : memref<768xf32, #tpu.memory_space<vmem>>
      %run_scoped3A_12 = memref.alloca() : memref<16xf32, #tpu.memory_space<vmem>>
      %run_scoped3A_13 = memref.alloca() : memref<2576xf32, #tpu.memory_space<vmem>>
      %run_scoped3A_14 = tpu.sem_alloc : memref<!tpu.dma_semaphore, #tpu.memory_space<semaphore_mem>>
      %run_scoped3A_15 = tpu.sem_alloc : memref<!tpu.dma_semaphore, #tpu.memory_space<semaphore_mem>>
      %run_scoped3A_16 = tpu.sem_alloc : memref<!tpu.dma_semaphore, #tpu.memory_space<semaphore_mem>>
      %run_scoped3A_17 = tpu.sem_alloc : memref<!tpu.dma_semaphore, #tpu.memory_space<semaphore_mem>>
      %run_scoped3A_18 = tpu.sem_alloc : memref<!tpu.dma_semaphore, #tpu.memory_space<semaphore_mem>>
      %run_scoped3A_19 = tpu.sem_alloc : memref<!tpu.dma_semaphore, #tpu.memory_space<semaphore_mem>>
      %run_scoped3A_20 = tpu.sem_alloc : memref<!tpu.dma_semaphore, #tpu.memory_space<semaphore_mem>>
      %run_scoped3A_21 = tpu.sem_alloc : memref<!tpu.dma_semaphore, #tpu.memory_space<semaphore_mem>>
      %mul3A = arith.constant 2 : i32
      %mul3A_22 = arith.muli %arg1, %mul3A : i32
      %add3A = arith.addi %mul3A_22, %arg0 : i32
      %mul3A_23 = arith.constant 64 : i32
      %mul3A_24 = arith.muli %add3A, %mul3A_23 : i32
      %iota3A = tpu.iota {dimensions = array<i32: 0>} : vector<16xi32>
      %broadcast_in_dim3A = arith.constant 0.000000e+00 : f32
      %broadcast_in_dim3A_25 = vector.broadcast %broadcast_in_dim3A : f32 to vector<16xf32>
      %broadcast_in_dim3A_26 = arith.constant 0 : i32
      %broadcast_in_dim3A_27 = vector.broadcast %broadcast_in_dim3A_26 : i32 to vector<16xi32>
      %broadcast_in_dim3A_28 = arith.constant 1.000000e+00 : f32
      %broadcast_in_dim3A_29 = vector.broadcast %broadcast_in_dim3A_28 : f32 to vector<16xf32>
      "tpu.region"() ({
        %run_scoped3A_2212 = tpu.sem_alloc : memref<!tpu.dma_semaphore, #tpu.memory_space<semaphore_mem>>
        tpu.enqueue_dma source(%arg6 : memref<240xi32, #tpu.memory_space<hbm>>) target(%run_scoped3A_10 : memref<240xi32, #tpu.memory_space<vmem>>) target_semaphore(%run_scoped3A_2212 : memref<!tpu.dma_semaphore, #tpu.memory_space<semaphore_mem>>)
        tpu.wait_dma2 semaphore(%run_scoped3A_2212 : memref<!tpu.dma_semaphore, #tpu.memory_space<semaphore_mem>>) src(%arg6 : memref<240xi32, #tpu.memory_space<hbm>>) dst(%run_scoped3A_10 : memref<240xi32, #tpu.memory_space<vmem>>)
        tpu.yield
      }) : () -> ()
      %swap3A = arith.constant 0 : i32
      %swap3A_30 = arith.index_cast %swap3A : i32 to index
      %swap3A_31 = arith.constant 0 : index
      %swap3A_32 = tpu.vector_load %run_scoped3A_1[%swap3A_30, %swap3A_31] {strides = array<i32>} : memref<32x512xf32, #tpu.memory_space<vmem>>, vector<16xf32>,
      tpu.vector_store %run_scoped3A_1[%swap3A_30, %swap3A_31], %broadcast_in_dim3A_25 {strides = array<i32>} : memref<32x512xf32, #tpu.memory_space<vmem>>, vector<16xf32>,
      %swap3A_33 = arith.constant 0 : i32
      %swap3A_34 = arith.index_cast %swap3A_33 : i32 to index
      %swap3A_35 = arith.constant 16 : index
      %swap3A_36 = tpu.vector_load %run_scoped3A_1[%swap3A_34, %swap3A_35] {strides = array<i32>} : memref<32x512xf32, #tpu.memory_space<vmem>>, vector<16xf32>,
      tpu.vector_store %run_scoped3A_1[%swap3A_34, %swap3A_35], %broadcast_in_dim3A_25 {strides = array<i32>} : memref<32x512xf32, #tpu.memory_space<vmem>>, vector<16xf32>,
      %swap3A_37 = arith.constant 0 : i32
      %swap3A_38 = arith.index_cast %swap3A_37 : i32 to index
      %swap3A_39 = arith.constant 32 : index
      %swap3A_40 = tpu.vector_load %run_scoped3A_1[%swap3A_38, %swap3A_39] {strides = array<i32>} : memref<32x512xf32, #tpu.memory_space<vmem>>, vector<16xf32>,
      tpu.vector_store %run_scoped3A_1[%swap3A_38, %swap3A_39], %broadcast_in_dim3A_25 {strides = array<i32>} : memref<32x512xf32, #tpu.memory_space<vmem>>, vector<16xf32>,
      %swap3A_41 = arith.constant 0 : i32
      %swap3A_42 = arith.index_cast %swap3A_41 : i32 to index
      %swap3A_43 = arith.constant 48 : index
      %swap3A_44 = tpu.vector_load %run_scoped3A_1[%swap3A_42, %swap3A_43] {strides = array<i32>} : memref<32x512xf32, #tpu.memory_space<vmem>>, vector<16xf32>,
      tpu.vector_store %run_scoped3A_1[%swap3A_42, %swap3A_43], %broadcast_in_dim3A_25 {strides = array<i32>} : memref<32x512xf32, #tpu.memory_space<vmem>>, vector<16xf32>,
      %swap3A_45 = arith.constant 0 : i32
      %swap3A_46 = arith.index_cast %swap3A_45 : i32 to index
      %swap3A_47 = arith.constant 64 : index
      %swap3A_48 = tpu.vector_load %run_scoped3A_1[%swap3A_46, %swap3A_47] {strides = array<i32>} : memref<32x512xf32, #tpu.memory_space<vmem>>, vector<16xf32>,
      tpu.vector_store %run_scoped3A_1[%swap3A_46, %swap3A_47], %broadcast_in_dim3A_25 {strides = array<i32>} : memref<32x512xf32, #tpu.memory_space<vmem>>, vector<16xf32>,
      %swap3A_49 = arith.constant 0 : i32
      %swap3A_50 = arith.index_cast %swap3A_49 : i32 to index
      %swap3A_51 = arith.constant 80 : index
      %swap3A_52 = tpu.vector_load %run_scoped3A_1[%swap3A_50, %swap3A_51] {strides = array<i32>} : memref<32x512xf32, #tpu.memory_space<vmem>>, vector<16xf32>,
      tpu.vector_store %run_scoped3A_1[%swap3A_50, %swap3A_51], %broadcast_in_dim3A_25 {strides = array<i32>} : memref<32x512xf32, #tpu.memory_space<vmem>>, vector<16xf32>,
      %swap3A_53 = arith.constant 0 : i32
      %swap3A_54 = arith.index_cast %swap3A_53 : i32 to index
      %swap3A_55 = arith.constant 96 : index
      %swap3A_56 = tpu.vector_load %run_scoped3A_1[%swap3A_54, %swap3A_55] {strides = array<i32>} : memref<32x512xf32, #tpu.memory_space<vmem>>, vector<16xf32>,
      tpu.vector_store %run_scoped3A_1[%swap3A_54, %swap3A_55], %broadcast_in_dim3A_25 {strides = array<i32>} : memref<32x512xf32, #tpu.memory_space<vmem>>, vector<16xf32>,
      %swap3A_57 = arith.constant 0 : i32
      %swap3A_58 = arith.index_cast %swap3A_57 : i32 to index
      %swap3A_59 = arith.constant 112 : index
      %swap3A_60 = tpu.vector_load %run_scoped3A_1[%swap3A_58, %swap3A_59] {strides = array<i32>} : memref<32x512xf32, #tpu.memory_space<vmem>>, vector<16xf32>,
      tpu.vector_store %run_scoped3A_1[%swap3A_58, %swap3A_59], %broadcast_in_dim3A_25 {strides = array<i32>} : memref<32x512xf32, #tpu.memory_space<vmem>>, vector<16xf32>,
      %swap3A_61 = arith.constant 0 : i32
      %swap3A_62 = arith.index_cast %swap3A_61 : i32 to index
      %swap3A_63 = arith.constant 128 : index
      %swap3A_64 = tpu.vector_load %run_scoped3A_1[%swap3A_62, %swap3A_63] {strides = array<i32>} : memref<32x512xf32, #tpu.memory_space<vmem>>, vector<16xf32>,
      tpu.vector_store %run_scoped3A_1[%swap3A_62, %swap3A_63], %broadcast_in_dim3A_25 {strides = array<i32>} : memref<32x512xf32, #tpu.memory_space<vmem>>, vector<16xf32>,
      %swap3A_65 = arith.constant 0 : i32
      %swap3A_66 = arith.index_cast %swap3A_65 : i32 to index
      %swap3A_67 = arith.constant 144 : index
      %swap3A_68 = tpu.vector_load %run_scoped3A_1[%swap3A_66, %swap3A_67] {strides = array<i32>} : memref<32x512xf32, #tpu.memory_space<vmem>>, vector<16xf32>,
      tpu.vector_store %run_scoped3A_1[%swap3A_66, %swap3A_67], %broadcast_in_dim3A_25 {strides = array<i32>} : memref<32x512xf32, #tpu.memory_space<vmem>>, vector<16xf32>,
      %swap3A_69 = arith.constant 0 : i32
      %swap3A_70 = arith.index_cast %swap3A_69 : i32 to index
      %swap3A_71 = arith.constant 160 : index
      %swap3A_72 = tpu.vector_load %run_scoped3A_1[%swap3A_70, %swap3A_71] {strides = array<i32>} : memref<32x512xf32, #tpu.memory_space<vmem>>, vector<16xf32>,
      tpu.vector_store %run_scoped3A_1[%swap3A_70, %swap3A_71], %broadcast_in_dim3A_25 {strides = array<i32>} : memref<32x512xf32, #tpu.memory_space<vmem>>, vector<16xf32>,
      %swap3A_73 = arith.constant 0 : i32
      %swap3A_74 = arith.index_cast %swap3A_73 : i32 to index
      %swap3A_75 = arith.constant 176 : index
      %swap3A_76 = tpu.vector_load %run_scoped3A_1[%swap3A_74, %swap3A_75] {strides = array<i32>} : memref<32x512xf32, #tpu.memory_space<vmem>>, vector<16xf32>,
      tpu.vector_store %run_scoped3A_1[%swap3A_74, %swap3A_75], %broadcast_in_dim3A_25 {strides = array<i32>} : memref<32x512xf32, #tpu.memory_space<vmem>>, vector<16xf32>,
      %swap3A_77 = arith.constant 0 : i32
      %swap3A_78 = arith.index_cast %swap3A_77 : i32 to index
      %swap3A_79 = arith.constant 192 : index
      %swap3A_80 = tpu.vector_load %run_scoped3A_1[%swap3A_78, %swap3A_79] {strides = array<i32>} : memref<32x512xf32, #tpu.memory_space<vmem>>, vector<16xf32>,
      tpu.vector_store %run_scoped3A_1[%swap3A_78, %swap3A_79], %broadcast_in_dim3A_25 {strides = array<i32>} : memref<32x512xf32, #tpu.memory_space<vmem>>, vector<16xf32>,
      %swap3A_81 = arith.constant 0 : i32
      %swap3A_82 = arith.index_cast %swap3A_81 : i32 to index
      %swap3A_83 = arith.constant 208 : index
      %swap3A_84 = tpu.vector_load %run_scoped3A_1[%swap3A_82, %swap3A_83] {strides = array<i32>} : memref<32x512xf32, #tpu.memory_space<vmem>>, vector<16xf32>,
      tpu.vector_store %run_scoped3A_1[%swap3A_82, %swap3A_83], %broadcast_in_dim3A_25 {strides = array<i32>} : memref<32x512xf32, #tpu.memory_space<vmem>>, vector<16xf32>,
      %swap3A_85 = arith.constant 0 : i32
      %swap3A_86 = arith.index_cast %swap3A_85 : i32 to index
      %swap3A_87 = arith.constant 224 : index
      %swap3A_88 = tpu.vector_load %run_scoped3A_1[%swap3A_86, %swap3A_87] {strides = array<i32>} : memref<32x512xf32, #tpu.memory_space<vmem>>, vector<16xf32>,
      tpu.vector_store %run_scoped3A_1[%swap3A_86, %swap3A_87], %broadcast_in_dim3A_25 {strides = array<i32>} : memref<32x512xf32, #tpu.memory_space<vmem>>, vector<16xf32>,
      %swap3A_89 = arith.constant 0 : i32
      %swap3A_90 = arith.index_cast %swap3A_89 : i32 to index
      %swap3A_91 = arith.constant 240 : index
      %swap3A_92 = tpu.vector_load %run_scoped3A_1[%swap3A_90, %swap3A_91] {strides = array<i32>} : memref<32x512xf32, #tpu.memory_space<vmem>>, vector<16xf32>,
      tpu.vector_store %run_scoped3A_1[%swap3A_90, %swap3A_91], %broadcast_in_dim3A_25 {strides = array<i32>} : memref<32x512xf32, #tpu.memory_space<vmem>>, vector<16xf32>,
      %swap3A_93 = arith.constant 0 : i32
      %swap3A_94 = arith.index_cast %swap3A_93 : i32 to index
      %swap3A_95 = arith.constant 256 : index
      %swap3A_96 = tpu.vector_load %run_scoped3A_1[%swap3A_94, %swap3A_95] {strides = array<i32>} : memref<32x512xf32, #tpu.memory_space<vmem>>, vector<16xf32>,
      tpu.vector_store %run_scoped3A_1[%swap3A_94, %swap3A_95], %broadcast_in_dim3A_25 {strides = array<i32>} : memref<32x512xf32, #tpu.memory_space<vmem>>, vector<16xf32>,
      %swap3A_97 = arith.constant 0 : i32
      %swap3A_98 = arith.index_cast %swap3A_97 : i32 to index
      %swap3A_99 = arith.constant 272 : index
      %swap3A_100 = tpu.vector_load %run_scoped3A_1[%swap3A_98, %swap3A_99] {strides = array<i32>} : memref<32x512xf32, #tpu.memory_space<vmem>>, vector<16xf32>,
      tpu.vector_store %run_scoped3A_1[%swap3A_98, %swap3A_99], %broadcast_in_dim3A_25 {strides = array<i32>} : memref<32x512xf32, #tpu.memory_space<vmem>>, vector<16xf32>,
      %swap3A_101 = arith.constant 0 : i32
      %swap3A_102 = arith.index_cast %swap3A_101 : i32 to index
      %swap3A_103 = arith.constant 288 : index
      %swap3A_104 = tpu.vector_load %run_scoped3A_1[%swap3A_102, %swap3A_103] {strides = array<i32>} : memref<32x512xf32, #tpu.memory_space<vmem>>, vector<16xf32>,
      tpu.vector_store %run_scoped3A_1[%swap3A_102, %swap3A_103], %broadcast_in_dim3A_25 {strides = array<i32>} : memref<32x512xf32, #tpu.memory_space<vmem>>, vector<16xf32>,
      %swap3A_105 = arith.constant 0 : i32
      %swap3A_106 = arith.index_cast %swap3A_105 : i32 to index
      %swap3A_107 = arith.constant 304 : index
      %swap3A_108 = tpu.vector_load %run_scoped3A_1[%swap3A_106, %swap3A_107] {strides = array<i32>} : memref<32x512xf32, #tpu.memory_space<vmem>>, vector<16xf32>,
      tpu.vector_store %run_scoped3A_1[%swap3A_106, %swap3A_107], %broadcast_in_dim3A_25 {strides = array<i32>} : memref<32x512xf32, #tpu.memory_space<vmem>>, vector<16xf32>,
      %swap3A_109 = arith.constant 0 : i32
      %swap3A_110 = arith.index_cast %swap3A_109 : i32 to index
      %swap3A_111 = arith.constant 320 : index
      %swap3A_112 = tpu.vector_load %run_scoped3A_1[%swap3A_110, %swap3A_111] {strides = array<i32>} : memref<32x512xf32, #tpu.memory_space<vmem>>, vector<16xf32>,
      tpu.vector_store %run_scoped3A_1[%swap3A_110, %swap3A_111], %broadcast_in_dim3A_25 {strides = array<i32>} : memref<32x512xf32, #tpu.memory_space<vmem>>, vector<16xf32>,
      %swap3A_113 = arith.constant 0 : i32
      %swap3A_114 = arith.index_cast %swap3A_113 : i32 to index
      %swap3A_115 = arith.constant 336 : index
      %swap3A_116 = tpu.vector_load %run_scoped3A_1[%swap3A_114, %swap3A_115] {strides = array<i32>} : memref<32x512xf32, #tpu.memory_space<vmem>>, vector<16xf32>,
      tpu.vector_store %run_scoped3A_1[%swap3A_114, %swap3A_115], %broadcast_in_dim3A_25 {strides = array<i32>} : memref<32x512xf32, #tpu.memory_space<vmem>>, vector<16xf32>,
      %swap3A_117 = arith.constant 0 : i32
      %swap3A_118 = arith.index_cast %swap3A_117 : i32 to index
      %swap3A_119 = arith.constant 352 : index
      %swap3A_120 = tpu.vector_load %run_scoped3A_1[%swap3A_118, %swap3A_119] {strides = array<i32>} : memref<32x512xf32, #tpu.memory_space<vmem>>, vector<16xf32>,
      tpu.vector_store %run_scoped3A_1[%swap3A_118, %swap3A_119], %broadcast_in_dim3A_25 {strides = array<i32>} : memref<32x512xf32, #tpu.memory_space<vmem>>, vector<16xf32>,
      %swap3A_121 = arith.constant 0 : i32
      %swap3A_122 = arith.index_cast %swap3A_121 : i32 to index
      %swap3A_123 = arith.constant 368 : index
      %swap3A_124 = tpu.vector_load %run_scoped3A_1[%swap3A_122, %swap3A_123] {strides = array<i32>} : memref<32x512xf32, #tpu.memory_space<vmem>>, vector<16xf32>,
      tpu.vector_store %run_scoped3A_1[%swap3A_122, %swap3A_123], %broadcast_in_dim3A_25 {strides = array<i32>} : memref<32x512xf32, #tpu.memory_space<vmem>>, vector<16xf32>,
      %swap3A_125 = arith.constant 0 : i32
      %swap3A_126 = arith.index_cast %swap3A_125 : i32 to index
      %swap3A_127 = arith.constant 384 : index
      %swap3A_128 = tpu.vector_load %run_scoped3A_1[%swap3A_126, %swap3A_127] {strides = array<i32>} : memref<32x512xf32, #tpu.memory_space<vmem>>, vector<16xf32>,
      tpu.vector_store %run_scoped3A_1[%swap3A_126, %swap3A_127], %broadcast_in_dim3A_25 {strides = array<i32>} : memref<32x512xf32, #tpu.memory_space<vmem>>, vector<16xf32>,
      %swap3A_129 = arith.constant 0 : i32
      %swap3A_130 = arith.index_cast %swap3A_129 : i32 to index
      %swap3A_131 = arith.constant 400 : index
      %swap3A_132 = tpu.vector_load %run_scoped3A_1[%swap3A_130, %swap3A_131] {strides = array<i32>} : memref<32x512xf32, #tpu.memory_space<vmem>>, vector<16xf32>,
      tpu.vector_store %run_scoped3A_1[%swap3A_130, %swap3A_131], %broadcast_in_dim3A_25 {strides = array<i32>} : memref<32x512xf32, #tpu.memory_space<vmem>>, vector<16xf32>,
      %swap3A_133 = arith.constant 0 : i32
      %swap3A_134 = arith.index_cast %swap3A_133 : i32 to index
      %swap3A_135 = arith.constant 416 : index
      %swap3A_136 = tpu.vector_load %run_scoped3A_1[%swap3A_134, %swap3A_135] {strides = array<i32>} : memref<32x512xf32, #tpu.memory_space<vmem>>, vector<16xf32>,
      tpu.vector_store %run_scoped3A_1[%swap3A_134, %swap3A_135], %broadcast_in_dim3A_25 {strides = array<i32>} : memref<32x512xf32, #tpu.memory_space<vmem>>, vector<16xf32>,
      %swap3A_137 = arith.constant 0 : i32
      %swap3A_138 = arith.index_cast %swap3A_137 : i32 to index
      %swap3A_139 = arith.constant 432 : index
      %swap3A_140 = tpu.vector_load %run_scoped3A_1[%swap3A_138, %swap3A_139] {strides = array<i32>} : memref<32x512xf32, #tpu.memory_space<vmem>>, vector<16xf32>,
      tpu.vector_store %run_scoped3A_1[%swap3A_138, %swap3A_139], %broadcast_in_dim3A_25 {strides = array<i32>} : memref<32x512xf32, #tpu.memory_space<vmem>>, vector<16xf32>,
      %swap3A_141 = arith.constant 0 : i32
      %swap3A_142 = arith.index_cast %swap3A_141 : i32 to index
      %swap3A_143 = arith.constant 448 : index
      %swap3A_144 = tpu.vector_load %run_scoped3A_1[%swap3A_142, %swap3A_143] {strides = array<i32>} : memref<32x512xf32, #tpu.memory_space<vmem>>, vector<16xf32>,
      tpu.vector_store %run_scoped3A_1[%swap3A_142, %swap3A_143], %broadcast_in_dim3A_25 {strides = array<i32>} : memref<32x512xf32, #tpu.memory_space<vmem>>, vector<16xf32>,
      %swap3A_145 = arith.constant 0 : i32
      %swap3A_146 = arith.index_cast %swap3A_145 : i32 to index
      %swap3A_147 = arith.constant 464 : index
      %swap3A_148 = tpu.vector_load %run_scoped3A_1[%swap3A_146, %swap3A_147] {strides = array<i32>} : memref<32x512xf32, #tpu.memory_space<vmem>>, vector<16xf32>,
      tpu.vector_store %run_scoped3A_1[%swap3A_146, %swap3A_147], %broadcast_in_dim3A_25 {strides = array<i32>} : memref<32x512xf32, #tpu.memory_space<vmem>>, vector<16xf32>,
      %swap3A_149 = arith.constant 0 : i32
      %swap3A_150 = arith.index_cast %swap3A_149 : i32 to index
      %swap3A_151 = arith.constant 480 : index
      %swap3A_152 = tpu.vector_load %run_scoped3A_1[%swap3A_150, %swap3A_151] {strides = array<i32>} : memref<32x512xf32, #tpu.memory_space<vmem>>, vector<16xf32>,
      tpu.vector_store %run_scoped3A_1[%swap3A_150, %swap3A_151], %broadcast_in_dim3A_25 {strides = array<i32>} : memref<32x512xf32, #tpu.memory_space<vmem>>, vector<16xf32>,
      %swap3A_153 = arith.constant 0 : i32
      %swap3A_154 = arith.index_cast %swap3A_153 : i32 to index
      %swap3A_155 = arith.constant 496 : index
      %swap3A_156 = tpu.vector_load %run_scoped3A_1[%swap3A_154, %swap3A_155] {strides = array<i32>} : memref<32x512xf32, #tpu.memory_space<vmem>>, vector<16xf32>,
      tpu.vector_store %run_scoped3A_1[%swap3A_154, %swap3A_155], %broadcast_in_dim3A_25 {strides = array<i32>} : memref<32x512xf32, #tpu.memory_space<vmem>>, vector<16xf32>,
      %swap3A_157 = arith.constant 1 : i32
      %swap3A_158 = arith.index_cast %swap3A_157 : i32 to index
      %swap3A_159 = arith.constant 0 : index
      %swap3A_160 = tpu.vector_load %run_scoped3A_1[%swap3A_158, %swap3A_159] {strides = array<i32>} : memref<32x512xf32, #tpu.memory_space<vmem>>, vector<16xf32>,
      tpu.vector_store %run_scoped3A_1[%swap3A_158, %swap3A_159], %broadcast_in_dim3A_25 {strides = array<i32>} : memref<32x512xf32, #tpu.memory_space<vmem>>, vector<16xf32>,
      %swap3A_161 = arith.constant 1 : i32
      %swap3A_162 = arith.index_cast %swap3A_161 : i32 to index
      %swap3A_163 = arith.constant 16 : index
      %swap3A_164 = tpu.vector_load %run_scoped3A_1[%swap3A_162, %swap3A_163] {strides = array<i32>} : memref<32x512xf32, #tpu.memory_space<vmem>>, vector<16xf32>,
      tpu.vector_store %run_scoped3A_1[%swap3A_162, %swap3A_163], %broadcast_in_dim3A_25 {strides = array<i32>} : memref<32x512xf32, #tpu.memory_space<vmem>>, vector<16xf32>,
      %swap3A_165 = arith.constant 1 : i32
      %swap3A_166 = arith.index_cast %swap3A_165 : i32 to index
      %swap3A_167 = arith.constant 32 : index
      %swap3A_168 = tpu.vector_load %run_scoped3A_1[%swap3A_166, %swap3A_167] {strides = array<i32>} : memref<32x512xf32, #tpu.memory_space<vmem>>, vector<16xf32>,
      tpu.vector_store %run_scoped3A_1[%swap3A_166, %swap3A_167], %broadcast_in_dim3A_25 {strides = array<i32>} : memref<32x512xf32, #tpu.memory_space<vmem>>, vector<16xf32>,
      %swap3A_169 = arith.constant 1 : i32
      %swap3A_170 = arith.index_cast %swap3A_169 : i32 to index
      %swap3A_171 = arith.constant 48 : index
      %swap3A_172 = tpu.vector_load %run_scoped3A_1[%swap3A_170, %swap3A_171] {strides = array<i32>} : memref<32x512xf32, #tpu.memory_space<vmem>>, vector<16xf32>,
      tpu.vector_store %run_scoped3A_1[%swap3A_170, %swap3A_171], %broadcast_in_dim3A_25 {strides = array<i32>} : memref<32x512xf32, #tpu.memory_space<vmem>>, vector<16xf32>,
      %swap3A_173 = arith.constant 1 : i32
      %swap3A_174 = arith.index_cast %swap3A_173 : i32 to index
      %swap3A_175 = arith.constant 64 : index
      %swap3A_176 = tpu.vector_load %run_scoped3A_1[%swap3A_174, %swap3A_175] {strides = array<i32>} : memref<32x512xf32, #tpu.memory_space<vmem>>, vector<16xf32>,
      tpu.vector_store %run_scoped3A_1[%swap3A_174, %swap3A_175], %broadcast_in_dim3A_25 {strides = array<i32>} : memref<32x512xf32, #tpu.memory_space<vmem>>, vector<16xf32>,
      %swap3A_177 = arith.constant 1 : i32
      %swap3A_178 = arith.index_cast %swap3A_177 : i32 to index
      %swap3A_179 = arith.constant 80 : index
      %swap3A_180 = tpu.vector_load %run_scoped3A_1[%swap3A_178, %swap3A_179] {strides = array<i32>} : memref<32x512xf32, #tpu.memory_space<vmem>>, vector<16xf32>,
      tpu.vector_store %run_scoped3A_1[%swap3A_178, %swap3A_179], %broadcast_in_dim3A_25 {strides = array<i32>} : memref<32x512xf32, #tpu.memory_space<vmem>>, vector<16xf32>,
      %swap3A_181 = arith.constant 1 : i32
      %swap3A_182 = arith.index_cast %swap3A_181 : i32 to index
      %swap3A_183 = arith.constant 96 : index
      %swap3A_184 = tpu.vector_load %run_scoped3A_1[%swap3A_182, %swap3A_183] {strides = array<i32>} : memref<32x512xf32, #tpu.memory_space<vmem>>, vector<16xf32>,
      tpu.vector_store %run_scoped3A_1[%swap3A_182, %swap3A_183], %broadcast_in_dim3A_25 {strides = array<i32>} : memref<32x512xf32, #tpu.memory_space<vmem>>, vector<16xf32>,
      %swap3A_185 = arith.constant 1 : i32
      %swap3A_186 = arith.index_cast %swap3A_185 : i32 to index
      %swap3A_187 = arith.constant 112 : index
      %swap3A_188 = tpu.vector_load %run_scoped3A_1[%swap3A_186, %swap3A_187] {strides = array<i32>} : memref<32x512xf32, #tpu.memory_space<vmem>>, vector<16xf32>,
      tpu.vector_store %run_scoped3A_1[%swap3A_186, %swap3A_187], %broadcast_in_dim3A_25 {strides = array<i32>} : memref<32x512xf32, #tpu.memory_space<vmem>>, vector<16xf32>,
      %swap3A_189 = arith.constant 1 : i32
      %swap3A_190 = arith.index_cast %swap3A_189 : i32 to index
      %swap3A_191 = arith.constant 128 : index
      %swap3A_192 = tpu.vector_load %run_scoped3A_1[%swap3A_190, %swap3A_191] {strides = array<i32>} : memref<32x512xf32, #tpu.memory_space<vmem>>, vector<16xf32>,
      tpu.vector_store %run_scoped3A_1[%swap3A_190, %swap3A_191], %broadcast_in_dim3A_25 {strides = array<i32>} : memref<32x512xf32, #tpu.memory_space<vmem>>, vector<16xf32>,
      %swap3A_193 = arith.constant 1 : i32
      %swap3A_194 = arith.index_cast %swap3A_193 : i32 to index
      %swap3A_195 = arith.constant 144 : index
      %swap3A_196 = tpu.vector_load %run_scoped3A_1[%swap3A_194, %swap3A_195] {strides = array<i32>} : memref<32x512xf32, #tpu.memory_space<vmem>>, vector<16xf32>,
      tpu.vector_store %run_scoped3A_1[%swap3A_194, %swap3A_195], %broadcast_in_dim3A_25 {strides = array<i32>} : memref<32x512xf32, #tpu.memory_space<vmem>>, vector<16xf32>,
      %swap3A_197 = arith.constant 1 : i32
      %swap3A_198 = arith.index_cast %swap3A_197 : i32 to index
      %swap3A_199 = arith.constant 160 : index
      %swap3A_200 = tpu.vector_load %run_scoped3A_1[%swap3A_198, %swap3A_199] {strides = array<i32>} : memref<32x512xf32, #tpu.memory_space<vmem>>, vector<16xf32>,
      tpu.vector_store %run_scoped3A_1[%swap3A_198, %swap3A_199], %broadcast_in_dim3A_25 {strides = array<i32>} : memref<32x512xf32, #tpu.memory_space<vmem>>, vector<16xf32>,
      %swap3A_201 = arith.constant 1 : i32
      %swap3A_202 = arith.index_cast %swap3A_201 : i32 to index
      %swap3A_203 = arith.constant 176 : index
      %swap3A_204 = tpu.vector_load %run_scoped3A_1[%swap3A_202, %swap3A_203] {strides = array<i32>} : memref<32x512xf32, #tpu.memory_space<vmem>>, vector<16xf32>,
      tpu.vector_store %run_scoped3A_1[%swap3A_202, %swap3A_203], %broadcast_in_dim3A_25 {strides = array<i32>} : memref<32x512xf32, #tpu.memory_space<vmem>>, vector<16xf32>,
      %swap3A_205 = arith.constant 1 : i32
      %swap3A_206 = arith.index_cast %swap3A_205 : i32 to index
      %swap3A_207 = arith.constant 192 : index
      %swap3A_208 = tpu.vector_load %run_scoped3A_1[%swap3A_206, %swap3A_207] {strides = array<i32>} : memref<32x512xf32, #tpu.memory_space<vmem>>, vector<16xf32>,
      tpu.vector_store %run_scoped3A_1[%swap3A_206, %swap3A_207], %broadcast_in_dim3A_25 {strides = array<i32>} : memref<32x512xf32, #tpu.memory_space<vmem>>, vector<16xf32>,
      %swap3A_209 = arith.constant 1 : i32
      %swap3A_210 = arith.index_cast %swap3A_209 : i32 to index
      %swap3A_211 = arith.constant 208 : index
      %swap3A_212 = tpu.vector_load %run_scoped3A_1[%swap3A_210, %swap3A_211] {strides = array<i32>} : memref<32x512xf32, #tpu.memory_space<vmem>>, vector<16xf32>,
      tpu.vector_store %run_scoped3A_1[%swap3A_210, %swap3A_211], %broadcast_in_dim3A_25 {strides = array<i32>} : memref<32x512xf32, #tpu.memory_space<vmem>>, vector<16xf32>,
      %swap3A_213 = arith.constant 1 : i32
      %swap3A_214 = arith.index_cast %swap3A_213 : i32 to index
      %swap3A_215 = arith.constant 224 : index
      %swap3A_216 = tpu.vector_load %run_scoped3A_1[%swap3A_214, %swap3A_215] {strides = array<i32>} : memref<32x512xf32, #tpu.memory_space<vmem>>, vector<16xf32>,
      tpu.vector_store %run_scoped3A_1[%swap3A_214, %swap3A_215], %broadcast_in_dim3A_25 {strides = array<i32>} : memref<32x512xf32, #tpu.memory_space<vmem>>, vector<16xf32>,
      %swap3A_217 = arith.constant 1 : i32
      %swap3A_218 = arith.index_cast %swap3A_217 : i32 to index
      %swap3A_219 = arith.constant 240 : index
      %swap3A_220 = tpu.vector_load %run_scoped3A_1[%swap3A_218, %swap3A_219] {strides = array<i32>} : memref<32x512xf32, #tpu.memory_space<vmem>>, vector<16xf32>,
      tpu.vector_store %run_scoped3A_1[%swap3A_218, %swap3A_219], %broadcast_in_dim3A_25 {strides = array<i32>} : memref<32x512xf32, #tpu.memory_space<vmem>>, vector<16xf32>,
      %swap3A_221 = arith.constant 1 : i32
      %swap3A_222 = arith.index_cast %swap3A_221 : i32 to index
      %swap3A_223 = arith.constant 256 : index
      %swap3A_224 = tpu.vector_load %run_scoped3A_1[%swap3A_222, %swap3A_223] {strides = array<i32>} : memref<32x512xf32, #tpu.memory_space<vmem>>, vector<16xf32>,
      tpu.vector_store %run_scoped3A_1[%swap3A_222, %swap3A_223], %broadcast_in_dim3A_25 {strides = array<i32>} : memref<32x512xf32, #tpu.memory_space<vmem>>, vector<16xf32>,
      %swap3A_225 = arith.constant 1 : i32
      %swap3A_226 = arith.index_cast %swap3A_225 : i32 to index
      %swap3A_227 = arith.constant 272 : index
      %swap3A_228 = tpu.vector_load %run_scoped3A_1[%swap3A_226, %swap3A_227] {strides = array<i32>} : memref<32x512xf32, #tpu.memory_space<vmem>>, vector<16xf32>,
      tpu.vector_store %run_scoped3A_1[%swap3A_226, %swap3A_227], %broadcast_in_dim3A_25 {strides = array<i32>} : memref<32x512xf32, #tpu.memory_space<vmem>>, vector<16xf32>,
      %swap3A_229 = arith.constant 1 : i32
      %swap3A_230 = arith.index_cast %swap3A_229 : i32 to index
      %swap3A_231 = arith.constant 288 : index
      %swap3A_232 = tpu.vector_load %run_scoped3A_1[%swap3A_230, %swap3A_231] {strides = array<i32>} : memref<32x512xf32, #tpu.memory_space<vmem>>, vector<16xf32>,
      tpu.vector_store %run_scoped3A_1[%swap3A_230, %swap3A_231], %broadcast_in_dim3A_25 {strides = array<i32>} : memref<32x512xf32, #tpu.memory_space<vmem>>, vector<16xf32>,
      %swap3A_233 = arith.constant 1 : i32
      %swap3A_234 = arith.index_cast %swap3A_233 : i32 to index
      %swap3A_235 = arith.constant 304 : index
      %swap3A_236 = tpu.vector_load %run_scoped3A_1[%swap3A_234, %swap3A_235] {strides = array<i32>} : memref<32x512xf32, #tpu.memory_space<vmem>>, vector<16xf32>,
      tpu.vector_store %run_scoped3A_1[%swap3A_234, %swap3A_235], %broadcast_in_dim3A_25 {strides = array<i32>} : memref<32x512xf32, #tpu.memory_space<vmem>>, vector<16xf32>,
      %swap3A_237 = arith.constant 1 : i32
      %swap3A_238 = arith.index_cast %swap3A_237 : i32 to index
      %swap3A_239 = arith.constant 320 : index
      %swap3A_240 = tpu.vector_load %run_scoped3A_1[%swap3A_238, %swap3A_239] {strides = array<i32>} : memref<32x512xf32, #tpu.memory_space<vmem>>, vector<16xf32>,
      tpu.vector_store %run_scoped3A_1[%swap3A_238, %swap3A_239], %broadcast_in_dim3A_25 {strides = array<i32>} : memref<32x512xf32, #tpu.memory_space<vmem>>, vector<16xf32>,
      %swap3A_241 = arith.constant 1 : i32
      %swap3A_242 = arith.index_cast %swap3A_241 : i32 to index
      %swap3A_243 = arith.constant 336 : index
      %swap3A_244 = tpu.vector_load %run_scoped3A_1[%swap3A_242, %swap3A_243] {strides = array<i32>} : memref<32x512xf32, #tpu.memory_space<vmem>>, vector<16xf32>,
      tpu.vector_store %run_scoped3A_1[%swap3A_242, %swap3A_243], %broadcast_in_dim3A_25 {strides = array<i32>} : memref<32x512xf32, #tpu.memory_space<vmem>>, vector<16xf32>,
      %swap3A_245 = arith.constant 1 : i32
      %swap3A_246 = arith.index_cast %swap3A_245 : i32 to index
      %swap3A_247 = arith.constant 352 : index
      %swap3A_248 = tpu.vector_load %run_scoped3A_1[%swap3A_246, %swap3A_247] {strides = array<i32>} : memref<32x512xf32, #tpu.memory_space<vmem>>, vector<16xf32>,
      tpu.vector_store %run_scoped3A_1[%swap3A_246, %swap3A_247], %broadcast_in_dim3A_25 {strides = array<i32>} : memref<32x512xf32, #tpu.memory_space<vmem>>, vector<16xf32>,
      %swap3A_249 = arith.constant 1 : i32
      %swap3A_250 = arith.index_cast %swap3A_249 : i32 to index
      %swap3A_251 = arith.constant 368 : index
      %swap3A_252 = tpu.vector_load %run_scoped3A_1[%swap3A_250, %swap3A_251] {strides = array<i32>} : memref<32x512xf32, #tpu.memory_space<vmem>>, vector<16xf32>,
      tpu.vector_store %run_scoped3A_1[%swap3A_250, %swap3A_251], %broadcast_in_dim3A_25 {strides = array<i32>} : memref<32x512xf32, #tpu.memory_space<vmem>>, vector<16xf32>,
      %swap3A_253 = arith.constant 1 : i32
      %swap3A_254 = arith.index_cast %swap3A_253 : i32 to index
      %swap3A_255 = arith.constant 384 : index
      %swap3A_256 = tpu.vector_load %run_scoped3A_1[%swap3A_254, %swap3A_255] {strides = array<i32>} : memref<32x512xf32, #tpu.memory_space<vmem>>, vector<16xf32>,
      tpu.vector_store %run_scoped3A_1[%swap3A_254, %swap3A_255], %broadcast_in_dim3A_25 {strides = array<i32>} : memref<32x512xf32, #tpu.memory_space<vmem>>, vector<16xf32>,
      %swap3A_257 = arith.constant 1 : i32
      %swap3A_258 = arith.index_cast %swap3A_257 : i32 to index
      %swap3A_259 = arith.constant 400 : index
      %swap3A_260 = tpu.vector_load %run_scoped3A_1[%swap3A_258, %swap3A_259] {strides = array<i32>} : memref<32x512xf32, #tpu.memory_space<vmem>>, vector<16xf32>,
      tpu.vector_store %run_scoped3A_1[%swap3A_258, %swap3A_259], %broadcast_in_dim3A_25 {strides = array<i32>} : memref<32x512xf32, #tpu.memory_space<vmem>>, vector<16xf32>,
      %swap3A_261 = arith.constant 1 : i32
      %swap3A_262 = arith.index_cast %swap3A_261 : i32 to index
      %swap3A_263 = arith.constant 416 : index
      %swap3A_264 = tpu.vector_load %run_scoped3A_1[%swap3A_262, %swap3A_263] {strides = array<i32>} : memref<32x512xf32, #tpu.memory_space<vmem>>, vector<16xf32>,
      tpu.vector_store %run_scoped3A_1[%swap3A_262, %swap3A_263], %broadcast_in_dim3A_25 {strides = array<i32>} : memref<32x512xf32, #tpu.memory_space<vmem>>, vector<16xf32>,
      %swap3A_265 = arith.constant 1 : i32
      %swap3A_266 = arith.index_cast %swap3A_265 : i32 to index
      %swap3A_267 = arith.constant 432 : index
      %swap3A_268 = tpu.vector_load %run_scoped3A_1[%swap3A_266, %swap3A_267] {strides = array<i32>} : memref<32x512xf32, #tpu.memory_space<vmem>>, vector<16xf32>,
      tpu.vector_store %run_scoped3A_1[%swap3A_266, %swap3A_267], %broadcast_in_dim3A_25 {strides = array<i32>} : memref<32x512xf32, #tpu.memory_space<vmem>>, vector<16xf32>,
      %swap3A_269 = arith.constant 1 : i32
      %swap3A_270 = arith.index_cast %swap3A_269 : i32 to index
      %swap3A_271 = arith.constant 448 : index
      %swap3A_272 = tpu.vector_load %run_scoped3A_1[%swap3A_270, %swap3A_271] {strides = array<i32>} : memref<32x512xf32, #tpu.memory_space<vmem>>, vector<16xf32>,
      tpu.vector_store %run_scoped3A_1[%swap3A_270, %swap3A_271], %broadcast_in_dim3A_25 {strides = array<i32>} : memref<32x512xf32, #tpu.memory_space<vmem>>, vector<16xf32>,
      %swap3A_273 = arith.constant 1 : i32
      %swap3A_274 = arith.index_cast %swap3A_273 : i32 to index
      %swap3A_275 = arith.constant 464 : index
      %swap3A_276 = tpu.vector_load %run_scoped3A_1[%swap3A_274, %swap3A_275] {strides = array<i32>} : memref<32x512xf32, #tpu.memory_space<vmem>>, vector<16xf32>,
      tpu.vector_store %run_scoped3A_1[%swap3A_274, %swap3A_275], %broadcast_in_dim3A_25 {strides = array<i32>} : memref<32x512xf32, #tpu.memory_space<vmem>>, vector<16xf32>,
      %swap3A_277 = arith.constant 1 : i32
      %swap3A_278 = arith.index_cast %swap3A_277 : i32 to index
      %swap3A_279 = arith.constant 480 : index
      %swap3A_280 = tpu.vector_load %run_scoped3A_1[%swap3A_278, %swap3A_279] {strides = array<i32>} : memref<32x512xf32, #tpu.memory_space<vmem>>, vector<16xf32>,
      tpu.vector_store %run_scoped3A_1[%swap3A_278, %swap3A_279], %broadcast_in_dim3A_25 {strides = array<i32>} : memref<32x512xf32, #tpu.memory_space<vmem>>, vector<16xf32>,
      %swap3A_281 = arith.constant 1 : i32
      %swap3A_282 = arith.index_cast %swap3A_281 : i32 to index
      %swap3A_283 = arith.constant 496 : index
      %swap3A_284 = tpu.vector_load %run_scoped3A_1[%swap3A_282, %swap3A_283] {strides = array<i32>} : memref<32x512xf32, #tpu.memory_space<vmem>>, vector<16xf32>,
      tpu.vector_store %run_scoped3A_1[%swap3A_282, %swap3A_283], %broadcast_in_dim3A_25 {strides = array<i32>} : memref<32x512xf32, #tpu.memory_space<vmem>>, vector<16xf32>,
      %swap3A_285 = arith.constant 2 : i32
      %swap3A_286 = arith.index_cast %swap3A_285 : i32 to index
      %swap3A_287 = arith.constant 0 : index
      %swap3A_288 = tpu.vector_load %run_scoped3A_1[%swap3A_286, %swap3A_287] {strides = array<i32>} : memref<32x512xf32, #tpu.memory_space<vmem>>, vector<16xf32>,
      tpu.vector_store %run_scoped3A_1[%swap3A_286, %swap3A_287], %broadcast_in_dim3A_25 {strides = array<i32>} : memref<32x512xf32, #tpu.memory_space<vmem>>, vector<16xf32>,
      %swap3A_289 = arith.constant 2 : i32
      %swap3A_290 = arith.index_cast %swap3A_289 : i32 to index
      %swap3A_291 = arith.constant 16 : index
      %swap3A_292 = tpu.vector_load %run_scoped3A_1[%swap3A_290, %swap3A_291] {strides = array<i32>} : memref<32x512xf32, #tpu.memory_space<vmem>>, vector<16xf32>,
      tpu.vector_store %run_scoped3A_1[%swap3A_290, %swap3A_291], %broadcast_in_dim3A_25 {strides = array<i32>} : memref<32x512xf32, #tpu.memory_space<vmem>>, vector<16xf32>,
      %swap3A_293 = arith.constant 2 : i32
      %swap3A_294 = arith.index_cast %swap3A_293 : i32 to index
      %swap3A_295 = arith.constant 32 : index
      %swap3A_296 = tpu.vector_load %run_scoped3A_1[%swap3A_294, %swap3A_295] {strides = array<i32>} : memref<32x512xf32, #tpu.memory_space<vmem>>, vector<16xf32>,
      tpu.vector_store %run_scoped3A_1[%swap3A_294, %swap3A_295], %broadcast_in_dim3A_25 {strides = array<i32>} : memref<32x512xf32, #tpu.memory_space<vmem>>, vector<16xf32>,
      %swap3A_297 = arith.constant 2 : i32
      %swap3A_298 = arith.index_cast %swap3A_297 : i32 to index
      %swap3A_299 = arith.constant 48 : index
      %swap3A_300 = tpu.vector_load %run_scoped3A_1[%swap3A_298, %swap3A_299] {strides = array<i32>} : memref<32x512xf32, #tpu.memory_space<vmem>>, vector<16xf32>,
      tpu.vector_store %run_scoped3A_1[%swap3A_298, %swap3A_299], %broadcast_in_dim3A_25 {strides = array<i32>} : memref<32x512xf32, #tpu.memory_space<vmem>>, vector<16xf32>,
      %swap3A_301 = arith.constant 2 : i32
      %swap3A_302 = arith.index_cast %swap3A_301 : i32 to index
      %swap3A_303 = arith.constant 64 : index
      %swap3A_304 = tpu.vector_load %run_scoped3A_1[%swap3A_302, %swap3A_303] {strides = array<i32>} : memref<32x512xf32, #tpu.memory_space<vmem>>, vector<16xf32>,
      tpu.vector_store %run_scoped3A_1[%swap3A_302, %swap3A_303], %broadcast_in_dim3A_25 {strides = array<i32>} : memref<32x512xf32, #tpu.memory_space<vmem>>, vector<16xf32>,
      %swap3A_305 = arith.constant 2 : i32
      %swap3A_306 = arith.index_cast %swap3A_305 : i32 to index
      %swap3A_307 = arith.constant 80 : index
      %swap3A_308 = tpu.vector_load %run_scoped3A_1[%swap3A_306, %swap3A_307] {strides = array<i32>} : memref<32x512xf32, #tpu.memory_space<vmem>>, vector<16xf32>,
      tpu.vector_store %run_scoped3A_1[%swap3A_306, %swap3A_307], %broadcast_in_dim3A_25 {strides = array<i32>} : memref<32x512xf32, #tpu.memory_space<vmem>>, vector<16xf32>,
      %swap3A_309 = arith.constant 2 : i32
      %swap3A_310 = arith.index_cast %swap3A_309 : i32 to index
      %swap3A_311 = arith.constant 96 : index
      %swap3A_312 = tpu.vector_load %run_scoped3A_1[%swap3A_310, %swap3A_311] {strides = array<i32>} : memref<32x512xf32, #tpu.memory_space<vmem>>, vector<16xf32>,
      tpu.vector_store %run_scoped3A_1[%swap3A_310, %swap3A_311], %broadcast_in_dim3A_25 {strides = array<i32>} : memref<32x512xf32, #tpu.memory_space<vmem>>, vector<16xf32>,
      %swap3A_313 = arith.constant 2 : i32
      %swap3A_314 = arith.index_cast %swap3A_313 : i32 to index
      %swap3A_315 = arith.constant 112 : index
      %swap3A_316 = tpu.vector_load %run_scoped3A_1[%swap3A_314, %swap3A_315] {strides = array<i32>} : memref<32x512xf32, #tpu.memory_space<vmem>>, vector<16xf32>,
      tpu.vector_store %run_scoped3A_1[%swap3A_314, %swap3A_315], %broadcast_in_dim3A_25 {strides = array<i32>} : memref<32x512xf32, #tpu.memory_space<vmem>>, vector<16xf32>,
      %swap3A_317 = arith.constant 2 : i32
      %swap3A_318 = arith.index_cast %swap3A_317 : i32 to index
      %swap3A_319 = arith.constant 128 : index
      %swap3A_320 = tpu.vector_load %run_scoped3A_1[%swap3A_318, %swap3A_319] {strides = array<i32>} : memref<32x512xf32, #tpu.memory_space<vmem>>, vector<16xf32>,
      tpu.vector_store %run_scoped3A_1[%swap3A_318, %swap3A_319], %broadcast_in_dim3A_25 {strides = array<i32>} : memref<32x512xf32, #tpu.memory_space<vmem>>, vector<16xf32>,
      %swap3A_321 = arith.constant 2 : i32
      %swap3A_322 = arith.index_cast %swap3A_321 : i32 to index
      %swap3A_323 = arith.constant 144 : index
      %swap3A_324 = tpu.vector_load %run_scoped3A_1[%swap3A_322, %swap3A_323] {strides = array<i32>} : memref<32x512xf32, #tpu.memory_space<vmem>>, vector<16xf32>,
      tpu.vector_store %run_scoped3A_1[%swap3A_322, %swap3A_323], %broadcast_in_dim3A_25 {strides = array<i32>} : memref<32x512xf32, #tpu.memory_space<vmem>>, vector<16xf32>,
      %swap3A_325 = arith.constant 2 : i32
      %swap3A_326 = arith.index_cast %swap3A_325 : i32 to index
      %swap3A_327 = arith.constant 160 : index
      %swap3A_328 = tpu.vector_load %run_scoped3A_1[%swap3A_326, %swap3A_327] {strides = array<i32>} : memref<32x512xf32, #tpu.memory_space<vmem>>, vector<16xf32>,
      tpu.vector_store %run_scoped3A_1[%swap3A_326, %swap3A_327], %broadcast_in_dim3A_25 {strides = array<i32>} : memref<32x512xf32, #tpu.memory_space<vmem>>, vector<16xf32>,
      %swap3A_329 = arith.constant 2 : i32
      %swap3A_330 = arith.index_cast %swap3A_329 : i32 to index
      %swap3A_331 = arith.constant 176 : index
      %swap3A_332 = tpu.vector_load %run_scoped3A_1[%swap3A_330, %swap3A_331] {strides = array<i32>} : memref<32x512xf32, #tpu.memory_space<vmem>>, vector<16xf32>,
      tpu.vector_store %run_scoped3A_1[%swap3A_330, %swap3A_331], %broadcast_in_dim3A_25 {strides = array<i32>} : memref<32x512xf32, #tpu.memory_space<vmem>>, vector<16xf32>,
      %swap3A_333 = arith.constant 2 : i32
      %swap3A_334 = arith.index_cast %swap3A_333 : i32 to index
      %swap3A_335 = arith.constant 192 : index
      %swap3A_336 = tpu.vector_load %run_scoped3A_1[%swap3A_334, %swap3A_335] {strides = array<i32>} : memref<32x512xf32, #tpu.memory_space<vmem>>, vector<16xf32>,
      tpu.vector_store %run_scoped3A_1[%swap3A_334, %swap3A_335], %broadcast_in_dim3A_25 {strides = array<i32>} : memref<32x512xf32, #tpu.memory_space<vmem>>, vector<16xf32>,
      %swap3A_337 = arith.constant 2 : i32
      %swap3A_338 = arith.index_cast %swap3A_337 : i32 to index
      %swap3A_339 = arith.constant 208 : index
      %swap3A_340 = tpu.vector_load %run_scoped3A_1[%swap3A_338, %swap3A_339] {strides = array<i32>} : memref<32x512xf32, #tpu.memory_space<vmem>>, vector<16xf32>,
      tpu.vector_store %run_scoped3A_1[%swap3A_338, %swap3A_339], %broadcast_in_dim3A_25 {strides = array<i32>} : memref<32x512xf32, #tpu.memory_space<vmem>>, vector<16xf32>,
      %swap3A_341 = arith.constant 2 : i32
      %swap3A_342 = arith.index_cast %swap3A_341 : i32 to index
      %swap3A_343 = arith.constant 224 : index
      %swap3A_344 = tpu.vector_load %run_scoped3A_1[%swap3A_342, %swap3A_343] {strides = array<i32>} : memref<32x512xf32, #tpu.memory_space<vmem>>, vector<16xf32>,
      tpu.vector_store %run_scoped3A_1[%swap3A_342, %swap3A_343], %broadcast_in_dim3A_25 {strides = array<i32>} : memref<32x512xf32, #tpu.memory_space<vmem>>, vector<16xf32>,
      %swap3A_345 = arith.constant 2 : i32
      %swap3A_346 = arith.index_cast %swap3A_345 : i32 to index
      %swap3A_347 = arith.constant 240 : index
      %swap3A_348 = tpu.vector_load %run_scoped3A_1[%swap3A_346, %swap3A_347] {strides = array<i32>} : memref<32x512xf32, #tpu.memory_space<vmem>>, vector<16xf32>,
      tpu.vector_store %run_scoped3A_1[%swap3A_346, %swap3A_347], %broadcast_in_dim3A_25 {strides = array<i32>} : memref<32x512xf32, #tpu.memory_space<vmem>>, vector<16xf32>,
      %swap3A_349 = arith.constant 2 : i32
      %swap3A_350 = arith.index_cast %swap3A_349 : i32 to index
      %swap3A_351 = arith.constant 256 : index
      %swap3A_352 = tpu.vector_load %run_scoped3A_1[%swap3A_350, %swap3A_351] {strides = array<i32>} : memref<32x512xf32, #tpu.memory_space<vmem>>, vector<16xf32>,
      tpu.vector_store %run_scoped3A_1[%swap3A_350, %swap3A_351], %broadcast_in_dim3A_25 {strides = array<i32>} : memref<32x512xf32, #tpu.memory_space<vmem>>, vector<16xf32>,
      %swap3A_353 = arith.constant 2 : i32
      %swap3A_354 = arith.index_cast %swap3A_353 : i32 to index
      %swap3A_355 = arith.constant 272 : index
      %swap3A_356 = tpu.vector_load %run_scoped3A_1[%swap3A_354, %swap3A_355] {strides = array<i32>} : memref<32x512xf32, #tpu.memory_space<vmem>>, vector<16xf32>,
      tpu.vector_store %run_scoped3A_1[%swap3A_354, %swap3A_355], %broadcast_in_dim3A_25 {strides = array<i32>} : memref<32x512xf32, #tpu.memory_space<vmem>>, vector<16xf32>,
      %swap3A_357 = arith.constant 2 : i32
      %swap3A_358 = arith.index_cast %swap3A_357 : i32 to index
      %swap3A_359 = arith.constant 288 : index
      %swap3A_360 = tpu.vector_load %run_scoped3A_1[%swap3A_358, %swap3A_359] {strides = array<i32>} : memref<32x512xf32, #tpu.memory_space<vmem>>, vector<16xf32>,
      tpu.vector_store %run_scoped3A_1[%swap3A_358, %swap3A_359], %broadcast_in_dim3A_25 {strides = array<i32>} : memref<32x512xf32, #tpu.memory_space<vmem>>, vector<16xf32>,
      %swap3A_361 = arith.constant 2 : i32
      %swap3A_362 = arith.index_cast %swap3A_361 : i32 to index
      %swap3A_363 = arith.constant 304 : index
      %swap3A_364 = tpu.vector_load %run_scoped3A_1[%swap3A_362, %swap3A_363] {strides = array<i32>} : memref<32x512xf32, #tpu.memory_space<vmem>>, vector<16xf32>,
      tpu.vector_store %run_scoped3A_1[%swap3A_362, %swap3A_363], %broadcast_in_dim3A_25 {strides = array<i32>} : memref<32x512xf32, #tpu.memory_space<vmem>>, vector<16xf32>,
      %swap3A_365 = arith.constant 2 : i32
      %swap3A_366 = arith.index_cast %swap3A_365 : i32 to index
      %swap3A_367 = arith.constant 320 : index
      %swap3A_368 = tpu.vector_load %run_scoped3A_1[%swap3A_366, %swap3A_367] {strides = array<i32>} : memref<32x512xf32, #tpu.memory_space<vmem>>, vector<16xf32>,
      tpu.vector_store %run_scoped3A_1[%swap3A_366, %swap3A_367], %broadcast_in_dim3A_25 {strides = array<i32>} : memref<32x512xf32, #tpu.memory_space<vmem>>, vector<16xf32>,
      %swap3A_369 = arith.constant 2 : i32
      %swap3A_370 = arith.index_cast %swap3A_369 : i32 to index
      %swap3A_371 = arith.constant 336 : index
      %swap3A_372 = tpu.vector_load %run_scoped3A_1[%swap3A_370, %swap3A_371] {strides = array<i32>} : memref<32x512xf32, #tpu.memory_space<vmem>>, vector<16xf32>,
      tpu.vector_store %run_scoped3A_1[%swap3A_370, %swap3A_371], %broadcast_in_dim3A_25 {strides = array<i32>} : memref<32x512xf32, #tpu.memory_space<vmem>>, vector<16xf32>,
      %swap3A_373 = arith.constant 2 : i32
      %swap3A_374 = arith.index_cast %swap3A_373 : i32 to index
      %swap3A_375 = arith.constant 352 : index
      %swap3A_376 = tpu.vector_load %run_scoped3A_1[%swap3A_374, %swap3A_375] {strides = array<i32>} : memref<32x512xf32, #tpu.memory_space<vmem>>, vector<16xf32>,
      tpu.vector_store %run_scoped3A_1[%swap3A_374, %swap3A_375], %broadcast_in_dim3A_25 {strides = array<i32>} : memref<32x512xf32, #tpu.memory_space<vmem>>, vector<16xf32>,
      %swap3A_377 = arith.constant 2 : i32
      %swap3A_378 = arith.index_cast %swap3A_377 : i32 to index
      %swap3A_379 = arith.constant 368 : index
      %swap3A_380 = tpu.vector_load %run_scoped3A_1[%swap3A_378, %swap3A_379] {strides = array<i32>} : memref<32x512xf32, #tpu.memory_space<vmem>>, vector<16xf32>,
      tpu.vector_store %run_scoped3A_1[%swap3A_378, %swap3A_379], %broadcast_in_dim3A_25 {strides = array<i32>} : memref<32x512xf32, #tpu.memory_space<vmem>>, vector<16xf32>,
      %swap3A_381 = arith.constant 2 : i32
      %swap3A_382 = arith.index_cast %swap3A_381 : i32 to index
      %swap3A_383 = arith.constant 384 : index
      %swap3A_384 = tpu.vector_load %run_scoped3A_1[%swap3A_382, %swap3A_383] {strides = array<i32>} : memref<32x512xf32, #tpu.memory_space<vmem>>, vector<16xf32>,
      tpu.vector_store %run_scoped3A_1[%swap3A_382, %swap3A_383], %broadcast_in_dim3A_25 {strides = array<i32>} : memref<32x512xf32, #tpu.memory_space<vmem>>, vector<16xf32>,
      %swap3A_385 = arith.constant 2 : i32
      %swap3A_386 = arith.index_cast %swap3A_385 : i32 to index
      %swap3A_387 = arith.constant 400 : index
      %swap3A_388 = tpu.vector_load %run_scoped3A_1[%swap3A_386, %swap3A_387] {strides = array<i32>} : memref<32x512xf32, #tpu.memory_space<vmem>>, vector<16xf32>,
      tpu.vector_store %run_scoped3A_1[%swap3A_386, %swap3A_387], %broadcast_in_dim3A_25 {strides = array<i32>} : memref<32x512xf32, #tpu.memory_space<vmem>>, vector<16xf32>,
      %swap3A_389 = arith.constant 2 : i32
      %swap3A_390 = arith.index_cast %swap3A_389 : i32 to index
      %swap3A_391 = arith.constant 416 : index
      %swap3A_392 = tpu.vector_load %run_scoped3A_1[%swap3A_390, %swap3A_391] {strides = array<i32>} : memref<32x512xf32, #tpu.memory_space<vmem>>, vector<16xf32>,
      tpu.vector_store %run_scoped3A_1[%swap3A_390, %swap3A_391], %broadcast_in_dim3A_25 {strides = array<i32>} : memref<32x512xf32, #tpu.memory_space<vmem>>, vector<16xf32>,
      %swap3A_393 = arith.constant 2 : i32
      %swap3A_394 = arith.index_cast %swap3A_393 : i32 to index
      %swap3A_395 = arith.constant 432 : index
      %swap3A_396 = tpu.vector_load %run_scoped3A_1[%swap3A_394, %swap3A_395] {strides = array<i32>} : memref<32x512xf32, #tpu.memory_space<vmem>>, vector<16xf32>,
      tpu.vector_store %run_scoped3A_1[%swap3A_394, %swap3A_395], %broadcast_in_dim3A_25 {strides = array<i32>} : memref<32x512xf32, #tpu.memory_space<vmem>>, vector<16xf32>,
      %swap3A_397 = arith.constant 2 : i32
      %swap3A_398 = arith.index_cast %swap3A_397 : i32 to index
      %swap3A_399 = arith.constant 448 : index
      %swap3A_400 = tpu.vector_load %run_scoped3A_1[%swap3A_398, %swap3A_399] {strides = array<i32>} : memref<32x512xf32, #tpu.memory_space<vmem>>, vector<16xf32>,
      tpu.vector_store %run_scoped3A_1[%swap3A_398, %swap3A_399], %broadcast_in_dim3A_25 {strides = array<i32>} : memref<32x512xf32, #tpu.memory_space<vmem>>, vector<16xf32>,
      %swap3A_401 = arith.constant 2 : i32
      %swap3A_402 = arith.index_cast %swap3A_401 : i32 to index
      %swap3A_403 = arith.constant 464 : index
      %swap3A_404 = tpu.vector_load %run_scoped3A_1[%swap3A_402, %swap3A_403] {strides = array<i32>} : memref<32x512xf32, #tpu.memory_space<vmem>>, vector<16xf32>,
      tpu.vector_store %run_scoped3A_1[%swap3A_402, %swap3A_403], %broadcast_in_dim3A_25 {strides = array<i32>} : memref<32x512xf32, #tpu.memory_space<vmem>>, vector<16xf32>,
      %swap3A_405 = arith.constant 2 : i32
      %swap3A_406 = arith.index_cast %swap3A_405 : i32 to index
      %swap3A_407 = arith.constant 480 : index
      %swap3A_408 = tpu.vector_load %run_scoped3A_1[%swap3A_406, %swap3A_407] {strides = array<i32>} : memref<32x512xf32, #tpu.memory_space<vmem>>, vector<16xf32>,
      tpu.vector_store %run_scoped3A_1[%swap3A_406, %swap3A_407], %broadcast_in_dim3A_25 {strides = array<i32>} : memref<32x512xf32, #tpu.memory_space<vmem>>, vector<16xf32>,
      %swap3A_409 = arith.constant 2 : i32
      %swap3A_410 = arith.index_cast %swap3A_409 : i32 to index
      %swap3A_411 = arith.constant 496 : index
      %swap3A_412 = tpu.vector_load %run_scoped3A_1[%swap3A_410, %swap3A_411] {strides = array<i32>} : memref<32x512xf32, #tpu.memory_space<vmem>>, vector<16xf32>,
      tpu.vector_store %run_scoped3A_1[%swap3A_410, %swap3A_411], %broadcast_in_dim3A_25 {strides = array<i32>} : memref<32x512xf32, #tpu.memory_space<vmem>>, vector<16xf32>,
      %swap3A_413 = arith.constant 3 : i32
      %swap3A_414 = arith.index_cast %swap3A_413 : i32 to index
      %swap3A_415 = arith.constant 0 : index
      %swap3A_416 = tpu.vector_load %run_scoped3A_1[%swap3A_414, %swap3A_415] {strides = array<i32>} : memref<32x512xf32, #tpu.memory_space<vmem>>, vector<16xf32>,
      tpu.vector_store %run_scoped3A_1[%swap3A_414, %swap3A_415], %broadcast_in_dim3A_25 {strides = array<i32>} : memref<32x512xf32, #tpu.memory_space<vmem>>, vector<16xf32>,
      %swap3A_417 = arith.constant 3 : i32
      %swap3A_418 = arith.index_cast %swap3A_417 : i32 to index
      %swap3A_419 = arith.constant 16 : index
      %swap3A_420 = tpu.vector_load %run_scoped3A_1[%swap3A_418, %swap3A_419] {strides = array<i32>} : memref<32x512xf32, #tpu.memory_space<vmem>>, vector<16xf32>,
      tpu.vector_store %run_scoped3A_1[%swap3A_418, %swap3A_419], %broadcast_in_dim3A_25 {strides = array<i32>} : memref<32x512xf32, #tpu.memory_space<vmem>>, vector<16xf32>,
      %swap3A_421 = arith.constant 3 : i32
      %swap3A_422 = arith.index_cast %swap3A_421 : i32 to index
      %swap3A_423 = arith.constant 32 : index
      %swap3A_424 = tpu.vector_load %run_scoped3A_1[%swap3A_422, %swap3A_423] {strides = array<i32>} : memref<32x512xf32, #tpu.memory_space<vmem>>, vector<16xf32>,
      tpu.vector_store %run_scoped3A_1[%swap3A_422, %swap3A_423], %broadcast_in_dim3A_25 {strides = array<i32>} : memref<32x512xf32, #tpu.memory_space<vmem>>, vector<16xf32>,
      %swap3A_425 = arith.constant 3 : i32
      %swap3A_426 = arith.index_cast %swap3A_425 : i32 to index
      %swap3A_427 = arith.constant 48 : index
      %swap3A_428 = tpu.vector_load %run_scoped3A_1[%swap3A_426, %swap3A_427] {strides = array<i32>} : memref<32x512xf32, #tpu.memory_space<vmem>>, vector<16xf32>,
      tpu.vector_store %run_scoped3A_1[%swap3A_426, %swap3A_427], %broadcast_in_dim3A_25 {strides = array<i32>} : memref<32x512xf32, #tpu.memory_space<vmem>>, vector<16xf32>,
      %swap3A_429 = arith.constant 3 : i32
      %swap3A_430 = arith.index_cast %swap3A_429 : i32 to index
      %swap3A_431 = arith.constant 64 : index
      %swap3A_432 = tpu.vector_load %run_scoped3A_1[%swap3A_430, %swap3A_431] {strides = array<i32>} : memref<32x512xf32, #tpu.memory_space<vmem>>, vector<16xf32>,
      tpu.vector_store %run_scoped3A_1[%swap3A_430, %swap3A_431], %broadcast_in_dim3A_25 {strides = array<i32>} : memref<32x512xf32, #tpu.memory_space<vmem>>, vector<16xf32>,
      %swap3A_433 = arith.constant 3 : i32
      %swap3A_434 = arith.index_cast %swap3A_433 : i32 to index
      %swap3A_435 = arith.constant 80 : index
      %swap3A_436 = tpu.vector_load %run_scoped3A_1[%swap3A_434, %swap3A_435] {strides = array<i32>} : memref<32x512xf32, #tpu.memory_space<vmem>>, vector<16xf32>,
      tpu.vector_store %run_scoped3A_1[%swap3A_434, %swap3A_435], %broadcast_in_dim3A_25 {strides = array<i32>} : memref<32x512xf32, #tpu.memory_space<vmem>>, vector<16xf32>,
      %swap3A_437 = arith.constant 3 : i32
      %swap3A_438 = arith.index_cast %swap3A_437 : i32 to index
      %swap3A_439 = arith.constant 96 : index
      %swap3A_440 = tpu.vector_load %run_scoped3A_1[%swap3A_438, %swap3A_439] {strides = array<i32>} : memref<32x512xf32, #tpu.memory_space<vmem>>, vector<16xf32>,
      tpu.vector_store %run_scoped3A_1[%swap3A_438, %swap3A_439], %broadcast_in_dim3A_25 {strides = array<i32>} : memref<32x512xf32, #tpu.memory_space<vmem>>, vector<16xf32>,
      %swap3A_441 = arith.constant 3 : i32
      %swap3A_442 = arith.index_cast %swap3A_441 : i32 to index
      %swap3A_443 = arith.constant 112 : index
      %swap3A_444 = tpu.vector_load %run_scoped3A_1[%swap3A_442, %swap3A_443] {strides = array<i32>} : memref<32x512xf32, #tpu.memory_space<vmem>>, vector<16xf32>,
      tpu.vector_store %run_scoped3A_1[%swap3A_442, %swap3A_443], %broadcast_in_dim3A_25 {strides = array<i32>} : memref<32x512xf32, #tpu.memory_space<vmem>>, vector<16xf32>,
      %swap3A_445 = arith.constant 3 : i32
      %swap3A_446 = arith.index_cast %swap3A_445 : i32 to index
      %swap3A_447 = arith.constant 128 : index
      %swap3A_448 = tpu.vector_load %run_scoped3A_1[%swap3A_446, %swap3A_447] {strides = array<i32>} : memref<32x512xf32, #tpu.memory_space<vmem>>, vector<16xf32>,
      tpu.vector_store %run_scoped3A_1[%swap3A_446, %swap3A_447], %broadcast_in_dim3A_25 {strides = array<i32>} : memref<32x512xf32, #tpu.memory_space<vmem>>, vector<16xf32>,
      %swap3A_449 = arith.constant 3 : i32
      %swap3A_450 = arith.index_cast %swap3A_449 : i32 to index
      %swap3A_451 = arith.constant 144 : index
      %swap3A_452 = tpu.vector_load %run_scoped3A_1[%swap3A_450, %swap3A_451] {strides = array<i32>} : memref<32x512xf32, #tpu.memory_space<vmem>>, vector<16xf32>,
      tpu.vector_store %run_scoped3A_1[%swap3A_450, %swap3A_451], %broadcast_in_dim3A_25 {strides = array<i32>} : memref<32x512xf32, #tpu.memory_space<vmem>>, vector<16xf32>,
      %swap3A_453 = arith.constant 3 : i32
      %swap3A_454 = arith.index_cast %swap3A_453 : i32 to index
      %swap3A_455 = arith.constant 160 : index
      %swap3A_456 = tpu.vector_load %run_scoped3A_1[%swap3A_454, %swap3A_455] {strides = array<i32>} : memref<32x512xf32, #tpu.memory_space<vmem>>, vector<16xf32>,
      tpu.vector_store %run_scoped3A_1[%swap3A_454, %swap3A_455], %broadcast_in_dim3A_25 {strides = array<i32>} : memref<32x512xf32, #tpu.memory_space<vmem>>, vector<16xf32>,
      %swap3A_457 = arith.constant 3 : i32
      %swap3A_458 = arith.index_cast %swap3A_457 : i32 to index
      %swap3A_459 = arith.constant 176 : index
      %swap3A_460 = tpu.vector_load %run_scoped3A_1[%swap3A_458, %swap3A_459] {strides = array<i32>} : memref<32x512xf32, #tpu.memory_space<vmem>>, vector<16xf32>,
      tpu.vector_store %run_scoped3A_1[%swap3A_458, %swap3A_459], %broadcast_in_dim3A_25 {strides = array<i32>} : memref<32x512xf32, #tpu.memory_space<vmem>>, vector<16xf32>,
      %swap3A_461 = arith.constant 3 : i32
      %swap3A_462 = arith.index_cast %swap3A_461 : i32 to index
      %swap3A_463 = arith.constant 192 : index
      %swap3A_464 = tpu.vector_load %run_scoped3A_1[%swap3A_462, %swap3A_463] {strides = array<i32>} : memref<32x512xf32, #tpu.memory_space<vmem>>, vector<16xf32>,
      tpu.vector_store %run_scoped3A_1[%swap3A_462, %swap3A_463], %broadcast_in_dim3A_25 {strides = array<i32>} : memref<32x512xf32, #tpu.memory_space<vmem>>, vector<16xf32>,
      %swap3A_465 = arith.constant 3 : i32
      %swap3A_466 = arith.index_cast %swap3A_465 : i32 to index
      %swap3A_467 = arith.constant 208 : index
      %swap3A_468 = tpu.vector_load %run_scoped3A_1[%swap3A_466, %swap3A_467] {strides = array<i32>} : memref<32x512xf32, #tpu.memory_space<vmem>>, vector<16xf32>,
      tpu.vector_store %run_scoped3A_1[%swap3A_466, %swap3A_467], %broadcast_in_dim3A_25 {strides = array<i32>} : memref<32x512xf32, #tpu.memory_space<vmem>>, vector<16xf32>,
      %swap3A_469 = arith.constant 3 : i32
      %swap3A_470 = arith.index_cast %swap3A_469 : i32 to index
      %swap3A_471 = arith.constant 224 : index
      %swap3A_472 = tpu.vector_load %run_scoped3A_1[%swap3A_470, %swap3A_471] {strides = array<i32>} : memref<32x512xf32, #tpu.memory_space<vmem>>, vector<16xf32>,
      tpu.vector_store %run_scoped3A_1[%swap3A_470, %swap3A_471], %broadcast_in_dim3A_25 {strides = array<i32>} : memref<32x512xf32, #tpu.memory_space<vmem>>, vector<16xf32>,
      %swap3A_473 = arith.constant 3 : i32
      %swap3A_474 = arith.index_cast %swap3A_473 : i32 to index
      %swap3A_475 = arith.constant 240 : index
      %swap3A_476 = tpu.vector_load %run_scoped3A_1[%swap3A_474, %swap3A_475] {strides = array<i32>} : memref<32x512xf32, #tpu.memory_space<vmem>>, vector<16xf32>,
      tpu.vector_store %run_scoped3A_1[%swap3A_474, %swap3A_475], %broadcast_in_dim3A_25 {strides = array<i32>} : memref<32x512xf32, #tpu.memory_space<vmem>>, vector<16xf32>,
      %swap3A_477 = arith.constant 3 : i32
      %swap3A_478 = arith.index_cast %swap3A_477 : i32 to index
      %swap3A_479 = arith.constant 256 : index
      %swap3A_480 = tpu.vector_load %run_scoped3A_1[%swap3A_478, %swap3A_479] {strides = array<i32>} : memref<32x512xf32, #tpu.memory_space<vmem>>, vector<16xf32>,
      tpu.vector_store %run_scoped3A_1[%swap3A_478, %swap3A_479], %broadcast_in_dim3A_25 {strides = array<i32>} : memref<32x512xf32, #tpu.memory_space<vmem>>, vector<16xf32>,
      %swap3A_481 = arith.constant 3 : i32
      %swap3A_482 = arith.index_cast %swap3A_481 : i32 to index
      %swap3A_483 = arith.constant 272 : index
      %swap3A_484 = tpu.vector_load %run_scoped3A_1[%swap3A_482, %swap3A_483] {strides = array<i32>} : memref<32x512xf32, #tpu.memory_space<vmem>>, vector<16xf32>,
      tpu.vector_store %run_scoped3A_1[%swap3A_482, %swap3A_483], %broadcast_in_dim3A_25 {strides = array<i32>} : memref<32x512xf32, #tpu.memory_space<vmem>>, vector<16xf32>,
      %swap3A_485 = arith.constant 3 : i32
      %swap3A_486 = arith.index_cast %swap3A_485 : i32 to index
      %swap3A_487 = arith.constant 288 : index
      %swap3A_488 = tpu.vector_load %run_scoped3A_1[%swap3A_486, %swap3A_487] {strides = array<i32>} : memref<32x512xf32, #tpu.memory_space<vmem>>, vector<16xf32>,
      tpu.vector_store %run_scoped3A_1[%swap3A_486, %swap3A_487], %broadcast_in_dim3A_25 {strides = array<i32>} : memref<32x512xf32, #tpu.memory_space<vmem>>, vector<16xf32>,
      %swap3A_489 = arith.constant 3 : i32
      %swap3A_490 = arith.index_cast %swap3A_489 : i32 to index
      %swap3A_491 = arith.constant 304 : index
      %swap3A_492 = tpu.vector_load %run_scoped3A_1[%swap3A_490, %swap3A_491] {strides = array<i32>} : memref<32x512xf32, #tpu.memory_space<vmem>>, vector<16xf32>,
      tpu.vector_store %run_scoped3A_1[%swap3A_490, %swap3A_491], %broadcast_in_dim3A_25 {strides = array<i32>} : memref<32x512xf32, #tpu.memory_space<vmem>>, vector<16xf32>,
      %swap3A_493 = arith.constant 3 : i32
      %swap3A_494 = arith.index_cast %swap3A_493 : i32 to index
      %swap3A_495 = arith.constant 320 : index
      %swap3A_496 = tpu.vector_load %run_scoped3A_1[%swap3A_494, %swap3A_495] {strides = array<i32>} : memref<32x512xf32, #tpu.memory_space<vmem>>, vector<16xf32>,
      tpu.vector_store %run_scoped3A_1[%swap3A_494, %swap3A_495], %broadcast_in_dim3A_25 {strides = array<i32>} : memref<32x512xf32, #tpu.memory_space<vmem>>, vector<16xf32>,
      %swap3A_497 = arith.constant 3 : i32
      %swap3A_498 = arith.index_cast %swap3A_497 : i32 to index
      %swap3A_499 = arith.constant 336 : index
      %swap3A_500 = tpu.vector_load %run_scoped3A_1[%swap3A_498, %swap3A_499] {strides = array<i32>} : memref<32x512xf32, #tpu.memory_space<vmem>>, vector<16xf32>,
      tpu.vector_store %run_scoped3A_1[%swap3A_498, %swap3A_499], %broadcast_in_dim3A_25 {strides = array<i32>} : memref<32x512xf32, #tpu.memory_space<vmem>>, vector<16xf32>,
      %swap3A_501 = arith.constant 3 : i32
      %swap3A_502 = arith.index_cast %swap3A_501 : i32 to index
      %swap3A_503 = arith.constant 352 : index
      %swap3A_504 = tpu.vector_load %run_scoped3A_1[%swap3A_502, %swap3A_503] {strides = array<i32>} : memref<32x512xf32, #tpu.memory_space<vmem>>, vector<16xf32>,
      tpu.vector_store %run_scoped3A_1[%swap3A_502, %swap3A_503], %broadcast_in_dim3A_25 {strides = array<i32>} : memref<32x512xf32, #tpu.memory_space<vmem>>, vector<16xf32>,
      %swap3A_505 = arith.constant 3 : i32
      %swap3A_506 = arith.index_cast %swap3A_505 : i32 to index
      %swap3A_507 = arith.constant 368 : index
      %swap3A_508 = tpu.vector_load %run_scoped3A_1[%swap3A_506, %swap3A_507] {strides = array<i32>} : memref<32x512xf32, #tpu.memory_space<vmem>>, vector<16xf32>,
      tpu.vector_store %run_scoped3A_1[%swap3A_506, %swap3A_507], %broadcast_in_dim3A_25 {strides = array<i32>} : memref<32x512xf32, #tpu.memory_space<vmem>>, vector<16xf32>,
      %swap3A_509 = arith.constant 3 : i32
      %swap3A_510 = arith.index_cast %swap3A_509 : i32 to index
      %swap3A_511 = arith.constant 384 : index
      %swap3A_512 = tpu.vector_load %run_scoped3A_1[%swap3A_510, %swap3A_511] {strides = array<i32>} : memref<32x512xf32, #tpu.memory_space<vmem>>, vector<16xf32>,
      tpu.vector_store %run_scoped3A_1[%swap3A_510, %swap3A_511], %broadcast_in_dim3A_25 {strides = array<i32>} : memref<32x512xf32, #tpu.memory_space<vmem>>, vector<16xf32>,
      %swap3A_513 = arith.constant 3 : i32
      %swap3A_514 = arith.index_cast %swap3A_513 : i32 to index
      %swap3A_515 = arith.constant 400 : index
      %swap3A_516 = tpu.vector_load %run_scoped3A_1[%swap3A_514, %swap3A_515] {strides = array<i32>} : memref<32x512xf32, #tpu.memory_space<vmem>>, vector<16xf32>,
      tpu.vector_store %run_scoped3A_1[%swap3A_514, %swap3A_515], %broadcast_in_dim3A_25 {strides = array<i32>} : memref<32x512xf32, #tpu.memory_space<vmem>>, vector<16xf32>,
      %swap3A_517 = arith.constant 3 : i32
      %swap3A_518 = arith.index_cast %swap3A_517 : i32 to index
      %swap3A_519 = arith.constant 416 : index
      %swap3A_520 = tpu.vector_load %run_scoped3A_1[%swap3A_518, %swap3A_519] {strides = array<i32>} : memref<32x512xf32, #tpu.memory_space<vmem>>, vector<16xf32>,
      tpu.vector_store %run_scoped3A_1[%swap3A_518, %swap3A_519], %broadcast_in_dim3A_25 {strides = array<i32>} : memref<32x512xf32, #tpu.memory_space<vmem>>, vector<16xf32>,
      %swap3A_521 = arith.constant 3 : i32
      %swap3A_522 = arith.index_cast %swap3A_521 : i32 to index
      %swap3A_523 = arith.constant 432 : index
      %swap3A_524 = tpu.vector_load %run_scoped3A_1[%swap3A_522, %swap3A_523] {strides = array<i32>} : memref<32x512xf32, #tpu.memory_space<vmem>>, vector<16xf32>,
      tpu.vector_store %run_scoped3A_1[%swap3A_522, %swap3A_523], %broadcast_in_dim3A_25 {strides = array<i32>} : memref<32x512xf32, #tpu.memory_space<vmem>>, vector<16xf32>,
      %swap3A_525 = arith.constant 3 : i32
      %swap3A_526 = arith.index_cast %swap3A_525 : i32 to index
      %swap3A_527 = arith.constant 448 : index
      %swap3A_528 = tpu.vector_load %run_scoped3A_1[%swap3A_526, %swap3A_527] {strides = array<i32>} : memref<32x512xf32, #tpu.memory_space<vmem>>, vector<16xf32>,
      tpu.vector_store %run_scoped3A_1[%swap3A_526, %swap3A_527], %broadcast_in_dim3A_25 {strides = array<i32>} : memref<32x512xf32, #tpu.memory_space<vmem>>, vector<16xf32>,
      %swap3A_529 = arith.constant 3 : i32
      %swap3A_530 = arith.index_cast %swap3A_529 : i32 to index
      %swap3A_531 = arith.constant 464 : index
      %swap3A_532 = tpu.vector_load %run_scoped3A_1[%swap3A_530, %swap3A_531] {strides = array<i32>} : memref<32x512xf32, #tpu.memory_space<vmem>>, vector<16xf32>,
      tpu.vector_store %run_scoped3A_1[%swap3A_530, %swap3A_531], %broadcast_in_dim3A_25 {strides = array<i32>} : memref<32x512xf32, #tpu.memory_space<vmem>>, vector<16xf32>,
      %swap3A_533 = arith.constant 3 : i32
      %swap3A_534 = arith.index_cast %swap3A_533 : i32 to index
      %swap3A_535 = arith.constant 480 : index
      %swap3A_536 = tpu.vector_load %run_scoped3A_1[%swap3A_534, %swap3A_535] {strides = array<i32>} : memref<32x512xf32, #tpu.memory_space<vmem>>, vector<16xf32>,
      tpu.vector_store %run_scoped3A_1[%swap3A_534, %swap3A_535], %broadcast_in_dim3A_25 {strides = array<i32>} : memref<32x512xf32, #tpu.memory_space<vmem>>, vector<16xf32>,
      %swap3A_537 = arith.constant 3 : i32
      %swap3A_538 = arith.index_cast %swap3A_537 : i32 to index
      %swap3A_539 = arith.constant 496 : index
      %swap3A_540 = tpu.vector_load %run_scoped3A_1[%swap3A_538, %swap3A_539] {strides = array<i32>} : memref<32x512xf32, #tpu.memory_space<vmem>>, vector<16xf32>,
      tpu.vector_store %run_scoped3A_1[%swap3A_538, %swap3A_539], %broadcast_in_dim3A_25 {strides = array<i32>} : memref<32x512xf32, #tpu.memory_space<vmem>>, vector<16xf32>,
      %swap3A_541 = arith.constant 4 : i32
      %swap3A_542 = arith.index_cast %swap3A_541 : i32 to index
      %swap3A_543 = arith.constant 0 : index
      %swap3A_544 = tpu.vector_load %run_scoped3A_1[%swap3A_542, %swap3A_543] {strides = array<i32>} : memref<32x512xf32, #tpu.memory_space<vmem>>, vector<16xf32>,
      tpu.vector_store %run_scoped3A_1[%swap3A_542, %swap3A_543], %broadcast_in_dim3A_25 {strides = array<i32>} : memref<32x512xf32, #tpu.memory_space<vmem>>, vector<16xf32>,
      %swap3A_545 = arith.constant 4 : i32
      %swap3A_546 = arith.index_cast %swap3A_545 : i32 to index
      %swap3A_547 = arith.constant 16 : index
      %swap3A_548 = tpu.vector_load %run_scoped3A_1[%swap3A_546, %swap3A_547] {strides = array<i32>} : memref<32x512xf32, #tpu.memory_space<vmem>>, vector<16xf32>,
      tpu.vector_store %run_scoped3A_1[%swap3A_546, %swap3A_547], %broadcast_in_dim3A_25 {strides = array<i32>} : memref<32x512xf32, #tpu.memory_space<vmem>>, vector<16xf32>,
      %swap3A_549 = arith.constant 4 : i32
      %swap3A_550 = arith.index_cast %swap3A_549 : i32 to index
      %swap3A_551 = arith.constant 32 : index
      %swap3A_552 = tpu.vector_load %run_scoped3A_1[%swap3A_550, %swap3A_551] {strides = array<i32>} : memref<32x512xf32, #tpu.memory_space<vmem>>, vector<16xf32>,
      tpu.vector_store %run_scoped3A_1[%swap3A_550, %swap3A_551], %broadcast_in_dim3A_25 {strides = array<i32>} : memref<32x512xf32, #tpu.memory_space<vmem>>, vector<16xf32>,
      %swap3A_553 = arith.constant 4 : i32
      %swap3A_554 = arith.index_cast %swap3A_553 : i32 to index
      %swap3A_555 = arith.constant 48 : index
      %swap3A_556 = tpu.vector_load %run_scoped3A_1[%swap3A_554, %swap3A_555] {strides = array<i32>} : memref<32x512xf32, #tpu.memory_space<vmem>>, vector<16xf32>,
      tpu.vector_store %run_scoped3A_1[%swap3A_554, %swap3A_555], %broadcast_in_dim3A_25 {strides = array<i32>} : memref<32x512xf32, #tpu.memory_space<vmem>>, vector<16xf32>,
      %swap3A_557 = arith.constant 4 : i32
      %swap3A_558 = arith.index_cast %swap3A_557 : i32 to index
      %swap3A_559 = arith.constant 64 : index
      %swap3A_560 = tpu.vector_load %run_scoped3A_1[%swap3A_558, %swap3A_559] {strides = array<i32>} : memref<32x512xf32, #tpu.memory_space<vmem>>, vector<16xf32>,
      tpu.vector_store %run_scoped3A_1[%swap3A_558, %swap3A_559], %broadcast_in_dim3A_25 {strides = array<i32>} : memref<32x512xf32, #tpu.memory_space<vmem>>, vector<16xf32>,
      %swap3A_561 = arith.constant 4 : i32
      %swap3A_562 = arith.index_cast %swap3A_561 : i32 to index
      %swap3A_563 = arith.constant 80 : index
      %swap3A_564 = tpu.vector_load %run_scoped3A_1[%swap3A_562, %swap3A_563] {strides = array<i32>} : memref<32x512xf32, #tpu.memory_space<vmem>>, vector<16xf32>,
      tpu.vector_store %run_scoped3A_1[%swap3A_562, %swap3A_563], %broadcast_in_dim3A_25 {strides = array<i32>} : memref<32x512xf32, #tpu.memory_space<vmem>>, vector<16xf32>,
      %swap3A_565 = arith.constant 4 : i32
      %swap3A_566 = arith.index_cast %swap3A_565 : i32 to index
      %swap3A_567 = arith.constant 96 : index
      %swap3A_568 = tpu.vector_load %run_scoped3A_1[%swap3A_566, %swap3A_567] {strides = array<i32>} : memref<32x512xf32, #tpu.memory_space<vmem>>, vector<16xf32>,
      tpu.vector_store %run_scoped3A_1[%swap3A_566, %swap3A_567], %broadcast_in_dim3A_25 {strides = array<i32>} : memref<32x512xf32, #tpu.memory_space<vmem>>, vector<16xf32>,
      %swap3A_569 = arith.constant 4 : i32
      %swap3A_570 = arith.index_cast %swap3A_569 : i32 to index
      %swap3A_571 = arith.constant 112 : index
      %swap3A_572 = tpu.vector_load %run_scoped3A_1[%swap3A_570, %swap3A_571] {strides = array<i32>} : memref<32x512xf32, #tpu.memory_space<vmem>>, vector<16xf32>,
      tpu.vector_store %run_scoped3A_1[%swap3A_570, %swap3A_571], %broadcast_in_dim3A_25 {strides = array<i32>} : memref<32x512xf32, #tpu.memory_space<vmem>>, vector<16xf32>,
      %swap3A_573 = arith.constant 4 : i32
      %swap3A_574 = arith.index_cast %swap3A_573 : i32 to index
      %swap3A_575 = arith.constant 128 : index
      %swap3A_576 = tpu.vector_load %run_scoped3A_1[%swap3A_574, %swap3A_575] {strides = array<i32>} : memref<32x512xf32, #tpu.memory_space<vmem>>, vector<16xf32>,
      tpu.vector_store %run_scoped3A_1[%swap3A_574, %swap3A_575], %broadcast_in_dim3A_25 {strides = array<i32>} : memref<32x512xf32, #tpu.memory_space<vmem>>, vector<16xf32>,
      %swap3A_577 = arith.constant 4 : i32
      %swap3A_578 = arith.index_cast %swap3A_577 : i32 to index
      %swap3A_579 = arith.constant 144 : index
      %swap3A_580 = tpu.vector_load %run_scoped3A_1[%swap3A_578, %swap3A_579] {strides = array<i32>} : memref<32x512xf32, #tpu.memory_space<vmem>>, vector<16xf32>,
      tpu.vector_store %run_scoped3A_1[%swap3A_578, %swap3A_579], %broadcast_in_dim3A_25 {strides = array<i32>} : memref<32x512xf32, #tpu.memory_space<vmem>>, vector<16xf32>,
      %swap3A_581 = arith.constant 4 : i32
      %swap3A_582 = arith.index_cast %swap3A_581 : i32 to index
      %swap3A_583 = arith.constant 160 : index
      %swap3A_584 = tpu.vector_load %run_scoped3A_1[%swap3A_582, %swap3A_583] {strides = array<i32>} : memref<32x512xf32, #tpu.memory_space<vmem>>, vector<16xf32>,
      tpu.vector_store %run_scoped3A_1[%swap3A_582, %swap3A_583], %broadcast_in_dim3A_25 {strides = array<i32>} : memref<32x512xf32, #tpu.memory_space<vmem>>, vector<16xf32>,
      %swap3A_585 = arith.constant 4 : i32
      %swap3A_586 = arith.index_cast %swap3A_585 : i32 to index
      %swap3A_587 = arith.constant 176 : index
      %swap3A_588 = tpu.vector_load %run_scoped3A_1[%swap3A_586, %swap3A_587] {strides = array<i32>} : memref<32x512xf32, #tpu.memory_space<vmem>>, vector<16xf32>,
      tpu.vector_store %run_scoped3A_1[%swap3A_586, %swap3A_587], %broadcast_in_dim3A_25 {strides = array<i32>} : memref<32x512xf32, #tpu.memory_space<vmem>>, vector<16xf32>,
      %swap3A_589 = arith.constant 4 : i32
      %swap3A_590 = arith.index_cast %swap3A_589 : i32 to index
      %swap3A_591 = arith.constant 192 : index
      %swap3A_592 = tpu.vector_load %run_scoped3A_1[%swap3A_590, %swap3A_591] {strides = array<i32>} : memref<32x512xf32, #tpu.memory_space<vmem>>, vector<16xf32>,
      tpu.vector_store %run_scoped3A_1[%swap3A_590, %swap3A_591], %broadcast_in_dim3A_25 {strides = array<i32>} : memref<32x512xf32, #tpu.memory_space<vmem>>, vector<16xf32>,
      %swap3A_593 = arith.constant 4 : i32
      %swap3A_594 = arith.index_cast %swap3A_593 : i32 to index
      %swap3A_595 = arith.constant 208 : index
      %swap3A_596 = tpu.vector_load %run_scoped3A_1[%swap3A_594, %swap3A_595] {strides = array<i32>} : memref<32x512xf32, #tpu.memory_space<vmem>>, vector<16xf32>,
      tpu.vector_store %run_scoped3A_1[%swap3A_594, %swap3A_595], %broadcast_in_dim3A_25 {strides = array<i32>} : memref<32x512xf32, #tpu.memory_space<vmem>>, vector<16xf32>,
      %swap3A_597 = arith.constant 4 : i32
      %swap3A_598 = arith.index_cast %swap3A_597 : i32 to index
      %swap3A_599 = arith.constant 224 : index
      %swap3A_600 = tpu.vector_load %run_scoped3A_1[%swap3A_598, %swap3A_599] {strides = array<i32>} : memref<32x512xf32, #tpu.memory_space<vmem>>, vector<16xf32>,
      tpu.vector_store %run_scoped3A_1[%swap3A_598, %swap3A_599], %broadcast_in_dim3A_25 {strides = array<i32>} : memref<32x512xf32, #tpu.memory_space<vmem>>, vector<16xf32>,
      %swap3A_601 = arith.constant 4 : i32
      %swap3A_602 = arith.index_cast %swap3A_601 : i32 to index
      %swap3A_603 = arith.constant 240 : index
      %swap3A_604 = tpu.vector_load %run_scoped3A_1[%swap3A_602, %swap3A_603] {strides = array<i32>} : memref<32x512xf32, #tpu.memory_space<vmem>>, vector<16xf32>,
      tpu.vector_store %run_scoped3A_1[%swap3A_602, %swap3A_603], %broadcast_in_dim3A_25 {strides = array<i32>} : memref<32x512xf32, #tpu.memory_space<vmem>>, vector<16xf32>,
      %swap3A_605 = arith.constant 4 : i32
      %swap3A_606 = arith.index_cast %swap3A_605 : i32 to index
      %swap3A_607 = arith.constant 256 : index
      %swap3A_608 = tpu.vector_load %run_scoped3A_1[%swap3A_606, %swap3A_607] {strides = array<i32>} : memref<32x512xf32, #tpu.memory_space<vmem>>, vector<16xf32>,
      tpu.vector_store %run_scoped3A_1[%swap3A_606, %swap3A_607], %broadcast_in_dim3A_25 {strides = array<i32>} : memref<32x512xf32, #tpu.memory_space<vmem>>, vector<16xf32>,
      %swap3A_609 = arith.constant 4 : i32
      %swap3A_610 = arith.index_cast %swap3A_609 : i32 to index
      %swap3A_611 = arith.constant 272 : index
      %swap3A_612 = tpu.vector_load %run_scoped3A_1[%swap3A_610, %swap3A_611] {strides = array<i32>} : memref<32x512xf32, #tpu.memory_space<vmem>>, vector<16xf32>,
      tpu.vector_store %run_scoped3A_1[%swap3A_610, %swap3A_611], %broadcast_in_dim3A_25 {strides = array<i32>} : memref<32x512xf32, #tpu.memory_space<vmem>>, vector<16xf32>,
      %swap3A_613 = arith.constant 4 : i32
      %swap3A_614 = arith.index_cast %swap3A_613 : i32 to index
      %swap3A_615 = arith.constant 288 : index
      %swap3A_616 = tpu.vector_load %run_scoped3A_1[%swap3A_614, %swap3A_615] {strides = array<i32>} : memref<32x512xf32, #tpu.memory_space<vmem>>, vector<16xf32>,
      tpu.vector_store %run_scoped3A_1[%swap3A_614, %swap3A_615], %broadcast_in_dim3A_25 {strides = array<i32>} : memref<32x512xf32, #tpu.memory_space<vmem>>, vector<16xf32>,
      %swap3A_617 = arith.constant 4 : i32
      %swap3A_618 = arith.index_cast %swap3A_617 : i32 to index
      %swap3A_619 = arith.constant 304 : index
      %swap3A_620 = tpu.vector_load %run_scoped3A_1[%swap3A_618, %swap3A_619] {strides = array<i32>} : memref<32x512xf32, #tpu.memory_space<vmem>>, vector<16xf32>,
      tpu.vector_store %run_scoped3A_1[%swap3A_618, %swap3A_619], %broadcast_in_dim3A_25 {strides = array<i32>} : memref<32x512xf32, #tpu.memory_space<vmem>>, vector<16xf32>,
      %swap3A_621 = arith.constant 4 : i32
      %swap3A_622 = arith.index_cast %swap3A_621 : i32 to index
      %swap3A_623 = arith.constant 320 : index
      %swap3A_624 = tpu.vector_load %run_scoped3A_1[%swap3A_622, %swap3A_623] {strides = array<i32>} : memref<32x512xf32, #tpu.memory_space<vmem>>, vector<16xf32>,
      tpu.vector_store %run_scoped3A_1[%swap3A_622, %swap3A_623], %broadcast_in_dim3A_25 {strides = array<i32>} : memref<32x512xf32, #tpu.memory_space<vmem>>, vector<16xf32>,
      %swap3A_625 = arith.constant 4 : i32
      %swap3A_626 = arith.index_cast %swap3A_625 : i32 to index
      %swap3A_627 = arith.constant 336 : index
      %swap3A_628 = tpu.vector_load %run_scoped3A_1[%swap3A_626, %swap3A_627] {strides = array<i32>} : memref<32x512xf32, #tpu.memory_space<vmem>>, vector<16xf32>,
      tpu.vector_store %run_scoped3A_1[%swap3A_626, %swap3A_627], %broadcast_in_dim3A_25 {strides = array<i32>} : memref<32x512xf32, #tpu.memory_space<vmem>>, vector<16xf32>,
      %swap3A_629 = arith.constant 4 : i32
      %swap3A_630 = arith.index_cast %swap3A_629 : i32 to index
      %swap3A_631 = arith.constant 352 : index
      %swap3A_632 = tpu.vector_load %run_scoped3A_1[%swap3A_630, %swap3A_631] {strides = array<i32>} : memref<32x512xf32, #tpu.memory_space<vmem>>, vector<16xf32>,
      tpu.vector_store %run_scoped3A_1[%swap3A_630, %swap3A_631], %broadcast_in_dim3A_25 {strides = array<i32>} : memref<32x512xf32, #tpu.memory_space<vmem>>, vector<16xf32>,
      %swap3A_633 = arith.constant 4 : i32
      %swap3A_634 = arith.index_cast %swap3A_633 : i32 to index
      %swap3A_635 = arith.constant 368 : index
      %swap3A_636 = tpu.vector_load %run_scoped3A_1[%swap3A_634, %swap3A_635] {strides = array<i32>} : memref<32x512xf32, #tpu.memory_space<vmem>>, vector<16xf32>,
      tpu.vector_store %run_scoped3A_1[%swap3A_634, %swap3A_635], %broadcast_in_dim3A_25 {strides = array<i32>} : memref<32x512xf32, #tpu.memory_space<vmem>>, vector<16xf32>,
      %swap3A_637 = arith.constant 4 : i32
      %swap3A_638 = arith.index_cast %swap3A_637 : i32 to index
      %swap3A_639 = arith.constant 384 : index
      %swap3A_640 = tpu.vector_load %run_scoped3A_1[%swap3A_638, %swap3A_639] {strides = array<i32>} : memref<32x512xf32, #tpu.memory_space<vmem>>, vector<16xf32>,
      tpu.vector_store %run_scoped3A_1[%swap3A_638, %swap3A_639], %broadcast_in_dim3A_25 {strides = array<i32>} : memref<32x512xf32, #tpu.memory_space<vmem>>, vector<16xf32>,
      %swap3A_641 = arith.constant 4 : i32
      %swap3A_642 = arith.index_cast %swap3A_641 : i32 to index
      %swap3A_643 = arith.constant 400 : index
      %swap3A_644 = tpu.vector_load %run_scoped3A_1[%swap3A_642, %swap3A_643] {strides = array<i32>} : memref<32x512xf32, #tpu.memory_space<vmem>>, vector<16xf32>,
      tpu.vector_store %run_scoped3A_1[%swap3A_642, %swap3A_643], %broadcast_in_dim3A_25 {strides = array<i32>} : memref<32x512xf32, #tpu.memory_space<vmem>>, vector<16xf32>,
      %swap3A_645 = arith.constant 4 : i32
      %swap3A_646 = arith.index_cast %swap3A_645 : i32 to index
      %swap3A_647 = arith.constant 416 : index
      %swap3A_648 = tpu.vector_load %run_scoped3A_1[%swap3A_646, %swap3A_647] {strides = array<i32>} : memref<32x512xf32, #tpu.memory_space<vmem>>, vector<16xf32>,
      tpu.vector_store %run_scoped3A_1[%swap3A_646, %swap3A_647], %broadcast_in_dim3A_25 {strides = array<i32>} : memref<32x512xf32, #tpu.memory_space<vmem>>, vector<16xf32>,
      %swap3A_649 = arith.constant 4 : i32
      %swap3A_650 = arith.index_cast %swap3A_649 : i32 to index
      %swap3A_651 = arith.constant 432 : index
      %swap3A_652 = tpu.vector_load %run_scoped3A_1[%swap3A_650, %swap3A_651] {strides = array<i32>} : memref<32x512xf32, #tpu.memory_space<vmem>>, vector<16xf32>,
      tpu.vector_store %run_scoped3A_1[%swap3A_650, %swap3A_651], %broadcast_in_dim3A_25 {strides = array<i32>} : memref<32x512xf32, #tpu.memory_space<vmem>>, vector<16xf32>,
      %swap3A_653 = arith.constant 4 : i32
      %swap3A_654 = arith.index_cast %swap3A_653 : i32 to index
      %swap3A_655 = arith.constant 448 : index
      %swap3A_656 = tpu.vector_load %run_scoped3A_1[%swap3A_654, %swap3A_655] {strides = array<i32>} : memref<32x512xf32, #tpu.memory_space<vmem>>, vector<16xf32>,
      tpu.vector_store %run_scoped3A_1[%swap3A_654, %swap3A_655], %broadcast_in_dim3A_25 {strides = array<i32>} : memref<32x512xf32, #tpu.memory_space<vmem>>, vector<16xf32>,
      %swap3A_657 = arith.constant 4 : i32
      %swap3A_658 = arith.index_cast %swap3A_657 : i32 to index
      %swap3A_659 = arith.constant 464 : index
      %swap3A_660 = tpu.vector_load %run_scoped3A_1[%swap3A_658, %swap3A_659] {strides = array<i32>} : memref<32x512xf32, #tpu.memory_space<vmem>>, vector<16xf32>,
      tpu.vector_store %run_scoped3A_1[%swap3A_658, %swap3A_659], %broadcast_in_dim3A_25 {strides = array<i32>} : memref<32x512xf32, #tpu.memory_space<vmem>>, vector<16xf32>,
      %swap3A_661 = arith.constant 4 : i32
      %swap3A_662 = arith.index_cast %swap3A_661 : i32 to index
      %swap3A_663 = arith.constant 480 : index
      %swap3A_664 = tpu.vector_load %run_scoped3A_1[%swap3A_662, %swap3A_663] {strides = array<i32>} : memref<32x512xf32, #tpu.memory_space<vmem>>, vector<16xf32>,
      tpu.vector_store %run_scoped3A_1[%swap3A_662, %swap3A_663], %broadcast_in_dim3A_25 {strides = array<i32>} : memref<32x512xf32, #tpu.memory_space<vmem>>, vector<16xf32>,
      %swap3A_665 = arith.constant 4 : i32
      %swap3A_666 = arith.index_cast %swap3A_665 : i32 to index
      %swap3A_667 = arith.constant 496 : index
      %swap3A_668 = tpu.vector_load %run_scoped3A_1[%swap3A_666, %swap3A_667] {strides = array<i32>} : memref<32x512xf32, #tpu.memory_space<vmem>>, vector<16xf32>,
      tpu.vector_store %run_scoped3A_1[%swap3A_666, %swap3A_667], %broadcast_in_dim3A_25 {strides = array<i32>} : memref<32x512xf32, #tpu.memory_space<vmem>>, vector<16xf32>,
      %swap3A_669 = arith.constant 5 : i32
      %swap3A_670 = arith.index_cast %swap3A_669 : i32 to index
      %swap3A_671 = arith.constant 0 : index
      %swap3A_672 = tpu.vector_load %run_scoped3A_1[%swap3A_670, %swap3A_671] {strides = array<i32>} : memref<32x512xf32, #tpu.memory_space<vmem>>, vector<16xf32>,
      tpu.vector_store %run_scoped3A_1[%swap3A_670, %swap3A_671], %broadcast_in_dim3A_25 {strides = array<i32>} : memref<32x512xf32, #tpu.memory_space<vmem>>, vector<16xf32>,
      %swap3A_673 = arith.constant 5 : i32
      %swap3A_674 = arith.index_cast %swap3A_673 : i32 to index
      %swap3A_675 = arith.constant 16 : index
      %swap3A_676 = tpu.vector_load %run_scoped3A_1[%swap3A_674, %swap3A_675] {strides = array<i32>} : memref<32x512xf32, #tpu.memory_space<vmem>>, vector<16xf32>,
      tpu.vector_store %run_scoped3A_1[%swap3A_674, %swap3A_675], %broadcast_in_dim3A_25 {strides = array<i32>} : memref<32x512xf32, #tpu.memory_space<vmem>>, vector<16xf32>,
      %swap3A_677 = arith.constant 5 : i32
      %swap3A_678 = arith.index_cast %swap3A_677 : i32 to index
      %swap3A_679 = arith.constant 32 : index
      %swap3A_680 = tpu.vector_load %run_scoped3A_1[%swap3A_678, %swap3A_679] {strides = array<i32>} : memref<32x512xf32, #tpu.memory_space<vmem>>, vector<16xf32>,
      tpu.vector_store %run_scoped3A_1[%swap3A_678, %swap3A_679], %broadcast_in_dim3A_25 {strides = array<i32>} : memref<32x512xf32, #tpu.memory_space<vmem>>, vector<16xf32>,
      %swap3A_681 = arith.constant 5 : i32
      %swap3A_682 = arith.index_cast %swap3A_681 : i32 to index
      %swap3A_683 = arith.constant 48 : index
      %swap3A_684 = tpu.vector_load %run_scoped3A_1[%swap3A_682, %swap3A_683] {strides = array<i32>} : memref<32x512xf32, #tpu.memory_space<vmem>>, vector<16xf32>,
      tpu.vector_store %run_scoped3A_1[%swap3A_682, %swap3A_683], %broadcast_in_dim3A_25 {strides = array<i32>} : memref<32x512xf32, #tpu.memory_space<vmem>>, vector<16xf32>,
      %swap3A_685 = arith.constant 5 : i32
      %swap3A_686 = arith.index_cast %swap3A_685 : i32 to index
      %swap3A_687 = arith.constant 64 : index
      %swap3A_688 = tpu.vector_load %run_scoped3A_1[%swap3A_686, %swap3A_687] {strides = array<i32>} : memref<32x512xf32, #tpu.memory_space<vmem>>, vector<16xf32>,
      tpu.vector_store %run_scoped3A_1[%swap3A_686, %swap3A_687], %broadcast_in_dim3A_25 {strides = array<i32>} : memref<32x512xf32, #tpu.memory_space<vmem>>, vector<16xf32>,
      %swap3A_689 = arith.constant 5 : i32
      %swap3A_690 = arith.index_cast %swap3A_689 : i32 to index
      %swap3A_691 = arith.constant 80 : index
      %swap3A_692 = tpu.vector_load %run_scoped3A_1[%swap3A_690, %swap3A_691] {strides = array<i32>} : memref<32x512xf32, #tpu.memory_space<vmem>>, vector<16xf32>,
      tpu.vector_store %run_scoped3A_1[%swap3A_690, %swap3A_691], %broadcast_in_dim3A_25 {strides = array<i32>} : memref<32x512xf32, #tpu.memory_space<vmem>>, vector<16xf32>,
      %swap3A_693 = arith.constant 5 : i32
      %swap3A_694 = arith.index_cast %swap3A_693 : i32 to index
      %swap3A_695 = arith.constant 96 : index
      %swap3A_696 = tpu.vector_load %run_scoped3A_1[%swap3A_694, %swap3A_695] {strides = array<i32>} : memref<32x512xf32, #tpu.memory_space<vmem>>, vector<16xf32>,
      tpu.vector_store %run_scoped3A_1[%swap3A_694, %swap3A_695], %broadcast_in_dim3A_25 {strides = array<i32>} : memref<32x512xf32, #tpu.memory_space<vmem>>, vector<16xf32>,
      %swap3A_697 = arith.constant 5 : i32
      %swap3A_698 = arith.index_cast %swap3A_697 : i32 to index
      %swap3A_699 = arith.constant 112 : index
      %swap3A_700 = tpu.vector_load %run_scoped3A_1[%swap3A_698, %swap3A_699] {strides = array<i32>} : memref<32x512xf32, #tpu.memory_space<vmem>>, vector<16xf32>,
      tpu.vector_store %run_scoped3A_1[%swap3A_698, %swap3A_699], %broadcast_in_dim3A_25 {strides = array<i32>} : memref<32x512xf32, #tpu.memory_space<vmem>>, vector<16xf32>,
      %swap3A_701 = arith.constant 5 : i32
      %swap3A_702 = arith.index_cast %swap3A_701 : i32 to index
      %swap3A_703 = arith.constant 128 : index
      %swap3A_704 = tpu.vector_load %run_scoped3A_1[%swap3A_702, %swap3A_703] {strides = array<i32>} : memref<32x512xf32, #tpu.memory_space<vmem>>, vector<16xf32>,
      tpu.vector_store %run_scoped3A_1[%swap3A_702, %swap3A_703], %broadcast_in_dim3A_25 {strides = array<i32>} : memref<32x512xf32, #tpu.memory_space<vmem>>, vector<16xf32>,
      %swap3A_705 = arith.constant 5 : i32
      %swap3A_706 = arith.index_cast %swap3A_705 : i32 to index
      %swap3A_707 = arith.constant 144 : index
      %swap3A_708 = tpu.vector_load %run_scoped3A_1[%swap3A_706, %swap3A_707] {strides = array<i32>} : memref<32x512xf32, #tpu.memory_space<vmem>>, vector<16xf32>,
      tpu.vector_store %run_scoped3A_1[%swap3A_706, %swap3A_707], %broadcast_in_dim3A_25 {strides = array<i32>} : memref<32x512xf32, #tpu.memory_space<vmem>>, vector<16xf32>,
      %swap3A_709 = arith.constant 5 : i32
      %swap3A_710 = arith.index_cast %swap3A_709 : i32 to index
      %swap3A_711 = arith.constant 160 : index
      %swap3A_712 = tpu.vector_load %run_scoped3A_1[%swap3A_710, %swap3A_711] {strides = array<i32>} : memref<32x512xf32, #tpu.memory_space<vmem>>, vector<16xf32>,
      tpu.vector_store %run_scoped3A_1[%swap3A_710, %swap3A_711], %broadcast_in_dim3A_25 {strides = array<i32>} : memref<32x512xf32, #tpu.memory_space<vmem>>, vector<16xf32>,
      %swap3A_713 = arith.constant 5 : i32
      %swap3A_714 = arith.index_cast %swap3A_713 : i32 to index
      %swap3A_715 = arith.constant 176 : index
      %swap3A_716 = tpu.vector_load %run_scoped3A_1[%swap3A_714, %swap3A_715] {strides = array<i32>} : memref<32x512xf32, #tpu.memory_space<vmem>>, vector<16xf32>,
      tpu.vector_store %run_scoped3A_1[%swap3A_714, %swap3A_715], %broadcast_in_dim3A_25 {strides = array<i32>} : memref<32x512xf32, #tpu.memory_space<vmem>>, vector<16xf32>,
      %swap3A_717 = arith.constant 5 : i32
      %swap3A_718 = arith.index_cast %swap3A_717 : i32 to index
      %swap3A_719 = arith.constant 192 : index
      %swap3A_720 = tpu.vector_load %run_scoped3A_1[%swap3A_718, %swap3A_719] {strides = array<i32>} : memref<32x512xf32, #tpu.memory_space<vmem>>, vector<16xf32>,
      tpu.vector_store %run_scoped3A_1[%swap3A_718, %swap3A_719], %broadcast_in_dim3A_25 {strides = array<i32>} : memref<32x512xf32, #tpu.memory_space<vmem>>, vector<16xf32>,
      %swap3A_721 = arith.constant 5 : i32
      %swap3A_722 = arith.index_cast %swap3A_721 : i32 to index
      %swap3A_723 = arith.constant 208 : index
      %swap3A_724 = tpu.vector_load %run_scoped3A_1[%swap3A_722, %swap3A_723] {strides = array<i32>} : memref<32x512xf32, #tpu.memory_space<vmem>>, vector<16xf32>,
      tpu.vector_store %run_scoped3A_1[%swap3A_722, %swap3A_723], %broadcast_in_dim3A_25 {strides = array<i32>} : memref<32x512xf32, #tpu.memory_space<vmem>>, vector<16xf32>,
      %swap3A_725 = arith.constant 5 : i32
      %swap3A_726 = arith.index_cast %swap3A_725 : i32 to index
      %swap3A_727 = arith.constant 224 : index
      %swap3A_728 = tpu.vector_load %run_scoped3A_1[%swap3A_726, %swap3A_727] {strides = array<i32>} : memref<32x512xf32, #tpu.memory_space<vmem>>, vector<16xf32>,
      tpu.vector_store %run_scoped3A_1[%swap3A_726, %swap3A_727], %broadcast_in_dim3A_25 {strides = array<i32>} : memref<32x512xf32, #tpu.memory_space<vmem>>, vector<16xf32>,
      %swap3A_729 = arith.constant 5 : i32
      %swap3A_730 = arith.index_cast %swap3A_729 : i32 to index
      %swap3A_731 = arith.constant 240 : index
      %swap3A_732 = tpu.vector_load %run_scoped3A_1[%swap3A_730, %swap3A_731] {strides = array<i32>} : memref<32x512xf32, #tpu.memory_space<vmem>>, vector<16xf32>,
      tpu.vector_store %run_scoped3A_1[%swap3A_730, %swap3A_731], %broadcast_in_dim3A_25 {strides = array<i32>} : memref<32x512xf32, #tpu.memory_space<vmem>>, vector<16xf32>,
      %swap3A_733 = arith.constant 5 : i32
      %swap3A_734 = arith.index_cast %swap3A_733 : i32 to index
      %swap3A_735 = arith.constant 256 : index
      %swap3A_736 = tpu.vector_load %run_scoped3A_1[%swap3A_734, %swap3A_735] {strides = array<i32>} : memref<32x512xf32, #tpu.memory_space<vmem>>, vector<16xf32>,
      tpu.vector_store %run_scoped3A_1[%swap3A_734, %swap3A_735], %broadcast_in_dim3A_25 {strides = array<i32>} : memref<32x512xf32, #tpu.memory_space<vmem>>, vector<16xf32>,
      %swap3A_737 = arith.constant 5 : i32
      %swap3A_738 = arith.index_cast %swap3A_737 : i32 to index
      %swap3A_739 = arith.constant 272 : index
      %swap3A_740 = tpu.vector_load %run_scoped3A_1[%swap3A_738, %swap3A_739] {strides = array<i32>} : memref<32x512xf32, #tpu.memory_space<vmem>>, vector<16xf32>,
      tpu.vector_store %run_scoped3A_1[%swap3A_738, %swap3A_739], %broadcast_in_dim3A_25 {strides = array<i32>} : memref<32x512xf32, #tpu.memory_space<vmem>>, vector<16xf32>,
      %swap3A_741 = arith.constant 5 : i32
      %swap3A_742 = arith.index_cast %swap3A_741 : i32 to index
      %swap3A_743 = arith.constant 288 : index
      %swap3A_744 = tpu.vector_load %run_scoped3A_1[%swap3A_742, %swap3A_743] {strides = array<i32>} : memref<32x512xf32, #tpu.memory_space<vmem>>, vector<16xf32>,
      tpu.vector_store %run_scoped3A_1[%swap3A_742, %swap3A_743], %broadcast_in_dim3A_25 {strides = array<i32>} : memref<32x512xf32, #tpu.memory_space<vmem>>, vector<16xf32>,
      %swap3A_745 = arith.constant 5 : i32
      %swap3A_746 = arith.index_cast %swap3A_745 : i32 to index
      %swap3A_747 = arith.constant 304 : index
      %swap3A_748 = tpu.vector_load %run_scoped3A_1[%swap3A_746, %swap3A_747] {strides = array<i32>} : memref<32x512xf32, #tpu.memory_space<vmem>>, vector<16xf32>,
      tpu.vector_store %run_scoped3A_1[%swap3A_746, %swap3A_747], %broadcast_in_dim3A_25 {strides = array<i32>} : memref<32x512xf32, #tpu.memory_space<vmem>>, vector<16xf32>,
      %swap3A_749 = arith.constant 5 : i32
      %swap3A_750 = arith.index_cast %swap3A_749 : i32 to index
      %swap3A_751 = arith.constant 320 : index
      %swap3A_752 = tpu.vector_load %run_scoped3A_1[%swap3A_750, %swap3A_751] {strides = array<i32>} : memref<32x512xf32, #tpu.memory_space<vmem>>, vector<16xf32>,
      tpu.vector_store %run_scoped3A_1[%swap3A_750, %swap3A_751], %broadcast_in_dim3A_25 {strides = array<i32>} : memref<32x512xf32, #tpu.memory_space<vmem>>, vector<16xf32>,
      %swap3A_753 = arith.constant 5 : i32
      %swap3A_754 = arith.index_cast %swap3A_753 : i32 to index
      %swap3A_755 = arith.constant 336 : index
      %swap3A_756 = tpu.vector_load %run_scoped3A_1[%swap3A_754, %swap3A_755] {strides = array<i32>} : memref<32x512xf32, #tpu.memory_space<vmem>>, vector<16xf32>,
      tpu.vector_store %run_scoped3A_1[%swap3A_754, %swap3A_755], %broadcast_in_dim3A_25 {strides = array<i32>} : memref<32x512xf32, #tpu.memory_space<vmem>>, vector<16xf32>,
      %swap3A_757 = arith.constant 5 : i32
      %swap3A_758 = arith.index_cast %swap3A_757 : i32 to index
      %swap3A_759 = arith.constant 352 : index
      %swap3A_760 = tpu.vector_load %run_scoped3A_1[%swap3A_758, %swap3A_759] {strides = array<i32>} : memref<32x512xf32, #tpu.memory_space<vmem>>, vector<16xf32>,
      tpu.vector_store %run_scoped3A_1[%swap3A_758, %swap3A_759], %broadcast_in_dim3A_25 {strides = array<i32>} : memref<32x512xf32, #tpu.memory_space<vmem>>, vector<16xf32>,
      %swap3A_761 = arith.constant 5 : i32
      %swap3A_762 = arith.index_cast %swap3A_761 : i32 to index
      %swap3A_763 = arith.constant 368 : index
      %swap3A_764 = tpu.vector_load %run_scoped3A_1[%swap3A_762, %swap3A_763] {strides = array<i32>} : memref<32x512xf32, #tpu.memory_space<vmem>>, vector<16xf32>,
      tpu.vector_store %run_scoped3A_1[%swap3A_762, %swap3A_763], %broadcast_in_dim3A_25 {strides = array<i32>} : memref<32x512xf32, #tpu.memory_space<vmem>>, vector<16xf32>,
      %swap3A_765 = arith.constant 5 : i32
      %swap3A_766 = arith.index_cast %swap3A_765 : i32 to index
      %swap3A_767 = arith.constant 384 : index
      %swap3A_768 = tpu.vector_load %run_scoped3A_1[%swap3A_766, %swap3A_767] {strides = array<i32>} : memref<32x512xf32, #tpu.memory_space<vmem>>, vector<16xf32>,
      tpu.vector_store %run_scoped3A_1[%swap3A_766, %swap3A_767], %broadcast_in_dim3A_25 {strides = array<i32>} : memref<32x512xf32, #tpu.memory_space<vmem>>, vector<16xf32>,
      %swap3A_769 = arith.constant 5 : i32
      %swap3A_770 = arith.index_cast %swap3A_769 : i32 to index
      %swap3A_771 = arith.constant 400 : index
      %swap3A_772 = tpu.vector_load %run_scoped3A_1[%swap3A_770, %swap3A_771] {strides = array<i32>} : memref<32x512xf32, #tpu.memory_space<vmem>>, vector<16xf32>,
      tpu.vector_store %run_scoped3A_1[%swap3A_770, %swap3A_771], %broadcast_in_dim3A_25 {strides = array<i32>} : memref<32x512xf32, #tpu.memory_space<vmem>>, vector<16xf32>,
      %swap3A_773 = arith.constant 5 : i32
      %swap3A_774 = arith.index_cast %swap3A_773 : i32 to index
      %swap3A_775 = arith.constant 416 : index
      %swap3A_776 = tpu.vector_load %run_scoped3A_1[%swap3A_774, %swap3A_775] {strides = array<i32>} : memref<32x512xf32, #tpu.memory_space<vmem>>, vector<16xf32>,
      tpu.vector_store %run_scoped3A_1[%swap3A_774, %swap3A_775], %broadcast_in_dim3A_25 {strides = array<i32>} : memref<32x512xf32, #tpu.memory_space<vmem>>, vector<16xf32>,
      %swap3A_777 = arith.constant 5 : i32
      %swap3A_778 = arith.index_cast %swap3A_777 : i32 to index
      %swap3A_779 = arith.constant 432 : index
      %swap3A_780 = tpu.vector_load %run_scoped3A_1[%swap3A_778, %swap3A_779] {strides = array<i32>} : memref<32x512xf32, #tpu.memory_space<vmem>>, vector<16xf32>,
      tpu.vector_store %run_scoped3A_1[%swap3A_778, %swap3A_779], %broadcast_in_dim3A_25 {strides = array<i32>} : memref<32x512xf32, #tpu.memory_space<vmem>>, vector<16xf32>,
      %swap3A_781 = arith.constant 5 : i32
      %swap3A_782 = arith.index_cast %swap3A_781 : i32 to index
      %swap3A_783 = arith.constant 448 : index
      %swap3A_784 = tpu.vector_load %run_scoped3A_1[%swap3A_782, %swap3A_783] {strides = array<i32>} : memref<32x512xf32, #tpu.memory_space<vmem>>, vector<16xf32>,
      tpu.vector_store %run_scoped3A_1[%swap3A_782, %swap3A_783], %broadcast_in_dim3A_25 {strides = array<i32>} : memref<32x512xf32, #tpu.memory_space<vmem>>, vector<16xf32>,
      %swap3A_785 = arith.constant 5 : i32
      %swap3A_786 = arith.index_cast %swap3A_785 : i32 to index
      %swap3A_787 = arith.constant 464 : index
      %swap3A_788 = tpu.vector_load %run_scoped3A_1[%swap3A_786, %swap3A_787] {strides = array<i32>} : memref<32x512xf32, #tpu.memory_space<vmem>>, vector<16xf32>,
      tpu.vector_store %run_scoped3A_1[%swap3A_786, %swap3A_787], %broadcast_in_dim3A_25 {strides = array<i32>} : memref<32x512xf32, #tpu.memory_space<vmem>>, vector<16xf32>,
      %swap3A_789 = arith.constant 5 : i32
      %swap3A_790 = arith.index_cast %swap3A_789 : i32 to index
      %swap3A_791 = arith.constant 480 : index
      %swap3A_792 = tpu.vector_load %run_scoped3A_1[%swap3A_790, %swap3A_791] {strides = array<i32>} : memref<32x512xf32, #tpu.memory_space<vmem>>, vector<16xf32>,
      tpu.vector_store %run_scoped3A_1[%swap3A_790, %swap3A_791], %broadcast_in_dim3A_25 {strides = array<i32>} : memref<32x512xf32, #tpu.memory_space<vmem>>, vector<16xf32>,
      %swap3A_793 = arith.constant 5 : i32
      %swap3A_794 = arith.index_cast %swap3A_793 : i32 to index
      %swap3A_795 = arith.constant 496 : index
      %swap3A_796 = tpu.vector_load %run_scoped3A_1[%swap3A_794, %swap3A_795] {strides = array<i32>} : memref<32x512xf32, #tpu.memory_space<vmem>>, vector<16xf32>,
      tpu.vector_store %run_scoped3A_1[%swap3A_794, %swap3A_795], %broadcast_in_dim3A_25 {strides = array<i32>} : memref<32x512xf32, #tpu.memory_space<vmem>>, vector<16xf32>,
      %swap3A_797 = arith.constant 6 : i32
      %swap3A_798 = arith.index_cast %swap3A_797 : i32 to index
      %swap3A_799 = arith.constant 0 : index
      %swap3A_800 = tpu.vector_load %run_scoped3A_1[%swap3A_798, %swap3A_799] {strides = array<i32>} : memref<32x512xf32, #tpu.memory_space<vmem>>, vector<16xf32>,
      tpu.vector_store %run_scoped3A_1[%swap3A_798, %swap3A_799], %broadcast_in_dim3A_25 {strides = array<i32>} : memref<32x512xf32, #tpu.memory_space<vmem>>, vector<16xf32>,
      %swap3A_801 = arith.constant 6 : i32
      %swap3A_802 = arith.index_cast %swap3A_801 : i32 to index
      %swap3A_803 = arith.constant 16 : index
      %swap3A_804 = tpu.vector_load %run_scoped3A_1[%swap3A_802, %swap3A_803] {strides = array<i32>} : memref<32x512xf32, #tpu.memory_space<vmem>>, vector<16xf32>,
      tpu.vector_store %run_scoped3A_1[%swap3A_802, %swap3A_803], %broadcast_in_dim3A_25 {strides = array<i32>} : memref<32x512xf32, #tpu.memory_space<vmem>>, vector<16xf32>,
      %swap3A_805 = arith.constant 6 : i32
      %swap3A_806 = arith.index_cast %swap3A_805 : i32 to index
      %swap3A_807 = arith.constant 32 : index
      %swap3A_808 = tpu.vector_load %run_scoped3A_1[%swap3A_806, %swap3A_807] {strides = array<i32>} : memref<32x512xf32, #tpu.memory_space<vmem>>, vector<16xf32>,
      tpu.vector_store %run_scoped3A_1[%swap3A_806, %swap3A_807], %broadcast_in_dim3A_25 {strides = array<i32>} : memref<32x512xf32, #tpu.memory_space<vmem>>, vector<16xf32>,
      %swap3A_809 = arith.constant 6 : i32
      %swap3A_810 = arith.index_cast %swap3A_809 : i32 to index
      %swap3A_811 = arith.constant 48 : index
      %swap3A_812 = tpu.vector_load %run_scoped3A_1[%swap3A_810, %swap3A_811] {strides = array<i32>} : memref<32x512xf32, #tpu.memory_space<vmem>>, vector<16xf32>,
      tpu.vector_store %run_scoped3A_1[%swap3A_810, %swap3A_811], %broadcast_in_dim3A_25 {strides = array<i32>} : memref<32x512xf32, #tpu.memory_space<vmem>>, vector<16xf32>,
      %swap3A_813 = arith.constant 6 : i32
      %swap3A_814 = arith.index_cast %swap3A_813 : i32 to index
      %swap3A_815 = arith.constant 64 : index
      %swap3A_816 = tpu.vector_load %run_scoped3A_1[%swap3A_814, %swap3A_815] {strides = array<i32>} : memref<32x512xf32, #tpu.memory_space<vmem>>, vector<16xf32>,
      tpu.vector_store %run_scoped3A_1[%swap3A_814, %swap3A_815], %broadcast_in_dim3A_25 {strides = array<i32>} : memref<32x512xf32, #tpu.memory_space<vmem>>, vector<16xf32>,
      %swap3A_817 = arith.constant 6 : i32
      %swap3A_818 = arith.index_cast %swap3A_817 : i32 to index
      %swap3A_819 = arith.constant 80 : index
      %swap3A_820 = tpu.vector_load %run_scoped3A_1[%swap3A_818, %swap3A_819] {strides = array<i32>} : memref<32x512xf32, #tpu.memory_space<vmem>>, vector<16xf32>,
      tpu.vector_store %run_scoped3A_1[%swap3A_818, %swap3A_819], %broadcast_in_dim3A_25 {strides = array<i32>} : memref<32x512xf32, #tpu.memory_space<vmem>>, vector<16xf32>,
      %swap3A_821 = arith.constant 6 : i32
      %swap3A_822 = arith.index_cast %swap3A_821 : i32 to index
      %swap3A_823 = arith.constant 96 : index
      %swap3A_824 = tpu.vector_load %run_scoped3A_1[%swap3A_822, %swap3A_823] {strides = array<i32>} : memref<32x512xf32, #tpu.memory_space<vmem>>, vector<16xf32>,
      tpu.vector_store %run_scoped3A_1[%swap3A_822, %swap3A_823], %broadcast_in_dim3A_25 {strides = array<i32>} : memref<32x512xf32, #tpu.memory_space<vmem>>, vector<16xf32>,
      %swap3A_825 = arith.constant 6 : i32
      %swap3A_826 = arith.index_cast %swap3A_825 : i32 to index
      %swap3A_827 = arith.constant 112 : index
      %swap3A_828 = tpu.vector_load %run_scoped3A_1[%swap3A_826, %swap3A_827] {strides = array<i32>} : memref<32x512xf32, #tpu.memory_space<vmem>>, vector<16xf32>,
      tpu.vector_store %run_scoped3A_1[%swap3A_826, %swap3A_827], %broadcast_in_dim3A_25 {strides = array<i32>} : memref<32x512xf32, #tpu.memory_space<vmem>>, vector<16xf32>,
      %swap3A_829 = arith.constant 6 : i32
      %swap3A_830 = arith.index_cast %swap3A_829 : i32 to index
      %swap3A_831 = arith.constant 128 : index
      %swap3A_832 = tpu.vector_load %run_scoped3A_1[%swap3A_830, %swap3A_831] {strides = array<i32>} : memref<32x512xf32, #tpu.memory_space<vmem>>, vector<16xf32>,
      tpu.vector_store %run_scoped3A_1[%swap3A_830, %swap3A_831], %broadcast_in_dim3A_25 {strides = array<i32>} : memref<32x512xf32, #tpu.memory_space<vmem>>, vector<16xf32>,
      %swap3A_833 = arith.constant 6 : i32
      %swap3A_834 = arith.index_cast %swap3A_833 : i32 to index
      %swap3A_835 = arith.constant 144 : index
      %swap3A_836 = tpu.vector_load %run_scoped3A_1[%swap3A_834, %swap3A_835] {strides = array<i32>} : memref<32x512xf32, #tpu.memory_space<vmem>>, vector<16xf32>,
      tpu.vector_store %run_scoped3A_1[%swap3A_834, %swap3A_835], %broadcast_in_dim3A_25 {strides = array<i32>} : memref<32x512xf32, #tpu.memory_space<vmem>>, vector<16xf32>,
      %swap3A_837 = arith.constant 6 : i32
      %swap3A_838 = arith.index_cast %swap3A_837 : i32 to index
      %swap3A_839 = arith.constant 160 : index
      %swap3A_840 = tpu.vector_load %run_scoped3A_1[%swap3A_838, %swap3A_839] {strides = array<i32>} : memref<32x512xf32, #tpu.memory_space<vmem>>, vector<16xf32>,
      tpu.vector_store %run_scoped3A_1[%swap3A_838, %swap3A_839], %broadcast_in_dim3A_25 {strides = array<i32>} : memref<32x512xf32, #tpu.memory_space<vmem>>, vector<16xf32>,
      %swap3A_841 = arith.constant 6 : i32
      %swap3A_842 = arith.index_cast %swap3A_841 : i32 to index
      %swap3A_843 = arith.constant 176 : index
      %swap3A_844 = tpu.vector_load %run_scoped3A_1[%swap3A_842, %swap3A_843] {strides = array<i32>} : memref<32x512xf32, #tpu.memory_space<vmem>>, vector<16xf32>,
      tpu.vector_store %run_scoped3A_1[%swap3A_842, %swap3A_843], %broadcast_in_dim3A_25 {strides = array<i32>} : memref<32x512xf32, #tpu.memory_space<vmem>>, vector<16xf32>,
      %swap3A_845 = arith.constant 6 : i32
      %swap3A_846 = arith.index_cast %swap3A_845 : i32 to index
      %swap3A_847 = arith.constant 192 : index
      %swap3A_848 = tpu.vector_load %run_scoped3A_1[%swap3A_846, %swap3A_847] {strides = array<i32>} : memref<32x512xf32, #tpu.memory_space<vmem>>, vector<16xf32>,
      tpu.vector_store %run_scoped3A_1[%swap3A_846, %swap3A_847], %broadcast_in_dim3A_25 {strides = array<i32>} : memref<32x512xf32, #tpu.memory_space<vmem>>, vector<16xf32>,
      %swap3A_849 = arith.constant 6 : i32
      %swap3A_850 = arith.index_cast %swap3A_849 : i32 to index
      %swap3A_851 = arith.constant 208 : index
      %swap3A_852 = tpu.vector_load %run_scoped3A_1[%swap3A_850, %swap3A_851] {strides = array<i32>} : memref<32x512xf32, #tpu.memory_space<vmem>>, vector<16xf32>,
      tpu.vector_store %run_scoped3A_1[%swap3A_850, %swap3A_851], %broadcast_in_dim3A_25 {strides = array<i32>} : memref<32x512xf32, #tpu.memory_space<vmem>>, vector<16xf32>,
      %swap3A_853 = arith.constant 6 : i32
      %swap3A_854 = arith.index_cast %swap3A_853 : i32 to index
      %swap3A_855 = arith.constant 224 : index
      %swap3A_856 = tpu.vector_load %run_scoped3A_1[%swap3A_854, %swap3A_855] {strides = array<i32>} : memref<32x512xf32, #tpu.memory_space<vmem>>, vector<16xf32>,
      tpu.vector_store %run_scoped3A_1[%swap3A_854, %swap3A_855], %broadcast_in_dim3A_25 {strides = array<i32>} : memref<32x512xf32, #tpu.memory_space<vmem>>, vector<16xf32>,
      %swap3A_857 = arith.constant 6 : i32
      %swap3A_858 = arith.index_cast %swap3A_857 : i32 to index
      %swap3A_859 = arith.constant 240 : index
      %swap3A_860 = tpu.vector_load %run_scoped3A_1[%swap3A_858, %swap3A_859] {strides = array<i32>} : memref<32x512xf32, #tpu.memory_space<vmem>>, vector<16xf32>,
      tpu.vector_store %run_scoped3A_1[%swap3A_858, %swap3A_859], %broadcast_in_dim3A_25 {strides = array<i32>} : memref<32x512xf32, #tpu.memory_space<vmem>>, vector<16xf32>,
      %swap3A_861 = arith.constant 6 : i32
      %swap3A_862 = arith.index_cast %swap3A_861 : i32 to index
      %swap3A_863 = arith.constant 256 : index
      %swap3A_864 = tpu.vector_load %run_scoped3A_1[%swap3A_862, %swap3A_863] {strides = array<i32>} : memref<32x512xf32, #tpu.memory_space<vmem>>, vector<16xf32>,
      tpu.vector_store %run_scoped3A_1[%swap3A_862, %swap3A_863], %broadcast_in_dim3A_25 {strides = array<i32>} : memref<32x512xf32, #tpu.memory_space<vmem>>, vector<16xf32>,
      %swap3A_865 = arith.constant 6 : i32
      %swap3A_866 = arith.index_cast %swap3A_865 : i32 to index
      %swap3A_867 = arith.constant 272 : index
      %swap3A_868 = tpu.vector_load %run_scoped3A_1[%swap3A_866, %swap3A_867] {strides = array<i32>} : memref<32x512xf32, #tpu.memory_space<vmem>>, vector<16xf32>,
      tpu.vector_store %run_scoped3A_1[%swap3A_866, %swap3A_867], %broadcast_in_dim3A_25 {strides = array<i32>} : memref<32x512xf32, #tpu.memory_space<vmem>>, vector<16xf32>,
      %swap3A_869 = arith.constant 6 : i32
      %swap3A_870 = arith.index_cast %swap3A_869 : i32 to index
      %swap3A_871 = arith.constant 288 : index
      %swap3A_872 = tpu.vector_load %run_scoped3A_1[%swap3A_870, %swap3A_871] {strides = array<i32>} : memref<32x512xf32, #tpu.memory_space<vmem>>, vector<16xf32>,
      tpu.vector_store %run_scoped3A_1[%swap3A_870, %swap3A_871], %broadcast_in_dim3A_25 {strides = array<i32>} : memref<32x512xf32, #tpu.memory_space<vmem>>, vector<16xf32>,
      %swap3A_873 = arith.constant 6 : i32
      %swap3A_874 = arith.index_cast %swap3A_873 : i32 to index
      %swap3A_875 = arith.constant 304 : index
      %swap3A_876 = tpu.vector_load %run_scoped3A_1[%swap3A_874, %swap3A_875] {strides = array<i32>} : memref<32x512xf32, #tpu.memory_space<vmem>>, vector<16xf32>,
      tpu.vector_store %run_scoped3A_1[%swap3A_874, %swap3A_875], %broadcast_in_dim3A_25 {strides = array<i32>} : memref<32x512xf32, #tpu.memory_space<vmem>>, vector<16xf32>,
      %swap3A_877 = arith.constant 6 : i32
      %swap3A_878 = arith.index_cast %swap3A_877 : i32 to index
      %swap3A_879 = arith.constant 320 : index
      %swap3A_880 = tpu.vector_load %run_scoped3A_1[%swap3A_878, %swap3A_879] {strides = array<i32>} : memref<32x512xf32, #tpu.memory_space<vmem>>, vector<16xf32>,
      tpu.vector_store %run_scoped3A_1[%swap3A_878, %swap3A_879], %broadcast_in_dim3A_25 {strides = array<i32>} : memref<32x512xf32, #tpu.memory_space<vmem>>, vector<16xf32>,
      %swap3A_881 = arith.constant 6 : i32
      %swap3A_882 = arith.index_cast %swap3A_881 : i32 to index
      %swap3A_883 = arith.constant 336 : index
      %swap3A_884 = tpu.vector_load %run_scoped3A_1[%swap3A_882, %swap3A_883] {strides = array<i32>} : memref<32x512xf32, #tpu.memory_space<vmem>>, vector<16xf32>,
      tpu.vector_store %run_scoped3A_1[%swap3A_882, %swap3A_883], %broadcast_in_dim3A_25 {strides = array<i32>} : memref<32x512xf32, #tpu.memory_space<vmem>>, vector<16xf32>,
      %swap3A_885 = arith.constant 6 : i32
      %swap3A_886 = arith.index_cast %swap3A_885 : i32 to index
      %swap3A_887 = arith.constant 352 : index
      %swap3A_888 = tpu.vector_load %run_scoped3A_1[%swap3A_886, %swap3A_887] {strides = array<i32>} : memref<32x512xf32, #tpu.memory_space<vmem>>, vector<16xf32>,
      tpu.vector_store %run_scoped3A_1[%swap3A_886, %swap3A_887], %broadcast_in_dim3A_25 {strides = array<i32>} : memref<32x512xf32, #tpu.memory_space<vmem>>, vector<16xf32>,
      %swap3A_889 = arith.constant 6 : i32
      %swap3A_890 = arith.index_cast %swap3A_889 : i32 to index
      %swap3A_891 = arith.constant 368 : index
      %swap3A_892 = tpu.vector_load %run_scoped3A_1[%swap3A_890, %swap3A_891] {strides = array<i32>} : memref<32x512xf32, #tpu.memory_space<vmem>>, vector<16xf32>,
      tpu.vector_store %run_scoped3A_1[%swap3A_890, %swap3A_891], %broadcast_in_dim3A_25 {strides = array<i32>} : memref<32x512xf32, #tpu.memory_space<vmem>>, vector<16xf32>,
      %swap3A_893 = arith.constant 6 : i32
      %swap3A_894 = arith.index_cast %swap3A_893 : i32 to index
      %swap3A_895 = arith.constant 384 : index
      %swap3A_896 = tpu.vector_load %run_scoped3A_1[%swap3A_894, %swap3A_895] {strides = array<i32>} : memref<32x512xf32, #tpu.memory_space<vmem>>, vector<16xf32>,
      tpu.vector_store %run_scoped3A_1[%swap3A_894, %swap3A_895], %broadcast_in_dim3A_25 {strides = array<i32>} : memref<32x512xf32, #tpu.memory_space<vmem>>, vector<16xf32>,
      %swap3A_897 = arith.constant 6 : i32
      %swap3A_898 = arith.index_cast %swap3A_897 : i32 to index
      %swap3A_899 = arith.constant 400 : index
      %swap3A_900 = tpu.vector_load %run_scoped3A_1[%swap3A_898, %swap3A_899] {strides = array<i32>} : memref<32x512xf32, #tpu.memory_space<vmem>>, vector<16xf32>,
      tpu.vector_store %run_scoped3A_1[%swap3A_898, %swap3A_899], %broadcast_in_dim3A_25 {strides = array<i32>} : memref<32x512xf32, #tpu.memory_space<vmem>>, vector<16xf32>,
      %swap3A_901 = arith.constant 6 : i32
      %swap3A_902 = arith.index_cast %swap3A_901 : i32 to index
      %swap3A_903 = arith.constant 416 : index
      %swap3A_904 = tpu.vector_load %run_scoped3A_1[%swap3A_902, %swap3A_903] {strides = array<i32>} : memref<32x512xf32, #tpu.memory_space<vmem>>, vector<16xf32>,
      tpu.vector_store %run_scoped3A_1[%swap3A_902, %swap3A_903], %broadcast_in_dim3A_25 {strides = array<i32>} : memref<32x512xf32, #tpu.memory_space<vmem>>, vector<16xf32>,
      %swap3A_905 = arith.constant 6 : i32
      %swap3A_906 = arith.index_cast %swap3A_905 : i32 to index
      %swap3A_907 = arith.constant 432 : index
      %swap3A_908 = tpu.vector_load %run_scoped3A_1[%swap3A_906, %swap3A_907] {strides = array<i32>} : memref<32x512xf32, #tpu.memory_space<vmem>>, vector<16xf32>,
      tpu.vector_store %run_scoped3A_1[%swap3A_906, %swap3A_907], %broadcast_in_dim3A_25 {strides = array<i32>} : memref<32x512xf32, #tpu.memory_space<vmem>>, vector<16xf32>,
      %swap3A_909 = arith.constant 6 : i32
      %swap3A_910 = arith.index_cast %swap3A_909 : i32 to index
      %swap3A_911 = arith.constant 448 : index
      %swap3A_912 = tpu.vector_load %run_scoped3A_1[%swap3A_910, %swap3A_911] {strides = array<i32>} : memref<32x512xf32, #tpu.memory_space<vmem>>, vector<16xf32>,
      tpu.vector_store %run_scoped3A_1[%swap3A_910, %swap3A_911], %broadcast_in_dim3A_25 {strides = array<i32>} : memref<32x512xf32, #tpu.memory_space<vmem>>, vector<16xf32>,
      %swap3A_913 = arith.constant 6 : i32
      %swap3A_914 = arith.index_cast %swap3A_913 : i32 to index
      %swap3A_915 = arith.constant 464 : index
      %swap3A_916 = tpu.vector_load %run_scoped3A_1[%swap3A_914, %swap3A_915] {strides = array<i32>} : memref<32x512xf32, #tpu.memory_space<vmem>>, vector<16xf32>,
      tpu.vector_store %run_scoped3A_1[%swap3A_914, %swap3A_915], %broadcast_in_dim3A_25 {strides = array<i32>} : memref<32x512xf32, #tpu.memory_space<vmem>>, vector<16xf32>,
      %swap3A_917 = arith.constant 6 : i32
      %swap3A_918 = arith.index_cast %swap3A_917 : i32 to index
      %swap3A_919 = arith.constant 480 : index
      %swap3A_920 = tpu.vector_load %run_scoped3A_1[%swap3A_918, %swap3A_919] {strides = array<i32>} : memref<32x512xf32, #tpu.memory_space<vmem>>, vector<16xf32>,
      tpu.vector_store %run_scoped3A_1[%swap3A_918, %swap3A_919], %broadcast_in_dim3A_25 {strides = array<i32>} : memref<32x512xf32, #tpu.memory_space<vmem>>, vector<16xf32>,
      %swap3A_921 = arith.constant 6 : i32
      %swap3A_922 = arith.index_cast %swap3A_921 : i32 to index
      %swap3A_923 = arith.constant 496 : index
      %swap3A_924 = tpu.vector_load %run_scoped3A_1[%swap3A_922, %swap3A_923] {strides = array<i32>} : memref<32x512xf32, #tpu.memory_space<vmem>>, vector<16xf32>,
      tpu.vector_store %run_scoped3A_1[%swap3A_922, %swap3A_923], %broadcast_in_dim3A_25 {strides = array<i32>} : memref<32x512xf32, #tpu.memory_space<vmem>>, vector<16xf32>,
      %swap3A_925 = arith.constant 7 : i32
      %swap3A_926 = arith.index_cast %swap3A_925 : i32 to index
      %swap3A_927 = arith.constant 0 : index
      %swap3A_928 = tpu.vector_load %run_scoped3A_1[%swap3A_926, %swap3A_927] {strides = array<i32>} : memref<32x512xf32, #tpu.memory_space<vmem>>, vector<16xf32>,
      tpu.vector_store %run_scoped3A_1[%swap3A_926, %swap3A_927], %broadcast_in_dim3A_25 {strides = array<i32>} : memref<32x512xf32, #tpu.memory_space<vmem>>, vector<16xf32>,
      %swap3A_929 = arith.constant 7 : i32
      %swap3A_930 = arith.index_cast %swap3A_929 : i32 to index
      %swap3A_931 = arith.constant 16 : index
      %swap3A_932 = tpu.vector_load %run_scoped3A_1[%swap3A_930, %swap3A_931] {strides = array<i32>} : memref<32x512xf32, #tpu.memory_space<vmem>>, vector<16xf32>,
      tpu.vector_store %run_scoped3A_1[%swap3A_930, %swap3A_931], %broadcast_in_dim3A_25 {strides = array<i32>} : memref<32x512xf32, #tpu.memory_space<vmem>>, vector<16xf32>,
      %swap3A_933 = arith.constant 7 : i32
      %swap3A_934 = arith.index_cast %swap3A_933 : i32 to index
      %swap3A_935 = arith.constant 32 : index
      %swap3A_936 = tpu.vector_load %run_scoped3A_1[%swap3A_934, %swap3A_935] {strides = array<i32>} : memref<32x512xf32, #tpu.memory_space<vmem>>, vector<16xf32>,
      tpu.vector_store %run_scoped3A_1[%swap3A_934, %swap3A_935], %broadcast_in_dim3A_25 {strides = array<i32>} : memref<32x512xf32, #tpu.memory_space<vmem>>, vector<16xf32>,
      %swap3A_937 = arith.constant 7 : i32
      %swap3A_938 = arith.index_cast %swap3A_937 : i32 to index
      %swap3A_939 = arith.constant 48 : index
      %swap3A_940 = tpu.vector_load %run_scoped3A_1[%swap3A_938, %swap3A_939] {strides = array<i32>} : memref<32x512xf32, #tpu.memory_space<vmem>>, vector<16xf32>,
      tpu.vector_store %run_scoped3A_1[%swap3A_938, %swap3A_939], %broadcast_in_dim3A_25 {strides = array<i32>} : memref<32x512xf32, #tpu.memory_space<vmem>>, vector<16xf32>,
      %swap3A_941 = arith.constant 7 : i32
      %swap3A_942 = arith.index_cast %swap3A_941 : i32 to index
      %swap3A_943 = arith.constant 64 : index
      %swap3A_944 = tpu.vector_load %run_scoped3A_1[%swap3A_942, %swap3A_943] {strides = array<i32>} : memref<32x512xf32, #tpu.memory_space<vmem>>, vector<16xf32>,
      tpu.vector_store %run_scoped3A_1[%swap3A_942, %swap3A_943], %broadcast_in_dim3A_25 {strides = array<i32>} : memref<32x512xf32, #tpu.memory_space<vmem>>, vector<16xf32>,
      %swap3A_945 = arith.constant 7 : i32
      %swap3A_946 = arith.index_cast %swap3A_945 : i32 to index
      %swap3A_947 = arith.constant 80 : index
      %swap3A_948 = tpu.vector_load %run_scoped3A_1[%swap3A_946, %swap3A_947] {strides = array<i32>} : memref<32x512xf32, #tpu.memory_space<vmem>>, vector<16xf32>,
      tpu.vector_store %run_scoped3A_1[%swap3A_946, %swap3A_947], %broadcast_in_dim3A_25 {strides = array<i32>} : memref<32x512xf32, #tpu.memory_space<vmem>>, vector<16xf32>,
      %swap3A_949 = arith.constant 7 : i32
      %swap3A_950 = arith.index_cast %swap3A_949 : i32 to index
      %swap3A_951 = arith.constant 96 : index
      %swap3A_952 = tpu.vector_load %run_scoped3A_1[%swap3A_950, %swap3A_951] {strides = array<i32>} : memref<32x512xf32, #tpu.memory_space<vmem>>, vector<16xf32>,
      tpu.vector_store %run_scoped3A_1[%swap3A_950, %swap3A_951], %broadcast_in_dim3A_25 {strides = array<i32>} : memref<32x512xf32, #tpu.memory_space<vmem>>, vector<16xf32>,
      %swap3A_953 = arith.constant 7 : i32
      %swap3A_954 = arith.index_cast %swap3A_953 : i32 to index
      %swap3A_955 = arith.constant 112 : index
      %swap3A_956 = tpu.vector_load %run_scoped3A_1[%swap3A_954, %swap3A_955] {strides = array<i32>} : memref<32x512xf32, #tpu.memory_space<vmem>>, vector<16xf32>,
      tpu.vector_store %run_scoped3A_1[%swap3A_954, %swap3A_955], %broadcast_in_dim3A_25 {strides = array<i32>} : memref<32x512xf32, #tpu.memory_space<vmem>>, vector<16xf32>,
      %swap3A_957 = arith.constant 7 : i32
      %swap3A_958 = arith.index_cast %swap3A_957 : i32 to index
      %swap3A_959 = arith.constant 128 : index
      %swap3A_960 = tpu.vector_load %run_scoped3A_1[%swap3A_958, %swap3A_959] {strides = array<i32>} : memref<32x512xf32, #tpu.memory_space<vmem>>, vector<16xf32>,
      tpu.vector_store %run_scoped3A_1[%swap3A_958, %swap3A_959], %broadcast_in_dim3A_25 {strides = array<i32>} : memref<32x512xf32, #tpu.memory_space<vmem>>, vector<16xf32>,
      %swap3A_961 = arith.constant 7 : i32
      %swap3A_962 = arith.index_cast %swap3A_961 : i32 to index
      %swap3A_963 = arith.constant 144 : index
      %swap3A_964 = tpu.vector_load %run_scoped3A_1[%swap3A_962, %swap3A_963] {strides = array<i32>} : memref<32x512xf32, #tpu.memory_space<vmem>>, vector<16xf32>,
      tpu.vector_store %run_scoped3A_1[%swap3A_962, %swap3A_963], %broadcast_in_dim3A_25 {strides = array<i32>} : memref<32x512xf32, #tpu.memory_space<vmem>>, vector<16xf32>,
      %swap3A_965 = arith.constant 7 : i32
      %swap3A_966 = arith.index_cast %swap3A_965 : i32 to index
      %swap3A_967 = arith.constant 160 : index
      %swap3A_968 = tpu.vector_load %run_scoped3A_1[%swap3A_966, %swap3A_967] {strides = array<i32>} : memref<32x512xf32, #tpu.memory_space<vmem>>, vector<16xf32>,
      tpu.vector_store %run_scoped3A_1[%swap3A_966, %swap3A_967], %broadcast_in_dim3A_25 {strides = array<i32>} : memref<32x512xf32, #tpu.memory_space<vmem>>, vector<16xf32>,
      %swap3A_969 = arith.constant 7 : i32
      %swap3A_970 = arith.index_cast %swap3A_969 : i32 to index
      %swap3A_971 = arith.constant 176 : index
      %swap3A_972 = tpu.vector_load %run_scoped3A_1[%swap3A_970, %swap3A_971] {strides = array<i32>} : memref<32x512xf32, #tpu.memory_space<vmem>>, vector<16xf32>,
      tpu.vector_store %run_scoped3A_1[%swap3A_970, %swap3A_971], %broadcast_in_dim3A_25 {strides = array<i32>} : memref<32x512xf32, #tpu.memory_space<vmem>>, vector<16xf32>,
      %swap3A_973 = arith.constant 7 : i32
      %swap3A_974 = arith.index_cast %swap3A_973 : i32 to index
      %swap3A_975 = arith.constant 192 : index
      %swap3A_976 = tpu.vector_load %run_scoped3A_1[%swap3A_974, %swap3A_975] {strides = array<i32>} : memref<32x512xf32, #tpu.memory_space<vmem>>, vector<16xf32>,
      tpu.vector_store %run_scoped3A_1[%swap3A_974, %swap3A_975], %broadcast_in_dim3A_25 {strides = array<i32>} : memref<32x512xf32, #tpu.memory_space<vmem>>, vector<16xf32>,
      %swap3A_977 = arith.constant 7 : i32
      %swap3A_978 = arith.index_cast %swap3A_977 : i32 to index
      %swap3A_979 = arith.constant 208 : index
      %swap3A_980 = tpu.vector_load %run_scoped3A_1[%swap3A_978, %swap3A_979] {strides = array<i32>} : memref<32x512xf32, #tpu.memory_space<vmem>>, vector<16xf32>,
      tpu.vector_store %run_scoped3A_1[%swap3A_978, %swap3A_979], %broadcast_in_dim3A_25 {strides = array<i32>} : memref<32x512xf32, #tpu.memory_space<vmem>>, vector<16xf32>,
      %swap3A_981 = arith.constant 7 : i32
      %swap3A_982 = arith.index_cast %swap3A_981 : i32 to index
      %swap3A_983 = arith.constant 224 : index
      %swap3A_984 = tpu.vector_load %run_scoped3A_1[%swap3A_982, %swap3A_983] {strides = array<i32>} : memref<32x512xf32, #tpu.memory_space<vmem>>, vector<16xf32>,
      tpu.vector_store %run_scoped3A_1[%swap3A_982, %swap3A_983], %broadcast_in_dim3A_25 {strides = array<i32>} : memref<32x512xf32, #tpu.memory_space<vmem>>, vector<16xf32>,
      %swap3A_985 = arith.constant 7 : i32
      %swap3A_986 = arith.index_cast %swap3A_985 : i32 to index
      %swap3A_987 = arith.constant 240 : index
      %swap3A_988 = tpu.vector_load %run_scoped3A_1[%swap3A_986, %swap3A_987] {strides = array<i32>} : memref<32x512xf32, #tpu.memory_space<vmem>>, vector<16xf32>,
      tpu.vector_store %run_scoped3A_1[%swap3A_986, %swap3A_987], %broadcast_in_dim3A_25 {strides = array<i32>} : memref<32x512xf32, #tpu.memory_space<vmem>>, vector<16xf32>,
      %swap3A_989 = arith.constant 7 : i32
      %swap3A_990 = arith.index_cast %swap3A_989 : i32 to index
      %swap3A_991 = arith.constant 256 : index
      %swap3A_992 = tpu.vector_load %run_scoped3A_1[%swap3A_990, %swap3A_991] {strides = array<i32>} : memref<32x512xf32, #tpu.memory_space<vmem>>, vector<16xf32>,
      tpu.vector_store %run_scoped3A_1[%swap3A_990, %swap3A_991], %broadcast_in_dim3A_25 {strides = array<i32>} : memref<32x512xf32, #tpu.memory_space<vmem>>, vector<16xf32>,
      %swap3A_993 = arith.constant 7 : i32
      %swap3A_994 = arith.index_cast %swap3A_993 : i32 to index
      %swap3A_995 = arith.constant 272 : index
      %swap3A_996 = tpu.vector_load %run_scoped3A_1[%swap3A_994, %swap3A_995] {strides = array<i32>} : memref<32x512xf32, #tpu.memory_space<vmem>>, vector<16xf32>,
      tpu.vector_store %run_scoped3A_1[%swap3A_994, %swap3A_995], %broadcast_in_dim3A_25 {strides = array<i32>} : memref<32x512xf32, #tpu.memory_space<vmem>>, vector<16xf32>,
      %swap3A_997 = arith.constant 7 : i32
      %swap3A_998 = arith.index_cast %swap3A_997 : i32 to index
      %swap3A_999 = arith.constant 288 : index
      %swap3A_1000 = tpu.vector_load %run_scoped3A_1[%swap3A_998, %swap3A_999] {strides = array<i32>} : memref<32x512xf32, #tpu.memory_space<vmem>>, vector<16xf32>,
      tpu.vector_store %run_scoped3A_1[%swap3A_998, %swap3A_999], %broadcast_in_dim3A_25 {strides = array<i32>} : memref<32x512xf32, #tpu.memory_space<vmem>>, vector<16xf32>,
      %swap3A_1001 = arith.constant 7 : i32
      %swap3A_1002 = arith.index_cast %swap3A_1001 : i32 to index
      %swap3A_1003 = arith.constant 304 : index
      %swap3A_1004 = tpu.vector_load %run_scoped3A_1[%swap3A_1002, %swap3A_1003] {strides = array<i32>} : memref<32x512xf32, #tpu.memory_space<vmem>>, vector<16xf32>,
      tpu.vector_store %run_scoped3A_1[%swap3A_1002, %swap3A_1003], %broadcast_in_dim3A_25 {strides = array<i32>} : memref<32x512xf32, #tpu.memory_space<vmem>>, vector<16xf32>,
      %swap3A_1005 = arith.constant 7 : i32
      %swap3A_1006 = arith.index_cast %swap3A_1005 : i32 to index
      %swap3A_1007 = arith.constant 320 : index
      %swap3A_1008 = tpu.vector_load %run_scoped3A_1[%swap3A_1006, %swap3A_1007] {strides = array<i32>} : memref<32x512xf32, #tpu.memory_space<vmem>>, vector<16xf32>,
      tpu.vector_store %run_scoped3A_1[%swap3A_1006, %swap3A_1007], %broadcast_in_dim3A_25 {strides = array<i32>} : memref<32x512xf32, #tpu.memory_space<vmem>>, vector<16xf32>,
      %swap3A_1009 = arith.constant 7 : i32
      %swap3A_1010 = arith.index_cast %swap3A_1009 : i32 to index
      %swap3A_1011 = arith.constant 336 : index
      %swap3A_1012 = tpu.vector_load %run_scoped3A_1[%swap3A_1010, %swap3A_1011] {strides = array<i32>} : memref<32x512xf32, #tpu.memory_space<vmem>>, vector<16xf32>,
      tpu.vector_store %run_scoped3A_1[%swap3A_1010, %swap3A_1011], %broadcast_in_dim3A_25 {strides = array<i32>} : memref<32x512xf32, #tpu.memory_space<vmem>>, vector<16xf32>,
      %swap3A_1013 = arith.constant 7 : i32
      %swap3A_1014 = arith.index_cast %swap3A_1013 : i32 to index
      %swap3A_1015 = arith.constant 352 : index
      %swap3A_1016 = tpu.vector_load %run_scoped3A_1[%swap3A_1014, %swap3A_1015] {strides = array<i32>} : memref<32x512xf32, #tpu.memory_space<vmem>>, vector<16xf32>,
      tpu.vector_store %run_scoped3A_1[%swap3A_1014, %swap3A_1015], %broadcast_in_dim3A_25 {strides = array<i32>} : memref<32x512xf32, #tpu.memory_space<vmem>>, vector<16xf32>,
      %swap3A_1017 = arith.constant 7 : i32
      %swap3A_1018 = arith.index_cast %swap3A_1017 : i32 to index
      %swap3A_1019 = arith.constant 368 : index
      %swap3A_1020 = tpu.vector_load %run_scoped3A_1[%swap3A_1018, %swap3A_1019] {strides = array<i32>} : memref<32x512xf32, #tpu.memory_space<vmem>>, vector<16xf32>,
      tpu.vector_store %run_scoped3A_1[%swap3A_1018, %swap3A_1019], %broadcast_in_dim3A_25 {strides = array<i32>} : memref<32x512xf32, #tpu.memory_space<vmem>>, vector<16xf32>,
      %swap3A_1021 = arith.constant 7 : i32
      %swap3A_1022 = arith.index_cast %swap3A_1021 : i32 to index
      %swap3A_1023 = arith.constant 384 : index
      %swap3A_1024 = tpu.vector_load %run_scoped3A_1[%swap3A_1022, %swap3A_1023] {strides = array<i32>} : memref<32x512xf32, #tpu.memory_space<vmem>>, vector<16xf32>,
      tpu.vector_store %run_scoped3A_1[%swap3A_1022, %swap3A_1023], %broadcast_in_dim3A_25 {strides = array<i32>} : memref<32x512xf32, #tpu.memory_space<vmem>>, vector<16xf32>,
      %swap3A_1025 = arith.constant 7 : i32
      %swap3A_1026 = arith.index_cast %swap3A_1025 : i32 to index
      %swap3A_1027 = arith.constant 400 : index
      %swap3A_1028 = tpu.vector_load %run_scoped3A_1[%swap3A_1026, %swap3A_1027] {strides = array<i32>} : memref<32x512xf32, #tpu.memory_space<vmem>>, vector<16xf32>,
      tpu.vector_store %run_scoped3A_1[%swap3A_1026, %swap3A_1027], %broadcast_in_dim3A_25 {strides = array<i32>} : memref<32x512xf32, #tpu.memory_space<vmem>>, vector<16xf32>,
      %swap3A_1029 = arith.constant 7 : i32
      %swap3A_1030 = arith.index_cast %swap3A_1029 : i32 to index
      %swap3A_1031 = arith.constant 416 : index
      %swap3A_1032 = tpu.vector_load %run_scoped3A_1[%swap3A_1030, %swap3A_1031] {strides = array<i32>} : memref<32x512xf32, #tpu.memory_space<vmem>>, vector<16xf32>,
      tpu.vector_store %run_scoped3A_1[%swap3A_1030, %swap3A_1031], %broadcast_in_dim3A_25 {strides = array<i32>} : memref<32x512xf32, #tpu.memory_space<vmem>>, vector<16xf32>,
      %swap3A_1033 = arith.constant 7 : i32
      %swap3A_1034 = arith.index_cast %swap3A_1033 : i32 to index
      %swap3A_1035 = arith.constant 432 : index
      %swap3A_1036 = tpu.vector_load %run_scoped3A_1[%swap3A_1034, %swap3A_1035] {strides = array<i32>} : memref<32x512xf32, #tpu.memory_space<vmem>>, vector<16xf32>,
      tpu.vector_store %run_scoped3A_1[%swap3A_1034, %swap3A_1035], %broadcast_in_dim3A_25 {strides = array<i32>} : memref<32x512xf32, #tpu.memory_space<vmem>>, vector<16xf32>,
      %swap3A_1037 = arith.constant 7 : i32
      %swap3A_1038 = arith.index_cast %swap3A_1037 : i32 to index
      %swap3A_1039 = arith.constant 448 : index
      %swap3A_1040 = tpu.vector_load %run_scoped3A_1[%swap3A_1038, %swap3A_1039] {strides = array<i32>} : memref<32x512xf32, #tpu.memory_space<vmem>>, vector<16xf32>,
      tpu.vector_store %run_scoped3A_1[%swap3A_1038, %swap3A_1039], %broadcast_in_dim3A_25 {strides = array<i32>} : memref<32x512xf32, #tpu.memory_space<vmem>>, vector<16xf32>,
      %swap3A_1041 = arith.constant 7 : i32
      %swap3A_1042 = arith.index_cast %swap3A_1041 : i32 to index
      %swap3A_1043 = arith.constant 464 : index
      %swap3A_1044 = tpu.vector_load %run_scoped3A_1[%swap3A_1042, %swap3A_1043] {strides = array<i32>} : memref<32x512xf32, #tpu.memory_space<vmem>>, vector<16xf32>,
      tpu.vector_store %run_scoped3A_1[%swap3A_1042, %swap3A_1043], %broadcast_in_dim3A_25 {strides = array<i32>} : memref<32x512xf32, #tpu.memory_space<vmem>>, vector<16xf32>,
      %swap3A_1045 = arith.constant 7 : i32
      %swap3A_1046 = arith.index_cast %swap3A_1045 : i32 to index
      %swap3A_1047 = arith.constant 480 : index
      %swap3A_1048 = tpu.vector_load %run_scoped3A_1[%swap3A_1046, %swap3A_1047] {strides = array<i32>} : memref<32x512xf32, #tpu.memory_space<vmem>>, vector<16xf32>,
      tpu.vector_store %run_scoped3A_1[%swap3A_1046, %swap3A_1047], %broadcast_in_dim3A_25 {strides = array<i32>} : memref<32x512xf32, #tpu.memory_space<vmem>>, vector<16xf32>,
      %swap3A_1049 = arith.constant 7 : i32
      %swap3A_1050 = arith.index_cast %swap3A_1049 : i32 to index
      %swap3A_1051 = arith.constant 496 : index
      %swap3A_1052 = tpu.vector_load %run_scoped3A_1[%swap3A_1050, %swap3A_1051] {strides = array<i32>} : memref<32x512xf32, #tpu.memory_space<vmem>>, vector<16xf32>,
      tpu.vector_store %run_scoped3A_1[%swap3A_1050, %swap3A_1051], %broadcast_in_dim3A_25 {strides = array<i32>} : memref<32x512xf32, #tpu.memory_space<vmem>>, vector<16xf32>,
      %add3A_1053 = arith.constant 0 : i32
      %add3A_1054 = arith.addi %arg1, %add3A_1053 : i32
      %mul3A_1055 = arith.constant 8 : i32
      %mul3A_1056 = arith.muli %add3A_1054, %mul3A_1055 : i32
      %add3A_1057 = vector.broadcast %mul3A_1056 : i32 to vector<16xi32>
      %add3A_1058 = arith.addi %add3A_1057, %iota3A : vector<16xi32>
      %min3A = arith.constant 383 : i32
      %min3A_1059 = vector.broadcast %min3A : i32 to vector<16xi32>
      %min3A_1060 = arith.minsi %add3A_1058, %min3A_1059 : vector<16xi32>
      %swap3A_1061 = arith.constant 0 : index
      %swap3A_1062 = tpu.vector_load %run_scoped3A_7[%swap3A_1061] {strides = array<i32>} : memref<16xi32, #tpu.memory_space<vmem>>, vector<16xi32>,
      tpu.vector_store %run_scoped3A_7[%swap3A_1061], %min3A_1060 {strides = array<i32>} : memref<16xi32, #tpu.memory_space<vmem>>, vector<16xi32>,
      %dma_start3A = arith.constant 0 : i32
      %dma_start3A_1063 = arith.constant 0 : i32
      %dma_start3A_1064 = tpu.memref_slice %run_scoped3A[%dma_start3A, %dma_start3A_1063] : memref<32x512xf32, #tpu.memory_space<vmem>> -> memref<16x512xf32, #tpu.memory_space<vmem>>
      %dma_start3A_1065 = arith.constant 0 : i32
      %dma_start3A_1066 = arith.constant 0 : i32
      %dma_start3A_1067 = tpu.memref_slice %arg3[%dma_start3A_1065, %dma_start3A_1066] : memref<384x512xf32, #tpu.memory_space<hbm>> -> memref<384x512xf32, #tpu.memory_space<hbm>>
      tpu.enqueue_indirect_dma source(%dma_start3A_1067 : memref<384x512xf32, #tpu.memory_space<hbm>>) target(%dma_start3A_1064 : memref<16x512xf32, #tpu.memory_space<vmem>>) offsets(%run_scoped3A_7 : memref<16xi32, #tpu.memory_space<vmem>>) semaphore(%run_scoped3A_14 : memref<!tpu.dma_semaphore, #tpu.memory_space<semaphore_mem>>)
      %dma_wait3A = arith.constant 0 : i32
      %dma_wait3A_1068 = arith.constant 0 : i32
      %dma_wait3A_1069 = tpu.memref_slice %run_scoped3A[%dma_wait3A, %dma_wait3A_1068] : memref<32x512xf32, #tpu.memory_space<vmem>> -> memref<16x512xf32, #tpu.memory_space<vmem>>
      %dma_wait3A_1070 = arith.constant 0 : i32
      %dma_wait3A_1071 = arith.constant 0 : i32
      %dma_wait3A_1072 = tpu.memref_slice %arg3[%dma_wait3A_1070, %dma_wait3A_1071] : memref<384x512xf32, #tpu.memory_space<hbm>> -> memref<384x512xf32, #tpu.memory_space<hbm>>
      tpu.wait_indirect_dma semaphore(%run_scoped3A_14 : memref<!tpu.dma_semaphore, #tpu.memory_space<semaphore_mem>>) src(%dma_wait3A_1072 : memref<384x512xf32, #tpu.memory_space<hbm>>) dst(%dma_wait3A_1069 : memref<16x512xf32, #tpu.memory_space<vmem>>)
      %mul3A_1073 = arith.constant 5 : i32
      %mul3A_1074 = arith.muli %add3A_1054, %mul3A_1073 : i32
      %add3A_1075 = vector.broadcast %mul3A_1074 : i32 to vector<16xi32>
      %add3A_1076 = arith.addi %add3A_1075, %iota3A : vector<16xi32>
      %min3A_1077 = arith.constant 239 : i32
      %min3A_1078 = vector.broadcast %min3A_1077 : i32 to vector<16xi32>
      %min3A_1079 = arith.minsi %add3A_1076, %min3A_1078 : vector<16xi32>
      %gather3A = tpu.vector_load_idx %run_scoped3A_10[%min3A_1079] : memref<240xi32, #tpu.memory_space<vmem>>[vector<16xi32>], vector<16xi32>,
      %lt3A = arith.constant 5 : i32
      %lt3A_1080 = vector.broadcast %lt3A : i32 to vector<16xi32>
      %lt3A_1081 = arith.cmpi slt, %iota3A, %lt3A_1080 : vector<16xi32>
      %eq3A = arith.constant 5 : i32
      %eq3A_1082 = vector.broadcast %eq3A : i32 to vector<16xi32>
      %eq3A_1083 = arith.cmpi eq, %iota3A, %eq3A_1082 : vector<16xi32>
      %broadcast_in_dim3A_1084 = arith.constant 49407 : i32
      %broadcast_in_dim3A_1085 = vector.broadcast %broadcast_in_dim3A_1084 : i32 to vector<16xi32>
      %select_n3A = arith.select %eq3A_1083, %broadcast_in_dim3A_1085, %broadcast_in_dim3A_27 : vector<16xi1>, vector<16xi32>
      %select_n3A_1086 = arith.select %lt3A_1081, %gather3A, %select_n3A : vector<16xi1>, vector<16xi32>
      %swap3A_1087 = arith.constant 0 : index
      %swap3A_1088 = tpu.vector_load %run_scoped3A_7[%swap3A_1087] {strides = array<i32>} : memref<16xi32, #tpu.memory_space<vmem>>, vector<16xi32>,
      tpu.vector_store %run_scoped3A_7[%swap3A_1087], %select_n3A_1086 {strides = array<i32>} : memref<16xi32, #tpu.memory_space<vmem>>, vector<16xi32>,
      %dma_start3A_1089 = arith.constant 0 : i32
      %dma_start3A_1090 = arith.constant 0 : i32
      %dma_start3A_1091 = tpu.memref_slice %run_scoped3A_0[%dma_start3A_1089, %dma_start3A_1090] : memref<32x512xf32, #tpu.memory_space<vmem>> -> memref<16x512xf32, #tpu.memory_space<vmem>>
      %dma_start3A_1092 = arith.constant 0 : i32
      %dma_start3A_1093 = arith.constant 0 : i32
      %dma_start3A_1094 = tpu.memref_slice %arg2[%dma_start3A_1092, %dma_start3A_1093] : memref<49408x512xf32, #tpu.memory_space<hbm>> -> memref<49408x512xf32, #tpu.memory_space<hbm>>
      tpu.enqueue_indirect_dma source(%dma_start3A_1094 : memref<49408x512xf32, #tpu.memory_space<hbm>>) target(%dma_start3A_1091 : memref<16x512xf32, #tpu.memory_space<vmem>>) offsets(%run_scoped3A_7 : memref<16xi32, #tpu.memory_space<vmem>>) semaphore(%run_scoped3A_14 : memref<!tpu.dma_semaphore, #tpu.memory_space<semaphore_mem>>)
      %dma_wait3A_1095 = arith.constant 0 : i32
      %dma_wait3A_1096 = arith.constant 0 : i32
      %dma_wait3A_1097 = tpu.memref_slice %run_scoped3A_0[%dma_wait3A_1095, %dma_wait3A_1096] : memref<32x512xf32, #tpu.memory_space<vmem>> -> memref<16x512xf32, #tpu.memory_space<vmem>>
      %dma_wait3A_1098 = arith.constant 0 : i32
      %dma_wait3A_1099 = arith.constant 0 : i32
      %dma_wait3A_1100 = tpu.memref_slice %arg2[%dma_wait3A_1098, %dma_wait3A_1099] : memref<49408x512xf32, #tpu.memory_space<hbm>> -> memref<49408x512xf32, #tpu.memory_space<hbm>>
      tpu.wait_indirect_dma semaphore(%run_scoped3A_14 : memref<!tpu.dma_semaphore, #tpu.memory_space<semaphore_mem>>) src(%dma_wait3A_1100 : memref<49408x512xf32, #tpu.memory_space<hbm>>) dst(%dma_wait3A_1097 : memref<16x512xf32, #tpu.memory_space<vmem>>)
      %swap3A_1101 = arith.constant 6 : i32
      %swap3A_1102 = arith.index_cast %swap3A_1101 : i32 to index
      %swap3A_1103 = arith.constant 0 : index
      %swap3A_1104 = tpu.vector_load %run_scoped3A_0[%swap3A_1102, %swap3A_1103] {strides = array<i32>} : memref<32x512xf32, #tpu.memory_space<vmem>>, vector<16xf32>,
      tpu.vector_store %run_scoped3A_0[%swap3A_1102, %swap3A_1103], %broadcast_in_dim3A_25 {strides = array<i32>} : memref<32x512xf32, #tpu.memory_space<vmem>>, vector<16xf32>,
      %swap3A_1105 = arith.constant 6 : i32
      %swap3A_1106 = arith.index_cast %swap3A_1105 : i32 to index
      %swap3A_1107 = arith.constant 16 : index
      %swap3A_1108 = tpu.vector_load %run_scoped3A_0[%swap3A_1106, %swap3A_1107] {strides = array<i32>} : memref<32x512xf32, #tpu.memory_space<vmem>>, vector<16xf32>,
      tpu.vector_store %run_scoped3A_0[%swap3A_1106, %swap3A_1107], %broadcast_in_dim3A_25 {strides = array<i32>} : memref<32x512xf32, #tpu.memory_space<vmem>>, vector<16xf32>,
      %swap3A_1109 = arith.constant 6 : i32
      %swap3A_1110 = arith.index_cast %swap3A_1109 : i32 to index
      %swap3A_1111 = arith.constant 32 : index
      %swap3A_1112 = tpu.vector_load %run_scoped3A_0[%swap3A_1110, %swap3A_1111] {strides = array<i32>} : memref<32x512xf32, #tpu.memory_space<vmem>>, vector<16xf32>,
      tpu.vector_store %run_scoped3A_0[%swap3A_1110, %swap3A_1111], %broadcast_in_dim3A_25 {strides = array<i32>} : memref<32x512xf32, #tpu.memory_space<vmem>>, vector<16xf32>,
      %swap3A_1113 = arith.constant 6 : i32
      %swap3A_1114 = arith.index_cast %swap3A_1113 : i32 to index
      %swap3A_1115 = arith.constant 48 : index
      %swap3A_1116 = tpu.vector_load %run_scoped3A_0[%swap3A_1114, %swap3A_1115] {strides = array<i32>} : memref<32x512xf32, #tpu.memory_space<vmem>>, vector<16xf32>,
      tpu.vector_store %run_scoped3A_0[%swap3A_1114, %swap3A_1115], %broadcast_in_dim3A_25 {strides = array<i32>} : memref<32x512xf32, #tpu.memory_space<vmem>>, vector<16xf32>,
      %swap3A_1117 = arith.constant 6 : i32
      %swap3A_1118 = arith.index_cast %swap3A_1117 : i32 to index
      %swap3A_1119 = arith.constant 64 : index
      %swap3A_1120 = tpu.vector_load %run_scoped3A_0[%swap3A_1118, %swap3A_1119] {strides = array<i32>} : memref<32x512xf32, #tpu.memory_space<vmem>>, vector<16xf32>,
      tpu.vector_store %run_scoped3A_0[%swap3A_1118, %swap3A_1119], %broadcast_in_dim3A_25 {strides = array<i32>} : memref<32x512xf32, #tpu.memory_space<vmem>>, vector<16xf32>,
      %swap3A_1121 = arith.constant 6 : i32
      %swap3A_1122 = arith.index_cast %swap3A_1121 : i32 to index
      %swap3A_1123 = arith.constant 80 : index
      %swap3A_1124 = tpu.vector_load %run_scoped3A_0[%swap3A_1122, %swap3A_1123] {strides = array<i32>} : memref<32x512xf32, #tpu.memory_space<vmem>>, vector<16xf32>,
      tpu.vector_store %run_scoped3A_0[%swap3A_1122, %swap3A_1123], %broadcast_in_dim3A_25 {strides = array<i32>} : memref<32x512xf32, #tpu.memory_space<vmem>>, vector<16xf32>,
      %swap3A_1125 = arith.constant 6 : i32
      %swap3A_1126 = arith.index_cast %swap3A_1125 : i32 to index
      %swap3A_1127 = arith.constant 96 : index
      %swap3A_1128 = tpu.vector_load %run_scoped3A_0[%swap3A_1126, %swap3A_1127] {strides = array<i32>} : memref<32x512xf32, #tpu.memory_space<vmem>>, vector<16xf32>,
      tpu.vector_store %run_scoped3A_0[%swap3A_1126, %swap3A_1127], %broadcast_in_dim3A_25 {strides = array<i32>} : memref<32x512xf32, #tpu.memory_space<vmem>>, vector<16xf32>,
      %swap3A_1129 = arith.constant 6 : i32
      %swap3A_1130 = arith.index_cast %swap3A_1129 : i32 to index
      %swap3A_1131 = arith.constant 112 : index
      %swap3A_1132 = tpu.vector_load %run_scoped3A_0[%swap3A_1130, %swap3A_1131] {strides = array<i32>} : memref<32x512xf32, #tpu.memory_space<vmem>>, vector<16xf32>,
      tpu.vector_store %run_scoped3A_0[%swap3A_1130, %swap3A_1131], %broadcast_in_dim3A_25 {strides = array<i32>} : memref<32x512xf32, #tpu.memory_space<vmem>>, vector<16xf32>,
      %swap3A_1133 = arith.constant 6 : i32
      %swap3A_1134 = arith.index_cast %swap3A_1133 : i32 to index
      %swap3A_1135 = arith.constant 128 : index
      %swap3A_1136 = tpu.vector_load %run_scoped3A_0[%swap3A_1134, %swap3A_1135] {strides = array<i32>} : memref<32x512xf32, #tpu.memory_space<vmem>>, vector<16xf32>,
      tpu.vector_store %run_scoped3A_0[%swap3A_1134, %swap3A_1135], %broadcast_in_dim3A_25 {strides = array<i32>} : memref<32x512xf32, #tpu.memory_space<vmem>>, vector<16xf32>,
      %swap3A_1137 = arith.constant 6 : i32
      %swap3A_1138 = arith.index_cast %swap3A_1137 : i32 to index
      %swap3A_1139 = arith.constant 144 : index
      %swap3A_1140 = tpu.vector_load %run_scoped3A_0[%swap3A_1138, %swap3A_1139] {strides = array<i32>} : memref<32x512xf32, #tpu.memory_space<vmem>>, vector<16xf32>,
      tpu.vector_store %run_scoped3A_0[%swap3A_1138, %swap3A_1139], %broadcast_in_dim3A_25 {strides = array<i32>} : memref<32x512xf32, #tpu.memory_space<vmem>>, vector<16xf32>,
      %swap3A_1141 = arith.constant 6 : i32
      %swap3A_1142 = arith.index_cast %swap3A_1141 : i32 to index
      %swap3A_1143 = arith.constant 160 : index
      %swap3A_1144 = tpu.vector_load %run_scoped3A_0[%swap3A_1142, %swap3A_1143] {strides = array<i32>} : memref<32x512xf32, #tpu.memory_space<vmem>>, vector<16xf32>,
      tpu.vector_store %run_scoped3A_0[%swap3A_1142, %swap3A_1143], %broadcast_in_dim3A_25 {strides = array<i32>} : memref<32x512xf32, #tpu.memory_space<vmem>>, vector<16xf32>,
      %swap3A_1145 = arith.constant 6 : i32
      %swap3A_1146 = arith.index_cast %swap3A_1145 : i32 to index
      %swap3A_1147 = arith.constant 176 : index
      %swap3A_1148 = tpu.vector_load %run_scoped3A_0[%swap3A_1146, %swap3A_1147] {strides = array<i32>} : memref<32x512xf32, #tpu.memory_space<vmem>>, vector<16xf32>,
      tpu.vector_store %run_scoped3A_0[%swap3A_1146, %swap3A_1147], %broadcast_in_dim3A_25 {strides = array<i32>} : memref<32x512xf32, #tpu.memory_space<vmem>>, vector<16xf32>,
      %swap3A_1149 = arith.constant 6 : i32
      %swap3A_1150 = arith.index_cast %swap3A_1149 : i32 to index
      %swap3A_1151 = arith.constant 192 : index
      %swap3A_1152 = tpu.vector_load %run_scoped3A_0[%swap3A_1150, %swap3A_1151] {strides = array<i32>} : memref<32x512xf32, #tpu.memory_space<vmem>>, vector<16xf32>,
      tpu.vector_store %run_scoped3A_0[%swap3A_1150, %swap3A_1151], %broadcast_in_dim3A_25 {strides = array<i32>} : memref<32x512xf32, #tpu.memory_space<vmem>>, vector<16xf32>,
      %swap3A_1153 = arith.constant 6 : i32
      %swap3A_1154 = arith.index_cast %swap3A_1153 : i32 to index
      %swap3A_1155 = arith.constant 208 : index
      %swap3A_1156 = tpu.vector_load %run_scoped3A_0[%swap3A_1154, %swap3A_1155] {strides = array<i32>} : memref<32x512xf32, #tpu.memory_space<vmem>>, vector<16xf32>,
      tpu.vector_store %run_scoped3A_0[%swap3A_1154, %swap3A_1155], %broadcast_in_dim3A_25 {strides = array<i32>} : memref<32x512xf32, #tpu.memory_space<vmem>>, vector<16xf32>,
      %swap3A_1157 = arith.constant 6 : i32
      %swap3A_1158 = arith.index_cast %swap3A_1157 : i32 to index
      %swap3A_1159 = arith.constant 224 : index
      %swap3A_1160 = tpu.vector_load %run_scoped3A_0[%swap3A_1158, %swap3A_1159] {strides = array<i32>} : memref<32x512xf32, #tpu.memory_space<vmem>>, vector<16xf32>,
      tpu.vector_store %run_scoped3A_0[%swap3A_1158, %swap3A_1159], %broadcast_in_dim3A_25 {strides = array<i32>} : memref<32x512xf32, #tpu.memory_space<vmem>>, vector<16xf32>,
      %swap3A_1161 = arith.constant 6 : i32
      %swap3A_1162 = arith.index_cast %swap3A_1161 : i32 to index
      %swap3A_1163 = arith.constant 240 : index
      %swap3A_1164 = tpu.vector_load %run_scoped3A_0[%swap3A_1162, %swap3A_1163] {strides = array<i32>} : memref<32x512xf32, #tpu.memory_space<vmem>>, vector<16xf32>,
      tpu.vector_store %run_scoped3A_0[%swap3A_1162, %swap3A_1163], %broadcast_in_dim3A_25 {strides = array<i32>} : memref<32x512xf32, #tpu.memory_space<vmem>>, vector<16xf32>,
      %swap3A_1165 = arith.constant 6 : i32
      %swap3A_1166 = arith.index_cast %swap3A_1165 : i32 to index
      %swap3A_1167 = arith.constant 256 : index
      %swap3A_1168 = tpu.vector_load %run_scoped3A_0[%swap3A_1166, %swap3A_1167] {strides = array<i32>} : memref<32x512xf32, #tpu.memory_space<vmem>>, vector<16xf32>,
      tpu.vector_store %run_scoped3A_0[%swap3A_1166, %swap3A_1167], %broadcast_in_dim3A_25 {strides = array<i32>} : memref<32x512xf32, #tpu.memory_space<vmem>>, vector<16xf32>,
      %swap3A_1169 = arith.constant 6 : i32
      %swap3A_1170 = arith.index_cast %swap3A_1169 : i32 to index
      %swap3A_1171 = arith.constant 272 : index
      %swap3A_1172 = tpu.vector_load %run_scoped3A_0[%swap3A_1170, %swap3A_1171] {strides = array<i32>} : memref<32x512xf32, #tpu.memory_space<vmem>>, vector<16xf32>,
      tpu.vector_store %run_scoped3A_0[%swap3A_1170, %swap3A_1171], %broadcast_in_dim3A_25 {strides = array<i32>} : memref<32x512xf32, #tpu.memory_space<vmem>>, vector<16xf32>,
      %swap3A_1173 = arith.constant 6 : i32
      %swap3A_1174 = arith.index_cast %swap3A_1173 : i32 to index
      %swap3A_1175 = arith.constant 288 : index
      %swap3A_1176 = tpu.vector_load %run_scoped3A_0[%swap3A_1174, %swap3A_1175] {strides = array<i32>} : memref<32x512xf32, #tpu.memory_space<vmem>>, vector<16xf32>,
      tpu.vector_store %run_scoped3A_0[%swap3A_1174, %swap3A_1175], %broadcast_in_dim3A_25 {strides = array<i32>} : memref<32x512xf32, #tpu.memory_space<vmem>>, vector<16xf32>,
      %swap3A_1177 = arith.constant 6 : i32
      %swap3A_1178 = arith.index_cast %swap3A_1177 : i32 to index
      %swap3A_1179 = arith.constant 304 : index
      %swap3A_1180 = tpu.vector_load %run_scoped3A_0[%swap3A_1178, %swap3A_1179] {strides = array<i32>} : memref<32x512xf32, #tpu.memory_space<vmem>>, vector<16xf32>,
      tpu.vector_store %run_scoped3A_0[%swap3A_1178, %swap3A_1179], %broadcast_in_dim3A_25 {strides = array<i32>} : memref<32x512xf32, #tpu.memory_space<vmem>>, vector<16xf32>,
      %swap3A_1181 = arith.constant 6 : i32
      %swap3A_1182 = arith.index_cast %swap3A_1181 : i32 to index
      %swap3A_1183 = arith.constant 320 : index
      %swap3A_1184 = tpu.vector_load %run_scoped3A_0[%swap3A_1182, %swap3A_1183] {strides = array<i32>} : memref<32x512xf32, #tpu.memory_space<vmem>>, vector<16xf32>,
      tpu.vector_store %run_scoped3A_0[%swap3A_1182, %swap3A_1183], %broadcast_in_dim3A_25 {strides = array<i32>} : memref<32x512xf32, #tpu.memory_space<vmem>>, vector<16xf32>,
      %swap3A_1185 = arith.constant 6 : i32
      %swap3A_1186 = arith.index_cast %swap3A_1185 : i32 to index
      %swap3A_1187 = arith.constant 336 : index
      %swap3A_1188 = tpu.vector_load %run_scoped3A_0[%swap3A_1186, %swap3A_1187] {strides = array<i32>} : memref<32x512xf32, #tpu.memory_space<vmem>>, vector<16xf32>,
      tpu.vector_store %run_scoped3A_0[%swap3A_1186, %swap3A_1187], %broadcast_in_dim3A_25 {strides = array<i32>} : memref<32x512xf32, #tpu.memory_space<vmem>>, vector<16xf32>,
      %swap3A_1189 = arith.constant 6 : i32
      %swap3A_1190 = arith.index_cast %swap3A_1189 : i32 to index
      %swap3A_1191 = arith.constant 352 : index
      %swap3A_1192 = tpu.vector_load %run_scoped3A_0[%swap3A_1190, %swap3A_1191] {strides = array<i32>} : memref<32x512xf32, #tpu.memory_space<vmem>>, vector<16xf32>,
      tpu.vector_store %run_scoped3A_0[%swap3A_1190, %swap3A_1191], %broadcast_in_dim3A_25 {strides = array<i32>} : memref<32x512xf32, #tpu.memory_space<vmem>>, vector<16xf32>,
      %swap3A_1193 = arith.constant 6 : i32
      %swap3A_1194 = arith.index_cast %swap3A_1193 : i32 to index
      %swap3A_1195 = arith.constant 368 : index
      %swap3A_1196 = tpu.vector_load %run_scoped3A_0[%swap3A_1194, %swap3A_1195] {strides = array<i32>} : memref<32x512xf32, #tpu.memory_space<vmem>>, vector<16xf32>,
      tpu.vector_store %run_scoped3A_0[%swap3A_1194, %swap3A_1195], %broadcast_in_dim3A_25 {strides = array<i32>} : memref<32x512xf32, #tpu.memory_space<vmem>>, vector<16xf32>,
      %swap3A_1197 = arith.constant 6 : i32
      %swap3A_1198 = arith.index_cast %swap3A_1197 : i32 to index
      %swap3A_1199 = arith.constant 384 : index
      %swap3A_1200 = tpu.vector_load %run_scoped3A_0[%swap3A_1198, %swap3A_1199] {strides = array<i32>} : memref<32x512xf32, #tpu.memory_space<vmem>>, vector<16xf32>,
      tpu.vector_store %run_scoped3A_0[%swap3A_1198, %swap3A_1199], %broadcast_in_dim3A_25 {strides = array<i32>} : memref<32x512xf32, #tpu.memory_space<vmem>>, vector<16xf32>,
      %swap3A_1201 = arith.constant 6 : i32
      %swap3A_1202 = arith.index_cast %swap3A_1201 : i32 to index
      %swap3A_1203 = arith.constant 400 : index
      %swap3A_1204 = tpu.vector_load %run_scoped3A_0[%swap3A_1202, %swap3A_1203] {strides = array<i32>} : memref<32x512xf32, #tpu.memory_space<vmem>>, vector<16xf32>,
      tpu.vector_store %run_scoped3A_0[%swap3A_1202, %swap3A_1203], %broadcast_in_dim3A_25 {strides = array<i32>} : memref<32x512xf32, #tpu.memory_space<vmem>>, vector<16xf32>,
      %swap3A_1205 = arith.constant 6 : i32
      %swap3A_1206 = arith.index_cast %swap3A_1205 : i32 to index
      %swap3A_1207 = arith.constant 416 : index
      %swap3A_1208 = tpu.vector_load %run_scoped3A_0[%swap3A_1206, %swap3A_1207] {strides = array<i32>} : memref<32x512xf32, #tpu.memory_space<vmem>>, vector<16xf32>,
      tpu.vector_store %run_scoped3A_0[%swap3A_1206, %swap3A_1207], %broadcast_in_dim3A_25 {strides = array<i32>} : memref<32x512xf32, #tpu.memory_space<vmem>>, vector<16xf32>,
      %swap3A_1209 = arith.constant 6 : i32
      %swap3A_1210 = arith.index_cast %swap3A_1209 : i32 to index
      %swap3A_1211 = arith.constant 432 : index
      %swap3A_1212 = tpu.vector_load %run_scoped3A_0[%swap3A_1210, %swap3A_1211] {strides = array<i32>} : memref<32x512xf32, #tpu.memory_space<vmem>>, vector<16xf32>,
      tpu.vector_store %run_scoped3A_0[%swap3A_1210, %swap3A_1211], %broadcast_in_dim3A_25 {strides = array<i32>} : memref<32x512xf32, #tpu.memory_space<vmem>>, vector<16xf32>,
      %swap3A_1213 = arith.constant 6 : i32
      %swap3A_1214 = arith.index_cast %swap3A_1213 : i32 to index
      %swap3A_1215 = arith.constant 448 : index
      %swap3A_1216 = tpu.vector_load %run_scoped3A_0[%swap3A_1214, %swap3A_1215] {strides = array<i32>} : memref<32x512xf32, #tpu.memory_space<vmem>>, vector<16xf32>,
      tpu.vector_store %run_scoped3A_0[%swap3A_1214, %swap3A_1215], %broadcast_in_dim3A_25 {strides = array<i32>} : memref<32x512xf32, #tpu.memory_space<vmem>>, vector<16xf32>,
      %swap3A_1217 = arith.constant 6 : i32
      %swap3A_1218 = arith.index_cast %swap3A_1217 : i32 to index
      %swap3A_1219 = arith.constant 464 : index
      %swap3A_1220 = tpu.vector_load %run_scoped3A_0[%swap3A_1218, %swap3A_1219] {strides = array<i32>} : memref<32x512xf32, #tpu.memory_space<vmem>>, vector<16xf32>,
      tpu.vector_store %run_scoped3A_0[%swap3A_1218, %swap3A_1219], %broadcast_in_dim3A_25 {strides = array<i32>} : memref<32x512xf32, #tpu.memory_space<vmem>>, vector<16xf32>,
      %swap3A_1221 = arith.constant 6 : i32
      %swap3A_1222 = arith.index_cast %swap3A_1221 : i32 to index
      %swap3A_1223 = arith.constant 480 : index
      %swap3A_1224 = tpu.vector_load %run_scoped3A_0[%swap3A_1222, %swap3A_1223] {strides = array<i32>} : memref<32x512xf32, #tpu.memory_space<vmem>>, vector<16xf32>,
      tpu.vector_store %run_scoped3A_0[%swap3A_1222, %swap3A_1223], %broadcast_in_dim3A_25 {strides = array<i32>} : memref<32x512xf32, #tpu.memory_space<vmem>>, vector<16xf32>,
      %swap3A_1225 = arith.constant 6 : i32
      %swap3A_1226 = arith.index_cast %swap3A_1225 : i32 to index
      %swap3A_1227 = arith.constant 496 : index
      %swap3A_1228 = tpu.vector_load %run_scoped3A_0[%swap3A_1226, %swap3A_1227] {strides = array<i32>} : memref<32x512xf32, #tpu.memory_space<vmem>>, vector<16xf32>,
      tpu.vector_store %run_scoped3A_0[%swap3A_1226, %swap3A_1227], %broadcast_in_dim3A_25 {strides = array<i32>} : memref<32x512xf32, #tpu.memory_space<vmem>>, vector<16xf32>,
      %swap3A_1229 = arith.constant 7 : i32
      %swap3A_1230 = arith.index_cast %swap3A_1229 : i32 to index
      %swap3A_1231 = arith.constant 0 : index
      %swap3A_1232 = tpu.vector_load %run_scoped3A_0[%swap3A_1230, %swap3A_1231] {strides = array<i32>} : memref<32x512xf32, #tpu.memory_space<vmem>>, vector<16xf32>,
      tpu.vector_store %run_scoped3A_0[%swap3A_1230, %swap3A_1231], %broadcast_in_dim3A_25 {strides = array<i32>} : memref<32x512xf32, #tpu.memory_space<vmem>>, vector<16xf32>,
      %swap3A_1233 = arith.constant 7 : i32
      %swap3A_1234 = arith.index_cast %swap3A_1233 : i32 to index
      %swap3A_1235 = arith.constant 16 : index
      %swap3A_1236 = tpu.vector_load %run_scoped3A_0[%swap3A_1234, %swap3A_1235] {strides = array<i32>} : memref<32x512xf32, #tpu.memory_space<vmem>>, vector<16xf32>,
      tpu.vector_store %run_scoped3A_0[%swap3A_1234, %swap3A_1235], %broadcast_in_dim3A_25 {strides = array<i32>} : memref<32x512xf32, #tpu.memory_space<vmem>>, vector<16xf32>,
      %swap3A_1237 = arith.constant 7 : i32
      %swap3A_1238 = arith.index_cast %swap3A_1237 : i32 to index
      %swap3A_1239 = arith.constant 32 : index
      %swap3A_1240 = tpu.vector_load %run_scoped3A_0[%swap3A_1238, %swap3A_1239] {strides = array<i32>} : memref<32x512xf32, #tpu.memory_space<vmem>>, vector<16xf32>,
      tpu.vector_store %run_scoped3A_0[%swap3A_1238, %swap3A_1239], %broadcast_in_dim3A_25 {strides = array<i32>} : memref<32x512xf32, #tpu.memory_space<vmem>>, vector<16xf32>,
      %swap3A_1241 = arith.constant 7 : i32
      %swap3A_1242 = arith.index_cast %swap3A_1241 : i32 to index
      %swap3A_1243 = arith.constant 48 : index
      %swap3A_1244 = tpu.vector_load %run_scoped3A_0[%swap3A_1242, %swap3A_1243] {strides = array<i32>} : memref<32x512xf32, #tpu.memory_space<vmem>>, vector<16xf32>,
      tpu.vector_store %run_scoped3A_0[%swap3A_1242, %swap3A_1243], %broadcast_in_dim3A_25 {strides = array<i32>} : memref<32x512xf32, #tpu.memory_space<vmem>>, vector<16xf32>,
      %swap3A_1245 = arith.constant 7 : i32
      %swap3A_1246 = arith.index_cast %swap3A_1245 : i32 to index
      %swap3A_1247 = arith.constant 64 : index
      %swap3A_1248 = tpu.vector_load %run_scoped3A_0[%swap3A_1246, %swap3A_1247] {strides = array<i32>} : memref<32x512xf32, #tpu.memory_space<vmem>>, vector<16xf32>,
      tpu.vector_store %run_scoped3A_0[%swap3A_1246, %swap3A_1247], %broadcast_in_dim3A_25 {strides = array<i32>} : memref<32x512xf32, #tpu.memory_space<vmem>>, vector<16xf32>,
      %swap3A_1249 = arith.constant 7 : i32
      %swap3A_1250 = arith.index_cast %swap3A_1249 : i32 to index
      %swap3A_1251 = arith.constant 80 : index
      %swap3A_1252 = tpu.vector_load %run_scoped3A_0[%swap3A_1250, %swap3A_1251] {strides = array<i32>} : memref<32x512xf32, #tpu.memory_space<vmem>>, vector<16xf32>,
      tpu.vector_store %run_scoped3A_0[%swap3A_1250, %swap3A_1251], %broadcast_in_dim3A_25 {strides = array<i32>} : memref<32x512xf32, #tpu.memory_space<vmem>>, vector<16xf32>,
      %swap3A_1253 = arith.constant 7 : i32
      %swap3A_1254 = arith.index_cast %swap3A_1253 : i32 to index
      %swap3A_1255 = arith.constant 96 : index
      %swap3A_1256 = tpu.vector_load %run_scoped3A_0[%swap3A_1254, %swap3A_1255] {strides = array<i32>} : memref<32x512xf32, #tpu.memory_space<vmem>>, vector<16xf32>,
      tpu.vector_store %run_scoped3A_0[%swap3A_1254, %swap3A_1255], %broadcast_in_dim3A_25 {strides = array<i32>} : memref<32x512xf32, #tpu.memory_space<vmem>>, vector<16xf32>,
      %swap3A_1257 = arith.constant 7 : i32
      %swap3A_1258 = arith.index_cast %swap3A_1257 : i32 to index
      %swap3A_1259 = arith.constant 112 : index
      %swap3A_1260 = tpu.vector_load %run_scoped3A_0[%swap3A_1258, %swap3A_1259] {strides = array<i32>} : memref<32x512xf32, #tpu.memory_space<vmem>>, vector<16xf32>,
      tpu.vector_store %run_scoped3A_0[%swap3A_1258, %swap3A_1259], %broadcast_in_dim3A_25 {strides = array<i32>} : memref<32x512xf32, #tpu.memory_space<vmem>>, vector<16xf32>,
      %swap3A_1261 = arith.constant 7 : i32
      %swap3A_1262 = arith.index_cast %swap3A_1261 : i32 to index
      %swap3A_1263 = arith.constant 128 : index
      %swap3A_1264 = tpu.vector_load %run_scoped3A_0[%swap3A_1262, %swap3A_1263] {strides = array<i32>} : memref<32x512xf32, #tpu.memory_space<vmem>>, vector<16xf32>,
      tpu.vector_store %run_scoped3A_0[%swap3A_1262, %swap3A_1263], %broadcast_in_dim3A_25 {strides = array<i32>} : memref<32x512xf32, #tpu.memory_space<vmem>>, vector<16xf32>,
      %swap3A_1265 = arith.constant 7 : i32
      %swap3A_1266 = arith.index_cast %swap3A_1265 : i32 to index
      %swap3A_1267 = arith.constant 144 : index
      %swap3A_1268 = tpu.vector_load %run_scoped3A_0[%swap3A_1266, %swap3A_1267] {strides = array<i32>} : memref<32x512xf32, #tpu.memory_space<vmem>>, vector<16xf32>,
      tpu.vector_store %run_scoped3A_0[%swap3A_1266, %swap3A_1267], %broadcast_in_dim3A_25 {strides = array<i32>} : memref<32x512xf32, #tpu.memory_space<vmem>>, vector<16xf32>,
      %swap3A_1269 = arith.constant 7 : i32
      %swap3A_1270 = arith.index_cast %swap3A_1269 : i32 to index
      %swap3A_1271 = arith.constant 160 : index
      %swap3A_1272 = tpu.vector_load %run_scoped3A_0[%swap3A_1270, %swap3A_1271] {strides = array<i32>} : memref<32x512xf32, #tpu.memory_space<vmem>>, vector<16xf32>,
      tpu.vector_store %run_scoped3A_0[%swap3A_1270, %swap3A_1271], %broadcast_in_dim3A_25 {strides = array<i32>} : memref<32x512xf32, #tpu.memory_space<vmem>>, vector<16xf32>,
      %swap3A_1273 = arith.constant 7 : i32
      %swap3A_1274 = arith.index_cast %swap3A_1273 : i32 to index
      %swap3A_1275 = arith.constant 176 : index
      %swap3A_1276 = tpu.vector_load %run_scoped3A_0[%swap3A_1274, %swap3A_1275] {strides = array<i32>} : memref<32x512xf32, #tpu.memory_space<vmem>>, vector<16xf32>,
      tpu.vector_store %run_scoped3A_0[%swap3A_1274, %swap3A_1275], %broadcast_in_dim3A_25 {strides = array<i32>} : memref<32x512xf32, #tpu.memory_space<vmem>>, vector<16xf32>,
      %swap3A_1277 = arith.constant 7 : i32
      %swap3A_1278 = arith.index_cast %swap3A_1277 : i32 to index
      %swap3A_1279 = arith.constant 192 : index
      %swap3A_1280 = tpu.vector_load %run_scoped3A_0[%swap3A_1278, %swap3A_1279] {strides = array<i32>} : memref<32x512xf32, #tpu.memory_space<vmem>>, vector<16xf32>,
      tpu.vector_store %run_scoped3A_0[%swap3A_1278, %swap3A_1279], %broadcast_in_dim3A_25 {strides = array<i32>} : memref<32x512xf32, #tpu.memory_space<vmem>>, vector<16xf32>,
      %swap3A_1281 = arith.constant 7 : i32
      %swap3A_1282 = arith.index_cast %swap3A_1281 : i32 to index
      %swap3A_1283 = arith.constant 208 : index
      %swap3A_1284 = tpu.vector_load %run_scoped3A_0[%swap3A_1282, %swap3A_1283] {strides = array<i32>} : memref<32x512xf32, #tpu.memory_space<vmem>>, vector<16xf32>,
      tpu.vector_store %run_scoped3A_0[%swap3A_1282, %swap3A_1283], %broadcast_in_dim3A_25 {strides = array<i32>} : memref<32x512xf32, #tpu.memory_space<vmem>>, vector<16xf32>,
      %swap3A_1285 = arith.constant 7 : i32
      %swap3A_1286 = arith.index_cast %swap3A_1285 : i32 to index
      %swap3A_1287 = arith.constant 224 : index
      %swap3A_1288 = tpu.vector_load %run_scoped3A_0[%swap3A_1286, %swap3A_1287] {strides = array<i32>} : memref<32x512xf32, #tpu.memory_space<vmem>>, vector<16xf32>,
      tpu.vector_store %run_scoped3A_0[%swap3A_1286, %swap3A_1287], %broadcast_in_dim3A_25 {strides = array<i32>} : memref<32x512xf32, #tpu.memory_space<vmem>>, vector<16xf32>,
      %swap3A_1289 = arith.constant 7 : i32
      %swap3A_1290 = arith.index_cast %swap3A_1289 : i32 to index
      %swap3A_1291 = arith.constant 240 : index
      %swap3A_1292 = tpu.vector_load %run_scoped3A_0[%swap3A_1290, %swap3A_1291] {strides = array<i32>} : memref<32x512xf32, #tpu.memory_space<vmem>>, vector<16xf32>,
      tpu.vector_store %run_scoped3A_0[%swap3A_1290, %swap3A_1291], %broadcast_in_dim3A_25 {strides = array<i32>} : memref<32x512xf32, #tpu.memory_space<vmem>>, vector<16xf32>,
      %swap3A_1293 = arith.constant 7 : i32
      %swap3A_1294 = arith.index_cast %swap3A_1293 : i32 to index
      %swap3A_1295 = arith.constant 256 : index
      %swap3A_1296 = tpu.vector_load %run_scoped3A_0[%swap3A_1294, %swap3A_1295] {strides = array<i32>} : memref<32x512xf32, #tpu.memory_space<vmem>>, vector<16xf32>,
      tpu.vector_store %run_scoped3A_0[%swap3A_1294, %swap3A_1295], %broadcast_in_dim3A_25 {strides = array<i32>} : memref<32x512xf32, #tpu.memory_space<vmem>>, vector<16xf32>,
      %swap3A_1297 = arith.constant 7 : i32
      %swap3A_1298 = arith.index_cast %swap3A_1297 : i32 to index
      %swap3A_1299 = arith.constant 272 : index
      %swap3A_1300 = tpu.vector_load %run_scoped3A_0[%swap3A_1298, %swap3A_1299] {strides = array<i32>} : memref<32x512xf32, #tpu.memory_space<vmem>>, vector<16xf32>,
      tpu.vector_store %run_scoped3A_0[%swap3A_1298, %swap3A_1299], %broadcast_in_dim3A_25 {strides = array<i32>} : memref<32x512xf32, #tpu.memory_space<vmem>>, vector<16xf32>,
      %swap3A_1301 = arith.constant 7 : i32
      %swap3A_1302 = arith.index_cast %swap3A_1301 : i32 to index
      %swap3A_1303 = arith.constant 288 : index
      %swap3A_1304 = tpu.vector_load %run_scoped3A_0[%swap3A_1302, %swap3A_1303] {strides = array<i32>} : memref<32x512xf32, #tpu.memory_space<vmem>>, vector<16xf32>,
      tpu.vector_store %run_scoped3A_0[%swap3A_1302, %swap3A_1303], %broadcast_in_dim3A_25 {strides = array<i32>} : memref<32x512xf32, #tpu.memory_space<vmem>>, vector<16xf32>,
      %swap3A_1305 = arith.constant 7 : i32
      %swap3A_1306 = arith.index_cast %swap3A_1305 : i32 to index
      %swap3A_1307 = arith.constant 304 : index
      %swap3A_1308 = tpu.vector_load %run_scoped3A_0[%swap3A_1306, %swap3A_1307] {strides = array<i32>} : memref<32x512xf32, #tpu.memory_space<vmem>>, vector<16xf32>,
      tpu.vector_store %run_scoped3A_0[%swap3A_1306, %swap3A_1307], %broadcast_in_dim3A_25 {strides = array<i32>} : memref<32x512xf32, #tpu.memory_space<vmem>>, vector<16xf32>,
      %swap3A_1309 = arith.constant 7 : i32
      %swap3A_1310 = arith.index_cast %swap3A_1309 : i32 to index
      %swap3A_1311 = arith.constant 320 : index
      %swap3A_1312 = tpu.vector_load %run_scoped3A_0[%swap3A_1310, %swap3A_1311] {strides = array<i32>} : memref<32x512xf32, #tpu.memory_space<vmem>>, vector<16xf32>,
      tpu.vector_store %run_scoped3A_0[%swap3A_1310, %swap3A_1311], %broadcast_in_dim3A_25 {strides = array<i32>} : memref<32x512xf32, #tpu.memory_space<vmem>>, vector<16xf32>,
      %swap3A_1313 = arith.constant 7 : i32
      %swap3A_1314 = arith.index_cast %swap3A_1313 : i32 to index
      %swap3A_1315 = arith.constant 336 : index
      %swap3A_1316 = tpu.vector_load %run_scoped3A_0[%swap3A_1314, %swap3A_1315] {strides = array<i32>} : memref<32x512xf32, #tpu.memory_space<vmem>>, vector<16xf32>,
      tpu.vector_store %run_scoped3A_0[%swap3A_1314, %swap3A_1315], %broadcast_in_dim3A_25 {strides = array<i32>} : memref<32x512xf32, #tpu.memory_space<vmem>>, vector<16xf32>,
      %swap3A_1317 = arith.constant 7 : i32
      %swap3A_1318 = arith.index_cast %swap3A_1317 : i32 to index
      %swap3A_1319 = arith.constant 352 : index
      %swap3A_1320 = tpu.vector_load %run_scoped3A_0[%swap3A_1318, %swap3A_1319] {strides = array<i32>} : memref<32x512xf32, #tpu.memory_space<vmem>>, vector<16xf32>,
      tpu.vector_store %run_scoped3A_0[%swap3A_1318, %swap3A_1319], %broadcast_in_dim3A_25 {strides = array<i32>} : memref<32x512xf32, #tpu.memory_space<vmem>>, vector<16xf32>,
      %swap3A_1321 = arith.constant 7 : i32
      %swap3A_1322 = arith.index_cast %swap3A_1321 : i32 to index
      %swap3A_1323 = arith.constant 368 : index
      %swap3A_1324 = tpu.vector_load %run_scoped3A_0[%swap3A_1322, %swap3A_1323] {strides = array<i32>} : memref<32x512xf32, #tpu.memory_space<vmem>>, vector<16xf32>,
      tpu.vector_store %run_scoped3A_0[%swap3A_1322, %swap3A_1323], %broadcast_in_dim3A_25 {strides = array<i32>} : memref<32x512xf32, #tpu.memory_space<vmem>>, vector<16xf32>,
      %swap3A_1325 = arith.constant 7 : i32
      %swap3A_1326 = arith.index_cast %swap3A_1325 : i32 to index
      %swap3A_1327 = arith.constant 384 : index
      %swap3A_1328 = tpu.vector_load %run_scoped3A_0[%swap3A_1326, %swap3A_1327] {strides = array<i32>} : memref<32x512xf32, #tpu.memory_space<vmem>>, vector<16xf32>,
      tpu.vector_store %run_scoped3A_0[%swap3A_1326, %swap3A_1327], %broadcast_in_dim3A_25 {strides = array<i32>} : memref<32x512xf32, #tpu.memory_space<vmem>>, vector<16xf32>,
      %swap3A_1329 = arith.constant 7 : i32
      %swap3A_1330 = arith.index_cast %swap3A_1329 : i32 to index
      %swap3A_1331 = arith.constant 400 : index
      %swap3A_1332 = tpu.vector_load %run_scoped3A_0[%swap3A_1330, %swap3A_1331] {strides = array<i32>} : memref<32x512xf32, #tpu.memory_space<vmem>>, vector<16xf32>,
      tpu.vector_store %run_scoped3A_0[%swap3A_1330, %swap3A_1331], %broadcast_in_dim3A_25 {strides = array<i32>} : memref<32x512xf32, #tpu.memory_space<vmem>>, vector<16xf32>,
      %swap3A_1333 = arith.constant 7 : i32
      %swap3A_1334 = arith.index_cast %swap3A_1333 : i32 to index
      %swap3A_1335 = arith.constant 416 : index
      %swap3A_1336 = tpu.vector_load %run_scoped3A_0[%swap3A_1334, %swap3A_1335] {strides = array<i32>} : memref<32x512xf32, #tpu.memory_space<vmem>>, vector<16xf32>,
      tpu.vector_store %run_scoped3A_0[%swap3A_1334, %swap3A_1335], %broadcast_in_dim3A_25 {strides = array<i32>} : memref<32x512xf32, #tpu.memory_space<vmem>>, vector<16xf32>,
      %swap3A_1337 = arith.constant 7 : i32
      %swap3A_1338 = arith.index_cast %swap3A_1337 : i32 to index
      %swap3A_1339 = arith.constant 432 : index
      %swap3A_1340 = tpu.vector_load %run_scoped3A_0[%swap3A_1338, %swap3A_1339] {strides = array<i32>} : memref<32x512xf32, #tpu.memory_space<vmem>>, vector<16xf32>,
      tpu.vector_store %run_scoped3A_0[%swap3A_1338, %swap3A_1339], %broadcast_in_dim3A_25 {strides = array<i32>} : memref<32x512xf32, #tpu.memory_space<vmem>>, vector<16xf32>,
      %swap3A_1341 = arith.constant 7 : i32
      %swap3A_1342 = arith.index_cast %swap3A_1341 : i32 to index
      %swap3A_1343 = arith.constant 448 : index
      %swap3A_1344 = tpu.vector_load %run_scoped3A_0[%swap3A_1342, %swap3A_1343] {strides = array<i32>} : memref<32x512xf32, #tpu.memory_space<vmem>>, vector<16xf32>,
      tpu.vector_store %run_scoped3A_0[%swap3A_1342, %swap3A_1343], %broadcast_in_dim3A_25 {strides = array<i32>} : memref<32x512xf32, #tpu.memory_space<vmem>>, vector<16xf32>,
      %swap3A_1345 = arith.constant 7 : i32
      %swap3A_1346 = arith.index_cast %swap3A_1345 : i32 to index
      %swap3A_1347 = arith.constant 464 : index
      %swap3A_1348 = tpu.vector_load %run_scoped3A_0[%swap3A_1346, %swap3A_1347] {strides = array<i32>} : memref<32x512xf32, #tpu.memory_space<vmem>>, vector<16xf32>,
      tpu.vector_store %run_scoped3A_0[%swap3A_1346, %swap3A_1347], %broadcast_in_dim3A_25 {strides = array<i32>} : memref<32x512xf32, #tpu.memory_space<vmem>>, vector<16xf32>,
      %swap3A_1349 = arith.constant 7 : i32
      %swap3A_1350 = arith.index_cast %swap3A_1349 : i32 to index
      %swap3A_1351 = arith.constant 480 : index
      %swap3A_1352 = tpu.vector_load %run_scoped3A_0[%swap3A_1350, %swap3A_1351] {strides = array<i32>} : memref<32x512xf32, #tpu.memory_space<vmem>>, vector<16xf32>,
      tpu.vector_store %run_scoped3A_0[%swap3A_1350, %swap3A_1351], %broadcast_in_dim3A_25 {strides = array<i32>} : memref<32x512xf32, #tpu.memory_space<vmem>>, vector<16xf32>,
      %swap3A_1353 = arith.constant 7 : i32
      %swap3A_1354 = arith.index_cast %swap3A_1353 : i32 to index
      %swap3A_1355 = arith.constant 496 : index
      %swap3A_1356 = tpu.vector_load %run_scoped3A_0[%swap3A_1354, %swap3A_1355] {strides = array<i32>} : memref<32x512xf32, #tpu.memory_space<vmem>>, vector<16xf32>,
      tpu.vector_store %run_scoped3A_0[%swap3A_1354, %swap3A_1355], %broadcast_in_dim3A_25 {strides = array<i32>} : memref<32x512xf32, #tpu.memory_space<vmem>>, vector<16xf32>,
      %mul3A_1357 = arith.constant 24 : i32
      %mul3A_1358 = arith.muli %add3A_1054, %mul3A_1357 : i32
      "tpu.region"() ({
        %run_scoped3A_2212 = tpu.sem_alloc : memref<!tpu.dma_semaphore, #tpu.memory_space<semaphore_mem>>
        %dma_start3A_2213 = arith.constant 0 : i32
        %dma_start3A_2214 = arith.constant 0 : i32
        %dma_start3A_2215 = tpu.memref_slice %run_scoped3A[%dma_start3A_2213, %dma_start3A_2214] : memref<32x512xf32, #tpu.memory_space<vmem>> -> memref<8x512xf32, #tpu.memory_space<vmem>>
        %dma_start3A_2216 = arith.constant 0 : i32
        %dma_start3A_2217 = tpu.memref_slice %arg9[%mul3A_1358, %dma_start3A_2216] : memref<1152x512xf32, #tpu.memory_space<vmem_shared>> -> memref<8x512xf32, #tpu.memory_space<vmem_shared>>
        %dma_start3A_2218 = arith.constant 0 : i32
        %dma_start3A_2219 = tpu.memref_slice %arg9[%mul3A_1358, %dma_start3A_2218] : memref<1152x512xf32, #tpu.memory_space<vmem_shared>> -> memref<8x512xf32, #tpu.memory_space<vmem_shared>>
        %dma_start3A_2220 = arith.constant 0 : i32
        %dma_start3A_2221 = arith.constant 0 : i32
        %dma_start3A_2222 = tpu.memref_slice %run_scoped3A[%dma_start3A_2220, %dma_start3A_2221] : memref<32x512xf32, #tpu.memory_space<vmem>> -> memref<8x512xf32, #tpu.memory_space<vmem>>
        tpu.enqueue_dma source(%dma_start3A_2222 : memref<8x512xf32, #tpu.memory_space<vmem>>) target(%dma_start3A_2219 : memref<8x512xf32, #tpu.memory_space<vmem_shared>>) target_semaphore(%run_scoped3A_2212 : memref<!tpu.dma_semaphore, #tpu.memory_space<semaphore_mem>>)
        %dma_wait3A_2223 = arith.constant 0 : i32
        %dma_wait3A_2224 = arith.constant 0 : i32
        %dma_wait3A_2225 = tpu.memref_slice %run_scoped3A[%dma_wait3A_2223, %dma_wait3A_2224] : memref<32x512xf32, #tpu.memory_space<vmem>> -> memref<8x512xf32, #tpu.memory_space<vmem>>
        %dma_wait3A_2226 = arith.constant 0 : i32
        %dma_wait3A_2227 = tpu.memref_slice %arg9[%mul3A_1358, %dma_wait3A_2226] : memref<1152x512xf32, #tpu.memory_space<vmem_shared>> -> memref<8x512xf32, #tpu.memory_space<vmem_shared>>
        %dma_wait3A_2228 = arith.constant 0 : i32
        %dma_wait3A_2229 = tpu.memref_slice %arg9[%mul3A_1358, %dma_wait3A_2228] : memref<1152x512xf32, #tpu.memory_space<vmem_shared>> -> memref<8x512xf32, #tpu.memory_space<vmem_shared>>
        %dma_wait3A_2230 = arith.constant 0 : i32
        %dma_wait3A_2231 = arith.constant 0 : i32
        %dma_wait3A_2232 = tpu.memref_slice %run_scoped3A[%dma_wait3A_2230, %dma_wait3A_2231] : memref<32x512xf32, #tpu.memory_space<vmem>> -> memref<8x512xf32, #tpu.memory_space<vmem>>
        tpu.wait_dma2 semaphore(%run_scoped3A_2212 : memref<!tpu.dma_semaphore, #tpu.memory_space<semaphore_mem>>) src(%dma_wait3A_2232 : memref<8x512xf32, #tpu.memory_space<vmem>>) dst(%dma_wait3A_2229 : memref<8x512xf32, #tpu.memory_space<vmem_shared>>)
        tpu.yield
      }) : () -> ()
      %mul3A_1359 = arith.constant 24 : i32
      %mul3A_1360 = arith.muli %add3A_1054, %mul3A_1359 : i32
      %add3A_1361 = arith.constant 8 : i32
      %add3A_1362 = arith.addi %mul3A_1360, %add3A_1361 : i32
      "tpu.region"() ({
        %run_scoped3A_2212 = tpu.sem_alloc : memref<!tpu.dma_semaphore, #tpu.memory_space<semaphore_mem>>
        %dma_start3A_2213 = arith.constant 0 : i32
        %dma_start3A_2214 = arith.constant 0 : i32
        %dma_start3A_2215 = tpu.memref_slice %run_scoped3A_0[%dma_start3A_2213, %dma_start3A_2214] : memref<32x512xf32, #tpu.memory_space<vmem>> -> memref<8x512xf32, #tpu.memory_space<vmem>>
        %dma_start3A_2216 = arith.constant 0 : i32
        %dma_start3A_2217 = tpu.memref_slice %arg9[%add3A_1362, %dma_start3A_2216] : memref<1152x512xf32, #tpu.memory_space<vmem_shared>> -> memref<8x512xf32, #tpu.memory_space<vmem_shared>>
        %dma_start3A_2218 = arith.constant 0 : i32
        %dma_start3A_2219 = tpu.memref_slice %arg9[%add3A_1362, %dma_start3A_2218] : memref<1152x512xf32, #tpu.memory_space<vmem_shared>> -> memref<8x512xf32, #tpu.memory_space<vmem_shared>>
        %dma_start3A_2220 = arith.constant 0 : i32
        %dma_start3A_2221 = arith.constant 0 : i32
        %dma_start3A_2222 = tpu.memref_slice %run_scoped3A_0[%dma_start3A_2220, %dma_start3A_2221] : memref<32x512xf32, #tpu.memory_space<vmem>> -> memref<8x512xf32, #tpu.memory_space<vmem>>
        tpu.enqueue_dma source(%dma_start3A_2222 : memref<8x512xf32, #tpu.memory_space<vmem>>) target(%dma_start3A_2219 : memref<8x512xf32, #tpu.memory_space<vmem_shared>>) target_semaphore(%run_scoped3A_2212 : memref<!tpu.dma_semaphore, #tpu.memory_space<semaphore_mem>>)
        %dma_wait3A_2223 = arith.constant 0 : i32
        %dma_wait3A_2224 = arith.constant 0 : i32
        %dma_wait3A_2225 = tpu.memref_slice %run_scoped3A_0[%dma_wait3A_2223, %dma_wait3A_2224] : memref<32x512xf32, #tpu.memory_space<vmem>> -> memref<8x512xf32, #tpu.memory_space<vmem>>
        %dma_wait3A_2226 = arith.constant 0 : i32
        %dma_wait3A_2227 = tpu.memref_slice %arg9[%add3A_1362, %dma_wait3A_2226] : memref<1152x512xf32, #tpu.memory_space<vmem_shared>> -> memref<8x512xf32, #tpu.memory_space<vmem_shared>>
        %dma_wait3A_2228 = arith.constant 0 : i32
        %dma_wait3A_2229 = tpu.memref_slice %arg9[%add3A_1362, %dma_wait3A_2228] : memref<1152x512xf32, #tpu.memory_space<vmem_shared>> -> memref<8x512xf32, #tpu.memory_space<vmem_shared>>
        %dma_wait3A_2230 = arith.constant 0 : i32
        %dma_wait3A_2231 = arith.constant 0 : i32
        %dma_wait3A_2232 = tpu.memref_slice %run_scoped3A_0[%dma_wait3A_2230, %dma_wait3A_2231] : memref<32x512xf32, #tpu.memory_space<vmem>> -> memref<8x512xf32, #tpu.memory_space<vmem>>
        tpu.wait_dma2 semaphore(%run_scoped3A_2212 : memref<!tpu.dma_semaphore, #tpu.memory_space<semaphore_mem>>) src(%dma_wait3A_2232 : memref<8x512xf32, #tpu.memory_space<vmem>>) dst(%dma_wait3A_2229 : memref<8x512xf32, #tpu.memory_space<vmem_shared>>)
        tpu.yield
      }) : () -> ()
      %mul3A_1363 = arith.constant 24 : i32
      %mul3A_1364 = arith.muli %add3A_1054, %mul3A_1363 : i32
      %add3A_1365 = arith.constant 16 : i32
      %add3A_1366 = arith.addi %mul3A_1364, %add3A_1365 : i32
      "tpu.region"() ({
        %run_scoped3A_2212 = tpu.sem_alloc : memref<!tpu.dma_semaphore, #tpu.memory_space<semaphore_mem>>
        %dma_start3A_2213 = arith.constant 0 : i32
        %dma_start3A_2214 = arith.constant 0 : i32
        %dma_start3A_2215 = tpu.memref_slice %run_scoped3A_1[%dma_start3A_2213, %dma_start3A_2214] : memref<32x512xf32, #tpu.memory_space<vmem>> -> memref<8x512xf32, #tpu.memory_space<vmem>>
        %dma_start3A_2216 = arith.constant 0 : i32
        %dma_start3A_2217 = tpu.memref_slice %arg9[%add3A_1366, %dma_start3A_2216] : memref<1152x512xf32, #tpu.memory_space<vmem_shared>> -> memref<8x512xf32, #tpu.memory_space<vmem_shared>>
        %dma_start3A_2218 = arith.constant 0 : i32
        %dma_start3A_2219 = tpu.memref_slice %arg9[%add3A_1366, %dma_start3A_2218] : memref<1152x512xf32, #tpu.memory_space<vmem_shared>> -> memref<8x512xf32, #tpu.memory_space<vmem_shared>>
        %dma_start3A_2220 = arith.constant 0 : i32
        %dma_start3A_2221 = arith.constant 0 : i32
        %dma_start3A_2222 = tpu.memref_slice %run_scoped3A_1[%dma_start3A_2220, %dma_start3A_2221] : memref<32x512xf32, #tpu.memory_space<vmem>> -> memref<8x512xf32, #tpu.memory_space<vmem>>
        tpu.enqueue_dma source(%dma_start3A_2222 : memref<8x512xf32, #tpu.memory_space<vmem>>) target(%dma_start3A_2219 : memref<8x512xf32, #tpu.memory_space<vmem_shared>>) target_semaphore(%run_scoped3A_2212 : memref<!tpu.dma_semaphore, #tpu.memory_space<semaphore_mem>>)
        %dma_wait3A_2223 = arith.constant 0 : i32
        %dma_wait3A_2224 = arith.constant 0 : i32
        %dma_wait3A_2225 = tpu.memref_slice %run_scoped3A_1[%dma_wait3A_2223, %dma_wait3A_2224] : memref<32x512xf32, #tpu.memory_space<vmem>> -> memref<8x512xf32, #tpu.memory_space<vmem>>
        %dma_wait3A_2226 = arith.constant 0 : i32
        %dma_wait3A_2227 = tpu.memref_slice %arg9[%add3A_1366, %dma_wait3A_2226] : memref<1152x512xf32, #tpu.memory_space<vmem_shared>> -> memref<8x512xf32, #tpu.memory_space<vmem_shared>>
        %dma_wait3A_2228 = arith.constant 0 : i32
        %dma_wait3A_2229 = tpu.memref_slice %arg9[%add3A_1366, %dma_wait3A_2228] : memref<1152x512xf32, #tpu.memory_space<vmem_shared>> -> memref<8x512xf32, #tpu.memory_space<vmem_shared>>
        %dma_wait3A_2230 = arith.constant 0 : i32
        %dma_wait3A_2231 = arith.constant 0 : i32
        %dma_wait3A_2232 = tpu.memref_slice %run_scoped3A_1[%dma_wait3A_2230, %dma_wait3A_2231] : memref<32x512xf32, #tpu.memory_space<vmem>> -> memref<8x512xf32, #tpu.memory_space<vmem>>
        tpu.wait_dma2 semaphore(%run_scoped3A_2212 : memref<!tpu.dma_semaphore, #tpu.memory_space<semaphore_mem>>) src(%dma_wait3A_2232 : memref<8x512xf32, #tpu.memory_space<vmem>>) dst(%dma_wait3A_2229 : memref<8x512xf32, #tpu.memory_space<vmem_shared>>)
        tpu.yield
      }) : () -> ()
      %gather3A_1367 = tpu.vector_load_idx %run_scoped3A[%iota3A, %broadcast_in_dim3A_27] : memref<32x512xf32, #tpu.memory_space<vmem>>[vector<16xi32>, vector<16xi32>], vector<16xf32>,
      %sub3A = arith.constant 8 : i32
      %sub3A_1368 = vector.broadcast %sub3A : i32 to vector<16xi32>
      %sub3A_1369 = arith.subi %iota3A, %sub3A_1368 : vector<16xi32>
      %jit3A = arith.constant 0 : i32
      %jit3A_1370 = arith.constant 15 : i32
      %max3A = vector.broadcast %jit3A : i32 to vector<16xi32>
      %max3A_1371 = arith.maxsi %max3A, %sub3A_1369 : vector<16xi32>
      %min3A_1372 = vector.broadcast %jit3A_1370 : i32 to vector<16xi32>
      %min3A_1373 = arith.minsi %min3A_1372, %max3A_1371 : vector<16xi32>
      %gather3A_1374 = tpu.vector_load_idx %run_scoped3A_0[%min3A_1373, %broadcast_in_dim3A_27] : memref<32x512xf32, #tpu.memory_space<vmem>>[vector<16xi32>, vector<16xi32>], vector<16xf32>,
      %lt3A_1375 = arith.constant 8 : i32
      %lt3A_1376 = vector.broadcast %lt3A_1375 : i32 to vector<16xi32>
      %lt3A_1377 = arith.cmpi slt, %iota3A, %lt3A_1376 : vector<16xi32>
      %select_n3A_1378 = arith.select %lt3A_1377, %gather3A_1367, %gather3A_1374 : vector<16xi1>, vector<16xf32>
      %lt3A_1379 = arith.constant 14 : i32
      %lt3A_1380 = vector.broadcast %lt3A_1379 : i32 to vector<16xi32>
      %lt3A_1381 = arith.cmpi slt, %iota3A, %lt3A_1380 : vector<16xi32>
      %ne3A = arith.constant 0.000000e+00 : f32
      %ne3A_1382 = vector.broadcast %ne3A : f32 to vector<16xf32>
      %ne3A_1383 = arith.cmpf one, %select_n3A_1378, %ne3A_1382 : vector<16xf32>
      %select_n3A_1384 = arith.select %ne3A_1383, %broadcast_in_dim3A_29, %broadcast_in_dim3A_25 : vector<16xi1>, vector<16xf32>
      %select_n3A_1385 = arith.select %lt3A_1381, %select_n3A_1384, %broadcast_in_dim3A_25 : vector<16xi1>, vector<16xf32>
      %swap3A_1386 = arith.constant 0 : index
      %swap3A_1387 = tpu.vector_load %run_scoped3A_12[%swap3A_1386] {strides = array<i32>} : memref<16xf32, #tpu.memory_space<vmem>>, vector<16xf32>,
      tpu.vector_store %run_scoped3A_12[%swap3A_1386], %select_n3A_1385 {strides = array<i32>} : memref<16xf32, #tpu.memory_space<vmem>>, vector<16xf32>,
      %mul3A_1388 = arith.constant 16 : i32
      %mul3A_1389 = arith.muli %add3A_1054, %mul3A_1388 : i32
      "tpu.region"() ({
        %run_scoped3A_2212 = tpu.sem_alloc : memref<!tpu.dma_semaphore, #tpu.memory_space<semaphore_mem>>
        %dma_start3A_2213 = tpu.memref_slice %arg10[%mul3A_1389] : memref<768xf32, #tpu.memory_space<vmem_shared>> -> memref<16xf32, #tpu.memory_space<vmem_shared>>
        %dma_start3A_2214 = tpu.memref_slice %arg10[%mul3A_1389] : memref<768xf32, #tpu.memory_space<vmem_shared>> -> memref<16xf32, #tpu.memory_space<vmem_shared>>
        tpu.enqueue_dma source(%run_scoped3A_12 : memref<16xf32, #tpu.memory_space<vmem>>) target(%dma_start3A_2214 : memref<16xf32, #tpu.memory_space<vmem_shared>>) target_semaphore(%run_scoped3A_2212 : memref<!tpu.dma_semaphore, #tpu.memory_space<semaphore_mem>>)
        %dma_wait3A_2215 = tpu.memref_slice %arg10[%mul3A_1389] : memref<768xf32, #tpu.memory_space<vmem_shared>> -> memref<16xf32, #tpu.memory_space<vmem_shared>>
        %dma_wait3A_2216 = tpu.memref_slice %arg10[%mul3A_1389] : memref<768xf32, #tpu.memory_space<vmem_shared>> -> memref<16xf32, #tpu.memory_space<vmem_shared>>
        tpu.wait_dma2 semaphore(%run_scoped3A_2212 : memref<!tpu.dma_semaphore, #tpu.memory_space<semaphore_mem>>) src(%run_scoped3A_12 : memref<16xf32, #tpu.memory_space<vmem>>) dst(%dma_wait3A_2216 : memref<16xf32, #tpu.memory_space<vmem_shared>>)
        tpu.yield
      }) : () -> ()
      %add3A_1390 = arith.constant 16 : i32
      %add3A_1391 = arith.addi %arg1, %add3A_1390 : i32
      %mul3A_1392 = arith.constant 8 : i32
      %mul3A_1393 = arith.muli %add3A_1391, %mul3A_1392 : i32
      %add3A_1394 = vector.broadcast %mul3A_1393 : i32 to vector<16xi32>
      %add3A_1395 = arith.addi %add3A_1394, %iota3A : vector<16xi32>
      %min3A_1396 = arith.constant 383 : i32
      %min3A_1397 = vector.broadcast %min3A_1396 : i32 to vector<16xi32>
      %min3A_1398 = arith.minsi %add3A_1395, %min3A_1397 : vector<16xi32>
      %swap3A_1399 = arith.constant 0 : index
      %swap3A_1400 = tpu.vector_load %run_scoped3A_7[%swap3A_1399] {strides = array<i32>} : memref<16xi32, #tpu.memory_space<vmem>>, vector<16xi32>,
      tpu.vector_store %run_scoped3A_7[%swap3A_1399], %min3A_1398 {strides = array<i32>} : memref<16xi32, #tpu.memory_space<vmem>>, vector<16xi32>,
      %dma_start3A_1401 = arith.constant 0 : i32
      %dma_start3A_1402 = arith.constant 0 : i32
      %dma_start3A_1403 = tpu.memref_slice %run_scoped3A[%dma_start3A_1401, %dma_start3A_1402] : memref<32x512xf32, #tpu.memory_space<vmem>> -> memref<16x512xf32, #tpu.memory_space<vmem>>
      %dma_start3A_1404 = arith.constant 0 : i32
      %dma_start3A_1405 = arith.constant 0 : i32
      %dma_start3A_1406 = tpu.memref_slice %arg3[%dma_start3A_1404, %dma_start3A_1405] : memref<384x512xf32, #tpu.memory_space<hbm>> -> memref<384x512xf32, #tpu.memory_space<hbm>>
      tpu.enqueue_indirect_dma source(%dma_start3A_1406 : memref<384x512xf32, #tpu.memory_space<hbm>>) target(%dma_start3A_1403 : memref<16x512xf32, #tpu.memory_space<vmem>>) offsets(%run_scoped3A_7 : memref<16xi32, #tpu.memory_space<vmem>>) semaphore(%run_scoped3A_14 : memref<!tpu.dma_semaphore, #tpu.memory_space<semaphore_mem>>)
      %dma_wait3A_1407 = arith.constant 0 : i32
      %dma_wait3A_1408 = arith.constant 0 : i32
      %dma_wait3A_1409 = tpu.memref_slice %run_scoped3A[%dma_wait3A_1407, %dma_wait3A_1408] : memref<32x512xf32, #tpu.memory_space<vmem>> -> memref<16x512xf32, #tpu.memory_space<vmem>>
      %dma_wait3A_1410 = arith.constant 0 : i32
      %dma_wait3A_1411 = arith.constant 0 : i32
      %dma_wait3A_1412 = tpu.memref_slice %arg3[%dma_wait3A_1410, %dma_wait3A_1411] : memref<384x512xf32, #tpu.memory_space<hbm>> -> memref<384x512xf32, #tpu.memory_space<hbm>>
      tpu.wait_indirect_dma semaphore(%run_scoped3A_14 : memref<!tpu.dma_semaphore, #tpu.memory_space<semaphore_mem>>) src(%dma_wait3A_1412 : memref<384x512xf32, #tpu.memory_space<hbm>>) dst(%dma_wait3A_1409 : memref<16x512xf32, #tpu.memory_space<vmem>>)
      %mul3A_1413 = arith.constant 5 : i32
      %mul3A_1414 = arith.muli %add3A_1391, %mul3A_1413 : i32
      %add3A_1415 = vector.broadcast %mul3A_1414 : i32 to vector<16xi32>
      %add3A_1416 = arith.addi %add3A_1415, %iota3A : vector<16xi32>
      %min3A_1417 = arith.constant 239 : i32
      %min3A_1418 = vector.broadcast %min3A_1417 : i32 to vector<16xi32>
      %min3A_1419 = arith.minsi %add3A_1416, %min3A_1418 : vector<16xi32>
      %gather3A_1420 = tpu.vector_load_idx %run_scoped3A_10[%min3A_1419] : memref<240xi32, #tpu.memory_space<vmem>>[vector<16xi32>], vector<16xi32>,
      %lt3A_1421 = arith.constant 5 : i32
      %lt3A_1422 = vector.broadcast %lt3A_1421 : i32 to vector<16xi32>
      %lt3A_1423 = arith.cmpi slt, %iota3A, %lt3A_1422 : vector<16xi32>
      %eq3A_1424 = arith.constant 5 : i32
      %eq3A_1425 = vector.broadcast %eq3A_1424 : i32 to vector<16xi32>
      %eq3A_1426 = arith.cmpi eq, %iota3A, %eq3A_1425 : vector<16xi32>
      %broadcast_in_dim3A_1427 = arith.constant 49407 : i32
      %broadcast_in_dim3A_1428 = vector.broadcast %broadcast_in_dim3A_1427 : i32 to vector<16xi32>
      %select_n3A_1429 = arith.select %eq3A_1426, %broadcast_in_dim3A_1428, %broadcast_in_dim3A_27 : vector<16xi1>, vector<16xi32>
      %select_n3A_1430 = arith.select %lt3A_1423, %gather3A_1420, %select_n3A_1429 : vector<16xi1>, vector<16xi32>
      %swap3A_1431 = arith.constant 0 : index
      %swap3A_1432 = tpu.vector_load %run_scoped3A_7[%swap3A_1431] {strides = array<i32>} : memref<16xi32, #tpu.memory_space<vmem>>, vector<16xi32>,
      tpu.vector_store %run_scoped3A_7[%swap3A_1431], %select_n3A_1430 {strides = array<i32>} : memref<16xi32, #tpu.memory_space<vmem>>, vector<16xi32>,
      %dma_start3A_1433 = arith.constant 0 : i32
      %dma_start3A_1434 = arith.constant 0 : i32
      %dma_start3A_1435 = tpu.memref_slice %run_scoped3A_0[%dma_start3A_1433, %dma_start3A_1434] : memref<32x512xf32, #tpu.memory_space<vmem>> -> memref<16x512xf32, #tpu.memory_space<vmem>>
      %dma_start3A_1436 = arith.constant 0 : i32
      %dma_start3A_1437 = arith.constant 0 : i32
      %dma_start3A_1438 = tpu.memref_slice %arg2[%dma_start3A_1436, %dma_start3A_1437] : memref<49408x512xf32, #tpu.memory_space<hbm>> -> memref<49408x512xf32, #tpu.memory_space<hbm>>
      tpu.enqueue_indirect_dma source(%dma_start3A_1438 : memref<49408x512xf32, #tpu.memory_space<hbm>>) target(%dma_start3A_1435 : memref<16x512xf32, #tpu.memory_space<vmem>>) offsets(%run_scoped3A_7 : memref<16xi32, #tpu.memory_space<vmem>>) semaphore(%run_scoped3A_14 : memref<!tpu.dma_semaphore, #tpu.memory_space<semaphore_mem>>)
      %dma_wait3A_1439 = arith.constant 0 : i32
      %dma_wait3A_1440 = arith.constant 0 : i32
      %dma_wait3A_1441 = tpu.memref_slice %run_scoped3A_0[%dma_wait3A_1439, %dma_wait3A_1440] : memref<32x512xf32, #tpu.memory_space<vmem>> -> memref<16x512xf32, #tpu.memory_space<vmem>>
      %dma_wait3A_1442 = arith.constant 0 : i32
      %dma_wait3A_1443 = arith.constant 0 : i32
      %dma_wait3A_1444 = tpu.memref_slice %arg2[%dma_wait3A_1442, %dma_wait3A_1443] : memref<49408x512xf32, #tpu.memory_space<hbm>> -> memref<49408x512xf32, #tpu.memory_space<hbm>>
      tpu.wait_indirect_dma semaphore(%run_scoped3A_14 : memref<!tpu.dma_semaphore, #tpu.memory_space<semaphore_mem>>) src(%dma_wait3A_1444 : memref<49408x512xf32, #tpu.memory_space<hbm>>) dst(%dma_wait3A_1441 : memref<16x512xf32, #tpu.memory_space<vmem>>)
      %swap3A_1445 = arith.constant 6 : i32
      %swap3A_1446 = arith.index_cast %swap3A_1445 : i32 to index
      %swap3A_1447 = arith.constant 0 : index
      %swap3A_1448 = tpu.vector_load %run_scoped3A_0[%swap3A_1446, %swap3A_1447] {strides = array<i32>} : memref<32x512xf32, #tpu.memory_space<vmem>>, vector<16xf32>,
      tpu.vector_store %run_scoped3A_0[%swap3A_1446, %swap3A_1447], %broadcast_in_dim3A_25 {strides = array<i32>} : memref<32x512xf32, #tpu.memory_space<vmem>>, vector<16xf32>,
      %swap3A_1449 = arith.constant 6 : i32
      %swap3A_1450 = arith.index_cast %swap3A_1449 : i32 to index
      %swap3A_1451 = arith.constant 16 : index
      %swap3A_1452 = tpu.vector_load %run_scoped3A_0[%swap3A_1450, %swap3A_1451] {strides = array<i32>} : memref<32x512xf32, #tpu.memory_space<vmem>>, vector<16xf32>,
      tpu.vector_store %run_scoped3A_0[%swap3A_1450, %swap3A_1451], %broadcast_in_dim3A_25 {strides = array<i32>} : memref<32x512xf32, #tpu.memory_space<vmem>>, vector<16xf32>,
      %swap3A_1453 = arith.constant 6 : i32
      %swap3A_1454 = arith.index_cast %swap3A_1453 : i32 to index
      %swap3A_1455 = arith.constant 32 : index
      %swap3A_1456 = tpu.vector_load %run_scoped3A_0[%swap3A_1454, %swap3A_1455] {strides = array<i32>} : memref<32x512xf32, #tpu.memory_space<vmem>>, vector<16xf32>,
      tpu.vector_store %run_scoped3A_0[%swap3A_1454, %swap3A_1455], %broadcast_in_dim3A_25 {strides = array<i32>} : memref<32x512xf32, #tpu.memory_space<vmem>>, vector<16xf32>,
      %swap3A_1457 = arith.constant 6 : i32
      %swap3A_1458 = arith.index_cast %swap3A_1457 : i32 to index
      %swap3A_1459 = arith.constant 48 : index
      %swap3A_1460 = tpu.vector_load %run_scoped3A_0[%swap3A_1458, %swap3A_1459] {strides = array<i32>} : memref<32x512xf32, #tpu.memory_space<vmem>>, vector<16xf32>,
      tpu.vector_store %run_scoped3A_0[%swap3A_1458, %swap3A_1459], %broadcast_in_dim3A_25 {strides = array<i32>} : memref<32x512xf32, #tpu.memory_space<vmem>>, vector<16xf32>,
      %swap3A_1461 = arith.constant 6 : i32
      %swap3A_1462 = arith.index_cast %swap3A_1461 : i32 to index
      %swap3A_1463 = arith.constant 64 : index
      %swap3A_1464 = tpu.vector_load %run_scoped3A_0[%swap3A_1462, %swap3A_1463] {strides = array<i32>} : memref<32x512xf32, #tpu.memory_space<vmem>>, vector<16xf32>,
      tpu.vector_store %run_scoped3A_0[%swap3A_1462, %swap3A_1463], %broadcast_in_dim3A_25 {strides = array<i32>} : memref<32x512xf32, #tpu.memory_space<vmem>>, vector<16xf32>,
      %swap3A_1465 = arith.constant 6 : i32
      %swap3A_1466 = arith.index_cast %swap3A_1465 : i32 to index
      %swap3A_1467 = arith.constant 80 : index
      %swap3A_1468 = tpu.vector_load %run_scoped3A_0[%swap3A_1466, %swap3A_1467] {strides = array<i32>} : memref<32x512xf32, #tpu.memory_space<vmem>>, vector<16xf32>,
      tpu.vector_store %run_scoped3A_0[%swap3A_1466, %swap3A_1467], %broadcast_in_dim3A_25 {strides = array<i32>} : memref<32x512xf32, #tpu.memory_space<vmem>>, vector<16xf32>,
      %swap3A_1469 = arith.constant 6 : i32
      %swap3A_1470 = arith.index_cast %swap3A_1469 : i32 to index
      %swap3A_1471 = arith.constant 96 : index
      %swap3A_1472 = tpu.vector_load %run_scoped3A_0[%swap3A_1470, %swap3A_1471] {strides = array<i32>} : memref<32x512xf32, #tpu.memory_space<vmem>>, vector<16xf32>,
      tpu.vector_store %run_scoped3A_0[%swap3A_1470, %swap3A_1471], %broadcast_in_dim3A_25 {strides = array<i32>} : memref<32x512xf32, #tpu.memory_space<vmem>>, vector<16xf32>,
      %swap3A_1473 = arith.constant 6 : i32
      %swap3A_1474 = arith.index_cast %swap3A_1473 : i32 to index
      %swap3A_1475 = arith.constant 112 : index
      %swap3A_1476 = tpu.vector_load %run_scoped3A_0[%swap3A_1474, %swap3A_1475] {strides = array<i32>} : memref<32x512xf32, #tpu.memory_space<vmem>>, vector<16xf32>,
      tpu.vector_store %run_scoped3A_0[%swap3A_1474, %swap3A_1475], %broadcast_in_dim3A_25 {strides = array<i32>} : memref<32x512xf32, #tpu.memory_space<vmem>>, vector<16xf32>,
      %swap3A_1477 = arith.constant 6 : i32
      %swap3A_1478 = arith.index_cast %swap3A_1477 : i32 to index
      %swap3A_1479 = arith.constant 128 : index
      %swap3A_1480 = tpu.vector_load %run_scoped3A_0[%swap3A_1478, %swap3A_1479] {strides = array<i32>} : memref<32x512xf32, #tpu.memory_space<vmem>>, vector<16xf32>,
      tpu.vector_store %run_scoped3A_0[%swap3A_1478, %swap3A_1479], %broadcast_in_dim3A_25 {strides = array<i32>} : memref<32x512xf32, #tpu.memory_space<vmem>>, vector<16xf32>,
      %swap3A_1481 = arith.constant 6 : i32
      %swap3A_1482 = arith.index_cast %swap3A_1481 : i32 to index
      %swap3A_1483 = arith.constant 144 : index
      %swap3A_1484 = tpu.vector_load %run_scoped3A_0[%swap3A_1482, %swap3A_1483] {strides = array<i32>} : memref<32x512xf32, #tpu.memory_space<vmem>>, vector<16xf32>,
      tpu.vector_store %run_scoped3A_0[%swap3A_1482, %swap3A_1483], %broadcast_in_dim3A_25 {strides = array<i32>} : memref<32x512xf32, #tpu.memory_space<vmem>>, vector<16xf32>,
      %swap3A_1485 = arith.constant 6 : i32
      %swap3A_1486 = arith.index_cast %swap3A_1485 : i32 to index
      %swap3A_1487 = arith.constant 160 : index
      %swap3A_1488 = tpu.vector_load %run_scoped3A_0[%swap3A_1486, %swap3A_1487] {strides = array<i32>} : memref<32x512xf32, #tpu.memory_space<vmem>>, vector<16xf32>,
      tpu.vector_store %run_scoped3A_0[%swap3A_1486, %swap3A_1487], %broadcast_in_dim3A_25 {strides = array<i32>} : memref<32x512xf32, #tpu.memory_space<vmem>>, vector<16xf32>,
      %swap3A_1489 = arith.constant 6 : i32
      %swap3A_1490 = arith.index_cast %swap3A_1489 : i32 to index
      %swap3A_1491 = arith.constant 176 : index
      %swap3A_1492 = tpu.vector_load %run_scoped3A_0[%swap3A_1490, %swap3A_1491] {strides = array<i32>} : memref<32x512xf32, #tpu.memory_space<vmem>>, vector<16xf32>,
      tpu.vector_store %run_scoped3A_0[%swap3A_1490, %swap3A_1491], %broadcast_in_dim3A_25 {strides = array<i32>} : memref<32x512xf32, #tpu.memory_space<vmem>>, vector<16xf32>,
      %swap3A_1493 = arith.constant 6 : i32
      %swap3A_1494 = arith.index_cast %swap3A_1493 : i32 to index
      %swap3A_1495 = arith.constant 192 : index
      %swap3A_1496 = tpu.vector_load %run_scoped3A_0[%swap3A_1494, %swap3A_1495] {strides = array<i32>} : memref<32x512xf32, #tpu.memory_space<vmem>>, vector<16xf32>,
      tpu.vector_store %run_scoped3A_0[%swap3A_1494, %swap3A_1495], %broadcast_in_dim3A_25 {strides = array<i32>} : memref<32x512xf32, #tpu.memory_space<vmem>>, vector<16xf32>,
      %swap3A_1497 = arith.constant 6 : i32
      %swap3A_1498 = arith.index_cast %swap3A_1497 : i32 to index
      %swap3A_1499 = arith.constant 208 : index
      %swap3A_1500 = tpu.vector_load %run_scoped3A_0[%swap3A_1498, %swap3A_1499] {strides = array<i32>} : memref<32x512xf32, #tpu.memory_space<vmem>>, vector<16xf32>,
      tpu.vector_store %run_scoped3A_0[%swap3A_1498, %swap3A_1499], %broadcast_in_dim3A_25 {strides = array<i32>} : memref<32x512xf32, #tpu.memory_space<vmem>>, vector<16xf32>,
      %swap3A_1501 = arith.constant 6 : i32
      %swap3A_1502 = arith.index_cast %swap3A_1501 : i32 to index
      %swap3A_1503 = arith.constant 224 : index
      %swap3A_1504 = tpu.vector_load %run_scoped3A_0[%swap3A_1502, %swap3A_1503] {strides = array<i32>} : memref<32x512xf32, #tpu.memory_space<vmem>>, vector<16xf32>,
      tpu.vector_store %run_scoped3A_0[%swap3A_1502, %swap3A_1503], %broadcast_in_dim3A_25 {strides = array<i32>} : memref<32x512xf32, #tpu.memory_space<vmem>>, vector<16xf32>,
      %swap3A_1505 = arith.constant 6 : i32
      %swap3A_1506 = arith.index_cast %swap3A_1505 : i32 to index
      %swap3A_1507 = arith.constant 240 : index
      %swap3A_1508 = tpu.vector_load %run_scoped3A_0[%swap3A_1506, %swap3A_1507] {strides = array<i32>} : memref<32x512xf32, #tpu.memory_space<vmem>>, vector<16xf32>,
      tpu.vector_store %run_scoped3A_0[%swap3A_1506, %swap3A_1507], %broadcast_in_dim3A_25 {strides = array<i32>} : memref<32x512xf32, #tpu.memory_space<vmem>>, vector<16xf32>,
      %swap3A_1509 = arith.constant 6 : i32
      %swap3A_1510 = arith.index_cast %swap3A_1509 : i32 to index
      %swap3A_1511 = arith.constant 256 : index
      %swap3A_1512 = tpu.vector_load %run_scoped3A_0[%swap3A_1510, %swap3A_1511] {strides = array<i32>} : memref<32x512xf32, #tpu.memory_space<vmem>>, vector<16xf32>,
      tpu.vector_store %run_scoped3A_0[%swap3A_1510, %swap3A_1511], %broadcast_in_dim3A_25 {strides = array<i32>} : memref<32x512xf32, #tpu.memory_space<vmem>>, vector<16xf32>,
      %swap3A_1513 = arith.constant 6 : i32
      %swap3A_1514 = arith.index_cast %swap3A_1513 : i32 to index
      %swap3A_1515 = arith.constant 272 : index
      %swap3A_1516 = tpu.vector_load %run_scoped3A_0[%swap3A_1514, %swap3A_1515] {strides = array<i32>} : memref<32x512xf32, #tpu.memory_space<vmem>>, vector<16xf32>,
      tpu.vector_store %run_scoped3A_0[%swap3A_1514, %swap3A_1515], %broadcast_in_dim3A_25 {strides = array<i32>} : memref<32x512xf32, #tpu.memory_space<vmem>>, vector<16xf32>,
      %swap3A_1517 = arith.constant 6 : i32
      %swap3A_1518 = arith.index_cast %swap3A_1517 : i32 to index
      %swap3A_1519 = arith.constant 288 : index
      %swap3A_1520 = tpu.vector_load %run_scoped3A_0[%swap3A_1518, %swap3A_1519] {strides = array<i32>} : memref<32x512xf32, #tpu.memory_space<vmem>>, vector<16xf32>,
      tpu.vector_store %run_scoped3A_0[%swap3A_1518, %swap3A_1519], %broadcast_in_dim3A_25 {strides = array<i32>} : memref<32x512xf32, #tpu.memory_space<vmem>>, vector<16xf32>,
      %swap3A_1521 = arith.constant 6 : i32
      %swap3A_1522 = arith.index_cast %swap3A_1521 : i32 to index
      %swap3A_1523 = arith.constant 304 : index
      %swap3A_1524 = tpu.vector_load %run_scoped3A_0[%swap3A_1522, %swap3A_1523] {strides = array<i32>} : memref<32x512xf32, #tpu.memory_space<vmem>>, vector<16xf32>,
      tpu.vector_store %run_scoped3A_0[%swap3A_1522, %swap3A_1523], %broadcast_in_dim3A_25 {strides = array<i32>} : memref<32x512xf32, #tpu.memory_space<vmem>>, vector<16xf32>,
      %swap3A_1525 = arith.constant 6 : i32
      %swap3A_1526 = arith.index_cast %swap3A_1525 : i32 to index
      %swap3A_1527 = arith.constant 320 : index
      %swap3A_1528 = tpu.vector_load %run_scoped3A_0[%swap3A_1526, %swap3A_1527] {strides = array<i32>} : memref<32x512xf32, #tpu.memory_space<vmem>>, vector<16xf32>,
      tpu.vector_store %run_scoped3A_0[%swap3A_1526, %swap3A_1527], %broadcast_in_dim3A_25 {strides = array<i32>} : memref<32x512xf32, #tpu.memory_space<vmem>>, vector<16xf32>,
      %swap3A_1529 = arith.constant 6 : i32
      %swap3A_1530 = arith.index_cast %swap3A_1529 : i32 to index
      %swap3A_1531 = arith.constant 336 : index
      %swap3A_1532 = tpu.vector_load %run_scoped3A_0[%swap3A_1530, %swap3A_1531] {strides = array<i32>} : memref<32x512xf32, #tpu.memory_space<vmem>>, vector<16xf32>,
      tpu.vector_store %run_scoped3A_0[%swap3A_1530, %swap3A_1531], %broadcast_in_dim3A_25 {strides = array<i32>} : memref<32x512xf32, #tpu.memory_space<vmem>>, vector<16xf32>,
      %swap3A_1533 = arith.constant 6 : i32
      %swap3A_1534 = arith.index_cast %swap3A_1533 : i32 to index
      %swap3A_1535 = arith.constant 352 : index
      %swap3A_1536 = tpu.vector_load %run_scoped3A_0[%swap3A_1534, %swap3A_1535] {strides = array<i32>} : memref<32x512xf32, #tpu.memory_space<vmem>>, vector<16xf32>,
      tpu.vector_store %run_scoped3A_0[%swap3A_1534, %swap3A_1535], %broadcast_in_dim3A_25 {strides = array<i32>} : memref<32x512xf32, #tpu.memory_space<vmem>>, vector<16xf32>,
      %swap3A_1537 = arith.constant 6 : i32
      %swap3A_1538 = arith.index_cast %swap3A_1537 : i32 to index
      %swap3A_1539 = arith.constant 368 : index
      %swap3A_1540 = tpu.vector_load %run_scoped3A_0[%swap3A_1538, %swap3A_1539] {strides = array<i32>} : memref<32x512xf32, #tpu.memory_space<vmem>>, vector<16xf32>,
      tpu.vector_store %run_scoped3A_0[%swap3A_1538, %swap3A_1539], %broadcast_in_dim3A_25 {strides = array<i32>} : memref<32x512xf32, #tpu.memory_space<vmem>>, vector<16xf32>,
      %swap3A_1541 = arith.constant 6 : i32
      %swap3A_1542 = arith.index_cast %swap3A_1541 : i32 to index
      %swap3A_1543 = arith.constant 384 : index
      %swap3A_1544 = tpu.vector_load %run_scoped3A_0[%swap3A_1542, %swap3A_1543] {strides = array<i32>} : memref<32x512xf32, #tpu.memory_space<vmem>>, vector<16xf32>,
      tpu.vector_store %run_scoped3A_0[%swap3A_1542, %swap3A_1543], %broadcast_in_dim3A_25 {strides = array<i32>} : memref<32x512xf32, #tpu.memory_space<vmem>>, vector<16xf32>,
      %swap3A_1545 = arith.constant 6 : i32
      %swap3A_1546 = arith.index_cast %swap3A_1545 : i32 to index
      %swap3A_1547 = arith.constant 400 : index
      %swap3A_1548 = tpu.vector_load %run_scoped3A_0[%swap3A_1546, %swap3A_1547] {strides = array<i32>} : memref<32x512xf32, #tpu.memory_space<vmem>>, vector<16xf32>,
      tpu.vector_store %run_scoped3A_0[%swap3A_1546, %swap3A_1547], %broadcast_in_dim3A_25 {strides = array<i32>} : memref<32x512xf32, #tpu.memory_space<vmem>>, vector<16xf32>,
      %swap3A_1549 = arith.constant 6 : i32
      %swap3A_1550 = arith.index_cast %swap3A_1549 : i32 to index
      %swap3A_1551 = arith.constant 416 : index
      %swap3A_1552 = tpu.vector_load %run_scoped3A_0[%swap3A_1550, %swap3A_1551] {strides = array<i32>} : memref<32x512xf32, #tpu.memory_space<vmem>>, vector<16xf32>,
      tpu.vector_store %run_scoped3A_0[%swap3A_1550, %swap3A_1551], %broadcast_in_dim3A_25 {strides = array<i32>} : memref<32x512xf32, #tpu.memory_space<vmem>>, vector<16xf32>,
      %swap3A_1553 = arith.constant 6 : i32
      %swap3A_1554 = arith.index_cast %swap3A_1553 : i32 to index
      %swap3A_1555 = arith.constant 432 : index
      %swap3A_1556 = tpu.vector_load %run_scoped3A_0[%swap3A_1554, %swap3A_1555] {strides = array<i32>} : memref<32x512xf32, #tpu.memory_space<vmem>>, vector<16xf32>,
      tpu.vector_store %run_scoped3A_0[%swap3A_1554, %swap3A_1555], %broadcast_in_dim3A_25 {strides = array<i32>} : memref<32x512xf32, #tpu.memory_space<vmem>>, vector<16xf32>,
      %swap3A_1557 = arith.constant 6 : i32
      %swap3A_1558 = arith.index_cast %swap3A_1557 : i32 to index
      %swap3A_1559 = arith.constant 448 : index
      %swap3A_1560 = tpu.vector_load %run_scoped3A_0[%swap3A_1558, %swap3A_1559] {strides = array<i32>} : memref<32x512xf32, #tpu.memory_space<vmem>>, vector<16xf32>,
      tpu.vector_store %run_scoped3A_0[%swap3A_1558, %swap3A_1559], %broadcast_in_dim3A_25 {strides = array<i32>} : memref<32x512xf32, #tpu.memory_space<vmem>>, vector<16xf32>,
      %swap3A_1561 = arith.constant 6 : i32
      %swap3A_1562 = arith.index_cast %swap3A_1561 : i32 to index
      %swap3A_1563 = arith.constant 464 : index
      %swap3A_1564 = tpu.vector_load %run_scoped3A_0[%swap3A_1562, %swap3A_1563] {strides = array<i32>} : memref<32x512xf32, #tpu.memory_space<vmem>>, vector<16xf32>,
      tpu.vector_store %run_scoped3A_0[%swap3A_1562, %swap3A_1563], %broadcast_in_dim3A_25 {strides = array<i32>} : memref<32x512xf32, #tpu.memory_space<vmem>>, vector<16xf32>,
      %swap3A_1565 = arith.constant 6 : i32
      %swap3A_1566 = arith.index_cast %swap3A_1565 : i32 to index
      %swap3A_1567 = arith.constant 480 : index
      %swap3A_1568 = tpu.vector_load %run_scoped3A_0[%swap3A_1566, %swap3A_1567] {strides = array<i32>} : memref<32x512xf32, #tpu.memory_space<vmem>>, vector<16xf32>,
      tpu.vector_store %run_scoped3A_0[%swap3A_1566, %swap3A_1567], %broadcast_in_dim3A_25 {strides = array<i32>} : memref<32x512xf32, #tpu.memory_space<vmem>>, vector<16xf32>,
      %swap3A_1569 = arith.constant 6 : i32
      %swap3A_1570 = arith.index_cast %swap3A_1569 : i32 to index
      %swap3A_1571 = arith.constant 496 : index
      %swap3A_1572 = tpu.vector_load %run_scoped3A_0[%swap3A_1570, %swap3A_1571] {strides = array<i32>} : memref<32x512xf32, #tpu.memory_space<vmem>>, vector<16xf32>,
      tpu.vector_store %run_scoped3A_0[%swap3A_1570, %swap3A_1571], %broadcast_in_dim3A_25 {strides = array<i32>} : memref<32x512xf32, #tpu.memory_space<vmem>>, vector<16xf32>,
      %swap3A_1573 = arith.constant 7 : i32
      %swap3A_1574 = arith.index_cast %swap3A_1573 : i32 to index
      %swap3A_1575 = arith.constant 0 : index
      %swap3A_1576 = tpu.vector_load %run_scoped3A_0[%swap3A_1574, %swap3A_1575] {strides = array<i32>} : memref<32x512xf32, #tpu.memory_space<vmem>>, vector<16xf32>,
      tpu.vector_store %run_scoped3A_0[%swap3A_1574, %swap3A_1575], %broadcast_in_dim3A_25 {strides = array<i32>} : memref<32x512xf32, #tpu.memory_space<vmem>>, vector<16xf32>,
      %swap3A_1577 = arith.constant 7 : i32
      %swap3A_1578 = arith.index_cast %swap3A_1577 : i32 to index
      %swap3A_1579 = arith.constant 16 : index
      %swap3A_1580 = tpu.vector_load %run_scoped3A_0[%swap3A_1578, %swap3A_1579] {strides = array<i32>} : memref<32x512xf32, #tpu.memory_space<vmem>>, vector<16xf32>,
      tpu.vector_store %run_scoped3A_0[%swap3A_1578, %swap3A_1579], %broadcast_in_dim3A_25 {strides = array<i32>} : memref<32x512xf32, #tpu.memory_space<vmem>>, vector<16xf32>,
      %swap3A_1581 = arith.constant 7 : i32
      %swap3A_1582 = arith.index_cast %swap3A_1581 : i32 to index
      %swap3A_1583 = arith.constant 32 : index
      %swap3A_1584 = tpu.vector_load %run_scoped3A_0[%swap3A_1582, %swap3A_1583] {strides = array<i32>} : memref<32x512xf32, #tpu.memory_space<vmem>>, vector<16xf32>,
      tpu.vector_store %run_scoped3A_0[%swap3A_1582, %swap3A_1583], %broadcast_in_dim3A_25 {strides = array<i32>} : memref<32x512xf32, #tpu.memory_space<vmem>>, vector<16xf32>,
      %swap3A_1585 = arith.constant 7 : i32
      %swap3A_1586 = arith.index_cast %swap3A_1585 : i32 to index
      %swap3A_1587 = arith.constant 48 : index
      %swap3A_1588 = tpu.vector_load %run_scoped3A_0[%swap3A_1586, %swap3A_1587] {strides = array<i32>} : memref<32x512xf32, #tpu.memory_space<vmem>>, vector<16xf32>,
      tpu.vector_store %run_scoped3A_0[%swap3A_1586, %swap3A_1587], %broadcast_in_dim3A_25 {strides = array<i32>} : memref<32x512xf32, #tpu.memory_space<vmem>>, vector<16xf32>,
      %swap3A_1589 = arith.constant 7 : i32
      %swap3A_1590 = arith.index_cast %swap3A_1589 : i32 to index
      %swap3A_1591 = arith.constant 64 : index
      %swap3A_1592 = tpu.vector_load %run_scoped3A_0[%swap3A_1590, %swap3A_1591] {strides = array<i32>} : memref<32x512xf32, #tpu.memory_space<vmem>>, vector<16xf32>,
      tpu.vector_store %run_scoped3A_0[%swap3A_1590, %swap3A_1591], %broadcast_in_dim3A_25 {strides = array<i32>} : memref<32x512xf32, #tpu.memory_space<vmem>>, vector<16xf32>,
      %swap3A_1593 = arith.constant 7 : i32
      %swap3A_1594 = arith.index_cast %swap3A_1593 : i32 to index
      %swap3A_1595 = arith.constant 80 : index
      %swap3A_1596 = tpu.vector_load %run_scoped3A_0[%swap3A_1594, %swap3A_1595] {strides = array<i32>} : memref<32x512xf32, #tpu.memory_space<vmem>>, vector<16xf32>,
      tpu.vector_store %run_scoped3A_0[%swap3A_1594, %swap3A_1595], %broadcast_in_dim3A_25 {strides = array<i32>} : memref<32x512xf32, #tpu.memory_space<vmem>>, vector<16xf32>,
      %swap3A_1597 = arith.constant 7 : i32
      %swap3A_1598 = arith.index_cast %swap3A_1597 : i32 to index
      %swap3A_1599 = arith.constant 96 : index
      %swap3A_1600 = tpu.vector_load %run_scoped3A_0[%swap3A_1598, %swap3A_1599] {strides = array<i32>} : memref<32x512xf32, #tpu.memory_space<vmem>>, vector<16xf32>,
      tpu.vector_store %run_scoped3A_0[%swap3A_1598, %swap3A_1599], %broadcast_in_dim3A_25 {strides = array<i32>} : memref<32x512xf32, #tpu.memory_space<vmem>>, vector<16xf32>,
      %swap3A_1601 = arith.constant 7 : i32
      %swap3A_1602 = arith.index_cast %swap3A_1601 : i32 to index
      %swap3A_1603 = arith.constant 112 : index
      %swap3A_1604 = tpu.vector_load %run_scoped3A_0[%swap3A_1602, %swap3A_1603] {strides = array<i32>} : memref<32x512xf32, #tpu.memory_space<vmem>>, vector<16xf32>,
      tpu.vector_store %run_scoped3A_0[%swap3A_1602, %swap3A_1603], %broadcast_in_dim3A_25 {strides = array<i32>} : memref<32x512xf32, #tpu.memory_space<vmem>>, vector<16xf32>,
      %swap3A_1605 = arith.constant 7 : i32
      %swap3A_1606 = arith.index_cast %swap3A_1605 : i32 to index
      %swap3A_1607 = arith.constant 128 : index
      %swap3A_1608 = tpu.vector_load %run_scoped3A_0[%swap3A_1606, %swap3A_1607] {strides = array<i32>} : memref<32x512xf32, #tpu.memory_space<vmem>>, vector<16xf32>,
      tpu.vector_store %run_scoped3A_0[%swap3A_1606, %swap3A_1607], %broadcast_in_dim3A_25 {strides = array<i32>} : memref<32x512xf32, #tpu.memory_space<vmem>>, vector<16xf32>,
      %swap3A_1609 = arith.constant 7 : i32
      %swap3A_1610 = arith.index_cast %swap3A_1609 : i32 to index
      %swap3A_1611 = arith.constant 144 : index
      %swap3A_1612 = tpu.vector_load %run_scoped3A_0[%swap3A_1610, %swap3A_1611] {strides = array<i32>} : memref<32x512xf32, #tpu.memory_space<vmem>>, vector<16xf32>,
      tpu.vector_store %run_scoped3A_0[%swap3A_1610, %swap3A_1611], %broadcast_in_dim3A_25 {strides = array<i32>} : memref<32x512xf32, #tpu.memory_space<vmem>>, vector<16xf32>,
      %swap3A_1613 = arith.constant 7 : i32
      %swap3A_1614 = arith.index_cast %swap3A_1613 : i32 to index
      %swap3A_1615 = arith.constant 160 : index
      %swap3A_1616 = tpu.vector_load %run_scoped3A_0[%swap3A_1614, %swap3A_1615] {strides = array<i32>} : memref<32x512xf32, #tpu.memory_space<vmem>>, vector<16xf32>,
      tpu.vector_store %run_scoped3A_0[%swap3A_1614, %swap3A_1615], %broadcast_in_dim3A_25 {strides = array<i32>} : memref<32x512xf32, #tpu.memory_space<vmem>>, vector<16xf32>,
      %swap3A_1617 = arith.constant 7 : i32
      %swap3A_1618 = arith.index_cast %swap3A_1617 : i32 to index
      %swap3A_1619 = arith.constant 176 : index
      %swap3A_1620 = tpu.vector_load %run_scoped3A_0[%swap3A_1618, %swap3A_1619] {strides = array<i32>} : memref<32x512xf32, #tpu.memory_space<vmem>>, vector<16xf32>,
      tpu.vector_store %run_scoped3A_0[%swap3A_1618, %swap3A_1619], %broadcast_in_dim3A_25 {strides = array<i32>} : memref<32x512xf32, #tpu.memory_space<vmem>>, vector<16xf32>,
      %swap3A_1621 = arith.constant 7 : i32
      %swap3A_1622 = arith.index_cast %swap3A_1621 : i32 to index
      %swap3A_1623 = arith.constant 192 : index
      %swap3A_1624 = tpu.vector_load %run_scoped3A_0[%swap3A_1622, %swap3A_1623] {strides = array<i32>} : memref<32x512xf32, #tpu.memory_space<vmem>>, vector<16xf32>,
      tpu.vector_store %run_scoped3A_0[%swap3A_1622, %swap3A_1623], %broadcast_in_dim3A_25 {strides = array<i32>} : memref<32x512xf32, #tpu.memory_space<vmem>>, vector<16xf32>,
      %swap3A_1625 = arith.constant 7 : i32
      %swap3A_1626 = arith.index_cast %swap3A_1625 : i32 to index
      %swap3A_1627 = arith.constant 208 : index
      %swap3A_1628 = tpu.vector_load %run_scoped3A_0[%swap3A_1626, %swap3A_1627] {strides = array<i32>} : memref<32x512xf32, #tpu.memory_space<vmem>>, vector<16xf32>,
      tpu.vector_store %run_scoped3A_0[%swap3A_1626, %swap3A_1627], %broadcast_in_dim3A_25 {strides = array<i32>} : memref<32x512xf32, #tpu.memory_space<vmem>>, vector<16xf32>,
      %swap3A_1629 = arith.constant 7 : i32
      %swap3A_1630 = arith.index_cast %swap3A_1629 : i32 to index
      %swap3A_1631 = arith.constant 224 : index
      %swap3A_1632 = tpu.vector_load %run_scoped3A_0[%swap3A_1630, %swap3A_1631] {strides = array<i32>} : memref<32x512xf32, #tpu.memory_space<vmem>>, vector<16xf32>,
      tpu.vector_store %run_scoped3A_0[%swap3A_1630, %swap3A_1631], %broadcast_in_dim3A_25 {strides = array<i32>} : memref<32x512xf32, #tpu.memory_space<vmem>>, vector<16xf32>,
      %swap3A_1633 = arith.constant 7 : i32
      %swap3A_1634 = arith.index_cast %swap3A_1633 : i32 to index
      %swap3A_1635 = arith.constant 240 : index
      %swap3A_1636 = tpu.vector_load %run_scoped3A_0[%swap3A_1634, %swap3A_1635] {strides = array<i32>} : memref<32x512xf32, #tpu.memory_space<vmem>>, vector<16xf32>,
      tpu.vector_store %run_scoped3A_0[%swap3A_1634, %swap3A_1635], %broadcast_in_dim3A_25 {strides = array<i32>} : memref<32x512xf32, #tpu.memory_space<vmem>>, vector<16xf32>,
      %swap3A_1637 = arith.constant 7 : i32
      %swap3A_1638 = arith.index_cast %swap3A_1637 : i32 to index
      %swap3A_1639 = arith.constant 256 : index
      %swap3A_1640 = tpu.vector_load %run_scoped3A_0[%swap3A_1638, %swap3A_1639] {strides = array<i32>} : memref<32x512xf32, #tpu.memory_space<vmem>>, vector<16xf32>,
      tpu.vector_store %run_scoped3A_0[%swap3A_1638, %swap3A_1639], %broadcast_in_dim3A_25 {strides = array<i32>} : memref<32x512xf32, #tpu.memory_space<vmem>>, vector<16xf32>,
      %swap3A_1641 = arith.constant 7 : i32
      %swap3A_1642 = arith.index_cast %swap3A_1641 : i32 to index
      %swap3A_1643 = arith.constant 272 : index
      %swap3A_1644 = tpu.vector_load %run_scoped3A_0[%swap3A_1642, %swap3A_1643] {strides = array<i32>} : memref<32x512xf32, #tpu.memory_space<vmem>>, vector<16xf32>,
      tpu.vector_store %run_scoped3A_0[%swap3A_1642, %swap3A_1643], %broadcast_in_dim3A_25 {strides = array<i32>} : memref<32x512xf32, #tpu.memory_space<vmem>>, vector<16xf32>,
      %swap3A_1645 = arith.constant 7 : i32
      %swap3A_1646 = arith.index_cast %swap3A_1645 : i32 to index
      %swap3A_1647 = arith.constant 288 : index
      %swap3A_1648 = tpu.vector_load %run_scoped3A_0[%swap3A_1646, %swap3A_1647] {strides = array<i32>} : memref<32x512xf32, #tpu.memory_space<vmem>>, vector<16xf32>,
      tpu.vector_store %run_scoped3A_0[%swap3A_1646, %swap3A_1647], %broadcast_in_dim3A_25 {strides = array<i32>} : memref<32x512xf32, #tpu.memory_space<vmem>>, vector<16xf32>,
      %swap3A_1649 = arith.constant 7 : i32
      %swap3A_1650 = arith.index_cast %swap3A_1649 : i32 to index
      %swap3A_1651 = arith.constant 304 : index
      %swap3A_1652 = tpu.vector_load %run_scoped3A_0[%swap3A_1650, %swap3A_1651] {strides = array<i32>} : memref<32x512xf32, #tpu.memory_space<vmem>>, vector<16xf32>,
      tpu.vector_store %run_scoped3A_0[%swap3A_1650, %swap3A_1651], %broadcast_in_dim3A_25 {strides = array<i32>} : memref<32x512xf32, #tpu.memory_space<vmem>>, vector<16xf32>,
      %swap3A_1653 = arith.constant 7 : i32
      %swap3A_1654 = arith.index_cast %swap3A_1653 : i32 to index
      %swap3A_1655 = arith.constant 320 : index
      %swap3A_1656 = tpu.vector_load %run_scoped3A_0[%swap3A_1654, %swap3A_1655] {strides = array<i32>} : memref<32x512xf32, #tpu.memory_space<vmem>>, vector<16xf32>,
      tpu.vector_store %run_scoped3A_0[%swap3A_1654, %swap3A_1655], %broadcast_in_dim3A_25 {strides = array<i32>} : memref<32x512xf32, #tpu.memory_space<vmem>>, vector<16xf32>,
      %swap3A_1657 = arith.constant 7 : i32
      %swap3A_1658 = arith.index_cast %swap3A_1657 : i32 to index
      %swap3A_1659 = arith.constant 336 : index
      %swap3A_1660 = tpu.vector_load %run_scoped3A_0[%swap3A_1658, %swap3A_1659] {strides = array<i32>} : memref<32x512xf32, #tpu.memory_space<vmem>>, vector<16xf32>,
      tpu.vector_store %run_scoped3A_0[%swap3A_1658, %swap3A_1659], %broadcast_in_dim3A_25 {strides = array<i32>} : memref<32x512xf32, #tpu.memory_space<vmem>>, vector<16xf32>,
      %swap3A_1661 = arith.constant 7 : i32
      %swap3A_1662 = arith.index_cast %swap3A_1661 : i32 to index
      %swap3A_1663 = arith.constant 352 : index
      %swap3A_1664 = tpu.vector_load %run_scoped3A_0[%swap3A_1662, %swap3A_1663] {strides = array<i32>} : memref<32x512xf32, #tpu.memory_space<vmem>>, vector<16xf32>,
      tpu.vector_store %run_scoped3A_0[%swap3A_1662, %swap3A_1663], %broadcast_in_dim3A_25 {strides = array<i32>} : memref<32x512xf32, #tpu.memory_space<vmem>>, vector<16xf32>,
      %swap3A_1665 = arith.constant 7 : i32
      %swap3A_1666 = arith.index_cast %swap3A_1665 : i32 to index
      %swap3A_1667 = arith.constant 368 : index
      %swap3A_1668 = tpu.vector_load %run_scoped3A_0[%swap3A_1666, %swap3A_1667] {strides = array<i32>} : memref<32x512xf32, #tpu.memory_space<vmem>>, vector<16xf32>,
      tpu.vector_store %run_scoped3A_0[%swap3A_1666, %swap3A_1667], %broadcast_in_dim3A_25 {strides = array<i32>} : memref<32x512xf32, #tpu.memory_space<vmem>>, vector<16xf32>,
      %swap3A_1669 = arith.constant 7 : i32
      %swap3A_1670 = arith.index_cast %swap3A_1669 : i32 to index
      %swap3A_1671 = arith.constant 384 : index
      %swap3A_1672 = tpu.vector_load %run_scoped3A_0[%swap3A_1670, %swap3A_1671] {strides = array<i32>} : memref<32x512xf32, #tpu.memory_space<vmem>>, vector<16xf32>,
      tpu.vector_store %run_scoped3A_0[%swap3A_1670, %swap3A_1671], %broadcast_in_dim3A_25 {strides = array<i32>} : memref<32x512xf32, #tpu.memory_space<vmem>>, vector<16xf32>,
      %swap3A_1673 = arith.constant 7 : i32
      %swap3A_1674 = arith.index_cast %swap3A_1673 : i32 to index
      %swap3A_1675 = arith.constant 400 : index
      %swap3A_1676 = tpu.vector_load %run_scoped3A_0[%swap3A_1674, %swap3A_1675] {strides = array<i32>} : memref<32x512xf32, #tpu.memory_space<vmem>>, vector<16xf32>,
      tpu.vector_store %run_scoped3A_0[%swap3A_1674, %swap3A_1675], %broadcast_in_dim3A_25 {strides = array<i32>} : memref<32x512xf32, #tpu.memory_space<vmem>>, vector<16xf32>,
      %swap3A_1677 = arith.constant 7 : i32
      %swap3A_1678 = arith.index_cast %swap3A_1677 : i32 to index
      %swap3A_1679 = arith.constant 416 : index
      %swap3A_1680 = tpu.vector_load %run_scoped3A_0[%swap3A_1678, %swap3A_1679] {strides = array<i32>} : memref<32x512xf32, #tpu.memory_space<vmem>>, vector<16xf32>,
      tpu.vector_store %run_scoped3A_0[%swap3A_1678, %swap3A_1679], %broadcast_in_dim3A_25 {strides = array<i32>} : memref<32x512xf32, #tpu.memory_space<vmem>>, vector<16xf32>,
      %swap3A_1681 = arith.constant 7 : i32
      %swap3A_1682 = arith.index_cast %swap3A_1681 : i32 to index
      %swap3A_1683 = arith.constant 432 : index
      %swap3A_1684 = tpu.vector_load %run_scoped3A_0[%swap3A_1682, %swap3A_1683] {strides = array<i32>} : memref<32x512xf32, #tpu.memory_space<vmem>>, vector<16xf32>,
      tpu.vector_store %run_scoped3A_0[%swap3A_1682, %swap3A_1683], %broadcast_in_dim3A_25 {strides = array<i32>} : memref<32x512xf32, #tpu.memory_space<vmem>>, vector<16xf32>,
      %swap3A_1685 = arith.constant 7 : i32
      %swap3A_1686 = arith.index_cast %swap3A_1685 : i32 to index
      %swap3A_1687 = arith.constant 448 : index
      %swap3A_1688 = tpu.vector_load %run_scoped3A_0[%swap3A_1686, %swap3A_1687] {strides = array<i32>} : memref<32x512xf32, #tpu.memory_space<vmem>>, vector<16xf32>,
      tpu.vector_store %run_scoped3A_0[%swap3A_1686, %swap3A_1687], %broadcast_in_dim3A_25 {strides = array<i32>} : memref<32x512xf32, #tpu.memory_space<vmem>>, vector<16xf32>,
      %swap3A_1689 = arith.constant 7 : i32
      %swap3A_1690 = arith.index_cast %swap3A_1689 : i32 to index
      %swap3A_1691 = arith.constant 464 : index
      %swap3A_1692 = tpu.vector_load %run_scoped3A_0[%swap3A_1690, %swap3A_1691] {strides = array<i32>} : memref<32x512xf32, #tpu.memory_space<vmem>>, vector<16xf32>,
      tpu.vector_store %run_scoped3A_0[%swap3A_1690, %swap3A_1691], %broadcast_in_dim3A_25 {strides = array<i32>} : memref<32x512xf32, #tpu.memory_space<vmem>>, vector<16xf32>,
      %swap3A_1693 = arith.constant 7 : i32
      %swap3A_1694 = arith.index_cast %swap3A_1693 : i32 to index
      %swap3A_1695 = arith.constant 480 : index
      %swap3A_1696 = tpu.vector_load %run_scoped3A_0[%swap3A_1694, %swap3A_1695] {strides = array<i32>} : memref<32x512xf32, #tpu.memory_space<vmem>>, vector<16xf32>,
      tpu.vector_store %run_scoped3A_0[%swap3A_1694, %swap3A_1695], %broadcast_in_dim3A_25 {strides = array<i32>} : memref<32x512xf32, #tpu.memory_space<vmem>>, vector<16xf32>,
      %swap3A_1697 = arith.constant 7 : i32
      %swap3A_1698 = arith.index_cast %swap3A_1697 : i32 to index
      %swap3A_1699 = arith.constant 496 : index
      %swap3A_1700 = tpu.vector_load %run_scoped3A_0[%swap3A_1698, %swap3A_1699] {strides = array<i32>} : memref<32x512xf32, #tpu.memory_space<vmem>>, vector<16xf32>,
      tpu.vector_store %run_scoped3A_0[%swap3A_1698, %swap3A_1699], %broadcast_in_dim3A_25 {strides = array<i32>} : memref<32x512xf32, #tpu.memory_space<vmem>>, vector<16xf32>,
      %mul3A_1701 = arith.constant 24 : i32
      %mul3A_1702 = arith.muli %add3A_1391, %mul3A_1701 : i32
      "tpu.region"() ({
        %run_scoped3A_2212 = tpu.sem_alloc : memref<!tpu.dma_semaphore, #tpu.memory_space<semaphore_mem>>
        %dma_start3A_2213 = arith.constant 0 : i32
        %dma_start3A_2214 = arith.constant 0 : i32
        %dma_start3A_2215 = tpu.memref_slice %run_scoped3A[%dma_start3A_2213, %dma_start3A_2214] : memref<32x512xf32, #tpu.memory_space<vmem>> -> memref<8x512xf32, #tpu.memory_space<vmem>>
        %dma_start3A_2216 = arith.constant 0 : i32
        %dma_start3A_2217 = tpu.memref_slice %arg9[%mul3A_1702, %dma_start3A_2216] : memref<1152x512xf32, #tpu.memory_space<vmem_shared>> -> memref<8x512xf32, #tpu.memory_space<vmem_shared>>
        %dma_start3A_2218 = arith.constant 0 : i32
        %dma_start3A_2219 = tpu.memref_slice %arg9[%mul3A_1702, %dma_start3A_2218] : memref<1152x512xf32, #tpu.memory_space<vmem_shared>> -> memref<8x512xf32, #tpu.memory_space<vmem_shared>>
        %dma_start3A_2220 = arith.constant 0 : i32
        %dma_start3A_2221 = arith.constant 0 : i32
        %dma_start3A_2222 = tpu.memref_slice %run_scoped3A[%dma_start3A_2220, %dma_start3A_2221] : memref<32x512xf32, #tpu.memory_space<vmem>> -> memref<8x512xf32, #tpu.memory_space<vmem>>
        tpu.enqueue_dma source(%dma_start3A_2222 : memref<8x512xf32, #tpu.memory_space<vmem>>) target(%dma_start3A_2219 : memref<8x512xf32, #tpu.memory_space<vmem_shared>>) target_semaphore(%run_scoped3A_2212 : memref<!tpu.dma_semaphore, #tpu.memory_space<semaphore_mem>>)
        %dma_wait3A_2223 = arith.constant 0 : i32
        %dma_wait3A_2224 = arith.constant 0 : i32
        %dma_wait3A_2225 = tpu.memref_slice %run_scoped3A[%dma_wait3A_2223, %dma_wait3A_2224] : memref<32x512xf32, #tpu.memory_space<vmem>> -> memref<8x512xf32, #tpu.memory_space<vmem>>
        %dma_wait3A_2226 = arith.constant 0 : i32
        %dma_wait3A_2227 = tpu.memref_slice %arg9[%mul3A_1702, %dma_wait3A_2226] : memref<1152x512xf32, #tpu.memory_space<vmem_shared>> -> memref<8x512xf32, #tpu.memory_space<vmem_shared>>
        %dma_wait3A_2228 = arith.constant 0 : i32
        %dma_wait3A_2229 = tpu.memref_slice %arg9[%mul3A_1702, %dma_wait3A_2228] : memref<1152x512xf32, #tpu.memory_space<vmem_shared>> -> memref<8x512xf32, #tpu.memory_space<vmem_shared>>
        %dma_wait3A_2230 = arith.constant 0 : i32
        %dma_wait3A_2231 = arith.constant 0 : i32
        %dma_wait3A_2232 = tpu.memref_slice %run_scoped3A[%dma_wait3A_2230, %dma_wait3A_2231] : memref<32x512xf32, #tpu.memory_space<vmem>> -> memref<8x512xf32, #tpu.memory_space<vmem>>
        tpu.wait_dma2 semaphore(%run_scoped3A_2212 : memref<!tpu.dma_semaphore, #tpu.memory_space<semaphore_mem>>) src(%dma_wait3A_2232 : memref<8x512xf32, #tpu.memory_space<vmem>>) dst(%dma_wait3A_2229 : memref<8x512xf32, #tpu.memory_space<vmem_shared>>)
        tpu.yield
      }) : () -> ()
      %mul3A_1703 = arith.constant 24 : i32
      %mul3A_1704 = arith.muli %add3A_1391, %mul3A_1703 : i32
      %add3A_1705 = arith.constant 8 : i32
      %add3A_1706 = arith.addi %mul3A_1704, %add3A_1705 : i32
      "tpu.region"() ({
        %run_scoped3A_2212 = tpu.sem_alloc : memref<!tpu.dma_semaphore, #tpu.memory_space<semaphore_mem>>
        %dma_start3A_2213 = arith.constant 0 : i32
        %dma_start3A_2214 = arith.constant 0 : i32
        %dma_start3A_2215 = tpu.memref_slice %run_scoped3A_0[%dma_start3A_2213, %dma_start3A_2214] : memref<32x512xf32, #tpu.memory_space<vmem>> -> memref<8x512xf32, #tpu.memory_space<vmem>>
        %dma_start3A_2216 = arith.constant 0 : i32
        %dma_start3A_2217 = tpu.memref_slice %arg9[%add3A_1706, %dma_start3A_2216] : memref<1152x512xf32, #tpu.memory_space<vmem_shared>> -> memref<8x512xf32, #tpu.memory_space<vmem_shared>>
        %dma_start3A_2218 = arith.constant 0 : i32
        %dma_start3A_2219 = tpu.memref_slice %arg9[%add3A_1706, %dma_start3A_2218] : memref<1152x512xf32, #tpu.memory_space<vmem_shared>> -> memref<8x512xf32, #tpu.memory_space<vmem_shared>>
        %dma_start3A_2220 = arith.constant 0 : i32
        %dma_start3A_2221 = arith.constant 0 : i32
        %dma_start3A_2222 = tpu.memref_slice %run_scoped3A_0[%dma_start3A_2220, %dma_start3A_2221] : memref<32x512xf32, #tpu.memory_space<vmem>> -> memref<8x512xf32, #tpu.memory_space<vmem>>
        tpu.enqueue_dma source(%dma_start3A_2222 : memref<8x512xf32, #tpu.memory_space<vmem>>) target(%dma_start3A_2219 : memref<8x512xf32, #tpu.memory_space<vmem_shared>>) target_semaphore(%run_scoped3A_2212 : memref<!tpu.dma_semaphore, #tpu.memory_space<semaphore_mem>>)
        %dma_wait3A_2223 = arith.constant 0 : i32
        %dma_wait3A_2224 = arith.constant 0 : i32
        %dma_wait3A_2225 = tpu.memref_slice %run_scoped3A_0[%dma_wait3A_2223, %dma_wait3A_2224] : memref<32x512xf32, #tpu.memory_space<vmem>> -> memref<8x512xf32, #tpu.memory_space<vmem>>
        %dma_wait3A_2226 = arith.constant 0 : i32
        %dma_wait3A_2227 = tpu.memref_slice %arg9[%add3A_1706, %dma_wait3A_2226] : memref<1152x512xf32, #tpu.memory_space<vmem_shared>> -> memref<8x512xf32, #tpu.memory_space<vmem_shared>>
        %dma_wait3A_2228 = arith.constant 0 : i32
        %dma_wait3A_2229 = tpu.memref_slice %arg9[%add3A_1706, %dma_wait3A_2228] : memref<1152x512xf32, #tpu.memory_space<vmem_shared>> -> memref<8x512xf32, #tpu.memory_space<vmem_shared>>
        %dma_wait3A_2230 = arith.constant 0 : i32
        %dma_wait3A_2231 = arith.constant 0 : i32
        %dma_wait3A_2232 = tpu.memref_slice %run_scoped3A_0[%dma_wait3A_2230, %dma_wait3A_2231] : memref<32x512xf32, #tpu.memory_space<vmem>> -> memref<8x512xf32, #tpu.memory_space<vmem>>
        tpu.wait_dma2 semaphore(%run_scoped3A_2212 : memref<!tpu.dma_semaphore, #tpu.memory_space<semaphore_mem>>) src(%dma_wait3A_2232 : memref<8x512xf32, #tpu.memory_space<vmem>>) dst(%dma_wait3A_2229 : memref<8x512xf32, #tpu.memory_space<vmem_shared>>)
        tpu.yield
      }) : () -> ()
      %mul3A_1707 = arith.constant 24 : i32
      %mul3A_1708 = arith.muli %add3A_1391, %mul3A_1707 : i32
      %add3A_1709 = arith.constant 16 : i32
      %add3A_1710 = arith.addi %mul3A_1708, %add3A_1709 : i32
      "tpu.region"() ({
        %run_scoped3A_2212 = tpu.sem_alloc : memref<!tpu.dma_semaphore, #tpu.memory_space<semaphore_mem>>
        %dma_start3A_2213 = arith.constant 0 : i32
        %dma_start3A_2214 = arith.constant 0 : i32
        %dma_start3A_2215 = tpu.memref_slice %run_scoped3A_1[%dma_start3A_2213, %dma_start3A_2214] : memref<32x512xf32, #tpu.memory_space<vmem>> -> memref<8x512xf32, #tpu.memory_space<vmem>>
        %dma_start3A_2216 = arith.constant 0 : i32
        %dma_start3A_2217 = tpu.memref_slice %arg9[%add3A_1710, %dma_start3A_2216] : memref<1152x512xf32, #tpu.memory_space<vmem_shared>> -> memref<8x512xf32, #tpu.memory_space<vmem_shared>>
        %dma_start3A_2218 = arith.constant 0 : i32
        %dma_start3A_2219 = tpu.memref_slice %arg9[%add3A_1710, %dma_start3A_2218] : memref<1152x512xf32, #tpu.memory_space<vmem_shared>> -> memref<8x512xf32, #tpu.memory_space<vmem_shared>>
        %dma_start3A_2220 = arith.constant 0 : i32
        %dma_start3A_2221 = arith.constant 0 : i32
        %dma_start3A_2222 = tpu.memref_slice %run_scoped3A_1[%dma_start3A_2220, %dma_start3A_2221] : memref<32x512xf32, #tpu.memory_space<vmem>> -> memref<8x512xf32, #tpu.memory_space<vmem>>
        tpu.enqueue_dma source(%dma_start3A_2222 : memref<8x512xf32, #tpu.memory_space<vmem>>) target(%dma_start3A_2219 : memref<8x512xf32, #tpu.memory_space<vmem_shared>>) target_semaphore(%run_scoped3A_2212 : memref<!tpu.dma_semaphore, #tpu.memory_space<semaphore_mem>>)
        %dma_wait3A_2223 = arith.constant 0 : i32
        %dma_wait3A_2224 = arith.constant 0 : i32
        %dma_wait3A_2225 = tpu.memref_slice %run_scoped3A_1[%dma_wait3A_2223, %dma_wait3A_2224] : memref<32x512xf32, #tpu.memory_space<vmem>> -> memref<8x512xf32, #tpu.memory_space<vmem>>
        %dma_wait3A_2226 = arith.constant 0 : i32
        %dma_wait3A_2227 = tpu.memref_slice %arg9[%add3A_1710, %dma_wait3A_2226] : memref<1152x512xf32, #tpu.memory_space<vmem_shared>> -> memref<8x512xf32, #tpu.memory_space<vmem_shared>>
        %dma_wait3A_2228 = arith.constant 0 : i32
        %dma_wait3A_2229 = tpu.memref_slice %arg9[%add3A_1710, %dma_wait3A_2228] : memref<1152x512xf32, #tpu.memory_space<vmem_shared>> -> memref<8x512xf32, #tpu.memory_space<vmem_shared>>
        %dma_wait3A_2230 = arith.constant 0 : i32
        %dma_wait3A_2231 = arith.constant 0 : i32
        %dma_wait3A_2232 = tpu.memref_slice %run_scoped3A_1[%dma_wait3A_2230, %dma_wait3A_2231] : memref<32x512xf32, #tpu.memory_space<vmem>> -> memref<8x512xf32, #tpu.memory_space<vmem>>
        tpu.wait_dma2 semaphore(%run_scoped3A_2212 : memref<!tpu.dma_semaphore, #tpu.memory_space<semaphore_mem>>) src(%dma_wait3A_2232 : memref<8x512xf32, #tpu.memory_space<vmem>>) dst(%dma_wait3A_2229 : memref<8x512xf32, #tpu.memory_space<vmem_shared>>)
        tpu.yield
      }) : () -> ()
      %gather3A_1711 = tpu.vector_load_idx %run_scoped3A[%iota3A, %broadcast_in_dim3A_27] : memref<32x512xf32, #tpu.memory_space<vmem>>[vector<16xi32>, vector<16xi32>], vector<16xf32>,
      %sub3A_1712 = arith.constant 8 : i32
      %sub3A_1713 = vector.broadcast %sub3A_1712 : i32 to vector<16xi32>
      %sub3A_1714 = arith.subi %iota3A, %sub3A_1713 : vector<16xi32>
      %jit3A_1715 = arith.constant 0 : i32
      %jit3A_1716 = arith.constant 15 : i32
      %max3A_1717 = vector.broadcast %jit3A_1715 : i32 to vector<16xi32>
      %max3A_1718 = arith.maxsi %max3A_1717, %sub3A_1714 : vector<16xi32>
      %min3A_1719 = vector.broadcast %jit3A_1716 : i32 to vector<16xi32>
      %min3A_1720 = arith.minsi %min3A_1719, %max3A_1718 : vector<16xi32>
      %gather3A_1721 = tpu.vector_load_idx %run_scoped3A_0[%min3A_1720, %broadcast_in_dim3A_27] : memref<32x512xf32, #tpu.memory_space<vmem>>[vector<16xi32>, vector<16xi32>], vector<16xf32>,
      %lt3A_1722 = arith.constant 8 : i32
      %lt3A_1723 = vector.broadcast %lt3A_1722 : i32 to vector<16xi32>
      %lt3A_1724 = arith.cmpi slt, %iota3A, %lt3A_1723 : vector<16xi32>
      %select_n3A_1725 = arith.select %lt3A_1724, %gather3A_1711, %gather3A_1721 : vector<16xi1>, vector<16xf32>
      %lt3A_1726 = arith.constant 14 : i32
      %lt3A_1727 = vector.broadcast %lt3A_1726 : i32 to vector<16xi32>
      %lt3A_1728 = arith.cmpi slt, %iota3A, %lt3A_1727 : vector<16xi32>
      %ne3A_1729 = arith.constant 0.000000e+00 : f32
      %ne3A_1730 = vector.broadcast %ne3A_1729 : f32 to vector<16xf32>
      %ne3A_1731 = arith.cmpf one, %select_n3A_1725, %ne3A_1730 : vector<16xf32>
      %select_n3A_1732 = arith.select %ne3A_1731, %broadcast_in_dim3A_29, %broadcast_in_dim3A_25 : vector<16xi1>, vector<16xf32>
      %select_n3A_1733 = arith.select %lt3A_1728, %select_n3A_1732, %broadcast_in_dim3A_25 : vector<16xi1>, vector<16xf32>
      %swap3A_1734 = arith.constant 0 : index
      %swap3A_1735 = tpu.vector_load %run_scoped3A_12[%swap3A_1734] {strides = array<i32>} : memref<16xf32, #tpu.memory_space<vmem>>, vector<16xf32>,
      tpu.vector_store %run_scoped3A_12[%swap3A_1734], %select_n3A_1733 {strides = array<i32>} : memref<16xf32, #tpu.memory_space<vmem>>, vector<16xf32>,
      %mul3A_1736 = arith.constant 16 : i32
      %mul3A_1737 = arith.muli %add3A_1391, %mul3A_1736 : i32
      "tpu.region"() ({
        %run_scoped3A_2212 = tpu.sem_alloc : memref<!tpu.dma_semaphore, #tpu.memory_space<semaphore_mem>>
        %dma_start3A_2213 = tpu.memref_slice %arg10[%mul3A_1737] : memref<768xf32, #tpu.memory_space<vmem_shared>> -> memref<16xf32, #tpu.memory_space<vmem_shared>>
        %dma_start3A_2214 = tpu.memref_slice %arg10[%mul3A_1737] : memref<768xf32, #tpu.memory_space<vmem_shared>> -> memref<16xf32, #tpu.memory_space<vmem_shared>>
        tpu.enqueue_dma source(%run_scoped3A_12 : memref<16xf32, #tpu.memory_space<vmem>>) target(%dma_start3A_2214 : memref<16xf32, #tpu.memory_space<vmem_shared>>) target_semaphore(%run_scoped3A_2212 : memref<!tpu.dma_semaphore, #tpu.memory_space<semaphore_mem>>)
        %dma_wait3A_2215 = tpu.memref_slice %arg10[%mul3A_1737] : memref<768xf32, #tpu.memory_space<vmem_shared>> -> memref<16xf32, #tpu.memory_space<vmem_shared>>
        %dma_wait3A_2216 = tpu.memref_slice %arg10[%mul3A_1737] : memref<768xf32, #tpu.memory_space<vmem_shared>> -> memref<16xf32, #tpu.memory_space<vmem_shared>>
        tpu.wait_dma2 semaphore(%run_scoped3A_2212 : memref<!tpu.dma_semaphore, #tpu.memory_space<semaphore_mem>>) src(%run_scoped3A_12 : memref<16xf32, #tpu.memory_space<vmem>>) dst(%dma_wait3A_2216 : memref<16xf32, #tpu.memory_space<vmem_shared>>)
        tpu.yield
      }) : () -> ()
      %add3A_1738 = arith.constant 32 : i32
      %add3A_1739 = arith.addi %arg1, %add3A_1738 : i32
      %mul3A_1740 = arith.constant 8 : i32
      %mul3A_1741 = arith.muli %add3A_1739, %mul3A_1740 : i32
      %add3A_1742 = vector.broadcast %mul3A_1741 : i32 to vector<16xi32>
      %add3A_1743 = arith.addi %add3A_1742, %iota3A : vector<16xi32>
      %min3A_1744 = arith.constant 383 : i32
      %min3A_1745 = vector.broadcast %min3A_1744 : i32 to vector<16xi32>
      %min3A_1746 = arith.minsi %add3A_1743, %min3A_1745 : vector<16xi32>
      %swap3A_1747 = arith.constant 0 : index
      %swap3A_1748 = tpu.vector_load %run_scoped3A_7[%swap3A_1747] {strides = array<i32>} : memref<16xi32, #tpu.memory_space<vmem>>, vector<16xi32>,
      tpu.vector_store %run_scoped3A_7[%swap3A_1747], %min3A_1746 {strides = array<i32>} : memref<16xi32, #tpu.memory_space<vmem>>, vector<16xi32>,
      %dma_start3A_1749 = arith.constant 0 : i32
      %dma_start3A_1750 = arith.constant 0 : i32
      %dma_start3A_1751 = tpu.memref_slice %run_scoped3A[%dma_start3A_1749, %dma_start3A_1750] : memref<32x512xf32, #tpu.memory_space<vmem>> -> memref<16x512xf32, #tpu.memory_space<vmem>>
      %dma_start3A_1752 = arith.constant 0 : i32
      %dma_start3A_1753 = arith.constant 0 : i32
      %dma_start3A_1754 = tpu.memref_slice %arg3[%dma_start3A_1752, %dma_start3A_1753] : memref<384x512xf32, #tpu.memory_space<hbm>> -> memref<384x512xf32, #tpu.memory_space<hbm>>
      tpu.enqueue_indirect_dma source(%dma_start3A_1754 : memref<384x512xf32, #tpu.memory_space<hbm>>) target(%dma_start3A_1751 : memref<16x512xf32, #tpu.memory_space<vmem>>) offsets(%run_scoped3A_7 : memref<16xi32, #tpu.memory_space<vmem>>) semaphore(%run_scoped3A_14 : memref<!tpu.dma_semaphore, #tpu.memory_space<semaphore_mem>>)
      %dma_wait3A_1755 = arith.constant 0 : i32
      %dma_wait3A_1756 = arith.constant 0 : i32
      %dma_wait3A_1757 = tpu.memref_slice %run_scoped3A[%dma_wait3A_1755, %dma_wait3A_1756] : memref<32x512xf32, #tpu.memory_space<vmem>> -> memref<16x512xf32, #tpu.memory_space<vmem>>
      %dma_wait3A_1758 = arith.constant 0 : i32
      %dma_wait3A_1759 = arith.constant 0 : i32
      %dma_wait3A_1760 = tpu.memref_slice %arg3[%dma_wait3A_1758, %dma_wait3A_1759] : memref<384x512xf32, #tpu.memory_space<hbm>> -> memref<384x512xf32, #tpu.memory_space<hbm>>
      tpu.wait_indirect_dma semaphore(%run_scoped3A_14 : memref<!tpu.dma_semaphore, #tpu.memory_space<semaphore_mem>>) src(%dma_wait3A_1760 : memref<384x512xf32, #tpu.memory_space<hbm>>) dst(%dma_wait3A_1757 : memref<16x512xf32, #tpu.memory_space<vmem>>)
      %mul3A_1761 = arith.constant 5 : i32
      %mul3A_1762 = arith.muli %add3A_1739, %mul3A_1761 : i32
      %add3A_1763 = vector.broadcast %mul3A_1762 : i32 to vector<16xi32>
      %add3A_1764 = arith.addi %add3A_1763, %iota3A : vector<16xi32>
      %min3A_1765 = arith.constant 239 : i32
      %min3A_1766 = vector.broadcast %min3A_1765 : i32 to vector<16xi32>
      %min3A_1767 = arith.minsi %add3A_1764, %min3A_1766 : vector<16xi32>
      %gather3A_1768 = tpu.vector_load_idx %run_scoped3A_10[%min3A_1767] : memref<240xi32, #tpu.memory_space<vmem>>[vector<16xi32>], vector<16xi32>,
      %lt3A_1769 = arith.constant 5 : i32
      %lt3A_1770 = vector.broadcast %lt3A_1769 : i32 to vector<16xi32>
      %lt3A_1771 = arith.cmpi slt, %iota3A, %lt3A_1770 : vector<16xi32>
      %eq3A_1772 = arith.constant 5 : i32
      %eq3A_1773 = vector.broadcast %eq3A_1772 : i32 to vector<16xi32>
      %eq3A_1774 = arith.cmpi eq, %iota3A, %eq3A_1773 : vector<16xi32>
      %broadcast_in_dim3A_1775 = arith.constant 49407 : i32
      %broadcast_in_dim3A_1776 = vector.broadcast %broadcast_in_dim3A_1775 : i32 to vector<16xi32>
      %select_n3A_1777 = arith.select %eq3A_1774, %broadcast_in_dim3A_1776, %broadcast_in_dim3A_27 : vector<16xi1>, vector<16xi32>
      %select_n3A_1778 = arith.select %lt3A_1771, %gather3A_1768, %select_n3A_1777 : vector<16xi1>, vector<16xi32>
      %swap3A_1779 = arith.constant 0 : index
      %swap3A_1780 = tpu.vector_load %run_scoped3A_7[%swap3A_1779] {strides = array<i32>} : memref<16xi32, #tpu.memory_space<vmem>>, vector<16xi32>,
      tpu.vector_store %run_scoped3A_7[%swap3A_1779], %select_n3A_1778 {strides = array<i32>} : memref<16xi32, #tpu.memory_space<vmem>>, vector<16xi32>,
      %dma_start3A_1781 = arith.constant 0 : i32
      %dma_start3A_1782 = arith.constant 0 : i32
      %dma_start3A_1783 = tpu.memref_slice %run_scoped3A_0[%dma_start3A_1781, %dma_start3A_1782] : memref<32x512xf32, #tpu.memory_space<vmem>> -> memref<16x512xf32, #tpu.memory_space<vmem>>
      %dma_start3A_1784 = arith.constant 0 : i32
      %dma_start3A_1785 = arith.constant 0 : i32
      %dma_start3A_1786 = tpu.memref_slice %arg2[%dma_start3A_1784, %dma_start3A_1785] : memref<49408x512xf32, #tpu.memory_space<hbm>> -> memref<49408x512xf32, #tpu.memory_space<hbm>>
      tpu.enqueue_indirect_dma source(%dma_start3A_1786 : memref<49408x512xf32, #tpu.memory_space<hbm>>) target(%dma_start3A_1783 : memref<16x512xf32, #tpu.memory_space<vmem>>) offsets(%run_scoped3A_7 : memref<16xi32, #tpu.memory_space<vmem>>) semaphore(%run_scoped3A_14 : memref<!tpu.dma_semaphore, #tpu.memory_space<semaphore_mem>>)
      %dma_wait3A_1787 = arith.constant 0 : i32
      %dma_wait3A_1788 = arith.constant 0 : i32
      %dma_wait3A_1789 = tpu.memref_slice %run_scoped3A_0[%dma_wait3A_1787, %dma_wait3A_1788] : memref<32x512xf32, #tpu.memory_space<vmem>> -> memref<16x512xf32, #tpu.memory_space<vmem>>
      %dma_wait3A_1790 = arith.constant 0 : i32
      %dma_wait3A_1791 = arith.constant 0 : i32
      %dma_wait3A_1792 = tpu.memref_slice %arg2[%dma_wait3A_1790, %dma_wait3A_1791] : memref<49408x512xf32, #tpu.memory_space<hbm>> -> memref<49408x512xf32, #tpu.memory_space<hbm>>
      tpu.wait_indirect_dma semaphore(%run_scoped3A_14 : memref<!tpu.dma_semaphore, #tpu.memory_space<semaphore_mem>>) src(%dma_wait3A_1792 : memref<49408x512xf32, #tpu.memory_space<hbm>>) dst(%dma_wait3A_1789 : memref<16x512xf32, #tpu.memory_space<vmem>>)
      %swap3A_1793 = arith.constant 6 : i32
      %swap3A_1794 = arith.index_cast %swap3A_1793 : i32 to index
      %swap3A_1795 = arith.constant 0 : index
      %swap3A_1796 = tpu.vector_load %run_scoped3A_0[%swap3A_1794, %swap3A_1795] {strides = array<i32>} : memref<32x512xf32, #tpu.memory_space<vmem>>, vector<16xf32>,
      tpu.vector_store %run_scoped3A_0[%swap3A_1794, %swap3A_1795], %broadcast_in_dim3A_25 {strides = array<i32>} : memref<32x512xf32, #tpu.memory_space<vmem>>, vector<16xf32>,
      %swap3A_1797 = arith.constant 6 : i32
      %swap3A_1798 = arith.index_cast %swap3A_1797 : i32 to index
      %swap3A_1799 = arith.constant 16 : index
      %swap3A_1800 = tpu.vector_load %run_scoped3A_0[%swap3A_1798, %swap3A_1799] {strides = array<i32>} : memref<32x512xf32, #tpu.memory_space<vmem>>, vector<16xf32>,
      tpu.vector_store %run_scoped3A_0[%swap3A_1798, %swap3A_1799], %broadcast_in_dim3A_25 {strides = array<i32>} : memref<32x512xf32, #tpu.memory_space<vmem>>, vector<16xf32>,
      %swap3A_1801 = arith.constant 6 : i32
      %swap3A_1802 = arith.index_cast %swap3A_1801 : i32 to index
      %swap3A_1803 = arith.constant 32 : index
      %swap3A_1804 = tpu.vector_load %run_scoped3A_0[%swap3A_1802, %swap3A_1803] {strides = array<i32>} : memref<32x512xf32, #tpu.memory_space<vmem>>, vector<16xf32>,
      tpu.vector_store %run_scoped3A_0[%swap3A_1802, %swap3A_1803], %broadcast_in_dim3A_25 {strides = array<i32>} : memref<32x512xf32, #tpu.memory_space<vmem>>, vector<16xf32>,
      %swap3A_1805 = arith.constant 6 : i32
      %swap3A_1806 = arith.index_cast %swap3A_1805 : i32 to index
      %swap3A_1807 = arith.constant 48 : index
      %swap3A_1808 = tpu.vector_load %run_scoped3A_0[%swap3A_1806, %swap3A_1807] {strides = array<i32>} : memref<32x512xf32, #tpu.memory_space<vmem>>, vector<16xf32>,
      tpu.vector_store %run_scoped3A_0[%swap3A_1806, %swap3A_1807], %broadcast_in_dim3A_25 {strides = array<i32>} : memref<32x512xf32, #tpu.memory_space<vmem>>, vector<16xf32>,
      %swap3A_1809 = arith.constant 6 : i32
      %swap3A_1810 = arith.index_cast %swap3A_1809 : i32 to index
      %swap3A_1811 = arith.constant 64 : index
      %swap3A_1812 = tpu.vector_load %run_scoped3A_0[%swap3A_1810, %swap3A_1811] {strides = array<i32>} : memref<32x512xf32, #tpu.memory_space<vmem>>, vector<16xf32>,
      tpu.vector_store %run_scoped3A_0[%swap3A_1810, %swap3A_1811], %broadcast_in_dim3A_25 {strides = array<i32>} : memref<32x512xf32, #tpu.memory_space<vmem>>, vector<16xf32>,
      %swap3A_1813 = arith.constant 6 : i32
      %swap3A_1814 = arith.index_cast %swap3A_1813 : i32 to index
      %swap3A_1815 = arith.constant 80 : index
      %swap3A_1816 = tpu.vector_load %run_scoped3A_0[%swap3A_1814, %swap3A_1815] {strides = array<i32>} : memref<32x512xf32, #tpu.memory_space<vmem>>, vector<16xf32>,
      tpu.vector_store %run_scoped3A_0[%swap3A_1814, %swap3A_1815], %broadcast_in_dim3A_25 {strides = array<i32>} : memref<32x512xf32, #tpu.memory_space<vmem>>, vector<16xf32>,
      %swap3A_1817 = arith.constant 6 : i32
      %swap3A_1818 = arith.index_cast %swap3A_1817 : i32 to index
      %swap3A_1819 = arith.constant 96 : index
      %swap3A_1820 = tpu.vector_load %run_scoped3A_0[%swap3A_1818, %swap3A_1819] {strides = array<i32>} : memref<32x512xf32, #tpu.memory_space<vmem>>, vector<16xf32>,
      tpu.vector_store %run_scoped3A_0[%swap3A_1818, %swap3A_1819], %broadcast_in_dim3A_25 {strides = array<i32>} : memref<32x512xf32, #tpu.memory_space<vmem>>, vector<16xf32>,
      %swap3A_1821 = arith.constant 6 : i32
      %swap3A_1822 = arith.index_cast %swap3A_1821 : i32 to index
      %swap3A_1823 = arith.constant 112 : index
      %swap3A_1824 = tpu.vector_load %run_scoped3A_0[%swap3A_1822, %swap3A_1823] {strides = array<i32>} : memref<32x512xf32, #tpu.memory_space<vmem>>, vector<16xf32>,
      tpu.vector_store %run_scoped3A_0[%swap3A_1822, %swap3A_1823], %broadcast_in_dim3A_25 {strides = array<i32>} : memref<32x512xf32, #tpu.memory_space<vmem>>, vector<16xf32>,
      %swap3A_1825 = arith.constant 6 : i32
      %swap3A_1826 = arith.index_cast %swap3A_1825 : i32 to index
      %swap3A_1827 = arith.constant 128 : index
      %swap3A_1828 = tpu.vector_load %run_scoped3A_0[%swap3A_1826, %swap3A_1827] {strides = array<i32>} : memref<32x512xf32, #tpu.memory_space<vmem>>, vector<16xf32>,
      tpu.vector_store %run_scoped3A_0[%swap3A_1826, %swap3A_1827], %broadcast_in_dim3A_25 {strides = array<i32>} : memref<32x512xf32, #tpu.memory_space<vmem>>, vector<16xf32>,
      %swap3A_1829 = arith.constant 6 : i32
      %swap3A_1830 = arith.index_cast %swap3A_1829 : i32 to index
      %swap3A_1831 = arith.constant 144 : index
      %swap3A_1832 = tpu.vector_load %run_scoped3A_0[%swap3A_1830, %swap3A_1831] {strides = array<i32>} : memref<32x512xf32, #tpu.memory_space<vmem>>, vector<16xf32>,
      tpu.vector_store %run_scoped3A_0[%swap3A_1830, %swap3A_1831], %broadcast_in_dim3A_25 {strides = array<i32>} : memref<32x512xf32, #tpu.memory_space<vmem>>, vector<16xf32>,
      %swap3A_1833 = arith.constant 6 : i32
      %swap3A_1834 = arith.index_cast %swap3A_1833 : i32 to index
      %swap3A_1835 = arith.constant 160 : index
      %swap3A_1836 = tpu.vector_load %run_scoped3A_0[%swap3A_1834, %swap3A_1835] {strides = array<i32>} : memref<32x512xf32, #tpu.memory_space<vmem>>, vector<16xf32>,
      tpu.vector_store %run_scoped3A_0[%swap3A_1834, %swap3A_1835], %broadcast_in_dim3A_25 {strides = array<i32>} : memref<32x512xf32, #tpu.memory_space<vmem>>, vector<16xf32>,
      %swap3A_1837 = arith.constant 6 : i32
      %swap3A_1838 = arith.index_cast %swap3A_1837 : i32 to index
      %swap3A_1839 = arith.constant 176 : index
      %swap3A_1840 = tpu.vector_load %run_scoped3A_0[%swap3A_1838, %swap3A_1839] {strides = array<i32>} : memref<32x512xf32, #tpu.memory_space<vmem>>, vector<16xf32>,
      tpu.vector_store %run_scoped3A_0[%swap3A_1838, %swap3A_1839], %broadcast_in_dim3A_25 {strides = array<i32>} : memref<32x512xf32, #tpu.memory_space<vmem>>, vector<16xf32>,
      %swap3A_1841 = arith.constant 6 : i32
      %swap3A_1842 = arith.index_cast %swap3A_1841 : i32 to index
      %swap3A_1843 = arith.constant 192 : index
      %swap3A_1844 = tpu.vector_load %run_scoped3A_0[%swap3A_1842, %swap3A_1843] {strides = array<i32>} : memref<32x512xf32, #tpu.memory_space<vmem>>, vector<16xf32>,
      tpu.vector_store %run_scoped3A_0[%swap3A_1842, %swap3A_1843], %broadcast_in_dim3A_25 {strides = array<i32>} : memref<32x512xf32, #tpu.memory_space<vmem>>, vector<16xf32>,
      %swap3A_1845 = arith.constant 6 : i32
      %swap3A_1846 = arith.index_cast %swap3A_1845 : i32 to index
      %swap3A_1847 = arith.constant 208 : index
      %swap3A_1848 = tpu.vector_load %run_scoped3A_0[%swap3A_1846, %swap3A_1847] {strides = array<i32>} : memref<32x512xf32, #tpu.memory_space<vmem>>, vector<16xf32>,
      tpu.vector_store %run_scoped3A_0[%swap3A_1846, %swap3A_1847], %broadcast_in_dim3A_25 {strides = array<i32>} : memref<32x512xf32, #tpu.memory_space<vmem>>, vector<16xf32>,
      %swap3A_1849 = arith.constant 6 : i32
      %swap3A_1850 = arith.index_cast %swap3A_1849 : i32 to index
      %swap3A_1851 = arith.constant 224 : index
      %swap3A_1852 = tpu.vector_load %run_scoped3A_0[%swap3A_1850, %swap3A_1851] {strides = array<i32>} : memref<32x512xf32, #tpu.memory_space<vmem>>, vector<16xf32>,
      tpu.vector_store %run_scoped3A_0[%swap3A_1850, %swap3A_1851], %broadcast_in_dim3A_25 {strides = array<i32>} : memref<32x512xf32, #tpu.memory_space<vmem>>, vector<16xf32>,
      %swap3A_1853 = arith.constant 6 : i32
      %swap3A_1854 = arith.index_cast %swap3A_1853 : i32 to index
      %swap3A_1855 = arith.constant 240 : index
      %swap3A_1856 = tpu.vector_load %run_scoped3A_0[%swap3A_1854, %swap3A_1855] {strides = array<i32>} : memref<32x512xf32, #tpu.memory_space<vmem>>, vector<16xf32>,
      tpu.vector_store %run_scoped3A_0[%swap3A_1854, %swap3A_1855], %broadcast_in_dim3A_25 {strides = array<i32>} : memref<32x512xf32, #tpu.memory_space<vmem>>, vector<16xf32>,
      %swap3A_1857 = arith.constant 6 : i32
      %swap3A_1858 = arith.index_cast %swap3A_1857 : i32 to index
      %swap3A_1859 = arith.constant 256 : index
      %swap3A_1860 = tpu.vector_load %run_scoped3A_0[%swap3A_1858, %swap3A_1859] {strides = array<i32>} : memref<32x512xf32, #tpu.memory_space<vmem>>, vector<16xf32>,
      tpu.vector_store %run_scoped3A_0[%swap3A_1858, %swap3A_1859], %broadcast_in_dim3A_25 {strides = array<i32>} : memref<32x512xf32, #tpu.memory_space<vmem>>, vector<16xf32>,
      %swap3A_1861 = arith.constant 6 : i32
      %swap3A_1862 = arith.index_cast %swap3A_1861 : i32 to index
      %swap3A_1863 = arith.constant 272 : index
      %swap3A_1864 = tpu.vector_load %run_scoped3A_0[%swap3A_1862, %swap3A_1863] {strides = array<i32>} : memref<32x512xf32, #tpu.memory_space<vmem>>, vector<16xf32>,
      tpu.vector_store %run_scoped3A_0[%swap3A_1862, %swap3A_1863], %broadcast_in_dim3A_25 {strides = array<i32>} : memref<32x512xf32, #tpu.memory_space<vmem>>, vector<16xf32>,
      %swap3A_1865 = arith.constant 6 : i32
      %swap3A_1866 = arith.index_cast %swap3A_1865 : i32 to index
      %swap3A_1867 = arith.constant 288 : index
      %swap3A_1868 = tpu.vector_load %run_scoped3A_0[%swap3A_1866, %swap3A_1867] {strides = array<i32>} : memref<32x512xf32, #tpu.memory_space<vmem>>, vector<16xf32>,
      tpu.vector_store %run_scoped3A_0[%swap3A_1866, %swap3A_1867], %broadcast_in_dim3A_25 {strides = array<i32>} : memref<32x512xf32, #tpu.memory_space<vmem>>, vector<16xf32>,
      %swap3A_1869 = arith.constant 6 : i32
      %swap3A_1870 = arith.index_cast %swap3A_1869 : i32 to index
      %swap3A_1871 = arith.constant 304 : index
      %swap3A_1872 = tpu.vector_load %run_scoped3A_0[%swap3A_1870, %swap3A_1871] {strides = array<i32>} : memref<32x512xf32, #tpu.memory_space<vmem>>, vector<16xf32>,
      tpu.vector_store %run_scoped3A_0[%swap3A_1870, %swap3A_1871], %broadcast_in_dim3A_25 {strides = array<i32>} : memref<32x512xf32, #tpu.memory_space<vmem>>, vector<16xf32>,
      %swap3A_1873 = arith.constant 6 : i32
      %swap3A_1874 = arith.index_cast %swap3A_1873 : i32 to index
      %swap3A_1875 = arith.constant 320 : index
      %swap3A_1876 = tpu.vector_load %run_scoped3A_0[%swap3A_1874, %swap3A_1875] {strides = array<i32>} : memref<32x512xf32, #tpu.memory_space<vmem>>, vector<16xf32>,
      tpu.vector_store %run_scoped3A_0[%swap3A_1874, %swap3A_1875], %broadcast_in_dim3A_25 {strides = array<i32>} : memref<32x512xf32, #tpu.memory_space<vmem>>, vector<16xf32>,
      %swap3A_1877 = arith.constant 6 : i32
      %swap3A_1878 = arith.index_cast %swap3A_1877 : i32 to index
      %swap3A_1879 = arith.constant 336 : index
      %swap3A_1880 = tpu.vector_load %run_scoped3A_0[%swap3A_1878, %swap3A_1879] {strides = array<i32>} : memref<32x512xf32, #tpu.memory_space<vmem>>, vector<16xf32>,
      tpu.vector_store %run_scoped3A_0[%swap3A_1878, %swap3A_1879], %broadcast_in_dim3A_25 {strides = array<i32>} : memref<32x512xf32, #tpu.memory_space<vmem>>, vector<16xf32>,
      %swap3A_1881 = arith.constant 6 : i32
      %swap3A_1882 = arith.index_cast %swap3A_1881 : i32 to index
      %swap3A_1883 = arith.constant 352 : index
      %swap3A_1884 = tpu.vector_load %run_scoped3A_0[%swap3A_1882, %swap3A_1883] {strides = array<i32>} : memref<32x512xf32, #tpu.memory_space<vmem>>, vector<16xf32>,
      tpu.vector_store %run_scoped3A_0[%swap3A_1882, %swap3A_1883], %broadcast_in_dim3A_25 {strides = array<i32>} : memref<32x512xf32, #tpu.memory_space<vmem>>, vector<16xf32>,
      %swap3A_1885 = arith.constant 6 : i32
      %swap3A_1886 = arith.index_cast %swap3A_1885 : i32 to index
      %swap3A_1887 = arith.constant 368 : index
      %swap3A_1888 = tpu.vector_load %run_scoped3A_0[%swap3A_1886, %swap3A_1887] {strides = array<i32>} : memref<32x512xf32, #tpu.memory_space<vmem>>, vector<16xf32>,
      tpu.vector_store %run_scoped3A_0[%swap3A_1886, %swap3A_1887], %broadcast_in_dim3A_25 {strides = array<i32>} : memref<32x512xf32, #tpu.memory_space<vmem>>, vector<16xf32>,
      %swap3A_1889 = arith.constant 6 : i32
      %swap3A_1890 = arith.index_cast %swap3A_1889 : i32 to index
      %swap3A_1891 = arith.constant 384 : index
      %swap3A_1892 = tpu.vector_load %run_scoped3A_0[%swap3A_1890, %swap3A_1891] {strides = array<i32>} : memref<32x512xf32, #tpu.memory_space<vmem>>, vector<16xf32>,
      tpu.vector_store %run_scoped3A_0[%swap3A_1890, %swap3A_1891], %broadcast_in_dim3A_25 {strides = array<i32>} : memref<32x512xf32, #tpu.memory_space<vmem>>, vector<16xf32>,
      %swap3A_1893 = arith.constant 6 : i32
      %swap3A_1894 = arith.index_cast %swap3A_1893 : i32 to index
      %swap3A_1895 = arith.constant 400 : index
      %swap3A_1896 = tpu.vector_load %run_scoped3A_0[%swap3A_1894, %swap3A_1895] {strides = array<i32>} : memref<32x512xf32, #tpu.memory_space<vmem>>, vector<16xf32>,
      tpu.vector_store %run_scoped3A_0[%swap3A_1894, %swap3A_1895], %broadcast_in_dim3A_25 {strides = array<i32>} : memref<32x512xf32, #tpu.memory_space<vmem>>, vector<16xf32>,
      %swap3A_1897 = arith.constant 6 : i32
      %swap3A_1898 = arith.index_cast %swap3A_1897 : i32 to index
      %swap3A_1899 = arith.constant 416 : index
      %swap3A_1900 = tpu.vector_load %run_scoped3A_0[%swap3A_1898, %swap3A_1899] {strides = array<i32>} : memref<32x512xf32, #tpu.memory_space<vmem>>, vector<16xf32>,
      tpu.vector_store %run_scoped3A_0[%swap3A_1898, %swap3A_1899], %broadcast_in_dim3A_25 {strides = array<i32>} : memref<32x512xf32, #tpu.memory_space<vmem>>, vector<16xf32>,
      %swap3A_1901 = arith.constant 6 : i32
      %swap3A_1902 = arith.index_cast %swap3A_1901 : i32 to index
      %swap3A_1903 = arith.constant 432 : index
      %swap3A_1904 = tpu.vector_load %run_scoped3A_0[%swap3A_1902, %swap3A_1903] {strides = array<i32>} : memref<32x512xf32, #tpu.memory_space<vmem>>, vector<16xf32>,
      tpu.vector_store %run_scoped3A_0[%swap3A_1902, %swap3A_1903], %broadcast_in_dim3A_25 {strides = array<i32>} : memref<32x512xf32, #tpu.memory_space<vmem>>, vector<16xf32>,
      %swap3A_1905 = arith.constant 6 : i32
      %swap3A_1906 = arith.index_cast %swap3A_1905 : i32 to index
      %swap3A_1907 = arith.constant 448 : index
      %swap3A_1908 = tpu.vector_load %run_scoped3A_0[%swap3A_1906, %swap3A_1907] {strides = array<i32>} : memref<32x512xf32, #tpu.memory_space<vmem>>, vector<16xf32>,
      tpu.vector_store %run_scoped3A_0[%swap3A_1906, %swap3A_1907], %broadcast_in_dim3A_25 {strides = array<i32>} : memref<32x512xf32, #tpu.memory_space<vmem>>, vector<16xf32>,
      %swap3A_1909 = arith.constant 6 : i32
      %swap3A_1910 = arith.index_cast %swap3A_1909 : i32 to index
      %swap3A_1911 = arith.constant 464 : index
      %swap3A_1912 = tpu.vector_load %run_scoped3A_0[%swap3A_1910, %swap3A_1911] {strides = array<i32>} : memref<32x512xf32, #tpu.memory_space<vmem>>, vector<16xf32>,
      tpu.vector_store %run_scoped3A_0[%swap3A_1910, %swap3A_1911], %broadcast_in_dim3A_25 {strides = array<i32>} : memref<32x512xf32, #tpu.memory_space<vmem>>, vector<16xf32>,
      %swap3A_1913 = arith.constant 6 : i32
      %swap3A_1914 = arith.index_cast %swap3A_1913 : i32 to index
      %swap3A_1915 = arith.constant 480 : index
      %swap3A_1916 = tpu.vector_load %run_scoped3A_0[%swap3A_1914, %swap3A_1915] {strides = array<i32>} : memref<32x512xf32, #tpu.memory_space<vmem>>, vector<16xf32>,
      tpu.vector_store %run_scoped3A_0[%swap3A_1914, %swap3A_1915], %broadcast_in_dim3A_25 {strides = array<i32>} : memref<32x512xf32, #tpu.memory_space<vmem>>, vector<16xf32>,
      %swap3A_1917 = arith.constant 6 : i32
      %swap3A_1918 = arith.index_cast %swap3A_1917 : i32 to index
      %swap3A_1919 = arith.constant 496 : index
      %swap3A_1920 = tpu.vector_load %run_scoped3A_0[%swap3A_1918, %swap3A_1919] {strides = array<i32>} : memref<32x512xf32, #tpu.memory_space<vmem>>, vector<16xf32>,
      tpu.vector_store %run_scoped3A_0[%swap3A_1918, %swap3A_1919], %broadcast_in_dim3A_25 {strides = array<i32>} : memref<32x512xf32, #tpu.memory_space<vmem>>, vector<16xf32>,
      %swap3A_1921 = arith.constant 7 : i32
      %swap3A_1922 = arith.index_cast %swap3A_1921 : i32 to index
      %swap3A_1923 = arith.constant 0 : index
      %swap3A_1924 = tpu.vector_load %run_scoped3A_0[%swap3A_1922, %swap3A_1923] {strides = array<i32>} : memref<32x512xf32, #tpu.memory_space<vmem>>, vector<16xf32>,
      tpu.vector_store %run_scoped3A_0[%swap3A_1922, %swap3A_1923], %broadcast_in_dim3A_25 {strides = array<i32>} : memref<32x512xf32, #tpu.memory_space<vmem>>, vector<16xf32>,
      %swap3A_1925 = arith.constant 7 : i32
      %swap3A_1926 = arith.index_cast %swap3A_1925 : i32 to index
      %swap3A_1927 = arith.constant 16 : index
      %swap3A_1928 = tpu.vector_load %run_scoped3A_0[%swap3A_1926, %swap3A_1927] {strides = array<i32>} : memref<32x512xf32, #tpu.memory_space<vmem>>, vector<16xf32>,
      tpu.vector_store %run_scoped3A_0[%swap3A_1926, %swap3A_1927], %broadcast_in_dim3A_25 {strides = array<i32>} : memref<32x512xf32, #tpu.memory_space<vmem>>, vector<16xf32>,
      %swap3A_1929 = arith.constant 7 : i32
      %swap3A_1930 = arith.index_cast %swap3A_1929 : i32 to index
      %swap3A_1931 = arith.constant 32 : index
      %swap3A_1932 = tpu.vector_load %run_scoped3A_0[%swap3A_1930, %swap3A_1931] {strides = array<i32>} : memref<32x512xf32, #tpu.memory_space<vmem>>, vector<16xf32>,
      tpu.vector_store %run_scoped3A_0[%swap3A_1930, %swap3A_1931], %broadcast_in_dim3A_25 {strides = array<i32>} : memref<32x512xf32, #tpu.memory_space<vmem>>, vector<16xf32>,
      %swap3A_1933 = arith.constant 7 : i32
      %swap3A_1934 = arith.index_cast %swap3A_1933 : i32 to index
      %swap3A_1935 = arith.constant 48 : index
      %swap3A_1936 = tpu.vector_load %run_scoped3A_0[%swap3A_1934, %swap3A_1935] {strides = array<i32>} : memref<32x512xf32, #tpu.memory_space<vmem>>, vector<16xf32>,
      tpu.vector_store %run_scoped3A_0[%swap3A_1934, %swap3A_1935], %broadcast_in_dim3A_25 {strides = array<i32>} : memref<32x512xf32, #tpu.memory_space<vmem>>, vector<16xf32>,
      %swap3A_1937 = arith.constant 7 : i32
      %swap3A_1938 = arith.index_cast %swap3A_1937 : i32 to index
      %swap3A_1939 = arith.constant 64 : index
      %swap3A_1940 = tpu.vector_load %run_scoped3A_0[%swap3A_1938, %swap3A_1939] {strides = array<i32>} : memref<32x512xf32, #tpu.memory_space<vmem>>, vector<16xf32>,
      tpu.vector_store %run_scoped3A_0[%swap3A_1938, %swap3A_1939], %broadcast_in_dim3A_25 {strides = array<i32>} : memref<32x512xf32, #tpu.memory_space<vmem>>, vector<16xf32>,
      %swap3A_1941 = arith.constant 7 : i32
      %swap3A_1942 = arith.index_cast %swap3A_1941 : i32 to index
      %swap3A_1943 = arith.constant 80 : index
      %swap3A_1944 = tpu.vector_load %run_scoped3A_0[%swap3A_1942, %swap3A_1943] {strides = array<i32>} : memref<32x512xf32, #tpu.memory_space<vmem>>, vector<16xf32>,
      tpu.vector_store %run_scoped3A_0[%swap3A_1942, %swap3A_1943], %broadcast_in_dim3A_25 {strides = array<i32>} : memref<32x512xf32, #tpu.memory_space<vmem>>, vector<16xf32>,
      %swap3A_1945 = arith.constant 7 : i32
      %swap3A_1946 = arith.index_cast %swap3A_1945 : i32 to index
      %swap3A_1947 = arith.constant 96 : index
      %swap3A_1948 = tpu.vector_load %run_scoped3A_0[%swap3A_1946, %swap3A_1947] {strides = array<i32>} : memref<32x512xf32, #tpu.memory_space<vmem>>, vector<16xf32>,
      tpu.vector_store %run_scoped3A_0[%swap3A_1946, %swap3A_1947], %broadcast_in_dim3A_25 {strides = array<i32>} : memref<32x512xf32, #tpu.memory_space<vmem>>, vector<16xf32>,
      %swap3A_1949 = arith.constant 7 : i32
      %swap3A_1950 = arith.index_cast %swap3A_1949 : i32 to index
      %swap3A_1951 = arith.constant 112 : index
      %swap3A_1952 = tpu.vector_load %run_scoped3A_0[%swap3A_1950, %swap3A_1951] {strides = array<i32>} : memref<32x512xf32, #tpu.memory_space<vmem>>, vector<16xf32>,
      tpu.vector_store %run_scoped3A_0[%swap3A_1950, %swap3A_1951], %broadcast_in_dim3A_25 {strides = array<i32>} : memref<32x512xf32, #tpu.memory_space<vmem>>, vector<16xf32>,
      %swap3A_1953 = arith.constant 7 : i32
      %swap3A_1954 = arith.index_cast %swap3A_1953 : i32 to index
      %swap3A_1955 = arith.constant 128 : index
      %swap3A_1956 = tpu.vector_load %run_scoped3A_0[%swap3A_1954, %swap3A_1955] {strides = array<i32>} : memref<32x512xf32, #tpu.memory_space<vmem>>, vector<16xf32>,
      tpu.vector_store %run_scoped3A_0[%swap3A_1954, %swap3A_1955], %broadcast_in_dim3A_25 {strides = array<i32>} : memref<32x512xf32, #tpu.memory_space<vmem>>, vector<16xf32>,
      %swap3A_1957 = arith.constant 7 : i32
      %swap3A_1958 = arith.index_cast %swap3A_1957 : i32 to index
      %swap3A_1959 = arith.constant 144 : index
      %swap3A_1960 = tpu.vector_load %run_scoped3A_0[%swap3A_1958, %swap3A_1959] {strides = array<i32>} : memref<32x512xf32, #tpu.memory_space<vmem>>, vector<16xf32>,
      tpu.vector_store %run_scoped3A_0[%swap3A_1958, %swap3A_1959], %broadcast_in_dim3A_25 {strides = array<i32>} : memref<32x512xf32, #tpu.memory_space<vmem>>, vector<16xf32>,
      %swap3A_1961 = arith.constant 7 : i32
      %swap3A_1962 = arith.index_cast %swap3A_1961 : i32 to index
      %swap3A_1963 = arith.constant 160 : index
      %swap3A_1964 = tpu.vector_load %run_scoped3A_0[%swap3A_1962, %swap3A_1963] {strides = array<i32>} : memref<32x512xf32, #tpu.memory_space<vmem>>, vector<16xf32>,
      tpu.vector_store %run_scoped3A_0[%swap3A_1962, %swap3A_1963], %broadcast_in_dim3A_25 {strides = array<i32>} : memref<32x512xf32, #tpu.memory_space<vmem>>, vector<16xf32>,
      %swap3A_1965 = arith.constant 7 : i32
      %swap3A_1966 = arith.index_cast %swap3A_1965 : i32 to index
      %swap3A_1967 = arith.constant 176 : index
      %swap3A_1968 = tpu.vector_load %run_scoped3A_0[%swap3A_1966, %swap3A_1967] {strides = array<i32>} : memref<32x512xf32, #tpu.memory_space<vmem>>, vector<16xf32>,
      tpu.vector_store %run_scoped3A_0[%swap3A_1966, %swap3A_1967], %broadcast_in_dim3A_25 {strides = array<i32>} : memref<32x512xf32, #tpu.memory_space<vmem>>, vector<16xf32>,
      %swap3A_1969 = arith.constant 7 : i32
      %swap3A_1970 = arith.index_cast %swap3A_1969 : i32 to index
      %swap3A_1971 = arith.constant 192 : index
      %swap3A_1972 = tpu.vector_load %run_scoped3A_0[%swap3A_1970, %swap3A_1971] {strides = array<i32>} : memref<32x512xf32, #tpu.memory_space<vmem>>, vector<16xf32>,
      tpu.vector_store %run_scoped3A_0[%swap3A_1970, %swap3A_1971], %broadcast_in_dim3A_25 {strides = array<i32>} : memref<32x512xf32, #tpu.memory_space<vmem>>, vector<16xf32>,
      %swap3A_1973 = arith.constant 7 : i32
      %swap3A_1974 = arith.index_cast %swap3A_1973 : i32 to index
      %swap3A_1975 = arith.constant 208 : index
      %swap3A_1976 = tpu.vector_load %run_scoped3A_0[%swap3A_1974, %swap3A_1975] {strides = array<i32>} : memref<32x512xf32, #tpu.memory_space<vmem>>, vector<16xf32>,
      tpu.vector_store %run_scoped3A_0[%swap3A_1974, %swap3A_1975], %broadcast_in_dim3A_25 {strides = array<i32>} : memref<32x512xf32, #tpu.memory_space<vmem>>, vector<16xf32>,
      %swap3A_1977 = arith.constant 7 : i32
      %swap3A_1978 = arith.index_cast %swap3A_1977 : i32 to index
      %swap3A_1979 = arith.constant 224 : index
      %swap3A_1980 = tpu.vector_load %run_scoped3A_0[%swap3A_1978, %swap3A_1979] {strides = array<i32>} : memref<32x512xf32, #tpu.memory_space<vmem>>, vector<16xf32>,
      tpu.vector_store %run_scoped3A_0[%swap3A_1978, %swap3A_1979], %broadcast_in_dim3A_25 {strides = array<i32>} : memref<32x512xf32, #tpu.memory_space<vmem>>, vector<16xf32>,
      %swap3A_1981 = arith.constant 7 : i32
      %swap3A_1982 = arith.index_cast %swap3A_1981 : i32 to index
      %swap3A_1983 = arith.constant 240 : index
      %swap3A_1984 = tpu.vector_load %run_scoped3A_0[%swap3A_1982, %swap3A_1983] {strides = array<i32>} : memref<32x512xf32, #tpu.memory_space<vmem>>, vector<16xf32>,
      tpu.vector_store %run_scoped3A_0[%swap3A_1982, %swap3A_1983], %broadcast_in_dim3A_25 {strides = array<i32>} : memref<32x512xf32, #tpu.memory_space<vmem>>, vector<16xf32>,
      %swap3A_1985 = arith.constant 7 : i32
      %swap3A_1986 = arith.index_cast %swap3A_1985 : i32 to index
      %swap3A_1987 = arith.constant 256 : index
      %swap3A_1988 = tpu.vector_load %run_scoped3A_0[%swap3A_1986, %swap3A_1987] {strides = array<i32>} : memref<32x512xf32, #tpu.memory_space<vmem>>, vector<16xf32>,
      tpu.vector_store %run_scoped3A_0[%swap3A_1986, %swap3A_1987], %broadcast_in_dim3A_25 {strides = array<i32>} : memref<32x512xf32, #tpu.memory_space<vmem>>, vector<16xf32>,
      %swap3A_1989 = arith.constant 7 : i32
      %swap3A_1990 = arith.index_cast %swap3A_1989 : i32 to index
      %swap3A_1991 = arith.constant 272 : index
      %swap3A_1992 = tpu.vector_load %run_scoped3A_0[%swap3A_1990, %swap3A_1991] {strides = array<i32>} : memref<32x512xf32, #tpu.memory_space<vmem>>, vector<16xf32>,
      tpu.vector_store %run_scoped3A_0[%swap3A_1990, %swap3A_1991], %broadcast_in_dim3A_25 {strides = array<i32>} : memref<32x512xf32, #tpu.memory_space<vmem>>, vector<16xf32>,
      %swap3A_1993 = arith.constant 7 : i32
      %swap3A_1994 = arith.index_cast %swap3A_1993 : i32 to index
      %swap3A_1995 = arith.constant 288 : index
      %swap3A_1996 = tpu.vector_load %run_scoped3A_0[%swap3A_1994, %swap3A_1995] {strides = array<i32>} : memref<32x512xf32, #tpu.memory_space<vmem>>, vector<16xf32>,
      tpu.vector_store %run_scoped3A_0[%swap3A_1994, %swap3A_1995], %broadcast_in_dim3A_25 {strides = array<i32>} : memref<32x512xf32, #tpu.memory_space<vmem>>, vector<16xf32>,
      %swap3A_1997 = arith.constant 7 : i32
      %swap3A_1998 = arith.index_cast %swap3A_1997 : i32 to index
      %swap3A_1999 = arith.constant 304 : index
      %swap3A_2000 = tpu.vector_load %run_scoped3A_0[%swap3A_1998, %swap3A_1999] {strides = array<i32>} : memref<32x512xf32, #tpu.memory_space<vmem>>, vector<16xf32>,
      tpu.vector_store %run_scoped3A_0[%swap3A_1998, %swap3A_1999], %broadcast_in_dim3A_25 {strides = array<i32>} : memref<32x512xf32, #tpu.memory_space<vmem>>, vector<16xf32>,
      %swap3A_2001 = arith.constant 7 : i32
      %swap3A_2002 = arith.index_cast %swap3A_2001 : i32 to index
      %swap3A_2003 = arith.constant 320 : index
      %swap3A_2004 = tpu.vector_load %run_scoped3A_0[%swap3A_2002, %swap3A_2003] {strides = array<i32>} : memref<32x512xf32, #tpu.memory_space<vmem>>, vector<16xf32>,
      tpu.vector_store %run_scoped3A_0[%swap3A_2002, %swap3A_2003], %broadcast_in_dim3A_25 {strides = array<i32>} : memref<32x512xf32, #tpu.memory_space<vmem>>, vector<16xf32>,
      %swap3A_2005 = arith.constant 7 : i32
      %swap3A_2006 = arith.index_cast %swap3A_2005 : i32 to index
      %swap3A_2007 = arith.constant 336 : index
      %swap3A_2008 = tpu.vector_load %run_scoped3A_0[%swap3A_2006, %swap3A_2007] {strides = array<i32>} : memref<32x512xf32, #tpu.memory_space<vmem>>, vector<16xf32>,
      tpu.vector_store %run_scoped3A_0[%swap3A_2006, %swap3A_2007], %broadcast_in_dim3A_25 {strides = array<i32>} : memref<32x512xf32, #tpu.memory_space<vmem>>, vector<16xf32>,
      %swap3A_2009 = arith.constant 7 : i32
      %swap3A_2010 = arith.index_cast %swap3A_2009 : i32 to index
      %swap3A_2011 = arith.constant 352 : index
      %swap3A_2012 = tpu.vector_load %run_scoped3A_0[%swap3A_2010, %swap3A_2011] {strides = array<i32>} : memref<32x512xf32, #tpu.memory_space<vmem>>, vector<16xf32>,
      tpu.vector_store %run_scoped3A_0[%swap3A_2010, %swap3A_2011], %broadcast_in_dim3A_25 {strides = array<i32>} : memref<32x512xf32, #tpu.memory_space<vmem>>, vector<16xf32>,
      %swap3A_2013 = arith.constant 7 : i32
      %swap3A_2014 = arith.index_cast %swap3A_2013 : i32 to index
      %swap3A_2015 = arith.constant 368 : index
      %swap3A_2016 = tpu.vector_load %run_scoped3A_0[%swap3A_2014, %swap3A_2015] {strides = array<i32>} : memref<32x512xf32, #tpu.memory_space<vmem>>, vector<16xf32>,
      tpu.vector_store %run_scoped3A_0[%swap3A_2014, %swap3A_2015], %broadcast_in_dim3A_25 {strides = array<i32>} : memref<32x512xf32, #tpu.memory_space<vmem>>, vector<16xf32>,
      %swap3A_2017 = arith.constant 7 : i32
      %swap3A_2018 = arith.index_cast %swap3A_2017 : i32 to index
      %swap3A_2019 = arith.constant 384 : index
      %swap3A_2020 = tpu.vector_load %run_scoped3A_0[%swap3A_2018, %swap3A_2019] {strides = array<i32>} : memref<32x512xf32, #tpu.memory_space<vmem>>, vector<16xf32>,
      tpu.vector_store %run_scoped3A_0[%swap3A_2018, %swap3A_2019], %broadcast_in_dim3A_25 {strides = array<i32>} : memref<32x512xf32, #tpu.memory_space<vmem>>, vector<16xf32>,
      %swap3A_2021 = arith.constant 7 : i32
      %swap3A_2022 = arith.index_cast %swap3A_2021 : i32 to index
      %swap3A_2023 = arith.constant 400 : index
      %swap3A_2024 = tpu.vector_load %run_scoped3A_0[%swap3A_2022, %swap3A_2023] {strides = array<i32>} : memref<32x512xf32, #tpu.memory_space<vmem>>, vector<16xf32>,
      tpu.vector_store %run_scoped3A_0[%swap3A_2022, %swap3A_2023], %broadcast_in_dim3A_25 {strides = array<i32>} : memref<32x512xf32, #tpu.memory_space<vmem>>, vector<16xf32>,
      %swap3A_2025 = arith.constant 7 : i32
      %swap3A_2026 = arith.index_cast %swap3A_2025 : i32 to index
      %swap3A_2027 = arith.constant 416 : index
      %swap3A_2028 = tpu.vector_load %run_scoped3A_0[%swap3A_2026, %swap3A_2027] {strides = array<i32>} : memref<32x512xf32, #tpu.memory_space<vmem>>, vector<16xf32>,
      tpu.vector_store %run_scoped3A_0[%swap3A_2026, %swap3A_2027], %broadcast_in_dim3A_25 {strides = array<i32>} : memref<32x512xf32, #tpu.memory_space<vmem>>, vector<16xf32>,
      %swap3A_2029 = arith.constant 7 : i32
      %swap3A_2030 = arith.index_cast %swap3A_2029 : i32 to index
      %swap3A_2031 = arith.constant 432 : index
      %swap3A_2032 = tpu.vector_load %run_scoped3A_0[%swap3A_2030, %swap3A_2031] {strides = array<i32>} : memref<32x512xf32, #tpu.memory_space<vmem>>, vector<16xf32>,
      tpu.vector_store %run_scoped3A_0[%swap3A_2030, %swap3A_2031], %broadcast_in_dim3A_25 {strides = array<i32>} : memref<32x512xf32, #tpu.memory_space<vmem>>, vector<16xf32>,
      %swap3A_2033 = arith.constant 7 : i32
      %swap3A_2034 = arith.index_cast %swap3A_2033 : i32 to index
      %swap3A_2035 = arith.constant 448 : index
      %swap3A_2036 = tpu.vector_load %run_scoped3A_0[%swap3A_2034, %swap3A_2035] {strides = array<i32>} : memref<32x512xf32, #tpu.memory_space<vmem>>, vector<16xf32>,
      tpu.vector_store %run_scoped3A_0[%swap3A_2034, %swap3A_2035], %broadcast_in_dim3A_25 {strides = array<i32>} : memref<32x512xf32, #tpu.memory_space<vmem>>, vector<16xf32>,
      %swap3A_2037 = arith.constant 7 : i32
      %swap3A_2038 = arith.index_cast %swap3A_2037 : i32 to index
      %swap3A_2039 = arith.constant 464 : index
      %swap3A_2040 = tpu.vector_load %run_scoped3A_0[%swap3A_2038, %swap3A_2039] {strides = array<i32>} : memref<32x512xf32, #tpu.memory_space<vmem>>, vector<16xf32>,
      tpu.vector_store %run_scoped3A_0[%swap3A_2038, %swap3A_2039], %broadcast_in_dim3A_25 {strides = array<i32>} : memref<32x512xf32, #tpu.memory_space<vmem>>, vector<16xf32>,
      %swap3A_2041 = arith.constant 7 : i32
      %swap3A_2042 = arith.index_cast %swap3A_2041 : i32 to index
      %swap3A_2043 = arith.constant 480 : index
      %swap3A_2044 = tpu.vector_load %run_scoped3A_0[%swap3A_2042, %swap3A_2043] {strides = array<i32>} : memref<32x512xf32, #tpu.memory_space<vmem>>, vector<16xf32>,
      tpu.vector_store %run_scoped3A_0[%swap3A_2042, %swap3A_2043], %broadcast_in_dim3A_25 {strides = array<i32>} : memref<32x512xf32, #tpu.memory_space<vmem>>, vector<16xf32>,
      %swap3A_2045 = arith.constant 7 : i32
      %swap3A_2046 = arith.index_cast %swap3A_2045 : i32 to index
      %swap3A_2047 = arith.constant 496 : index
      %swap3A_2048 = tpu.vector_load %run_scoped3A_0[%swap3A_2046, %swap3A_2047] {strides = array<i32>} : memref<32x512xf32, #tpu.memory_space<vmem>>, vector<16xf32>,
      tpu.vector_store %run_scoped3A_0[%swap3A_2046, %swap3A_2047], %broadcast_in_dim3A_25 {strides = array<i32>} : memref<32x512xf32, #tpu.memory_space<vmem>>, vector<16xf32>,
      %mul3A_2049 = arith.constant 24 : i32
      %mul3A_2050 = arith.muli %add3A_1739, %mul3A_2049 : i32
      "tpu.region"() ({
        %run_scoped3A_2212 = tpu.sem_alloc : memref<!tpu.dma_semaphore, #tpu.memory_space<semaphore_mem>>
        %dma_start3A_2213 = arith.constant 0 : i32
        %dma_start3A_2214 = arith.constant 0 : i32
        %dma_start3A_2215 = tpu.memref_slice %run_scoped3A[%dma_start3A_2213, %dma_start3A_2214] : memref<32x512xf32, #tpu.memory_space<vmem>> -> memref<8x512xf32, #tpu.memory_space<vmem>>
        %dma_start3A_2216 = arith.constant 0 : i32
        %dma_start3A_2217 = tpu.memref_slice %arg9[%mul3A_2050, %dma_start3A_2216] : memref<1152x512xf32, #tpu.memory_space<vmem_shared>> -> memref<8x512xf32, #tpu.memory_space<vmem_shared>>
        %dma_start3A_2218 = arith.constant 0 : i32
        %dma_start3A_2219 = tpu.memref_slice %arg9[%mul3A_2050, %dma_start3A_2218] : memref<1152x512xf32, #tpu.memory_space<vmem_shared>> -> memref<8x512xf32, #tpu.memory_space<vmem_shared>>
        %dma_start3A_2220 = arith.constant 0 : i32
        %dma_start3A_2221 = arith.constant 0 : i32
        %dma_start3A_2222 = tpu.memref_slice %run_scoped3A[%dma_start3A_2220, %dma_start3A_2221] : memref<32x512xf32, #tpu.memory_space<vmem>> -> memref<8x512xf32, #tpu.memory_space<vmem>>
        tpu.enqueue_dma source(%dma_start3A_2222 : memref<8x512xf32, #tpu.memory_space<vmem>>) target(%dma_start3A_2219 : memref<8x512xf32, #tpu.memory_space<vmem_shared>>) target_semaphore(%run_scoped3A_2212 : memref<!tpu.dma_semaphore, #tpu.memory_space<semaphore_mem>>)
        %dma_wait3A_2223 = arith.constant 0 : i32
        %dma_wait3A_2224 = arith.constant 0 : i32
        %dma_wait3A_2225 = tpu.memref_slice %run_scoped3A[%dma_wait3A_2223, %dma_wait3A_2224] : memref<32x512xf32, #tpu.memory_space<vmem>> -> memref<8x512xf32, #tpu.memory_space<vmem>>
        %dma_wait3A_2226 = arith.constant 0 : i32
        %dma_wait3A_2227 = tpu.memref_slice %arg9[%mul3A_2050, %dma_wait3A_2226] : memref<1152x512xf32, #tpu.memory_space<vmem_shared>> -> memref<8x512xf32, #tpu.memory_space<vmem_shared>>
        %dma_wait3A_2228 = arith.constant 0 : i32
        %dma_wait3A_2229 = tpu.memref_slice %arg9[%mul3A_2050, %dma_wait3A_2228] : memref<1152x512xf32, #tpu.memory_space<vmem_shared>> -> memref<8x512xf32, #tpu.memory_space<vmem_shared>>
        %dma_wait3A_2230 = arith.constant 0 : i32
        %dma_wait3A_2231 = arith.constant 0 : i32
        %dma_wait3A_2232 = tpu.memref_slice %run_scoped3A[%dma_wait3A_2230, %dma_wait3A_2231] : memref<32x512xf32, #tpu.memory_space<vmem>> -> memref<8x512xf32, #tpu.memory_space<vmem>>
        tpu.wait_dma2 semaphore(%run_scoped3A_2212 : memref<!tpu.dma_semaphore, #tpu.memory_space<semaphore_mem>>) src(%dma_wait3A_2232 : memref<8x512xf32, #tpu.memory_space<vmem>>) dst(%dma_wait3A_2229 : memref<8x512xf32, #tpu.memory_space<vmem_shared>>)
        tpu.yield
      }) : () -> ()
      %mul3A_2051 = arith.constant 24 : i32
      %mul3A_2052 = arith.muli %add3A_1739, %mul3A_2051 : i32
      %add3A_2053 = arith.constant 8 : i32
      %add3A_2054 = arith.addi %mul3A_2052, %add3A_2053 : i32
      "tpu.region"() ({
        %run_scoped3A_2212 = tpu.sem_alloc : memref<!tpu.dma_semaphore, #tpu.memory_space<semaphore_mem>>
        %dma_start3A_2213 = arith.constant 0 : i32
        %dma_start3A_2214 = arith.constant 0 : i32
        %dma_start3A_2215 = tpu.memref_slice %run_scoped3A_0[%dma_start3A_2213, %dma_start3A_2214] : memref<32x512xf32, #tpu.memory_space<vmem>> -> memref<8x512xf32, #tpu.memory_space<vmem>>
        %dma_start3A_2216 = arith.constant 0 : i32
        %dma_start3A_2217 = tpu.memref_slice %arg9[%add3A_2054, %dma_start3A_2216] : memref<1152x512xf32, #tpu.memory_space<vmem_shared>> -> memref<8x512xf32, #tpu.memory_space<vmem_shared>>
        %dma_start3A_2218 = arith.constant 0 : i32
        %dma_start3A_2219 = tpu.memref_slice %arg9[%add3A_2054, %dma_start3A_2218] : memref<1152x512xf32, #tpu.memory_space<vmem_shared>> -> memref<8x512xf32, #tpu.memory_space<vmem_shared>>
        %dma_start3A_2220 = arith.constant 0 : i32
        %dma_start3A_2221 = arith.constant 0 : i32
        %dma_start3A_2222 = tpu.memref_slice %run_scoped3A_0[%dma_start3A_2220, %dma_start3A_2221] : memref<32x512xf32, #tpu.memory_space<vmem>> -> memref<8x512xf32, #tpu.memory_space<vmem>>
        tpu.enqueue_dma source(%dma_start3A_2222 : memref<8x512xf32, #tpu.memory_space<vmem>>) target(%dma_start3A_2219 : memref<8x512xf32, #tpu.memory_space<vmem_shared>>) target_semaphore(%run_scoped3A_2212 : memref<!tpu.dma_semaphore, #tpu.memory_space<semaphore_mem>>)
        %dma_wait3A_2223 = arith.constant 0 : i32
        %dma_wait3A_2224 = arith.constant 0 : i32
        %dma_wait3A_2225 = tpu.memref_slice %run_scoped3A_0[%dma_wait3A_2223, %dma_wait3A_2224] : memref<32x512xf32, #tpu.memory_space<vmem>> -> memref<8x512xf32, #tpu.memory_space<vmem>>
        %dma_wait3A_2226 = arith.constant 0 : i32
        %dma_wait3A_2227 = tpu.memref_slice %arg9[%add3A_2054, %dma_wait3A_2226] : memref<1152x512xf32, #tpu.memory_space<vmem_shared>> -> memref<8x512xf32, #tpu.memory_space<vmem_shared>>
        %dma_wait3A_2228 = arith.constant 0 : i32
        %dma_wait3A_2229 = tpu.memref_slice %arg9[%add3A_2054, %dma_wait3A_2228] : memref<1152x512xf32, #tpu.memory_space<vmem_shared>> -> memref<8x512xf32, #tpu.memory_space<vmem_shared>>
        %dma_wait3A_2230 = arith.constant 0 : i32
        %dma_wait3A_2231 = arith.constant 0 : i32
        %dma_wait3A_2232 = tpu.memref_slice %run_scoped3A_0[%dma_wait3A_2230, %dma_wait3A_2231] : memref<32x512xf32, #tpu.memory_space<vmem>> -> memref<8x512xf32, #tpu.memory_space<vmem>>
        tpu.wait_dma2 semaphore(%run_scoped3A_2212 : memref<!tpu.dma_semaphore, #tpu.memory_space<semaphore_mem>>) src(%dma_wait3A_2232 : memref<8x512xf32, #tpu.memory_space<vmem>>) dst(%dma_wait3A_2229 : memref<8x512xf32, #tpu.memory_space<vmem_shared>>)
        tpu.yield
      }) : () -> ()
      %mul3A_2055 = arith.constant 24 : i32
      %mul3A_2056 = arith.muli %add3A_1739, %mul3A_2055 : i32
      %add3A_2057 = arith.constant 16 : i32
      %add3A_2058 = arith.addi %mul3A_2056, %add3A_2057 : i32
      "tpu.region"() ({
        %run_scoped3A_2212 = tpu.sem_alloc : memref<!tpu.dma_semaphore, #tpu.memory_space<semaphore_mem>>
        %dma_start3A_2213 = arith.constant 0 : i32
        %dma_start3A_2214 = arith.constant 0 : i32
        %dma_start3A_2215 = tpu.memref_slice %run_scoped3A_1[%dma_start3A_2213, %dma_start3A_2214] : memref<32x512xf32, #tpu.memory_space<vmem>> -> memref<8x512xf32, #tpu.memory_space<vmem>>
        %dma_start3A_2216 = arith.constant 0 : i32
        %dma_start3A_2217 = tpu.memref_slice %arg9[%add3A_2058, %dma_start3A_2216] : memref<1152x512xf32, #tpu.memory_space<vmem_shared>> -> memref<8x512xf32, #tpu.memory_space<vmem_shared>>
        %dma_start3A_2218 = arith.constant 0 : i32
        %dma_start3A_2219 = tpu.memref_slice %arg9[%add3A_2058, %dma_start3A_2218] : memref<1152x512xf32, #tpu.memory_space<vmem_shared>> -> memref<8x512xf32, #tpu.memory_space<vmem_shared>>
        %dma_start3A_2220 = arith.constant 0 : i32
        %dma_start3A_2221 = arith.constant 0 : i32
        %dma_start3A_2222 = tpu.memref_slice %run_scoped3A_1[%dma_start3A_2220, %dma_start3A_2221] : memref<32x512xf32, #tpu.memory_space<vmem>> -> memref<8x512xf32, #tpu.memory_space<vmem>>
        tpu.enqueue_dma source(%dma_start3A_2222 : memref<8x512xf32, #tpu.memory_space<vmem>>) target(%dma_start3A_2219 : memref<8x512xf32, #tpu.memory_space<vmem_shared>>) target_semaphore(%run_scoped3A_2212 : memref<!tpu.dma_semaphore, #tpu.memory_space<semaphore_mem>>)
        %dma_wait3A_2223 = arith.constant 0 : i32
        %dma_wait3A_2224 = arith.constant 0 : i32
        %dma_wait3A_2225 = tpu.memref_slice %run_scoped3A_1[%dma_wait3A_2223, %dma_wait3A_2224] : memref<32x512xf32, #tpu.memory_space<vmem>> -> memref<8x512xf32, #tpu.memory_space<vmem>>
        %dma_wait3A_2226 = arith.constant 0 : i32
        %dma_wait3A_2227 = tpu.memref_slice %arg9[%add3A_2058, %dma_wait3A_2226] : memref<1152x512xf32, #tpu.memory_space<vmem_shared>> -> memref<8x512xf32, #tpu.memory_space<vmem_shared>>
        %dma_wait3A_2228 = arith.constant 0 : i32
        %dma_wait3A_2229 = tpu.memref_slice %arg9[%add3A_2058, %dma_wait3A_2228] : memref<1152x512xf32, #tpu.memory_space<vmem_shared>> -> memref<8x512xf32, #tpu.memory_space<vmem_shared>>
        %dma_wait3A_2230 = arith.constant 0 : i32
        %dma_wait3A_2231 = arith.constant 0 : i32
        %dma_wait3A_2232 = tpu.memref_slice %run_scoped3A_1[%dma_wait3A_2230, %dma_wait3A_2231] : memref<32x512xf32, #tpu.memory_space<vmem>> -> memref<8x512xf32, #tpu.memory_space<vmem>>
        tpu.wait_dma2 semaphore(%run_scoped3A_2212 : memref<!tpu.dma_semaphore, #tpu.memory_space<semaphore_mem>>) src(%dma_wait3A_2232 : memref<8x512xf32, #tpu.memory_space<vmem>>) dst(%dma_wait3A_2229 : memref<8x512xf32, #tpu.memory_space<vmem_shared>>)
        tpu.yield
      }) : () -> ()
      %gather3A_2059 = tpu.vector_load_idx %run_scoped3A[%iota3A, %broadcast_in_dim3A_27] : memref<32x512xf32, #tpu.memory_space<vmem>>[vector<16xi32>, vector<16xi32>], vector<16xf32>,
      %sub3A_2060 = arith.constant 8 : i32
      %sub3A_2061 = vector.broadcast %sub3A_2060 : i32 to vector<16xi32>
      %sub3A_2062 = arith.subi %iota3A, %sub3A_2061 : vector<16xi32>
      %jit3A_2063 = arith.constant 0 : i32
      %jit3A_2064 = arith.constant 15 : i32
      %max3A_2065 = vector.broadcast %jit3A_2063 : i32 to vector<16xi32>
      %max3A_2066 = arith.maxsi %max3A_2065, %sub3A_2062 : vector<16xi32>
      %min3A_2067 = vector.broadcast %jit3A_2064 : i32 to vector<16xi32>
      %min3A_2068 = arith.minsi %min3A_2067, %max3A_2066 : vector<16xi32>
      %gather3A_2069 = tpu.vector_load_idx %run_scoped3A_0[%min3A_2068, %broadcast_in_dim3A_27] : memref<32x512xf32, #tpu.memory_space<vmem>>[vector<16xi32>, vector<16xi32>], vector<16xf32>,
      %lt3A_2070 = arith.constant 8 : i32
      %lt3A_2071 = vector.broadcast %lt3A_2070 : i32 to vector<16xi32>
      %lt3A_2072 = arith.cmpi slt, %iota3A, %lt3A_2071 : vector<16xi32>
      %select_n3A_2073 = arith.select %lt3A_2072, %gather3A_2059, %gather3A_2069 : vector<16xi1>, vector<16xf32>
      %lt3A_2074 = arith.constant 14 : i32
      %lt3A_2075 = vector.broadcast %lt3A_2074 : i32 to vector<16xi32>
      %lt3A_2076 = arith.cmpi slt, %iota3A, %lt3A_2075 : vector<16xi32>
      %ne3A_2077 = arith.constant 0.000000e+00 : f32
      %ne3A_2078 = vector.broadcast %ne3A_2077 : f32 to vector<16xf32>
      %ne3A_2079 = arith.cmpf one, %select_n3A_2073, %ne3A_2078 : vector<16xf32>
      %select_n3A_2080 = arith.select %ne3A_2079, %broadcast_in_dim3A_29, %broadcast_in_dim3A_25 : vector<16xi1>, vector<16xf32>
      %select_n3A_2081 = arith.select %lt3A_2076, %select_n3A_2080, %broadcast_in_dim3A_25 : vector<16xi1>, vector<16xf32>
      %swap3A_2082 = arith.constant 0 : index
      %swap3A_2083 = tpu.vector_load %run_scoped3A_12[%swap3A_2082] {strides = array<i32>} : memref<16xf32, #tpu.memory_space<vmem>>, vector<16xf32>,
      tpu.vector_store %run_scoped3A_12[%swap3A_2082], %select_n3A_2081 {strides = array<i32>} : memref<16xf32, #tpu.memory_space<vmem>>, vector<16xf32>,
      %mul3A_2084 = arith.constant 16 : i32
      %mul3A_2085 = arith.muli %add3A_1739, %mul3A_2084 : i32
      "tpu.region"() ({
        %run_scoped3A_2212 = tpu.sem_alloc : memref<!tpu.dma_semaphore, #tpu.memory_space<semaphore_mem>>
        %dma_start3A_2213 = tpu.memref_slice %arg10[%mul3A_2085] : memref<768xf32, #tpu.memory_space<vmem_shared>> -> memref<16xf32, #tpu.memory_space<vmem_shared>>
        %dma_start3A_2214 = tpu.memref_slice %arg10[%mul3A_2085] : memref<768xf32, #tpu.memory_space<vmem_shared>> -> memref<16xf32, #tpu.memory_space<vmem_shared>>
        tpu.enqueue_dma source(%run_scoped3A_12 : memref<16xf32, #tpu.memory_space<vmem>>) target(%dma_start3A_2214 : memref<16xf32, #tpu.memory_space<vmem_shared>>) target_semaphore(%run_scoped3A_2212 : memref<!tpu.dma_semaphore, #tpu.memory_space<semaphore_mem>>)
        %dma_wait3A_2215 = tpu.memref_slice %arg10[%mul3A_2085] : memref<768xf32, #tpu.memory_space<vmem_shared>> -> memref<16xf32, #tpu.memory_space<vmem_shared>>
        %dma_wait3A_2216 = tpu.memref_slice %arg10[%mul3A_2085] : memref<768xf32, #tpu.memory_space<vmem_shared>> -> memref<16xf32, #tpu.memory_space<vmem_shared>>
        tpu.wait_dma2 semaphore(%run_scoped3A_2212 : memref<!tpu.dma_semaphore, #tpu.memory_space<semaphore_mem>>) src(%run_scoped3A_12 : memref<16xf32, #tpu.memory_space<vmem>>) dst(%dma_wait3A_2216 : memref<16xf32, #tpu.memory_space<vmem_shared>>)
        tpu.yield
      }) : () -> ()
      %barrier3A = arith.constant 0 : index
      tpu.barrier barrier_id(%barrier3A)
      %eq3A_2086 = arith.constant 0 : i32
      %eq3A_2087 = arith.cmpi eq, %arg1, %eq3A_2086 : i32
      %convert_element_type3A = arith.extui %eq3A_2087 : i1 to i32
      %cond3A = arith.constant 0 : i32
      %cond3A_2088 = arith.cmpi ne, %convert_element_type3A, %cond3A : i32
      scf.if %cond3A_2088 {
        %semaphore_signal3A = arith.constant 1 : i32
        tpu.sem_signal %arg11, %semaphore_signal3A core_id %arg0 : memref<!tpu.semaphore, #tpu.memory_space<semaphore_mem, sc_scalar_subcore>>
      } else {
      }
      "tpu.region"() ({
        %run_scoped3A_2212 = tpu.sem_alloc : memref<!tpu.dma_semaphore, #tpu.memory_space<semaphore_mem>>
        tpu.enqueue_dma source(%arg10 : memref<768xf32, #tpu.memory_space<vmem_shared>>) target(%run_scoped3A_11 : memref<768xf32, #tpu.memory_space<vmem>>) target_semaphore(%run_scoped3A_2212 : memref<!tpu.dma_semaphore, #tpu.memory_space<semaphore_mem>>)
        tpu.wait_dma2 semaphore(%run_scoped3A_2212 : memref<!tpu.dma_semaphore, #tpu.memory_space<semaphore_mem>>) src(%arg10 : memref<768xf32, #tpu.memory_space<vmem_shared>>) dst(%run_scoped3A_11 : memref<768xf32, #tpu.memory_space<vmem>>)
        tpu.yield
      }) : () -> ()
      "tpu.region"() ({
        %run_scoped3A_2212 = tpu.sem_alloc : memref<!tpu.dma_semaphore, #tpu.memory_space<semaphore_mem>>
        %dma_start3A_2213 = arith.constant 0 : i32
        %dma_start3A_2214 = tpu.memref_slice %run_scoped3A_9[%dma_start3A_2213] : memref<80xi32, #tpu.memory_space<vmem>> -> memref<64xi32, #tpu.memory_space<vmem>>
        %dma_start3A_2215 = tpu.memref_slice %arg4[%mul3A_24] : memref<2048xi32, #tpu.memory_space<hbm>> -> memref<64xi32, #tpu.memory_space<hbm>>
        %dma_start3A_2216 = arith.constant 0 : i32
        %dma_start3A_2217 = tpu.memref_slice %run_scoped3A_9[%dma_start3A_2216] : memref<80xi32, #tpu.memory_space<vmem>> -> memref<64xi32, #tpu.memory_space<vmem>>
        %dma_start3A_2218 = tpu.memref_slice %arg4[%mul3A_24] : memref<2048xi32, #tpu.memory_space<hbm>> -> memref<64xi32, #tpu.memory_space<hbm>>
        tpu.enqueue_dma source(%dma_start3A_2218 : memref<64xi32, #tpu.memory_space<hbm>>) target(%dma_start3A_2217 : memref<64xi32, #tpu.memory_space<vmem>>) target_semaphore(%run_scoped3A_2212 : memref<!tpu.dma_semaphore, #tpu.memory_space<semaphore_mem>>)
        %dma_wait3A_2219 = arith.constant 0 : i32
        %dma_wait3A_2220 = tpu.memref_slice %run_scoped3A_9[%dma_wait3A_2219] : memref<80xi32, #tpu.memory_space<vmem>> -> memref<64xi32, #tpu.memory_space<vmem>>
        %dma_wait3A_2221 = tpu.memref_slice %arg4[%mul3A_24] : memref<2048xi32, #tpu.memory_space<hbm>> -> memref<64xi32, #tpu.memory_space<hbm>>
        %dma_wait3A_2222 = arith.constant 0 : i32
        %dma_wait3A_2223 = tpu.memref_slice %run_scoped3A_9[%dma_wait3A_2222] : memref<80xi32, #tpu.memory_space<vmem>> -> memref<64xi32, #tpu.memory_space<vmem>>
        %dma_wait3A_2224 = tpu.memref_slice %arg4[%mul3A_24] : memref<2048xi32, #tpu.memory_space<hbm>> -> memref<64xi32, #tpu.memory_space<hbm>>
        tpu.wait_dma2 semaphore(%run_scoped3A_2212 : memref<!tpu.dma_semaphore, #tpu.memory_space<semaphore_mem>>) src(%dma_wait3A_2224 : memref<64xi32, #tpu.memory_space<hbm>>) dst(%dma_wait3A_2223 : memref<64xi32, #tpu.memory_space<vmem>>)
        tpu.yield
      }) : () -> ()
      %mul3A_2089 = arith.constant 15 : i32
      %mul3A_2090 = arith.muli %mul3A_24, %mul3A_2089 : i32
      "tpu.region"() ({
        %run_scoped3A_2212 = tpu.sem_alloc : memref<!tpu.dma_semaphore, #tpu.memory_space<semaphore_mem>>
        %dma_start3A_2213 = tpu.memref_slice %arg5[%mul3A_2090] : memref<30720xi32, #tpu.memory_space<hbm>> -> memref<960xi32, #tpu.memory_space<hbm>>
        %dma_start3A_2214 = tpu.memref_slice %arg5[%mul3A_2090] : memref<30720xi32, #tpu.memory_space<hbm>> -> memref<960xi32, #tpu.memory_space<hbm>>
        tpu.enqueue_dma source(%dma_start3A_2214 : memref<960xi32, #tpu.memory_space<hbm>>) target(%run_scoped3A_8 : memref<960xi32, #tpu.memory_space<vmem>>) target_semaphore(%run_scoped3A_2212 : memref<!tpu.dma_semaphore, #tpu.memory_space<semaphore_mem>>)
        %dma_wait3A_2215 = tpu.memref_slice %arg5[%mul3A_2090] : memref<30720xi32, #tpu.memory_space<hbm>> -> memref<960xi32, #tpu.memory_space<hbm>>
        %dma_wait3A_2216 = tpu.memref_slice %arg5[%mul3A_2090] : memref<30720xi32, #tpu.memory_space<hbm>> -> memref<960xi32, #tpu.memory_space<hbm>>
        tpu.wait_dma2 semaphore(%run_scoped3A_2212 : memref<!tpu.dma_semaphore, #tpu.memory_space<semaphore_mem>>) src(%dma_wait3A_2216 : memref<960xi32, #tpu.memory_space<hbm>>) dst(%run_scoped3A_8 : memref<960xi32, #tpu.memory_space<vmem>>)
        tpu.yield
      }) : () -> ()
      %add3A_2091 = arith.constant -1 : i32
      %add3A_2092 = vector.broadcast %add3A_2091 : i32 to vector<16xi32>
      %add3A_2093 = arith.addi %add3A_2092, %iota3A : vector<16xi32>
      %max3A_2094 = arith.constant 0 : i32
      %max3A_2095 = vector.broadcast %max3A_2094 : i32 to vector<16xi32>
      %max3A_2096 = arith.maxsi %add3A_2093, %max3A_2095 : vector<16xi32>
      %gather3A_2097 = tpu.vector_load_idx %run_scoped3A_8[%max3A_2096] : memref<960xi32, #tpu.memory_space<vmem>>[vector<16xi32>], vector<16xi32>,
      %eq3A_2098 = arith.constant 0 : i32
      %eq3A_2099 = vector.broadcast %eq3A_2098 : i32 to vector<16xi32>
      %eq3A_2100 = arith.cmpi eq, %iota3A, %eq3A_2099 : vector<16xi32>
      %broadcast_in_dim3A_2101 = arith.constant 49406 : i32
      %broadcast_in_dim3A_2102 = vector.broadcast %broadcast_in_dim3A_2101 : i32 to vector<16xi32>
      %select_n3A_2103 = arith.select %eq3A_2100, %broadcast_in_dim3A_2102, %gather3A_2097 : vector<16xi1>, vector<16xi32>
      %swap3A_2104 = arith.constant 0 : index
      %swap3A_2105 = tpu.vector_load %run_scoped3A_3[%swap3A_2104] {strides = array<i32>} : memref<32xi32, #tpu.memory_space<vmem>>, vector<16xi32>,
      tpu.vector_store %run_scoped3A_3[%swap3A_2104], %select_n3A_2103 {strides = array<i32>} : memref<32xi32, #tpu.memory_space<vmem>>, vector<16xi32>,
      %add3A_2106 = arith.constant 14 : i32
      %add3A_2107 = vector.broadcast %add3A_2106 : i32 to vector<16xi32>
      %add3A_2108 = arith.addi %add3A_2107, %iota3A : vector<16xi32>
      %max3A_2109 = arith.constant 0 : i32
      %max3A_2110 = vector.broadcast %max3A_2109 : i32 to vector<16xi32>
      %max3A_2111 = arith.maxsi %add3A_2108, %max3A_2110 : vector<16xi32>
      %gather3A_2112 = tpu.vector_load_idx %run_scoped3A_8[%max3A_2111] : memref<960xi32, #tpu.memory_space<vmem>>[vector<16xi32>], vector<16xi32>,
      %eq3A_2113 = arith.constant 0 : i32
      %eq3A_2114 = vector.broadcast %eq3A_2113 : i32 to vector<16xi32>
      %eq3A_2115 = arith.cmpi eq, %iota3A, %eq3A_2114 : vector<16xi32>
      %broadcast_in_dim3A_2116 = arith.constant 49406 : i32
      %broadcast_in_dim3A_2117 = vector.broadcast %broadcast_in_dim3A_2116 : i32 to vector<16xi32>
      %select_n3A_2118 = arith.select %eq3A_2115, %broadcast_in_dim3A_2117, %gather3A_2112 : vector<16xi1>, vector<16xi32>
      %swap3A_2119 = arith.constant 16 : index
      %swap3A_2120 = tpu.vector_load %run_scoped3A_3[%swap3A_2119] {strides = array<i32>} : memref<32xi32, #tpu.memory_space<vmem>>, vector<16xi32>,
      tpu.vector_store %run_scoped3A_3[%swap3A_2119], %select_n3A_2118 {strides = array<i32>} : memref<32xi32, #tpu.memory_space<vmem>>, vector<16xi32>,
      %dma_start3A_2121 = arith.constant 0 : i32
      %dma_start3A_2122 = arith.constant 0 : i32
      %dma_start3A_2123 = tpu.memref_slice %arg2[%dma_start3A_2121, %dma_start3A_2122] : memref<49408x512xf32, #tpu.memory_space<hbm>> -> memref<49408x512xf32, #tpu.memory_space<hbm>>
      tpu.enqueue_indirect_dma source(%dma_start3A_2123 : memref<49408x512xf32, #tpu.memory_space<hbm>>) target(%run_scoped3A : memref<32x512xf32, #tpu.memory_space<vmem>>) offsets(%run_scoped3A_3 : memref<32xi32, #tpu.memory_space<vmem>>) semaphore(%run_scoped3A_14 : memref<!tpu.dma_semaphore, #tpu.memory_space<semaphore_mem>>)
      %add3A_2124 = arith.constant 29 : i32
      %add3A_2125 = vector.broadcast %add3A_2124 : i32 to vector<16xi32>
      %add3A_2126 = arith.addi %add3A_2125, %iota3A : vector<16xi32>
      %max3A_2127 = arith.constant 0 : i32
      %max3A_2128 = vector.broadcast %max3A_2127 : i32 to vector<16xi32>
      %max3A_2129 = arith.maxsi %add3A_2126, %max3A_2128 : vector<16xi32>
      %gather3A_2130 = tpu.vector_load_idx %run_scoped3A_8[%max3A_2129] : memref<960xi32, #tpu.memory_space<vmem>>[vector<16xi32>], vector<16xi32>,
      %eq3A_2131 = arith.constant 0 : i32
      %eq3A_2132 = vector.broadcast %eq3A_2131 : i32 to vector<16xi32>
      %eq3A_2133 = arith.cmpi eq, %iota3A, %eq3A_2132 : vector<16xi32>
      %broadcast_in_dim3A_2134 = arith.constant 49406 : i32
      %broadcast_in_dim3A_2135 = vector.broadcast %broadcast_in_dim3A_2134 : i32 to vector<16xi32>
      %select_n3A_2136 = arith.select %eq3A_2133, %broadcast_in_dim3A_2135, %gather3A_2130 : vector<16xi1>, vector<16xi32>
      %swap3A_2137 = arith.constant 0 : index
      %swap3A_2138 = tpu.vector_load %run_scoped3A_4[%swap3A_2137] {strides = array<i32>} : memref<32xi32, #tpu.memory_space<vmem>>, vector<16xi32>,
      tpu.vector_store %run_scoped3A_4[%swap3A_2137], %select_n3A_2136 {strides = array<i32>} : memref<32xi32, #tpu.memory_space<vmem>>, vector<16xi32>,
      %add3A_2139 = arith.constant 44 : i32
      %add3A_2140 = vector.broadcast %add3A_2139 : i32 to vector<16xi32>
      %add3A_2141 = arith.addi %add3A_2140, %iota3A : vector<16xi32>
      %max3A_2142 = arith.constant 0 : i32
      %max3A_2143 = vector.broadcast %max3A_2142 : i32 to vector<16xi32>
      %max3A_2144 = arith.maxsi %add3A_2141, %max3A_2143 : vector<16xi32>
      %gather3A_2145 = tpu.vector_load_idx %run_scoped3A_8[%max3A_2144] : memref<960xi32, #tpu.memory_space<vmem>>[vector<16xi32>], vector<16xi32>,
      %eq3A_2146 = arith.constant 0 : i32
      %eq3A_2147 = vector.broadcast %eq3A_2146 : i32 to vector<16xi32>
      %eq3A_2148 = arith.cmpi eq, %iota3A, %eq3A_2147 : vector<16xi32>
      %broadcast_in_dim3A_2149 = arith.constant 49406 : i32
      %broadcast_in_dim3A_2150 = vector.broadcast %broadcast_in_dim3A_2149 : i32 to vector<16xi32>
      %select_n3A_2151 = arith.select %eq3A_2148, %broadcast_in_dim3A_2150, %gather3A_2145 : vector<16xi1>, vector<16xi32>
      %swap3A_2152 = arith.constant 16 : index
      %swap3A_2153 = tpu.vector_load %run_scoped3A_4[%swap3A_2152] {strides = array<i32>} : memref<32xi32, #tpu.memory_space<vmem>>, vector<16xi32>,
      tpu.vector_store %run_scoped3A_4[%swap3A_2152], %select_n3A_2151 {strides = array<i32>} : memref<32xi32, #tpu.memory_space<vmem>>, vector<16xi32>,
      %dma_start3A_2154 = arith.constant 0 : i32
      %dma_start3A_2155 = arith.constant 0 : i32
      %dma_start3A_2156 = tpu.memref_slice %arg2[%dma_start3A_2154, %dma_start3A_2155] : memref<49408x512xf32, #tpu.memory_space<hbm>> -> memref<49408x512xf32, #tpu.memory_space<hbm>>
      tpu.enqueue_indirect_dma source(%dma_start3A_2156 : memref<49408x512xf32, #tpu.memory_space<hbm>>) target(%run_scoped3A_0 : memref<32x512xf32, #tpu.memory_space<vmem>>) offsets(%run_scoped3A_4 : memref<32xi32, #tpu.memory_space<vmem>>) semaphore(%run_scoped3A_15 : memref<!tpu.dma_semaphore, #tpu.memory_space<semaphore_mem>>)
      %scan3A = arith.constant 0 : i32
      %scan3A_2157 = arith.constant 0 : i32
      %scan3A_2158 = arith.constant 8 : i32
      %scan3A_2159 = arith.addi %scan3A_2157, %scan3A_2158 : i32
      %scan3A_2160 = arith.constant 1 : i32
      scf.for %scan3A_2212 = %scan3A_2157 to %scan3A_2159 step %scan3A_2160  : i32 {
        %mul3A_2213 = arith.constant 4 : i32
        %mul3A_2214 = arith.muli %scan3A_2212, %mul3A_2213 : i32
        %add3A_2215 = arith.constant 0 : i32
        %add3A_2216 = arith.addi %mul3A_2214, %add3A_2215 : i32
        %dma_wait3A_2217 = arith.constant 0 : i32
        %dma_wait3A_2218 = arith.constant 0 : i32
        %dma_wait3A_2219 = tpu.memref_slice %arg2[%dma_wait3A_2217, %dma_wait3A_2218] : memref<49408x512xf32, #tpu.memory_space<hbm>> -> memref<49408x512xf32, #tpu.memory_space<hbm>>
        tpu.wait_indirect_dma semaphore(%run_scoped3A_14 : memref<!tpu.dma_semaphore, #tpu.memory_space<semaphore_mem>>) src(%dma_wait3A_2219 : memref<49408x512xf32, #tpu.memory_space<hbm>>) dst(%run_scoped3A : memref<32x512xf32, #tpu.memory_space<vmem>>)
        %mul3A_2220 = arith.constant 2 : i32
        %mul3A_2221 = arith.muli %add3A_2216, %mul3A_2220 : i32
        %add3A_2222 = arith.constant 0 : i32
        %add3A_2223 = arith.addi %mul3A_2221, %add3A_2222 : i32
        %add3A_2224 = arith.addi %mul3A_24, %add3A_2223 : i32
        %get3A = arith.index_cast %add3A_2223 : i32 to index
        %get3A_2225 = tpu.vector_load %run_scoped3A_9[%get3A] {strides = array<i32>} : memref<80xi32, #tpu.memory_space<vmem>>, vector<16xi32>,
        %slice3A = vector.extract_strided_slice %get3A_2225 {offsets = [0], sizes = [1], strides = [1]} : vector<16xi32> to vector<1xi32>
        %squeeze3A = vector.extract %slice3A[0] : i32 from vector<1xi32>
        %add3A_2226 = arith.constant 0 : i32
        %add3A_2227 = vector.broadcast %add3A_2226 : i32 to vector<16xi32>
        %add3A_2228 = arith.addi %add3A_2227, %iota3A : vector<16xi32>
        %gather3A_2229 = tpu.vector_load_idx %run_scoped3A[%add3A_2228, %broadcast_in_dim3A_27] : memref<32x512xf32, #tpu.memory_space<vmem>>[vector<16xi32>, vector<16xi32>], vector<16xf32>,
        %mul3A_2230 = arith.constant 16 : i32
        %mul3A_2231 = arith.muli %squeeze3A, %mul3A_2230 : i32
        %add3A_2232 = vector.broadcast %mul3A_2231 : i32 to vector<16xi32>
        %add3A_2233 = arith.addi %add3A_2232, %iota3A : vector<16xi32>
        %gather3A_2234 = tpu.vector_load_idx %run_scoped3A_11[%add3A_2233] : memref<768xf32, #tpu.memory_space<vmem>>[vector<16xi32>], vector<16xf32>,
        %ne3A_2235 = arith.constant 0.000000e+00 : f32
        %ne3A_2236 = vector.broadcast %ne3A_2235 : f32 to vector<16xf32>
        %ne3A_2237 = arith.cmpf one, %gather3A_2229, %ne3A_2236 : vector<16xf32>
        %select_n3A_2238 = arith.select %ne3A_2237, %broadcast_in_dim3A_29, %broadcast_in_dim3A_25 : vector<16xi1>, vector<16xf32>
        %mul3A_2239 = arith.constant 40 : i32
        %mul3A_2240 = arith.muli %add3A_2223, %mul3A_2239 : i32
        %swap3A_2241 = arith.index_cast %mul3A_2240 : i32 to index
        %swap3A_2242 = tpu.vector_load %run_scoped3A_13[%swap3A_2241] {strides = array<i32>} : memref<2576xf32, #tpu.memory_space<vmem>>, vector<16xf32>,
        tpu.vector_store %run_scoped3A_13[%swap3A_2241], %select_n3A_2238 {strides = array<i32>} : memref<2576xf32, #tpu.memory_space<vmem>>, vector<16xf32>,
        %mul3A_2243 = arith.constant 40 : i32
        %mul3A_2244 = arith.muli %add3A_2223, %mul3A_2243 : i32
        %add3A_2245 = arith.constant 16 : i32
        %add3A_2246 = arith.addi %mul3A_2244, %add3A_2245 : i32
        %swap3A_2247 = arith.index_cast %add3A_2246 : i32 to index
        %swap3A_2248 = tpu.vector_load %run_scoped3A_13[%swap3A_2247] {strides = array<i32>} : memref<2576xf32, #tpu.memory_space<vmem>>, vector<16xf32>,
        tpu.vector_store %run_scoped3A_13[%swap3A_2247], %gather3A_2234 {strides = array<i32>} : memref<2576xf32, #tpu.memory_space<vmem>>, vector<16xf32>,
        %mul3A_2249 = arith.constant 40 : i32
        %mul3A_2250 = arith.muli %add3A_2223, %mul3A_2249 : i32
        %add3A_2251 = arith.constant 32 : i32
        %add3A_2252 = arith.addi %mul3A_2250, %add3A_2251 : i32
        %swap3A_2253 = arith.index_cast %add3A_2252 : i32 to index
        %swap3A_2254 = tpu.vector_load %run_scoped3A_13[%swap3A_2253] {strides = array<i32>} : memref<2576xf32, #tpu.memory_space<vmem>>, vector<16xf32>,
        tpu.vector_store %run_scoped3A_13[%swap3A_2253], %broadcast_in_dim3A_25 {strides = array<i32>} : memref<2576xf32, #tpu.memory_space<vmem>>, vector<16xf32>,
        %mul3A_2255 = arith.constant 40 : i32
        %mul3A_2256 = arith.muli %add3A_2224, %mul3A_2255 : i32
        %dma_start3A_2257 = arith.constant 0 : i32
        %dma_start3A_2258 = arith.constant 0 : i32
        %dma_start3A_2259 = tpu.memref_slice %run_scoped3A[%dma_start3A_2257, %dma_start3A_2258] : memref<32x512xf32, #tpu.memory_space<vmem>> -> memref<16x512xf32, #tpu.memory_space<vmem>>
        %dma_start3A_2260 = arith.constant 0 : i32
        %dma_start3A_2261 = tpu.memref_slice %arg7[%mul3A_2256, %dma_start3A_2260] : memref<81920x512xf32, #tpu.memory_space<hbm>> -> memref<16x512xf32, #tpu.memory_space<hbm>>
        %dma_start3A_2262 = arith.constant 0 : i32
        %dma_start3A_2263 = tpu.memref_slice %arg7[%mul3A_2256, %dma_start3A_2262] : memref<81920x512xf32, #tpu.memory_space<hbm>> -> memref<16x512xf32, #tpu.memory_space<hbm>>
        %dma_start3A_2264 = arith.constant 0 : i32
        %dma_start3A_2265 = arith.constant 0 : i32
        %dma_start3A_2266 = tpu.memref_slice %run_scoped3A[%dma_start3A_2264, %dma_start3A_2265] : memref<32x512xf32, #tpu.memory_space<vmem>> -> memref<16x512xf32, #tpu.memory_space<vmem>>
        tpu.enqueue_dma source(%dma_start3A_2266 : memref<16x512xf32, #tpu.memory_space<vmem>>) target(%dma_start3A_2263 : memref<16x512xf32, #tpu.memory_space<hbm>>) target_semaphore(%run_scoped3A_18 : memref<!tpu.dma_semaphore, #tpu.memory_space<semaphore_mem>>)
        %mul3A_2267 = arith.constant 2 : i32
        %mul3A_2268 = arith.muli %add3A_2216, %mul3A_2267 : i32
        %add3A_2269 = arith.constant 1 : i32
        %add3A_2270 = arith.addi %mul3A_2268, %add3A_2269 : i32
        %add3A_2271 = arith.addi %mul3A_24, %add3A_2270 : i32
        %get3A_2272 = arith.index_cast %add3A_2270 : i32 to index
        %get3A_2273 = tpu.vector_load %run_scoped3A_9[%get3A_2272] {strides = array<i32>} : memref<80xi32, #tpu.memory_space<vmem>>, vector<16xi32>,
        %slice3A_2274 = vector.extract_strided_slice %get3A_2273 {offsets = [0], sizes = [1], strides = [1]} : vector<16xi32> to vector<1xi32>
        %squeeze3A_2275 = vector.extract %slice3A_2274[0] : i32 from vector<1xi32>
        %add3A_2276 = arith.constant 16 : i32
        %add3A_2277 = vector.broadcast %add3A_2276 : i32 to vector<16xi32>
        %add3A_2278 = arith.addi %add3A_2277, %iota3A : vector<16xi32>
        %gather3A_2279 = tpu.vector_load_idx %run_scoped3A[%add3A_2278, %broadcast_in_dim3A_27] : memref<32x512xf32, #tpu.memory_space<vmem>>[vector<16xi32>, vector<16xi32>], vector<16xf32>,
        %mul3A_2280 = arith.constant 16 : i32
        %mul3A_2281 = arith.muli %squeeze3A_2275, %mul3A_2280 : i32
        %add3A_2282 = vector.broadcast %mul3A_2281 : i32 to vector<16xi32>
        %add3A_2283 = arith.addi %add3A_2282, %iota3A : vector<16xi32>
        %gather3A_2284 = tpu.vector_load_idx %run_scoped3A_11[%add3A_2283] : memref<768xf32, #tpu.memory_space<vmem>>[vector<16xi32>], vector<16xf32>,
        %ne3A_2285 = arith.constant 0.000000e+00 : f32
        %ne3A_2286 = vector.broadcast %ne3A_2285 : f32 to vector<16xf32>
        %ne3A_2287 = arith.cmpf one, %gather3A_2279, %ne3A_2286 : vector<16xf32>
        %select_n3A_2288 = arith.select %ne3A_2287, %broadcast_in_dim3A_29, %broadcast_in_dim3A_25 : vector<16xi1>, vector<16xf32>
        %mul3A_2289 = arith.constant 40 : i32
        %mul3A_2290 = arith.muli %add3A_2270, %mul3A_2289 : i32
        %swap3A_2291 = arith.index_cast %mul3A_2290 : i32 to index
        %swap3A_2292 = tpu.vector_load %run_scoped3A_13[%swap3A_2291] {strides = array<i32>} : memref<2576xf32, #tpu.memory_space<vmem>>, vector<16xf32>,
        tpu.vector_store %run_scoped3A_13[%swap3A_2291], %select_n3A_2288 {strides = array<i32>} : memref<2576xf32, #tpu.memory_space<vmem>>, vector<16xf32>,
        %mul3A_2293 = arith.constant 40 : i32
        %mul3A_2294 = arith.muli %add3A_2270, %mul3A_2293 : i32
        %add3A_2295 = arith.constant 16 : i32
        %add3A_2296 = arith.addi %mul3A_2294, %add3A_2295 : i32
        %swap3A_2297 = arith.index_cast %add3A_2296 : i32 to index
        %swap3A_2298 = tpu.vector_load %run_scoped3A_13[%swap3A_2297] {strides = array<i32>} : memref<2576xf32, #tpu.memory_space<vmem>>, vector<16xf32>,
        tpu.vector_store %run_scoped3A_13[%swap3A_2297], %gather3A_2284 {strides = array<i32>} : memref<2576xf32, #tpu.memory_space<vmem>>, vector<16xf32>,
        %mul3A_2299 = arith.constant 40 : i32
        %mul3A_2300 = arith.muli %add3A_2270, %mul3A_2299 : i32
        %add3A_2301 = arith.constant 32 : i32
        %add3A_2302 = arith.addi %mul3A_2300, %add3A_2301 : i32
        %swap3A_2303 = arith.index_cast %add3A_2302 : i32 to index
        %swap3A_2304 = tpu.vector_load %run_scoped3A_13[%swap3A_2303] {strides = array<i32>} : memref<2576xf32, #tpu.memory_space<vmem>>, vector<16xf32>,
        tpu.vector_store %run_scoped3A_13[%swap3A_2303], %broadcast_in_dim3A_25 {strides = array<i32>} : memref<2576xf32, #tpu.memory_space<vmem>>, vector<16xf32>,
        %mul3A_2305 = arith.constant 40 : i32
        %mul3A_2306 = arith.muli %add3A_2271, %mul3A_2305 : i32
        %dma_start3A_2307 = arith.constant 16 : i32
        %dma_start3A_2308 = arith.constant 0 : i32
        %dma_start3A_2309 = tpu.memref_slice %run_scoped3A[%dma_start3A_2307, %dma_start3A_2308] : memref<32x512xf32, #tpu.memory_space<vmem>> -> memref<16x512xf32, #tpu.memory_space<vmem>>
        %dma_start3A_2310 = arith.constant 0 : i32
        %dma_start3A_2311 = tpu.memref_slice %arg7[%mul3A_2306, %dma_start3A_2310] : memref<81920x512xf32, #tpu.memory_space<hbm>> -> memref<16x512xf32, #tpu.memory_space<hbm>>
        %dma_start3A_2312 = arith.constant 0 : i32
        %dma_start3A_2313 = tpu.memref_slice %arg7[%mul3A_2306, %dma_start3A_2312] : memref<81920x512xf32, #tpu.memory_space<hbm>> -> memref<16x512xf32, #tpu.memory_space<hbm>>
        %dma_start3A_2314 = arith.constant 16 : i32
        %dma_start3A_2315 = arith.constant 0 : i32
        %dma_start3A_2316 = tpu.memref_slice %run_scoped3A[%dma_start3A_2314, %dma_start3A_2315] : memref<32x512xf32, #tpu.memory_space<vmem>> -> memref<16x512xf32, #tpu.memory_space<vmem>>
        tpu.enqueue_dma source(%dma_start3A_2316 : memref<16x512xf32, #tpu.memory_space<vmem>>) target(%dma_start3A_2313 : memref<16x512xf32, #tpu.memory_space<hbm>>) target_semaphore(%run_scoped3A_18 : memref<!tpu.dma_semaphore, #tpu.memory_space<semaphore_mem>>)
        %ge3A = arith.constant 2 : i32
        %ge3A_2317 = arith.cmpi sge, %add3A_2216, %ge3A : i32
        %convert_element_type3A_2318 = arith.extui %ge3A_2317 : i1 to i32
        %cond3A_2319 = arith.constant 0 : i32
        %cond3A_2320 = arith.cmpi ne, %convert_element_type3A_2318, %cond3A_2319 : i32
        scf.if %cond3A_2320 {
          %dma_wait3A_2685 = arith.constant 0 : i32
          %dma_wait3A_2686 = arith.constant 0 : i32
          %dma_wait3A_2687 = tpu.memref_slice %run_scoped3A_1[%dma_wait3A_2685, %dma_wait3A_2686] : memref<32x512xf32, #tpu.memory_space<vmem>> -> memref<16x512xf32, #tpu.memory_space<vmem>>
          %dma_wait3A_2688 = arith.constant 0 : i32
          %dma_wait3A_2689 = arith.constant 0 : i32
          %dma_wait3A_2690 = tpu.memref_slice %arg7[%dma_wait3A_2688, %dma_wait3A_2689] : memref<81920x512xf32, #tpu.memory_space<hbm>> -> memref<16x512xf32, #tpu.memory_space<hbm>>
          %dma_wait3A_2691 = arith.constant 0 : i32
          %dma_wait3A_2692 = arith.constant 0 : i32
          %dma_wait3A_2693 = tpu.memref_slice %arg7[%dma_wait3A_2691, %dma_wait3A_2692] : memref<81920x512xf32, #tpu.memory_space<hbm>> -> memref<16x512xf32, #tpu.memory_space<hbm>>
          %dma_wait3A_2694 = arith.constant 0 : i32
          %dma_wait3A_2695 = arith.constant 0 : i32
          %dma_wait3A_2696 = tpu.memref_slice %run_scoped3A_1[%dma_wait3A_2694, %dma_wait3A_2695] : memref<32x512xf32, #tpu.memory_space<vmem>> -> memref<16x512xf32, #tpu.memory_space<vmem>>
          tpu.wait_dma2 semaphore(%run_scoped3A_20 : memref<!tpu.dma_semaphore, #tpu.memory_space<semaphore_mem>>) src(%dma_wait3A_2696 : memref<16x512xf32, #tpu.memory_space<vmem>>) dst(%dma_wait3A_2693 : memref<16x512xf32, #tpu.memory_space<hbm>>)
          %dma_wait3A_2697 = arith.constant 16 : i32
          %dma_wait3A_2698 = arith.constant 0 : i32
          %dma_wait3A_2699 = tpu.memref_slice %run_scoped3A_1[%dma_wait3A_2697, %dma_wait3A_2698] : memref<32x512xf32, #tpu.memory_space<vmem>> -> memref<16x512xf32, #tpu.memory_space<vmem>>
          %dma_wait3A_2700 = arith.constant 0 : i32
          %dma_wait3A_2701 = arith.constant 0 : i32
          %dma_wait3A_2702 = tpu.memref_slice %arg7[%dma_wait3A_2700, %dma_wait3A_2701] : memref<81920x512xf32, #tpu.memory_space<hbm>> -> memref<16x512xf32, #tpu.memory_space<hbm>>
          %dma_wait3A_2703 = arith.constant 0 : i32
          %dma_wait3A_2704 = arith.constant 0 : i32
          %dma_wait3A_2705 = tpu.memref_slice %arg7[%dma_wait3A_2703, %dma_wait3A_2704] : memref<81920x512xf32, #tpu.memory_space<hbm>> -> memref<16x512xf32, #tpu.memory_space<hbm>>
          %dma_wait3A_2706 = arith.constant 16 : i32
          %dma_wait3A_2707 = arith.constant 0 : i32
          %dma_wait3A_2708 = tpu.memref_slice %run_scoped3A_1[%dma_wait3A_2706, %dma_wait3A_2707] : memref<32x512xf32, #tpu.memory_space<vmem>> -> memref<16x512xf32, #tpu.memory_space<vmem>>
          tpu.wait_dma2 semaphore(%run_scoped3A_20 : memref<!tpu.dma_semaphore, #tpu.memory_space<semaphore_mem>>) src(%dma_wait3A_2708 : memref<16x512xf32, #tpu.memory_space<vmem>>) dst(%dma_wait3A_2705 : memref<16x512xf32, #tpu.memory_space<hbm>>)
        } else {
        }
        %add3A_2321 = arith.constant 2 : i32
        %add3A_2322 = arith.addi %add3A_2216, %add3A_2321 : i32
        %lt3A_2323 = arith.constant 32 : i32
        %lt3A_2324 = arith.cmpi slt, %add3A_2322, %lt3A_2323 : i32
        %convert_element_type3A_2325 = arith.extui %lt3A_2324 : i1 to i32
        %cond3A_2326 = arith.constant 0 : i32
        %cond3A_2327 = arith.cmpi ne, %convert_element_type3A_2325, %cond3A_2326 : i32
        scf.if %cond3A_2327 {
          %add3A_2685 = arith.constant 2 : i32
          %add3A_2686 = arith.addi %add3A_2216, %add3A_2685 : i32
          %mul3A_2687 = arith.constant 2 : i32
          %mul3A_2688 = arith.muli %add3A_2686, %mul3A_2687 : i32
          %add3A_2689 = arith.constant 0 : i32
          %add3A_2690 = arith.addi %mul3A_2688, %add3A_2689 : i32
          %mul3A_2691 = arith.constant 15 : i32
          %mul3A_2692 = arith.muli %add3A_2690, %mul3A_2691 : i32
          %sub3A_2693 = arith.constant 1 : i32
          %sub3A_2694 = arith.subi %mul3A_2692, %sub3A_2693 : i32
          %add3A_2695 = vector.broadcast %sub3A_2694 : i32 to vector<16xi32>
          %add3A_2696 = arith.addi %add3A_2695, %iota3A : vector<16xi32>
          %max3A_2697 = arith.constant 0 : i32
          %max3A_2698 = vector.broadcast %max3A_2697 : i32 to vector<16xi32>
          %max3A_2699 = arith.maxsi %add3A_2696, %max3A_2698 : vector<16xi32>
          %gather3A_2700 = tpu.vector_load_idx %run_scoped3A_8[%max3A_2699] : memref<960xi32, #tpu.memory_space<vmem>>[vector<16xi32>], vector<16xi32>,
          %eq3A_2701 = arith.constant 0 : i32
          %eq3A_2702 = vector.broadcast %eq3A_2701 : i32 to vector<16xi32>
          %eq3A_2703 = arith.cmpi eq, %iota3A, %eq3A_2702 : vector<16xi32>
          %broadcast_in_dim3A_2704 = arith.constant 49406 : i32
          %broadcast_in_dim3A_2705 = vector.broadcast %broadcast_in_dim3A_2704 : i32 to vector<16xi32>
          %select_n3A_2706 = arith.select %eq3A_2703, %broadcast_in_dim3A_2705, %gather3A_2700 : vector<16xi1>, vector<16xi32>
          %swap3A_2707 = arith.constant 0 : index
          %swap3A_2708 = tpu.vector_load %run_scoped3A_5[%swap3A_2707] {strides = array<i32>} : memref<32xi32, #tpu.memory_space<vmem>>, vector<16xi32>,
          tpu.vector_store %run_scoped3A_5[%swap3A_2707], %select_n3A_2706 {strides = array<i32>} : memref<32xi32, #tpu.memory_space<vmem>>, vector<16xi32>,
          %mul3A_2709 = arith.constant 2 : i32
          %mul3A_2710 = arith.muli %add3A_2686, %mul3A_2709 : i32
          %add3A_2711 = arith.constant 1 : i32
          %add3A_2712 = arith.addi %mul3A_2710, %add3A_2711 : i32
          %mul3A_2713 = arith.constant 15 : i32
          %mul3A_2714 = arith.muli %add3A_2712, %mul3A_2713 : i32
          %sub3A_2715 = arith.constant 1 : i32
          %sub3A_2716 = arith.subi %mul3A_2714, %sub3A_2715 : i32
          %add3A_2717 = vector.broadcast %sub3A_2716 : i32 to vector<16xi32>
          %add3A_2718 = arith.addi %add3A_2717, %iota3A : vector<16xi32>
          %max3A_2719 = arith.constant 0 : i32
          %max3A_2720 = vector.broadcast %max3A_2719 : i32 to vector<16xi32>
          %max3A_2721 = arith.maxsi %add3A_2718, %max3A_2720 : vector<16xi32>
          %gather3A_2722 = tpu.vector_load_idx %run_scoped3A_8[%max3A_2721] : memref<960xi32, #tpu.memory_space<vmem>>[vector<16xi32>], vector<16xi32>,
          %eq3A_2723 = arith.constant 0 : i32
          %eq3A_2724 = vector.broadcast %eq3A_2723 : i32 to vector<16xi32>
          %eq3A_2725 = arith.cmpi eq, %iota3A, %eq3A_2724 : vector<16xi32>
          %broadcast_in_dim3A_2726 = arith.constant 49406 : i32
          %broadcast_in_dim3A_2727 = vector.broadcast %broadcast_in_dim3A_2726 : i32 to vector<16xi32>
          %select_n3A_2728 = arith.select %eq3A_2725, %broadcast_in_dim3A_2727, %gather3A_2722 : vector<16xi1>, vector<16xi32>
          %swap3A_2729 = arith.constant 16 : index
          %swap3A_2730 = tpu.vector_load %run_scoped3A_5[%swap3A_2729] {strides = array<i32>} : memref<32xi32, #tpu.memory_space<vmem>>, vector<16xi32>,
          tpu.vector_store %run_scoped3A_5[%swap3A_2729], %select_n3A_2728 {strides = array<i32>} : memref<32xi32, #tpu.memory_space<vmem>>, vector<16xi32>,
          %dma_start3A_2731 = arith.constant 0 : i32
          %dma_start3A_2732 = arith.constant 0 : i32
          %dma_start3A_2733 = tpu.memref_slice %arg2[%dma_start3A_2731, %dma_start3A_2732] : memref<49408x512xf32, #tpu.memory_space<hbm>> -> memref<49408x512xf32, #tpu.memory_space<hbm>>
          tpu.enqueue_indirect_dma source(%dma_start3A_2733 : memref<49408x512xf32, #tpu.memory_space<hbm>>) target(%run_scoped3A_1 : memref<32x512xf32, #tpu.memory_space<vmem>>) offsets(%run_scoped3A_5 : memref<32xi32, #tpu.memory_space<vmem>>) semaphore(%run_scoped3A_16 : memref<!tpu.dma_semaphore, #tpu.memory_space<semaphore_mem>>)
        } else {
        }
        %mul3A_2328 = arith.constant 4 : i32
        %mul3A_2329 = arith.muli %scan3A_2212, %mul3A_2328 : i32
        %add3A_2330 = arith.constant 1 : i32
        %add3A_2331 = arith.addi %mul3A_2329, %add3A_2330 : i32
        %dma_wait3A_2332 = arith.constant 0 : i32
        %dma_wait3A_2333 = arith.constant 0 : i32
        %dma_wait3A_2334 = tpu.memref_slice %arg2[%dma_wait3A_2332, %dma_wait3A_2333] : memref<49408x512xf32, #tpu.memory_space<hbm>> -> memref<49408x512xf32, #tpu.memory_space<hbm>>
        tpu.wait_indirect_dma semaphore(%run_scoped3A_15 : memref<!tpu.dma_semaphore, #tpu.memory_space<semaphore_mem>>) src(%dma_wait3A_2334 : memref<49408x512xf32, #tpu.memory_space<hbm>>) dst(%run_scoped3A_0 : memref<32x512xf32, #tpu.memory_space<vmem>>)
        %mul3A_2335 = arith.constant 2 : i32
        %mul3A_2336 = arith.muli %add3A_2331, %mul3A_2335 : i32
        %add3A_2337 = arith.constant 0 : i32
        %add3A_2338 = arith.addi %mul3A_2336, %add3A_2337 : i32
        %add3A_2339 = arith.addi %mul3A_24, %add3A_2338 : i32
        %get3A_2340 = arith.index_cast %add3A_2338 : i32 to index
        %get3A_2341 = tpu.vector_load %run_scoped3A_9[%get3A_2340] {strides = array<i32>} : memref<80xi32, #tpu.memory_space<vmem>>, vector<16xi32>,
        %slice3A_2342 = vector.extract_strided_slice %get3A_2341 {offsets = [0], sizes = [1], strides = [1]} : vector<16xi32> to vector<1xi32>
        %squeeze3A_2343 = vector.extract %slice3A_2342[0] : i32 from vector<1xi32>
        %add3A_2344 = arith.constant 0 : i32
        %add3A_2345 = vector.broadcast %add3A_2344 : i32 to vector<16xi32>
        %add3A_2346 = arith.addi %add3A_2345, %iota3A : vector<16xi32>
        %gather3A_2347 = tpu.vector_load_idx %run_scoped3A_0[%add3A_2346, %broadcast_in_dim3A_27] : memref<32x512xf32, #tpu.memory_space<vmem>>[vector<16xi32>, vector<16xi32>], vector<16xf32>,
        %mul3A_2348 = arith.constant 16 : i32
        %mul3A_2349 = arith.muli %squeeze3A_2343, %mul3A_2348 : i32
        %add3A_2350 = vector.broadcast %mul3A_2349 : i32 to vector<16xi32>
        %add3A_2351 = arith.addi %add3A_2350, %iota3A : vector<16xi32>
        %gather3A_2352 = tpu.vector_load_idx %run_scoped3A_11[%add3A_2351] : memref<768xf32, #tpu.memory_space<vmem>>[vector<16xi32>], vector<16xf32>,
        %ne3A_2353 = arith.constant 0.000000e+00 : f32
        %ne3A_2354 = vector.broadcast %ne3A_2353 : f32 to vector<16xf32>
        %ne3A_2355 = arith.cmpf one, %gather3A_2347, %ne3A_2354 : vector<16xf32>
        %select_n3A_2356 = arith.select %ne3A_2355, %broadcast_in_dim3A_29, %broadcast_in_dim3A_25 : vector<16xi1>, vector<16xf32>
        %mul3A_2357 = arith.constant 40 : i32
        %mul3A_2358 = arith.muli %add3A_2338, %mul3A_2357 : i32
        %swap3A_2359 = arith.index_cast %mul3A_2358 : i32 to index
        %swap3A_2360 = tpu.vector_load %run_scoped3A_13[%swap3A_2359] {strides = array<i32>} : memref<2576xf32, #tpu.memory_space<vmem>>, vector<16xf32>,
        tpu.vector_store %run_scoped3A_13[%swap3A_2359], %select_n3A_2356 {strides = array<i32>} : memref<2576xf32, #tpu.memory_space<vmem>>, vector<16xf32>,
        %mul3A_2361 = arith.constant 40 : i32
        %mul3A_2362 = arith.muli %add3A_2338, %mul3A_2361 : i32
        %add3A_2363 = arith.constant 16 : i32
        %add3A_2364 = arith.addi %mul3A_2362, %add3A_2363 : i32
        %swap3A_2365 = arith.index_cast %add3A_2364 : i32 to index
        %swap3A_2366 = tpu.vector_load %run_scoped3A_13[%swap3A_2365] {strides = array<i32>} : memref<2576xf32, #tpu.memory_space<vmem>>, vector<16xf32>,
        tpu.vector_store %run_scoped3A_13[%swap3A_2365], %gather3A_2352 {strides = array<i32>} : memref<2576xf32, #tpu.memory_space<vmem>>, vector<16xf32>,
        %mul3A_2367 = arith.constant 40 : i32
        %mul3A_2368 = arith.muli %add3A_2338, %mul3A_2367 : i32
        %add3A_2369 = arith.constant 32 : i32
        %add3A_2370 = arith.addi %mul3A_2368, %add3A_2369 : i32
        %swap3A_2371 = arith.index_cast %add3A_2370 : i32 to index
        %swap3A_2372 = tpu.vector_load %run_scoped3A_13[%swap3A_2371] {strides = array<i32>} : memref<2576xf32, #tpu.memory_space<vmem>>, vector<16xf32>,
        tpu.vector_store %run_scoped3A_13[%swap3A_2371], %broadcast_in_dim3A_25 {strides = array<i32>} : memref<2576xf32, #tpu.memory_space<vmem>>, vector<16xf32>,
        %mul3A_2373 = arith.constant 40 : i32
        %mul3A_2374 = arith.muli %add3A_2339, %mul3A_2373 : i32
        %dma_start3A_2375 = arith.constant 0 : i32
        %dma_start3A_2376 = arith.constant 0 : i32
        %dma_start3A_2377 = tpu.memref_slice %run_scoped3A_0[%dma_start3A_2375, %dma_start3A_2376] : memref<32x512xf32, #tpu.memory_space<vmem>> -> memref<16x512xf32, #tpu.memory_space<vmem>>
        %dma_start3A_2378 = arith.constant 0 : i32
        %dma_start3A_2379 = tpu.memref_slice %arg7[%mul3A_2374, %dma_start3A_2378] : memref<81920x512xf32, #tpu.memory_space<hbm>> -> memref<16x512xf32, #tpu.memory_space<hbm>>
        %dma_start3A_2380 = arith.constant 0 : i32
        %dma_start3A_2381 = tpu.memref_slice %arg7[%mul3A_2374, %dma_start3A_2380] : memref<81920x512xf32, #tpu.memory_space<hbm>> -> memref<16x512xf32, #tpu.memory_space<hbm>>
        %dma_start3A_2382 = arith.constant 0 : i32
        %dma_start3A_2383 = arith.constant 0 : i32
        %dma_start3A_2384 = tpu.memref_slice %run_scoped3A_0[%dma_start3A_2382, %dma_start3A_2383] : memref<32x512xf32, #tpu.memory_space<vmem>> -> memref<16x512xf32, #tpu.memory_space<vmem>>
        tpu.enqueue_dma source(%dma_start3A_2384 : memref<16x512xf32, #tpu.memory_space<vmem>>) target(%dma_start3A_2381 : memref<16x512xf32, #tpu.memory_space<hbm>>) target_semaphore(%run_scoped3A_19 : memref<!tpu.dma_semaphore, #tpu.memory_space<semaphore_mem>>)
        %mul3A_2385 = arith.constant 2 : i32
        %mul3A_2386 = arith.muli %add3A_2331, %mul3A_2385 : i32
        %add3A_2387 = arith.constant 1 : i32
        %add3A_2388 = arith.addi %mul3A_2386, %add3A_2387 : i32
        %add3A_2389 = arith.addi %mul3A_24, %add3A_2388 : i32
        %get3A_2390 = arith.index_cast %add3A_2388 : i32 to index
        %get3A_2391 = tpu.vector_load %run_scoped3A_9[%get3A_2390] {strides = array<i32>} : memref<80xi32, #tpu.memory_space<vmem>>, vector<16xi32>,
        %slice3A_2392 = vector.extract_strided_slice %get3A_2391 {offsets = [0], sizes = [1], strides = [1]} : vector<16xi32> to vector<1xi32>
        %squeeze3A_2393 = vector.extract %slice3A_2392[0] : i32 from vector<1xi32>
        %add3A_2394 = arith.constant 16 : i32
        %add3A_2395 = vector.broadcast %add3A_2394 : i32 to vector<16xi32>
        %add3A_2396 = arith.addi %add3A_2395, %iota3A : vector<16xi32>
        %gather3A_2397 = tpu.vector_load_idx %run_scoped3A_0[%add3A_2396, %broadcast_in_dim3A_27] : memref<32x512xf32, #tpu.memory_space<vmem>>[vector<16xi32>, vector<16xi32>], vector<16xf32>,
        %mul3A_2398 = arith.constant 16 : i32
        %mul3A_2399 = arith.muli %squeeze3A_2393, %mul3A_2398 : i32
        %add3A_2400 = vector.broadcast %mul3A_2399 : i32 to vector<16xi32>
        %add3A_2401 = arith.addi %add3A_2400, %iota3A : vector<16xi32>
        %gather3A_2402 = tpu.vector_load_idx %run_scoped3A_11[%add3A_2401] : memref<768xf32, #tpu.memory_space<vmem>>[vector<16xi32>], vector<16xf32>,
        %ne3A_2403 = arith.constant 0.000000e+00 : f32
        %ne3A_2404 = vector.broadcast %ne3A_2403 : f32 to vector<16xf32>
        %ne3A_2405 = arith.cmpf one, %gather3A_2397, %ne3A_2404 : vector<16xf32>
        %select_n3A_2406 = arith.select %ne3A_2405, %broadcast_in_dim3A_29, %broadcast_in_dim3A_25 : vector<16xi1>, vector<16xf32>
        %mul3A_2407 = arith.constant 40 : i32
        %mul3A_2408 = arith.muli %add3A_2388, %mul3A_2407 : i32
        %swap3A_2409 = arith.index_cast %mul3A_2408 : i32 to index
        %swap3A_2410 = tpu.vector_load %run_scoped3A_13[%swap3A_2409] {strides = array<i32>} : memref<2576xf32, #tpu.memory_space<vmem>>, vector<16xf32>,
        tpu.vector_store %run_scoped3A_13[%swap3A_2409], %select_n3A_2406 {strides = array<i32>} : memref<2576xf32, #tpu.memory_space<vmem>>, vector<16xf32>,
        %mul3A_2411 = arith.constant 40 : i32
        %mul3A_2412 = arith.muli %add3A_2388, %mul3A_2411 : i32
        %add3A_2413 = arith.constant 16 : i32
        %add3A_2414 = arith.addi %mul3A_2412, %add3A_2413 : i32
        %swap3A_2415 = arith.index_cast %add3A_2414 : i32 to index
        %swap3A_2416 = tpu.vector_load %run_scoped3A_13[%swap3A_2415] {strides = array<i32>} : memref<2576xf32, #tpu.memory_space<vmem>>, vector<16xf32>,
        tpu.vector_store %run_scoped3A_13[%swap3A_2415], %gather3A_2402 {strides = array<i32>} : memref<2576xf32, #tpu.memory_space<vmem>>, vector<16xf32>,
        %mul3A_2417 = arith.constant 40 : i32
        %mul3A_2418 = arith.muli %add3A_2388, %mul3A_2417 : i32
        %add3A_2419 = arith.constant 32 : i32
        %add3A_2420 = arith.addi %mul3A_2418, %add3A_2419 : i32
        %swap3A_2421 = arith.index_cast %add3A_2420 : i32 to index
        %swap3A_2422 = tpu.vector_load %run_scoped3A_13[%swap3A_2421] {strides = array<i32>} : memref<2576xf32, #tpu.memory_space<vmem>>, vector<16xf32>,
        tpu.vector_store %run_scoped3A_13[%swap3A_2421], %broadcast_in_dim3A_25 {strides = array<i32>} : memref<2576xf32, #tpu.memory_space<vmem>>, vector<16xf32>,
        %mul3A_2423 = arith.constant 40 : i32
        %mul3A_2424 = arith.muli %add3A_2389, %mul3A_2423 : i32
        %dma_start3A_2425 = arith.constant 16 : i32
        %dma_start3A_2426 = arith.constant 0 : i32
        %dma_start3A_2427 = tpu.memref_slice %run_scoped3A_0[%dma_start3A_2425, %dma_start3A_2426] : memref<32x512xf32, #tpu.memory_space<vmem>> -> memref<16x512xf32, #tpu.memory_space<vmem>>
        %dma_start3A_2428 = arith.constant 0 : i32
        %dma_start3A_2429 = tpu.memref_slice %arg7[%mul3A_2424, %dma_start3A_2428] : memref<81920x512xf32, #tpu.memory_space<hbm>> -> memref<16x512xf32, #tpu.memory_space<hbm>>
        %dma_start3A_2430 = arith.constant 0 : i32
        %dma_start3A_2431 = tpu.memref_slice %arg7[%mul3A_2424, %dma_start3A_2430] : memref<81920x512xf32, #tpu.memory_space<hbm>> -> memref<16x512xf32, #tpu.memory_space<hbm>>
        %dma_start3A_2432 = arith.constant 16 : i32
        %dma_start3A_2433 = arith.constant 0 : i32
        %dma_start3A_2434 = tpu.memref_slice %run_scoped3A_0[%dma_start3A_2432, %dma_start3A_2433] : memref<32x512xf32, #tpu.memory_space<vmem>> -> memref<16x512xf32, #tpu.memory_space<vmem>>
        tpu.enqueue_dma source(%dma_start3A_2434 : memref<16x512xf32, #tpu.memory_space<vmem>>) target(%dma_start3A_2431 : memref<16x512xf32, #tpu.memory_space<hbm>>) target_semaphore(%run_scoped3A_19 : memref<!tpu.dma_semaphore, #tpu.memory_space<semaphore_mem>>)
        %ge3A_2435 = arith.constant 2 : i32
        %ge3A_2436 = arith.cmpi sge, %add3A_2331, %ge3A_2435 : i32
        %convert_element_type3A_2437 = arith.extui %ge3A_2436 : i1 to i32
        %cond3A_2438 = arith.constant 0 : i32
        %cond3A_2439 = arith.cmpi ne, %convert_element_type3A_2437, %cond3A_2438 : i32
        scf.if %cond3A_2439 {
          %dma_wait3A_2685 = arith.constant 0 : i32
          %dma_wait3A_2686 = arith.constant 0 : i32
          %dma_wait3A_2687 = tpu.memref_slice %run_scoped3A_2[%dma_wait3A_2685, %dma_wait3A_2686] : memref<32x512xf32, #tpu.memory_space<vmem>> -> memref<16x512xf32, #tpu.memory_space<vmem>>
          %dma_wait3A_2688 = arith.constant 0 : i32
          %dma_wait3A_2689 = arith.constant 0 : i32
          %dma_wait3A_2690 = tpu.memref_slice %arg7[%dma_wait3A_2688, %dma_wait3A_2689] : memref<81920x512xf32, #tpu.memory_space<hbm>> -> memref<16x512xf32, #tpu.memory_space<hbm>>
          %dma_wait3A_2691 = arith.constant 0 : i32
          %dma_wait3A_2692 = arith.constant 0 : i32
          %dma_wait3A_2693 = tpu.memref_slice %arg7[%dma_wait3A_2691, %dma_wait3A_2692] : memref<81920x512xf32, #tpu.memory_space<hbm>> -> memref<16x512xf32, #tpu.memory_space<hbm>>
          %dma_wait3A_2694 = arith.constant 0 : i32
          %dma_wait3A_2695 = arith.constant 0 : i32
          %dma_wait3A_2696 = tpu.memref_slice %run_scoped3A_2[%dma_wait3A_2694, %dma_wait3A_2695] : memref<32x512xf32, #tpu.memory_space<vmem>> -> memref<16x512xf32, #tpu.memory_space<vmem>>
          tpu.wait_dma2 semaphore(%run_scoped3A_21 : memref<!tpu.dma_semaphore, #tpu.memory_space<semaphore_mem>>) src(%dma_wait3A_2696 : memref<16x512xf32, #tpu.memory_space<vmem>>) dst(%dma_wait3A_2693 : memref<16x512xf32, #tpu.memory_space<hbm>>)
          %dma_wait3A_2697 = arith.constant 16 : i32
          %dma_wait3A_2698 = arith.constant 0 : i32
          %dma_wait3A_2699 = tpu.memref_slice %run_scoped3A_2[%dma_wait3A_2697, %dma_wait3A_2698] : memref<32x512xf32, #tpu.memory_space<vmem>> -> memref<16x512xf32, #tpu.memory_space<vmem>>
          %dma_wait3A_2700 = arith.constant 0 : i32
          %dma_wait3A_2701 = arith.constant 0 : i32
          %dma_wait3A_2702 = tpu.memref_slice %arg7[%dma_wait3A_2700, %dma_wait3A_2701] : memref<81920x512xf32, #tpu.memory_space<hbm>> -> memref<16x512xf32, #tpu.memory_space<hbm>>
          %dma_wait3A_2703 = arith.constant 0 : i32
          %dma_wait3A_2704 = arith.constant 0 : i32
          %dma_wait3A_2705 = tpu.memref_slice %arg7[%dma_wait3A_2703, %dma_wait3A_2704] : memref<81920x512xf32, #tpu.memory_space<hbm>> -> memref<16x512xf32, #tpu.memory_space<hbm>>
          %dma_wait3A_2706 = arith.constant 16 : i32
          %dma_wait3A_2707 = arith.constant 0 : i32
          %dma_wait3A_2708 = tpu.memref_slice %run_scoped3A_2[%dma_wait3A_2706, %dma_wait3A_2707] : memref<32x512xf32, #tpu.memory_space<vmem>> -> memref<16x512xf32, #tpu.memory_space<vmem>>
          tpu.wait_dma2 semaphore(%run_scoped3A_21 : memref<!tpu.dma_semaphore, #tpu.memory_space<semaphore_mem>>) src(%dma_wait3A_2708 : memref<16x512xf32, #tpu.memory_space<vmem>>) dst(%dma_wait3A_2705 : memref<16x512xf32, #tpu.memory_space<hbm>>)
        } else {
        }
        %add3A_2440 = arith.constant 2 : i32
        %add3A_2441 = arith.addi %add3A_2331, %add3A_2440 : i32
        %lt3A_2442 = arith.constant 32 : i32
        %lt3A_2443 = arith.cmpi slt, %add3A_2441, %lt3A_2442 : i32
        %convert_element_type3A_2444 = arith.extui %lt3A_2443 : i1 to i32
        %cond3A_2445 = arith.constant 0 : i32
        %cond3A_2446 = arith.cmpi ne, %convert_element_type3A_2444, %cond3A_2445 : i32
        scf.if %cond3A_2446 {
          %add3A_2685 = arith.constant 2 : i32
          %add3A_2686 = arith.addi %add3A_2331, %add3A_2685 : i32
          %mul3A_2687 = arith.constant 2 : i32
          %mul3A_2688 = arith.muli %add3A_2686, %mul3A_2687 : i32
          %add3A_2689 = arith.constant 0 : i32
          %add3A_2690 = arith.addi %mul3A_2688, %add3A_2689 : i32
          %mul3A_2691 = arith.constant 15 : i32
          %mul3A_2692 = arith.muli %add3A_2690, %mul3A_2691 : i32
          %sub3A_2693 = arith.constant 1 : i32
          %sub3A_2694 = arith.subi %mul3A_2692, %sub3A_2693 : i32
          %add3A_2695 = vector.broadcast %sub3A_2694 : i32 to vector<16xi32>
          %add3A_2696 = arith.addi %add3A_2695, %iota3A : vector<16xi32>
          %max3A_2697 = arith.constant 0 : i32
          %max3A_2698 = vector.broadcast %max3A_2697 : i32 to vector<16xi32>
          %max3A_2699 = arith.maxsi %add3A_2696, %max3A_2698 : vector<16xi32>
          %gather3A_2700 = tpu.vector_load_idx %run_scoped3A_8[%max3A_2699] : memref<960xi32, #tpu.memory_space<vmem>>[vector<16xi32>], vector<16xi32>,
          %eq3A_2701 = arith.constant 0 : i32
          %eq3A_2702 = vector.broadcast %eq3A_2701 : i32 to vector<16xi32>
          %eq3A_2703 = arith.cmpi eq, %iota3A, %eq3A_2702 : vector<16xi32>
          %broadcast_in_dim3A_2704 = arith.constant 49406 : i32
          %broadcast_in_dim3A_2705 = vector.broadcast %broadcast_in_dim3A_2704 : i32 to vector<16xi32>
          %select_n3A_2706 = arith.select %eq3A_2703, %broadcast_in_dim3A_2705, %gather3A_2700 : vector<16xi1>, vector<16xi32>
          %swap3A_2707 = arith.constant 0 : index
          %swap3A_2708 = tpu.vector_load %run_scoped3A_6[%swap3A_2707] {strides = array<i32>} : memref<32xi32, #tpu.memory_space<vmem>>, vector<16xi32>,
          tpu.vector_store %run_scoped3A_6[%swap3A_2707], %select_n3A_2706 {strides = array<i32>} : memref<32xi32, #tpu.memory_space<vmem>>, vector<16xi32>,
          %mul3A_2709 = arith.constant 2 : i32
          %mul3A_2710 = arith.muli %add3A_2686, %mul3A_2709 : i32
          %add3A_2711 = arith.constant 1 : i32
          %add3A_2712 = arith.addi %mul3A_2710, %add3A_2711 : i32
          %mul3A_2713 = arith.constant 15 : i32
          %mul3A_2714 = arith.muli %add3A_2712, %mul3A_2713 : i32
          %sub3A_2715 = arith.constant 1 : i32
          %sub3A_2716 = arith.subi %mul3A_2714, %sub3A_2715 : i32
          %add3A_2717 = vector.broadcast %sub3A_2716 : i32 to vector<16xi32>
          %add3A_2718 = arith.addi %add3A_2717, %iota3A : vector<16xi32>
          %max3A_2719 = arith.constant 0 : i32
          %max3A_2720 = vector.broadcast %max3A_2719 : i32 to vector<16xi32>
          %max3A_2721 = arith.maxsi %add3A_2718, %max3A_2720 : vector<16xi32>
          %gather3A_2722 = tpu.vector_load_idx %run_scoped3A_8[%max3A_2721] : memref<960xi32, #tpu.memory_space<vmem>>[vector<16xi32>], vector<16xi32>,
          %eq3A_2723 = arith.constant 0 : i32
          %eq3A_2724 = vector.broadcast %eq3A_2723 : i32 to vector<16xi32>
          %eq3A_2725 = arith.cmpi eq, %iota3A, %eq3A_2724 : vector<16xi32>
          %broadcast_in_dim3A_2726 = arith.constant 49406 : i32
          %broadcast_in_dim3A_2727 = vector.broadcast %broadcast_in_dim3A_2726 : i32 to vector<16xi32>
          %select_n3A_2728 = arith.select %eq3A_2725, %broadcast_in_dim3A_2727, %gather3A_2722 : vector<16xi1>, vector<16xi32>
          %swap3A_2729 = arith.constant 16 : index
          %swap3A_2730 = tpu.vector_load %run_scoped3A_6[%swap3A_2729] {strides = array<i32>} : memref<32xi32, #tpu.memory_space<vmem>>, vector<16xi32>,
          tpu.vector_store %run_scoped3A_6[%swap3A_2729], %select_n3A_2728 {strides = array<i32>} : memref<32xi32, #tpu.memory_space<vmem>>, vector<16xi32>,
          %dma_start3A_2731 = arith.constant 0 : i32
          %dma_start3A_2732 = arith.constant 0 : i32
          %dma_start3A_2733 = tpu.memref_slice %arg2[%dma_start3A_2731, %dma_start3A_2732] : memref<49408x512xf32, #tpu.memory_space<hbm>> -> memref<49408x512xf32, #tpu.memory_space<hbm>>
          tpu.enqueue_indirect_dma source(%dma_start3A_2733 : memref<49408x512xf32, #tpu.memory_space<hbm>>) target(%run_scoped3A_2 : memref<32x512xf32, #tpu.memory_space<vmem>>) offsets(%run_scoped3A_6 : memref<32xi32, #tpu.memory_space<vmem>>) semaphore(%run_scoped3A_17 : memref<!tpu.dma_semaphore, #tpu.memory_space<semaphore_mem>>)
        } else {
        }
        %mul3A_2447 = arith.constant 4 : i32
        %mul3A_2448 = arith.muli %scan3A_2212, %mul3A_2447 : i32
        %add3A_2449 = arith.constant 2 : i32
        %add3A_2450 = arith.addi %mul3A_2448, %add3A_2449 : i32
        %dma_wait3A_2451 = arith.constant 0 : i32
        %dma_wait3A_2452 = arith.constant 0 : i32
        %dma_wait3A_2453 = tpu.memref_slice %arg2[%dma_wait3A_2451, %dma_wait3A_2452] : memref<49408x512xf32, #tpu.memory_space<hbm>> -> memref<49408x512xf32, #tpu.memory_space<hbm>>
        tpu.wait_indirect_dma semaphore(%run_scoped3A_16 : memref<!tpu.dma_semaphore, #tpu.memory_space<semaphore_mem>>) src(%dma_wait3A_2453 : memref<49408x512xf32, #tpu.memory_space<hbm>>) dst(%run_scoped3A_1 : memref<32x512xf32, #tpu.memory_space<vmem>>)
        %mul3A_2454 = arith.constant 2 : i32
        %mul3A_2455 = arith.muli %add3A_2450, %mul3A_2454 : i32
        %add3A_2456 = arith.constant 0 : i32
        %add3A_2457 = arith.addi %mul3A_2455, %add3A_2456 : i32
        %add3A_2458 = arith.addi %mul3A_24, %add3A_2457 : i32
        %get3A_2459 = arith.index_cast %add3A_2457 : i32 to index
        %get3A_2460 = tpu.vector_load %run_scoped3A_9[%get3A_2459] {strides = array<i32>} : memref<80xi32, #tpu.memory_space<vmem>>, vector<16xi32>,
        %slice3A_2461 = vector.extract_strided_slice %get3A_2460 {offsets = [0], sizes = [1], strides = [1]} : vector<16xi32> to vector<1xi32>
        %squeeze3A_2462 = vector.extract %slice3A_2461[0] : i32 from vector<1xi32>
        %add3A_2463 = arith.constant 0 : i32
        %add3A_2464 = vector.broadcast %add3A_2463 : i32 to vector<16xi32>
        %add3A_2465 = arith.addi %add3A_2464, %iota3A : vector<16xi32>
        %gather3A_2466 = tpu.vector_load_idx %run_scoped3A_1[%add3A_2465, %broadcast_in_dim3A_27] : memref<32x512xf32, #tpu.memory_space<vmem>>[vector<16xi32>, vector<16xi32>], vector<16xf32>,
        %mul3A_2467 = arith.constant 16 : i32
        %mul3A_2468 = arith.muli %squeeze3A_2462, %mul3A_2467 : i32
        %add3A_2469 = vector.broadcast %mul3A_2468 : i32 to vector<16xi32>
        %add3A_2470 = arith.addi %add3A_2469, %iota3A : vector<16xi32>
        %gather3A_2471 = tpu.vector_load_idx %run_scoped3A_11[%add3A_2470] : memref<768xf32, #tpu.memory_space<vmem>>[vector<16xi32>], vector<16xf32>,
        %ne3A_2472 = arith.constant 0.000000e+00 : f32
        %ne3A_2473 = vector.broadcast %ne3A_2472 : f32 to vector<16xf32>
        %ne3A_2474 = arith.cmpf one, %gather3A_2466, %ne3A_2473 : vector<16xf32>
        %select_n3A_2475 = arith.select %ne3A_2474, %broadcast_in_dim3A_29, %broadcast_in_dim3A_25 : vector<16xi1>, vector<16xf32>
        %mul3A_2476 = arith.constant 40 : i32
        %mul3A_2477 = arith.muli %add3A_2457, %mul3A_2476 : i32
        %swap3A_2478 = arith.index_cast %mul3A_2477 : i32 to index
        %swap3A_2479 = tpu.vector_load %run_scoped3A_13[%swap3A_2478] {strides = array<i32>} : memref<2576xf32, #tpu.memory_space<vmem>>, vector<16xf32>,
        tpu.vector_store %run_scoped3A_13[%swap3A_2478], %select_n3A_2475 {strides = array<i32>} : memref<2576xf32, #tpu.memory_space<vmem>>, vector<16xf32>,
        %mul3A_2480 = arith.constant 40 : i32
        %mul3A_2481 = arith.muli %add3A_2457, %mul3A_2480 : i32
        %add3A_2482 = arith.constant 16 : i32
        %add3A_2483 = arith.addi %mul3A_2481, %add3A_2482 : i32
        %swap3A_2484 = arith.index_cast %add3A_2483 : i32 to index
        %swap3A_2485 = tpu.vector_load %run_scoped3A_13[%swap3A_2484] {strides = array<i32>} : memref<2576xf32, #tpu.memory_space<vmem>>, vector<16xf32>,
        tpu.vector_store %run_scoped3A_13[%swap3A_2484], %gather3A_2471 {strides = array<i32>} : memref<2576xf32, #tpu.memory_space<vmem>>, vector<16xf32>,
        %mul3A_2486 = arith.constant 40 : i32
        %mul3A_2487 = arith.muli %add3A_2457, %mul3A_2486 : i32
        %add3A_2488 = arith.constant 32 : i32
        %add3A_2489 = arith.addi %mul3A_2487, %add3A_2488 : i32
        %swap3A_2490 = arith.index_cast %add3A_2489 : i32 to index
        %swap3A_2491 = tpu.vector_load %run_scoped3A_13[%swap3A_2490] {strides = array<i32>} : memref<2576xf32, #tpu.memory_space<vmem>>, vector<16xf32>,
        tpu.vector_store %run_scoped3A_13[%swap3A_2490], %broadcast_in_dim3A_25 {strides = array<i32>} : memref<2576xf32, #tpu.memory_space<vmem>>, vector<16xf32>,
        %mul3A_2492 = arith.constant 40 : i32
        %mul3A_2493 = arith.muli %add3A_2458, %mul3A_2492 : i32
        %dma_start3A_2494 = arith.constant 0 : i32
        %dma_start3A_2495 = arith.constant 0 : i32
        %dma_start3A_2496 = tpu.memref_slice %run_scoped3A_1[%dma_start3A_2494, %dma_start3A_2495] : memref<32x512xf32, #tpu.memory_space<vmem>> -> memref<16x512xf32, #tpu.memory_space<vmem>>
        %dma_start3A_2497 = arith.constant 0 : i32
        %dma_start3A_2498 = tpu.memref_slice %arg7[%mul3A_2493, %dma_start3A_2497] : memref<81920x512xf32, #tpu.memory_space<hbm>> -> memref<16x512xf32, #tpu.memory_space<hbm>>
        %dma_start3A_2499 = arith.constant 0 : i32
        %dma_start3A_2500 = tpu.memref_slice %arg7[%mul3A_2493, %dma_start3A_2499] : memref<81920x512xf32, #tpu.memory_space<hbm>> -> memref<16x512xf32, #tpu.memory_space<hbm>>
        %dma_start3A_2501 = arith.constant 0 : i32
        %dma_start3A_2502 = arith.constant 0 : i32
        %dma_start3A_2503 = tpu.memref_slice %run_scoped3A_1[%dma_start3A_2501, %dma_start3A_2502] : memref<32x512xf32, #tpu.memory_space<vmem>> -> memref<16x512xf32, #tpu.memory_space<vmem>>
        tpu.enqueue_dma source(%dma_start3A_2503 : memref<16x512xf32, #tpu.memory_space<vmem>>) target(%dma_start3A_2500 : memref<16x512xf32, #tpu.memory_space<hbm>>) target_semaphore(%run_scoped3A_20 : memref<!tpu.dma_semaphore, #tpu.memory_space<semaphore_mem>>)
        %mul3A_2504 = arith.constant 2 : i32
        %mul3A_2505 = arith.muli %add3A_2450, %mul3A_2504 : i32
        %add3A_2506 = arith.constant 1 : i32
        %add3A_2507 = arith.addi %mul3A_2505, %add3A_2506 : i32
        %add3A_2508 = arith.addi %mul3A_24, %add3A_2507 : i32
        %get3A_2509 = arith.index_cast %add3A_2507 : i32 to index
        %get3A_2510 = tpu.vector_load %run_scoped3A_9[%get3A_2509] {strides = array<i32>} : memref<80xi32, #tpu.memory_space<vmem>>, vector<16xi32>,
        %slice3A_2511 = vector.extract_strided_slice %get3A_2510 {offsets = [0], sizes = [1], strides = [1]} : vector<16xi32> to vector<1xi32>
        %squeeze3A_2512 = vector.extract %slice3A_2511[0] : i32 from vector<1xi32>
        %add3A_2513 = arith.constant 16 : i32
        %add3A_2514 = vector.broadcast %add3A_2513 : i32 to vector<16xi32>
        %add3A_2515 = arith.addi %add3A_2514, %iota3A : vector<16xi32>
        %gather3A_2516 = tpu.vector_load_idx %run_scoped3A_1[%add3A_2515, %broadcast_in_dim3A_27] : memref<32x512xf32, #tpu.memory_space<vmem>>[vector<16xi32>, vector<16xi32>], vector<16xf32>,
        %mul3A_2517 = arith.constant 16 : i32
        %mul3A_2518 = arith.muli %squeeze3A_2512, %mul3A_2517 : i32
        %add3A_2519 = vector.broadcast %mul3A_2518 : i32 to vector<16xi32>
        %add3A_2520 = arith.addi %add3A_2519, %iota3A : vector<16xi32>
        %gather3A_2521 = tpu.vector_load_idx %run_scoped3A_11[%add3A_2520] : memref<768xf32, #tpu.memory_space<vmem>>[vector<16xi32>], vector<16xf32>,
        %ne3A_2522 = arith.constant 0.000000e+00 : f32
        %ne3A_2523 = vector.broadcast %ne3A_2522 : f32 to vector<16xf32>
        %ne3A_2524 = arith.cmpf one, %gather3A_2516, %ne3A_2523 : vector<16xf32>
        %select_n3A_2525 = arith.select %ne3A_2524, %broadcast_in_dim3A_29, %broadcast_in_dim3A_25 : vector<16xi1>, vector<16xf32>
        %mul3A_2526 = arith.constant 40 : i32
        %mul3A_2527 = arith.muli %add3A_2507, %mul3A_2526 : i32
        %swap3A_2528 = arith.index_cast %mul3A_2527 : i32 to index
        %swap3A_2529 = tpu.vector_load %run_scoped3A_13[%swap3A_2528] {strides = array<i32>} : memref<2576xf32, #tpu.memory_space<vmem>>, vector<16xf32>,
        tpu.vector_store %run_scoped3A_13[%swap3A_2528], %select_n3A_2525 {strides = array<i32>} : memref<2576xf32, #tpu.memory_space<vmem>>, vector<16xf32>,
        %mul3A_2530 = arith.constant 40 : i32
        %mul3A_2531 = arith.muli %add3A_2507, %mul3A_2530 : i32
        %add3A_2532 = arith.constant 16 : i32
        %add3A_2533 = arith.addi %mul3A_2531, %add3A_2532 : i32
        %swap3A_2534 = arith.index_cast %add3A_2533 : i32 to index
        %swap3A_2535 = tpu.vector_load %run_scoped3A_13[%swap3A_2534] {strides = array<i32>} : memref<2576xf32, #tpu.memory_space<vmem>>, vector<16xf32>,
        tpu.vector_store %run_scoped3A_13[%swap3A_2534], %gather3A_2521 {strides = array<i32>} : memref<2576xf32, #tpu.memory_space<vmem>>, vector<16xf32>,
        %mul3A_2536 = arith.constant 40 : i32
        %mul3A_2537 = arith.muli %add3A_2507, %mul3A_2536 : i32
        %add3A_2538 = arith.constant 32 : i32
        %add3A_2539 = arith.addi %mul3A_2537, %add3A_2538 : i32
        %swap3A_2540 = arith.index_cast %add3A_2539 : i32 to index
        %swap3A_2541 = tpu.vector_load %run_scoped3A_13[%swap3A_2540] {strides = array<i32>} : memref<2576xf32, #tpu.memory_space<vmem>>, vector<16xf32>,
        tpu.vector_store %run_scoped3A_13[%swap3A_2540], %broadcast_in_dim3A_25 {strides = array<i32>} : memref<2576xf32, #tpu.memory_space<vmem>>, vector<16xf32>,
        %mul3A_2542 = arith.constant 40 : i32
        %mul3A_2543 = arith.muli %add3A_2508, %mul3A_2542 : i32
        %dma_start3A_2544 = arith.constant 16 : i32
        %dma_start3A_2545 = arith.constant 0 : i32
        %dma_start3A_2546 = tpu.memref_slice %run_scoped3A_1[%dma_start3A_2544, %dma_start3A_2545] : memref<32x512xf32, #tpu.memory_space<vmem>> -> memref<16x512xf32, #tpu.memory_space<vmem>>
        %dma_start3A_2547 = arith.constant 0 : i32
        %dma_start3A_2548 = tpu.memref_slice %arg7[%mul3A_2543, %dma_start3A_2547] : memref<81920x512xf32, #tpu.memory_space<hbm>> -> memref<16x512xf32, #tpu.memory_space<hbm>>
        %dma_start3A_2549 = arith.constant 0 : i32
        %dma_start3A_2550 = tpu.memref_slice %arg7[%mul3A_2543, %dma_start3A_2549] : memref<81920x512xf32, #tpu.memory_space<hbm>> -> memref<16x512xf32, #tpu.memory_space<hbm>>
        %dma_start3A_2551 = arith.constant 16 : i32
        %dma_start3A_2552 = arith.constant 0 : i32
        %dma_start3A_2553 = tpu.memref_slice %run_scoped3A_1[%dma_start3A_2551, %dma_start3A_2552] : memref<32x512xf32, #tpu.memory_space<vmem>> -> memref<16x512xf32, #tpu.memory_space<vmem>>
        tpu.enqueue_dma source(%dma_start3A_2553 : memref<16x512xf32, #tpu.memory_space<vmem>>) target(%dma_start3A_2550 : memref<16x512xf32, #tpu.memory_space<hbm>>) target_semaphore(%run_scoped3A_20 : memref<!tpu.dma_semaphore, #tpu.memory_space<semaphore_mem>>)
        %ge3A_2554 = arith.constant 2 : i32
        %ge3A_2555 = arith.cmpi sge, %add3A_2450, %ge3A_2554 : i32
        %convert_element_type3A_2556 = arith.extui %ge3A_2555 : i1 to i32
        %cond3A_2557 = arith.constant 0 : i32
        %cond3A_2558 = arith.cmpi ne, %convert_element_type3A_2556, %cond3A_2557 : i32
        scf.if %cond3A_2558 {
          %dma_wait3A_2685 = arith.constant 0 : i32
          %dma_wait3A_2686 = arith.constant 0 : i32
          %dma_wait3A_2687 = tpu.memref_slice %run_scoped3A[%dma_wait3A_2685, %dma_wait3A_2686] : memref<32x512xf32, #tpu.memory_space<vmem>> -> memref<16x512xf32, #tpu.memory_space<vmem>>
          %dma_wait3A_2688 = arith.constant 0 : i32
          %dma_wait3A_2689 = arith.constant 0 : i32
          %dma_wait3A_2690 = tpu.memref_slice %arg7[%dma_wait3A_2688, %dma_wait3A_2689] : memref<81920x512xf32, #tpu.memory_space<hbm>> -> memref<16x512xf32, #tpu.memory_space<hbm>>
          %dma_wait3A_2691 = arith.constant 0 : i32
          %dma_wait3A_2692 = arith.constant 0 : i32
          %dma_wait3A_2693 = tpu.memref_slice %arg7[%dma_wait3A_2691, %dma_wait3A_2692] : memref<81920x512xf32, #tpu.memory_space<hbm>> -> memref<16x512xf32, #tpu.memory_space<hbm>>
          %dma_wait3A_2694 = arith.constant 0 : i32
          %dma_wait3A_2695 = arith.constant 0 : i32
          %dma_wait3A_2696 = tpu.memref_slice %run_scoped3A[%dma_wait3A_2694, %dma_wait3A_2695] : memref<32x512xf32, #tpu.memory_space<vmem>> -> memref<16x512xf32, #tpu.memory_space<vmem>>
          tpu.wait_dma2 semaphore(%run_scoped3A_18 : memref<!tpu.dma_semaphore, #tpu.memory_space<semaphore_mem>>) src(%dma_wait3A_2696 : memref<16x512xf32, #tpu.memory_space<vmem>>) dst(%dma_wait3A_2693 : memref<16x512xf32, #tpu.memory_space<hbm>>)
          %dma_wait3A_2697 = arith.constant 16 : i32
          %dma_wait3A_2698 = arith.constant 0 : i32
          %dma_wait3A_2699 = tpu.memref_slice %run_scoped3A[%dma_wait3A_2697, %dma_wait3A_2698] : memref<32x512xf32, #tpu.memory_space<vmem>> -> memref<16x512xf32, #tpu.memory_space<vmem>>
          %dma_wait3A_2700 = arith.constant 0 : i32
          %dma_wait3A_2701 = arith.constant 0 : i32
          %dma_wait3A_2702 = tpu.memref_slice %arg7[%dma_wait3A_2700, %dma_wait3A_2701] : memref<81920x512xf32, #tpu.memory_space<hbm>> -> memref<16x512xf32, #tpu.memory_space<hbm>>
          %dma_wait3A_2703 = arith.constant 0 : i32
          %dma_wait3A_2704 = arith.constant 0 : i32
          %dma_wait3A_2705 = tpu.memref_slice %arg7[%dma_wait3A_2703, %dma_wait3A_2704] : memref<81920x512xf32, #tpu.memory_space<hbm>> -> memref<16x512xf32, #tpu.memory_space<hbm>>
          %dma_wait3A_2706 = arith.constant 16 : i32
          %dma_wait3A_2707 = arith.constant 0 : i32
          %dma_wait3A_2708 = tpu.memref_slice %run_scoped3A[%dma_wait3A_2706, %dma_wait3A_2707] : memref<32x512xf32, #tpu.memory_space<vmem>> -> memref<16x512xf32, #tpu.memory_space<vmem>>
          tpu.wait_dma2 semaphore(%run_scoped3A_18 : memref<!tpu.dma_semaphore, #tpu.memory_space<semaphore_mem>>) src(%dma_wait3A_2708 : memref<16x512xf32, #tpu.memory_space<vmem>>) dst(%dma_wait3A_2705 : memref<16x512xf32, #tpu.memory_space<hbm>>)
        } else {
        }
        %add3A_2559 = arith.constant 2 : i32
        %add3A_2560 = arith.addi %add3A_2450, %add3A_2559 : i32
        %lt3A_2561 = arith.constant 32 : i32
        %lt3A_2562 = arith.cmpi slt, %add3A_2560, %lt3A_2561 : i32
        %convert_element_type3A_2563 = arith.extui %lt3A_2562 : i1 to i32
        %cond3A_2564 = arith.constant 0 : i32
        %cond3A_2565 = arith.cmpi ne, %convert_element_type3A_2563, %cond3A_2564 : i32
        scf.if %cond3A_2565 {
          %add3A_2685 = arith.constant 2 : i32
          %add3A_2686 = arith.addi %add3A_2450, %add3A_2685 : i32
          %mul3A_2687 = arith.constant 2 : i32
          %mul3A_2688 = arith.muli %add3A_2686, %mul3A_2687 : i32
          %add3A_2689 = arith.constant 0 : i32
          %add3A_2690 = arith.addi %mul3A_2688, %add3A_2689 : i32
          %mul3A_2691 = arith.constant 15 : i32
          %mul3A_2692 = arith.muli %add3A_2690, %mul3A_2691 : i32
          %sub3A_2693 = arith.constant 1 : i32
          %sub3A_2694 = arith.subi %mul3A_2692, %sub3A_2693 : i32
          %add3A_2695 = vector.broadcast %sub3A_2694 : i32 to vector<16xi32>
          %add3A_2696 = arith.addi %add3A_2695, %iota3A : vector<16xi32>
          %max3A_2697 = arith.constant 0 : i32
          %max3A_2698 = vector.broadcast %max3A_2697 : i32 to vector<16xi32>
          %max3A_2699 = arith.maxsi %add3A_2696, %max3A_2698 : vector<16xi32>
          %gather3A_2700 = tpu.vector_load_idx %run_scoped3A_8[%max3A_2699] : memref<960xi32, #tpu.memory_space<vmem>>[vector<16xi32>], vector<16xi32>,
          %eq3A_2701 = arith.constant 0 : i32
          %eq3A_2702 = vector.broadcast %eq3A_2701 : i32 to vector<16xi32>
          %eq3A_2703 = arith.cmpi eq, %iota3A, %eq3A_2702 : vector<16xi32>
          %broadcast_in_dim3A_2704 = arith.constant 49406 : i32
          %broadcast_in_dim3A_2705 = vector.broadcast %broadcast_in_dim3A_2704 : i32 to vector<16xi32>
          %select_n3A_2706 = arith.select %eq3A_2703, %broadcast_in_dim3A_2705, %gather3A_2700 : vector<16xi1>, vector<16xi32>
          %swap3A_2707 = arith.constant 0 : index
          %swap3A_2708 = tpu.vector_load %run_scoped3A_3[%swap3A_2707] {strides = array<i32>} : memref<32xi32, #tpu.memory_space<vmem>>, vector<16xi32>,
          tpu.vector_store %run_scoped3A_3[%swap3A_2707], %select_n3A_2706 {strides = array<i32>} : memref<32xi32, #tpu.memory_space<vmem>>, vector<16xi32>,
          %mul3A_2709 = arith.constant 2 : i32
          %mul3A_2710 = arith.muli %add3A_2686, %mul3A_2709 : i32
          %add3A_2711 = arith.constant 1 : i32
          %add3A_2712 = arith.addi %mul3A_2710, %add3A_2711 : i32
          %mul3A_2713 = arith.constant 15 : i32
          %mul3A_2714 = arith.muli %add3A_2712, %mul3A_2713 : i32
          %sub3A_2715 = arith.constant 1 : i32
          %sub3A_2716 = arith.subi %mul3A_2714, %sub3A_2715 : i32
          %add3A_2717 = vector.broadcast %sub3A_2716 : i32 to vector<16xi32>
          %add3A_2718 = arith.addi %add3A_2717, %iota3A : vector<16xi32>
          %max3A_2719 = arith.constant 0 : i32
          %max3A_2720 = vector.broadcast %max3A_2719 : i32 to vector<16xi32>
          %max3A_2721 = arith.maxsi %add3A_2718, %max3A_2720 : vector<16xi32>
          %gather3A_2722 = tpu.vector_load_idx %run_scoped3A_8[%max3A_2721] : memref<960xi32, #tpu.memory_space<vmem>>[vector<16xi32>], vector<16xi32>,
          %eq3A_2723 = arith.constant 0 : i32
          %eq3A_2724 = vector.broadcast %eq3A_2723 : i32 to vector<16xi32>
          %eq3A_2725 = arith.cmpi eq, %iota3A, %eq3A_2724 : vector<16xi32>
          %broadcast_in_dim3A_2726 = arith.constant 49406 : i32
          %broadcast_in_dim3A_2727 = vector.broadcast %broadcast_in_dim3A_2726 : i32 to vector<16xi32>
          %select_n3A_2728 = arith.select %eq3A_2725, %broadcast_in_dim3A_2727, %gather3A_2722 : vector<16xi1>, vector<16xi32>
          %swap3A_2729 = arith.constant 16 : index
          %swap3A_2730 = tpu.vector_load %run_scoped3A_3[%swap3A_2729] {strides = array<i32>} : memref<32xi32, #tpu.memory_space<vmem>>, vector<16xi32>,
          tpu.vector_store %run_scoped3A_3[%swap3A_2729], %select_n3A_2728 {strides = array<i32>} : memref<32xi32, #tpu.memory_space<vmem>>, vector<16xi32>,
          %dma_start3A_2731 = arith.constant 0 : i32
          %dma_start3A_2732 = arith.constant 0 : i32
          %dma_start3A_2733 = tpu.memref_slice %arg2[%dma_start3A_2731, %dma_start3A_2732] : memref<49408x512xf32, #tpu.memory_space<hbm>> -> memref<49408x512xf32, #tpu.memory_space<hbm>>
          tpu.enqueue_indirect_dma source(%dma_start3A_2733 : memref<49408x512xf32, #tpu.memory_space<hbm>>) target(%run_scoped3A : memref<32x512xf32, #tpu.memory_space<vmem>>) offsets(%run_scoped3A_3 : memref<32xi32, #tpu.memory_space<vmem>>) semaphore(%run_scoped3A_14 : memref<!tpu.dma_semaphore, #tpu.memory_space<semaphore_mem>>)
        } else {
        }
        %mul3A_2566 = arith.constant 4 : i32
        %mul3A_2567 = arith.muli %scan3A_2212, %mul3A_2566 : i32
        %add3A_2568 = arith.constant 3 : i32
        %add3A_2569 = arith.addi %mul3A_2567, %add3A_2568 : i32
        %dma_wait3A_2570 = arith.constant 0 : i32
        %dma_wait3A_2571 = arith.constant 0 : i32
        %dma_wait3A_2572 = tpu.memref_slice %arg2[%dma_wait3A_2570, %dma_wait3A_2571] : memref<49408x512xf32, #tpu.memory_space<hbm>> -> memref<49408x512xf32, #tpu.memory_space<hbm>>
        tpu.wait_indirect_dma semaphore(%run_scoped3A_17 : memref<!tpu.dma_semaphore, #tpu.memory_space<semaphore_mem>>) src(%dma_wait3A_2572 : memref<49408x512xf32, #tpu.memory_space<hbm>>) dst(%run_scoped3A_2 : memref<32x512xf32, #tpu.memory_space<vmem>>)
        %mul3A_2573 = arith.constant 2 : i32
        %mul3A_2574 = arith.muli %add3A_2569, %mul3A_2573 : i32
        %add3A_2575 = arith.constant 0 : i32
        %add3A_2576 = arith.addi %mul3A_2574, %add3A_2575 : i32
        %add3A_2577 = arith.addi %mul3A_24, %add3A_2576 : i32
        %get3A_2578 = arith.index_cast %add3A_2576 : i32 to index
        %get3A_2579 = tpu.vector_load %run_scoped3A_9[%get3A_2578] {strides = array<i32>} : memref<80xi32, #tpu.memory_space<vmem>>, vector<16xi32>,
        %slice3A_2580 = vector.extract_strided_slice %get3A_2579 {offsets = [0], sizes = [1], strides = [1]} : vector<16xi32> to vector<1xi32>
        %squeeze3A_2581 = vector.extract %slice3A_2580[0] : i32 from vector<1xi32>
        %add3A_2582 = arith.constant 0 : i32
        %add3A_2583 = vector.broadcast %add3A_2582 : i32 to vector<16xi32>
        %add3A_2584 = arith.addi %add3A_2583, %iota3A : vector<16xi32>
        %gather3A_2585 = tpu.vector_load_idx %run_scoped3A_2[%add3A_2584, %broadcast_in_dim3A_27] : memref<32x512xf32, #tpu.memory_space<vmem>>[vector<16xi32>, vector<16xi32>], vector<16xf32>,
        %mul3A_2586 = arith.constant 16 : i32
        %mul3A_2587 = arith.muli %squeeze3A_2581, %mul3A_2586 : i32
        %add3A_2588 = vector.broadcast %mul3A_2587 : i32 to vector<16xi32>
        %add3A_2589 = arith.addi %add3A_2588, %iota3A : vector<16xi32>
        %gather3A_2590 = tpu.vector_load_idx %run_scoped3A_11[%add3A_2589] : memref<768xf32, #tpu.memory_space<vmem>>[vector<16xi32>], vector<16xf32>,
        %ne3A_2591 = arith.constant 0.000000e+00 : f32
        %ne3A_2592 = vector.broadcast %ne3A_2591 : f32 to vector<16xf32>
        %ne3A_2593 = arith.cmpf one, %gather3A_2585, %ne3A_2592 : vector<16xf32>
        %select_n3A_2594 = arith.select %ne3A_2593, %broadcast_in_dim3A_29, %broadcast_in_dim3A_25 : vector<16xi1>, vector<16xf32>
        %mul3A_2595 = arith.constant 40 : i32
        %mul3A_2596 = arith.muli %add3A_2576, %mul3A_2595 : i32
        %swap3A_2597 = arith.index_cast %mul3A_2596 : i32 to index
        %swap3A_2598 = tpu.vector_load %run_scoped3A_13[%swap3A_2597] {strides = array<i32>} : memref<2576xf32, #tpu.memory_space<vmem>>, vector<16xf32>,
        tpu.vector_store %run_scoped3A_13[%swap3A_2597], %select_n3A_2594 {strides = array<i32>} : memref<2576xf32, #tpu.memory_space<vmem>>, vector<16xf32>,
        %mul3A_2599 = arith.constant 40 : i32
        %mul3A_2600 = arith.muli %add3A_2576, %mul3A_2599 : i32
        %add3A_2601 = arith.constant 16 : i32
        %add3A_2602 = arith.addi %mul3A_2600, %add3A_2601 : i32
        %swap3A_2603 = arith.index_cast %add3A_2602 : i32 to index
        %swap3A_2604 = tpu.vector_load %run_scoped3A_13[%swap3A_2603] {strides = array<i32>} : memref<2576xf32, #tpu.memory_space<vmem>>, vector<16xf32>,
        tpu.vector_store %run_scoped3A_13[%swap3A_2603], %gather3A_2590 {strides = array<i32>} : memref<2576xf32, #tpu.memory_space<vmem>>, vector<16xf32>,
        %mul3A_2605 = arith.constant 40 : i32
        %mul3A_2606 = arith.muli %add3A_2576, %mul3A_2605 : i32
        %add3A_2607 = arith.constant 32 : i32
        %add3A_2608 = arith.addi %mul3A_2606, %add3A_2607 : i32
        %swap3A_2609 = arith.index_cast %add3A_2608 : i32 to index
        %swap3A_2610 = tpu.vector_load %run_scoped3A_13[%swap3A_2609] {strides = array<i32>} : memref<2576xf32, #tpu.memory_space<vmem>>, vector<16xf32>,
        tpu.vector_store %run_scoped3A_13[%swap3A_2609], %broadcast_in_dim3A_25 {strides = array<i32>} : memref<2576xf32, #tpu.memory_space<vmem>>, vector<16xf32>,
        %mul3A_2611 = arith.constant 40 : i32
        %mul3A_2612 = arith.muli %add3A_2577, %mul3A_2611 : i32
        %dma_start3A_2613 = arith.constant 0 : i32
        %dma_start3A_2614 = arith.constant 0 : i32
        %dma_start3A_2615 = tpu.memref_slice %run_scoped3A_2[%dma_start3A_2613, %dma_start3A_2614] : memref<32x512xf32, #tpu.memory_space<vmem>> -> memref<16x512xf32, #tpu.memory_space<vmem>>
        %dma_start3A_2616 = arith.constant 0 : i32
        %dma_start3A_2617 = tpu.memref_slice %arg7[%mul3A_2612, %dma_start3A_2616] : memref<81920x512xf32, #tpu.memory_space<hbm>> -> memref<16x512xf32, #tpu.memory_space<hbm>>
        %dma_start3A_2618 = arith.constant 0 : i32
        %dma_start3A_2619 = tpu.memref_slice %arg7[%mul3A_2612, %dma_start3A_2618] : memref<81920x512xf32, #tpu.memory_space<hbm>> -> memref<16x512xf32, #tpu.memory_space<hbm>>
        %dma_start3A_2620 = arith.constant 0 : i32
        %dma_start3A_2621 = arith.constant 0 : i32
        %dma_start3A_2622 = tpu.memref_slice %run_scoped3A_2[%dma_start3A_2620, %dma_start3A_2621] : memref<32x512xf32, #tpu.memory_space<vmem>> -> memref<16x512xf32, #tpu.memory_space<vmem>>
        tpu.enqueue_dma source(%dma_start3A_2622 : memref<16x512xf32, #tpu.memory_space<vmem>>) target(%dma_start3A_2619 : memref<16x512xf32, #tpu.memory_space<hbm>>) target_semaphore(%run_scoped3A_21 : memref<!tpu.dma_semaphore, #tpu.memory_space<semaphore_mem>>)
        %mul3A_2623 = arith.constant 2 : i32
        %mul3A_2624 = arith.muli %add3A_2569, %mul3A_2623 : i32
        %add3A_2625 = arith.constant 1 : i32
        %add3A_2626 = arith.addi %mul3A_2624, %add3A_2625 : i32
        %add3A_2627 = arith.addi %mul3A_24, %add3A_2626 : i32
        %get3A_2628 = arith.index_cast %add3A_2626 : i32 to index
        %get3A_2629 = tpu.vector_load %run_scoped3A_9[%get3A_2628] {strides = array<i32>} : memref<80xi32, #tpu.memory_space<vmem>>, vector<16xi32>,
        %slice3A_2630 = vector.extract_strided_slice %get3A_2629 {offsets = [0], sizes = [1], strides = [1]} : vector<16xi32> to vector<1xi32>
        %squeeze3A_2631 = vector.extract %slice3A_2630[0] : i32 from vector<1xi32>
        %add3A_2632 = arith.constant 16 : i32
        %add3A_2633 = vector.broadcast %add3A_2632 : i32 to vector<16xi32>
        %add3A_2634 = arith.addi %add3A_2633, %iota3A : vector<16xi32>
        %gather3A_2635 = tpu.vector_load_idx %run_scoped3A_2[%add3A_2634, %broadcast_in_dim3A_27] : memref<32x512xf32, #tpu.memory_space<vmem>>[vector<16xi32>, vector<16xi32>], vector<16xf32>,
        %mul3A_2636 = arith.constant 16 : i32
        %mul3A_2637 = arith.muli %squeeze3A_2631, %mul3A_2636 : i32
        %add3A_2638 = vector.broadcast %mul3A_2637 : i32 to vector<16xi32>
        %add3A_2639 = arith.addi %add3A_2638, %iota3A : vector<16xi32>
        %gather3A_2640 = tpu.vector_load_idx %run_scoped3A_11[%add3A_2639] : memref<768xf32, #tpu.memory_space<vmem>>[vector<16xi32>], vector<16xf32>,
        %ne3A_2641 = arith.constant 0.000000e+00 : f32
        %ne3A_2642 = vector.broadcast %ne3A_2641 : f32 to vector<16xf32>
        %ne3A_2643 = arith.cmpf one, %gather3A_2635, %ne3A_2642 : vector<16xf32>
        %select_n3A_2644 = arith.select %ne3A_2643, %broadcast_in_dim3A_29, %broadcast_in_dim3A_25 : vector<16xi1>, vector<16xf32>
        %mul3A_2645 = arith.constant 40 : i32
        %mul3A_2646 = arith.muli %add3A_2626, %mul3A_2645 : i32
        %swap3A_2647 = arith.index_cast %mul3A_2646 : i32 to index
        %swap3A_2648 = tpu.vector_load %run_scoped3A_13[%swap3A_2647] {strides = array<i32>} : memref<2576xf32, #tpu.memory_space<vmem>>, vector<16xf32>,
        tpu.vector_store %run_scoped3A_13[%swap3A_2647], %select_n3A_2644 {strides = array<i32>} : memref<2576xf32, #tpu.memory_space<vmem>>, vector<16xf32>,
        %mul3A_2649 = arith.constant 40 : i32
        %mul3A_2650 = arith.muli %add3A_2626, %mul3A_2649 : i32
        %add3A_2651 = arith.constant 16 : i32
        %add3A_2652 = arith.addi %mul3A_2650, %add3A_2651 : i32
        %swap3A_2653 = arith.index_cast %add3A_2652 : i32 to index
        %swap3A_2654 = tpu.vector_load %run_scoped3A_13[%swap3A_2653] {strides = array<i32>} : memref<2576xf32, #tpu.memory_space<vmem>>, vector<16xf32>,
        tpu.vector_store %run_scoped3A_13[%swap3A_2653], %gather3A_2640 {strides = array<i32>} : memref<2576xf32, #tpu.memory_space<vmem>>, vector<16xf32>,
        %mul3A_2655 = arith.constant 40 : i32
        %mul3A_2656 = arith.muli %add3A_2626, %mul3A_2655 : i32
        %add3A_2657 = arith.constant 32 : i32
        %add3A_2658 = arith.addi %mul3A_2656, %add3A_2657 : i32
        %swap3A_2659 = arith.index_cast %add3A_2658 : i32 to index
        %swap3A_2660 = tpu.vector_load %run_scoped3A_13[%swap3A_2659] {strides = array<i32>} : memref<2576xf32, #tpu.memory_space<vmem>>, vector<16xf32>,
        tpu.vector_store %run_scoped3A_13[%swap3A_2659], %broadcast_in_dim3A_25 {strides = array<i32>} : memref<2576xf32, #tpu.memory_space<vmem>>, vector<16xf32>,
        %mul3A_2661 = arith.constant 40 : i32
        %mul3A_2662 = arith.muli %add3A_2627, %mul3A_2661 : i32
        %dma_start3A_2663 = arith.constant 16 : i32
        %dma_start3A_2664 = arith.constant 0 : i32
        %dma_start3A_2665 = tpu.memref_slice %run_scoped3A_2[%dma_start3A_2663, %dma_start3A_2664] : memref<32x512xf32, #tpu.memory_space<vmem>> -> memref<16x512xf32, #tpu.memory_space<vmem>>
        %dma_start3A_2666 = arith.constant 0 : i32
        %dma_start3A_2667 = tpu.memref_slice %arg7[%mul3A_2662, %dma_start3A_2666] : memref<81920x512xf32, #tpu.memory_space<hbm>> -> memref<16x512xf32, #tpu.memory_space<hbm>>
        %dma_start3A_2668 = arith.constant 0 : i32
        %dma_start3A_2669 = tpu.memref_slice %arg7[%mul3A_2662, %dma_start3A_2668] : memref<81920x512xf32, #tpu.memory_space<hbm>> -> memref<16x512xf32, #tpu.memory_space<hbm>>
        %dma_start3A_2670 = arith.constant 16 : i32
        %dma_start3A_2671 = arith.constant 0 : i32
        %dma_start3A_2672 = tpu.memref_slice %run_scoped3A_2[%dma_start3A_2670, %dma_start3A_2671] : memref<32x512xf32, #tpu.memory_space<vmem>> -> memref<16x512xf32, #tpu.memory_space<vmem>>
        tpu.enqueue_dma source(%dma_start3A_2672 : memref<16x512xf32, #tpu.memory_space<vmem>>) target(%dma_start3A_2669 : memref<16x512xf32, #tpu.memory_space<hbm>>) target_semaphore(%run_scoped3A_21 : memref<!tpu.dma_semaphore, #tpu.memory_space<semaphore_mem>>)
        %ge3A_2673 = arith.constant 2 : i32
        %ge3A_2674 = arith.cmpi sge, %add3A_2569, %ge3A_2673 : i32
        %convert_element_type3A_2675 = arith.extui %ge3A_2674 : i1 to i32
        %cond3A_2676 = arith.constant 0 : i32
        %cond3A_2677 = arith.cmpi ne, %convert_element_type3A_2675, %cond3A_2676 : i32
        scf.if %cond3A_2677 {
          %dma_wait3A_2685 = arith.constant 0 : i32
          %dma_wait3A_2686 = arith.constant 0 : i32
          %dma_wait3A_2687 = tpu.memref_slice %run_scoped3A_0[%dma_wait3A_2685, %dma_wait3A_2686] : memref<32x512xf32, #tpu.memory_space<vmem>> -> memref<16x512xf32, #tpu.memory_space<vmem>>
          %dma_wait3A_2688 = arith.constant 0 : i32
          %dma_wait3A_2689 = arith.constant 0 : i32
          %dma_wait3A_2690 = tpu.memref_slice %arg7[%dma_wait3A_2688, %dma_wait3A_2689] : memref<81920x512xf32, #tpu.memory_space<hbm>> -> memref<16x512xf32, #tpu.memory_space<hbm>>
          %dma_wait3A_2691 = arith.constant 0 : i32
          %dma_wait3A_2692 = arith.constant 0 : i32
          %dma_wait3A_2693 = tpu.memref_slice %arg7[%dma_wait3A_2691, %dma_wait3A_2692] : memref<81920x512xf32, #tpu.memory_space<hbm>> -> memref<16x512xf32, #tpu.memory_space<hbm>>
          %dma_wait3A_2694 = arith.constant 0 : i32
          %dma_wait3A_2695 = arith.constant 0 : i32
          %dma_wait3A_2696 = tpu.memref_slice %run_scoped3A_0[%dma_wait3A_2694, %dma_wait3A_2695] : memref<32x512xf32, #tpu.memory_space<vmem>> -> memref<16x512xf32, #tpu.memory_space<vmem>>
          tpu.wait_dma2 semaphore(%run_scoped3A_19 : memref<!tpu.dma_semaphore, #tpu.memory_space<semaphore_mem>>) src(%dma_wait3A_2696 : memref<16x512xf32, #tpu.memory_space<vmem>>) dst(%dma_wait3A_2693 : memref<16x512xf32, #tpu.memory_space<hbm>>)
          %dma_wait3A_2697 = arith.constant 16 : i32
          %dma_wait3A_2698 = arith.constant 0 : i32
          %dma_wait3A_2699 = tpu.memref_slice %run_scoped3A_0[%dma_wait3A_2697, %dma_wait3A_2698] : memref<32x512xf32, #tpu.memory_space<vmem>> -> memref<16x512xf32, #tpu.memory_space<vmem>>
          %dma_wait3A_2700 = arith.constant 0 : i32
          %dma_wait3A_2701 = arith.constant 0 : i32
          %dma_wait3A_2702 = tpu.memref_slice %arg7[%dma_wait3A_2700, %dma_wait3A_2701] : memref<81920x512xf32, #tpu.memory_space<hbm>> -> memref<16x512xf32, #tpu.memory_space<hbm>>
          %dma_wait3A_2703 = arith.constant 0 : i32
          %dma_wait3A_2704 = arith.constant 0 : i32
          %dma_wait3A_2705 = tpu.memref_slice %arg7[%dma_wait3A_2703, %dma_wait3A_2704] : memref<81920x512xf32, #tpu.memory_space<hbm>> -> memref<16x512xf32, #tpu.memory_space<hbm>>
          %dma_wait3A_2706 = arith.constant 16 : i32
          %dma_wait3A_2707 = arith.constant 0 : i32
          %dma_wait3A_2708 = tpu.memref_slice %run_scoped3A_0[%dma_wait3A_2706, %dma_wait3A_2707] : memref<32x512xf32, #tpu.memory_space<vmem>> -> memref<16x512xf32, #tpu.memory_space<vmem>>
          tpu.wait_dma2 semaphore(%run_scoped3A_19 : memref<!tpu.dma_semaphore, #tpu.memory_space<semaphore_mem>>) src(%dma_wait3A_2708 : memref<16x512xf32, #tpu.memory_space<vmem>>) dst(%dma_wait3A_2705 : memref<16x512xf32, #tpu.memory_space<hbm>>)
        } else {
        }
        %add3A_2678 = arith.constant 2 : i32
        %add3A_2679 = arith.addi %add3A_2569, %add3A_2678 : i32
        %lt3A_2680 = arith.constant 32 : i32
        %lt3A_2681 = arith.cmpi slt, %add3A_2679, %lt3A_2680 : i32
        %convert_element_type3A_2682 = arith.extui %lt3A_2681 : i1 to i32
        %cond3A_2683 = arith.constant 0 : i32
        %cond3A_2684 = arith.cmpi ne, %convert_element_type3A_2682, %cond3A_2683 : i32
        scf.if %cond3A_2684 {
          %add3A_2685 = arith.constant 2 : i32
          %add3A_2686 = arith.addi %add3A_2569, %add3A_2685 : i32
          %mul3A_2687 = arith.constant 2 : i32
          %mul3A_2688 = arith.muli %add3A_2686, %mul3A_2687 : i32
          %add3A_2689 = arith.constant 0 : i32
          %add3A_2690 = arith.addi %mul3A_2688, %add3A_2689 : i32
          %mul3A_2691 = arith.constant 15 : i32
          %mul3A_2692 = arith.muli %add3A_2690, %mul3A_2691 : i32
          %sub3A_2693 = arith.constant 1 : i32
          %sub3A_2694 = arith.subi %mul3A_2692, %sub3A_2693 : i32
          %add3A_2695 = vector.broadcast %sub3A_2694 : i32 to vector<16xi32>
          %add3A_2696 = arith.addi %add3A_2695, %iota3A : vector<16xi32>
          %max3A_2697 = arith.constant 0 : i32
          %max3A_2698 = vector.broadcast %max3A_2697 : i32 to vector<16xi32>
          %max3A_2699 = arith.maxsi %add3A_2696, %max3A_2698 : vector<16xi32>
          %gather3A_2700 = tpu.vector_load_idx %run_scoped3A_8[%max3A_2699] : memref<960xi32, #tpu.memory_space<vmem>>[vector<16xi32>], vector<16xi32>,
          %eq3A_2701 = arith.constant 0 : i32
          %eq3A_2702 = vector.broadcast %eq3A_2701 : i32 to vector<16xi32>
          %eq3A_2703 = arith.cmpi eq, %iota3A, %eq3A_2702 : vector<16xi32>
          %broadcast_in_dim3A_2704 = arith.constant 49406 : i32
          %broadcast_in_dim3A_2705 = vector.broadcast %broadcast_in_dim3A_2704 : i32 to vector<16xi32>
          %select_n3A_2706 = arith.select %eq3A_2703, %broadcast_in_dim3A_2705, %gather3A_2700 : vector<16xi1>, vector<16xi32>
          %swap3A_2707 = arith.constant 0 : index
          %swap3A_2708 = tpu.vector_load %run_scoped3A_4[%swap3A_2707] {strides = array<i32>} : memref<32xi32, #tpu.memory_space<vmem>>, vector<16xi32>,
          tpu.vector_store %run_scoped3A_4[%swap3A_2707], %select_n3A_2706 {strides = array<i32>} : memref<32xi32, #tpu.memory_space<vmem>>, vector<16xi32>,
          %mul3A_2709 = arith.constant 2 : i32
          %mul3A_2710 = arith.muli %add3A_2686, %mul3A_2709 : i32
          %add3A_2711 = arith.constant 1 : i32
          %add3A_2712 = arith.addi %mul3A_2710, %add3A_2711 : i32
          %mul3A_2713 = arith.constant 15 : i32
          %mul3A_2714 = arith.muli %add3A_2712, %mul3A_2713 : i32
          %sub3A_2715 = arith.constant 1 : i32
          %sub3A_2716 = arith.subi %mul3A_2714, %sub3A_2715 : i32
          %add3A_2717 = vector.broadcast %sub3A_2716 : i32 to vector<16xi32>
          %add3A_2718 = arith.addi %add3A_2717, %iota3A : vector<16xi32>
          %max3A_2719 = arith.constant 0 : i32
          %max3A_2720 = vector.broadcast %max3A_2719 : i32 to vector<16xi32>
          %max3A_2721 = arith.maxsi %add3A_2718, %max3A_2720 : vector<16xi32>
          %gather3A_2722 = tpu.vector_load_idx %run_scoped3A_8[%max3A_2721] : memref<960xi32, #tpu.memory_space<vmem>>[vector<16xi32>], vector<16xi32>,
          %eq3A_2723 = arith.constant 0 : i32
          %eq3A_2724 = vector.broadcast %eq3A_2723 : i32 to vector<16xi32>
          %eq3A_2725 = arith.cmpi eq, %iota3A, %eq3A_2724 : vector<16xi32>
          %broadcast_in_dim3A_2726 = arith.constant 49406 : i32
          %broadcast_in_dim3A_2727 = vector.broadcast %broadcast_in_dim3A_2726 : i32 to vector<16xi32>
          %select_n3A_2728 = arith.select %eq3A_2725, %broadcast_in_dim3A_2727, %gather3A_2722 : vector<16xi1>, vector<16xi32>
          %swap3A_2729 = arith.constant 16 : index
          %swap3A_2730 = tpu.vector_load %run_scoped3A_4[%swap3A_2729] {strides = array<i32>} : memref<32xi32, #tpu.memory_space<vmem>>, vector<16xi32>,
          tpu.vector_store %run_scoped3A_4[%swap3A_2729], %select_n3A_2728 {strides = array<i32>} : memref<32xi32, #tpu.memory_space<vmem>>, vector<16xi32>,
          %dma_start3A_2731 = arith.constant 0 : i32
          %dma_start3A_2732 = arith.constant 0 : i32
          %dma_start3A_2733 = tpu.memref_slice %arg2[%dma_start3A_2731, %dma_start3A_2732] : memref<49408x512xf32, #tpu.memory_space<hbm>> -> memref<49408x512xf32, #tpu.memory_space<hbm>>
          tpu.enqueue_indirect_dma source(%dma_start3A_2733 : memref<49408x512xf32, #tpu.memory_space<hbm>>) target(%run_scoped3A_0 : memref<32x512xf32, #tpu.memory_space<vmem>>) offsets(%run_scoped3A_4 : memref<32xi32, #tpu.memory_space<vmem>>) semaphore(%run_scoped3A_15 : memref<!tpu.dma_semaphore, #tpu.memory_space<semaphore_mem>>)
        } else {
        }
      }
      %scan3A_2161 = arith.constant 8 : i32
      %dma_wait3A_2162 = arith.constant 0 : i32
      %dma_wait3A_2163 = arith.constant 0 : i32
      %dma_wait3A_2164 = tpu.memref_slice %run_scoped3A_1[%dma_wait3A_2162, %dma_wait3A_2163] : memref<32x512xf32, #tpu.memory_space<vmem>> -> memref<16x512xf32, #tpu.memory_space<vmem>>
      %dma_wait3A_2165 = arith.constant 0 : i32
      %dma_wait3A_2166 = arith.constant 0 : i32
      %dma_wait3A_2167 = tpu.memref_slice %arg7[%dma_wait3A_2165, %dma_wait3A_2166] : memref<81920x512xf32, #tpu.memory_space<hbm>> -> memref<16x512xf32, #tpu.memory_space<hbm>>
      %dma_wait3A_2168 = arith.constant 0 : i32
      %dma_wait3A_2169 = arith.constant 0 : i32
      %dma_wait3A_2170 = tpu.memref_slice %arg7[%dma_wait3A_2168, %dma_wait3A_2169] : memref<81920x512xf32, #tpu.memory_space<hbm>> -> memref<16x512xf32, #tpu.memory_space<hbm>>
      %dma_wait3A_2171 = arith.constant 0 : i32
      %dma_wait3A_2172 = arith.constant 0 : i32
      %dma_wait3A_2173 = tpu.memref_slice %run_scoped3A_1[%dma_wait3A_2171, %dma_wait3A_2172] : memref<32x512xf32, #tpu.memory_space<vmem>> -> memref<16x512xf32, #tpu.memory_space<vmem>>
      tpu.wait_dma2 semaphore(%run_scoped3A_20 : memref<!tpu.dma_semaphore, #tpu.memory_space<semaphore_mem>>) src(%dma_wait3A_2173 : memref<16x512xf32, #tpu.memory_space<vmem>>) dst(%dma_wait3A_2170 : memref<16x512xf32, #tpu.memory_space<hbm>>)
      %dma_wait3A_2174 = arith.constant 16 : i32
      %dma_wait3A_2175 = arith.constant 0 : i32
      %dma_wait3A_2176 = tpu.memref_slice %run_scoped3A_1[%dma_wait3A_2174, %dma_wait3A_2175] : memref<32x512xf32, #tpu.memory_space<vmem>> -> memref<16x512xf32, #tpu.memory_space<vmem>>
      %dma_wait3A_2177 = arith.constant 0 : i32
      %dma_wait3A_2178 = arith.constant 0 : i32
      %dma_wait3A_2179 = tpu.memref_slice %arg7[%dma_wait3A_2177, %dma_wait3A_2178] : memref<81920x512xf32, #tpu.memory_space<hbm>> -> memref<16x512xf32, #tpu.memory_space<hbm>>
      %dma_wait3A_2180 = arith.constant 0 : i32
      %dma_wait3A_2181 = arith.constant 0 : i32
      %dma_wait3A_2182 = tpu.memref_slice %arg7[%dma_wait3A_2180, %dma_wait3A_2181] : memref<81920x512xf32, #tpu.memory_space<hbm>> -> memref<16x512xf32, #tpu.memory_space<hbm>>
      %dma_wait3A_2183 = arith.constant 16 : i32
      %dma_wait3A_2184 = arith.constant 0 : i32
      %dma_wait3A_2185 = tpu.memref_slice %run_scoped3A_1[%dma_wait3A_2183, %dma_wait3A_2184] : memref<32x512xf32, #tpu.memory_space<vmem>> -> memref<16x512xf32, #tpu.memory_space<vmem>>
      tpu.wait_dma2 semaphore(%run_scoped3A_20 : memref<!tpu.dma_semaphore, #tpu.memory_space<semaphore_mem>>) src(%dma_wait3A_2185 : memref<16x512xf32, #tpu.memory_space<vmem>>) dst(%dma_wait3A_2182 : memref<16x512xf32, #tpu.memory_space<hbm>>)
      %dma_wait3A_2186 = arith.constant 0 : i32
      %dma_wait3A_2187 = arith.constant 0 : i32
      %dma_wait3A_2188 = tpu.memref_slice %run_scoped3A_2[%dma_wait3A_2186, %dma_wait3A_2187] : memref<32x512xf32, #tpu.memory_space<vmem>> -> memref<16x512xf32, #tpu.memory_space<vmem>>
      %dma_wait3A_2189 = arith.constant 0 : i32
      %dma_wait3A_2190 = arith.constant 0 : i32
      %dma_wait3A_2191 = tpu.memref_slice %arg7[%dma_wait3A_2189, %dma_wait3A_2190] : memref<81920x512xf32, #tpu.memory_space<hbm>> -> memref<16x512xf32, #tpu.memory_space<hbm>>
      %dma_wait3A_2192 = arith.constant 0 : i32
      %dma_wait3A_2193 = arith.constant 0 : i32
      %dma_wait3A_2194 = tpu.memref_slice %arg7[%dma_wait3A_2192, %dma_wait3A_2193] : memref<81920x512xf32, #tpu.memory_space<hbm>> -> memref<16x512xf32, #tpu.memory_space<hbm>>
      %dma_wait3A_2195 = arith.constant 0 : i32
      %dma_wait3A_2196 = arith.constant 0 : i32
      %dma_wait3A_2197 = tpu.memref_slice %run_scoped3A_2[%dma_wait3A_2195, %dma_wait3A_2196] : memref<32x512xf32, #tpu.memory_space<vmem>> -> memref<16x512xf32, #tpu.memory_space<vmem>>
      tpu.wait_dma2 semaphore(%run_scoped3A_21 : memref<!tpu.dma_semaphore, #tpu.memory_space<semaphore_mem>>) src(%dma_wait3A_2197 : memref<16x512xf32, #tpu.memory_space<vmem>>) dst(%dma_wait3A_2194 : memref<16x512xf32, #tpu.memory_space<hbm>>)
      %dma_wait3A_2198 = arith.constant 16 : i32
      %dma_wait3A_2199 = arith.constant 0 : i32
      %dma_wait3A_2200 = tpu.memref_slice %run_scoped3A_2[%dma_wait3A_2198, %dma_wait3A_2199] : memref<32x512xf32, #tpu.memory_space<vmem>> -> memref<16x512xf32, #tpu.memory_space<vmem>>
      %dma_wait3A_2201 = arith.constant 0 : i32
      %dma_wait3A_2202 = arith.constant 0 : i32
      %dma_wait3A_2203 = tpu.memref_slice %arg7[%dma_wait3A_2201, %dma_wait3A_2202] : memref<81920x512xf32, #tpu.memory_space<hbm>> -> memref<16x512xf32, #tpu.memory_space<hbm>>
      %dma_wait3A_2204 = arith.constant 0 : i32
      %dma_wait3A_2205 = arith.constant 0 : i32
      %dma_wait3A_2206 = tpu.memref_slice %arg7[%dma_wait3A_2204, %dma_wait3A_2205] : memref<81920x512xf32, #tpu.memory_space<hbm>> -> memref<16x512xf32, #tpu.memory_space<hbm>>
      %dma_wait3A_2207 = arith.constant 16 : i32
      %dma_wait3A_2208 = arith.constant 0 : i32
      %dma_wait3A_2209 = tpu.memref_slice %run_scoped3A_2[%dma_wait3A_2207, %dma_wait3A_2208] : memref<32x512xf32, #tpu.memory_space<vmem>> -> memref<16x512xf32, #tpu.memory_space<vmem>>
      tpu.wait_dma2 semaphore(%run_scoped3A_21 : memref<!tpu.dma_semaphore, #tpu.memory_space<semaphore_mem>>) src(%dma_wait3A_2209 : memref<16x512xf32, #tpu.memory_space<vmem>>) dst(%dma_wait3A_2206 : memref<16x512xf32, #tpu.memory_space<hbm>>)
      %mul3A_2210 = arith.constant 40 : i32
      %mul3A_2211 = arith.muli %mul3A_24, %mul3A_2210 : i32
      "tpu.region"() ({
        %run_scoped3A_2212 = tpu.sem_alloc : memref<!tpu.dma_semaphore, #tpu.memory_space<semaphore_mem>>
        %dma_start3A_2213 = arith.constant 0 : i32
        %dma_start3A_2214 = tpu.memref_slice %run_scoped3A_13[%dma_start3A_2213] : memref<2576xf32, #tpu.memory_space<vmem>> -> memref<2560xf32, #tpu.memory_space<vmem>>
        %dma_start3A_2215 = tpu.memref_slice %arg8[%mul3A_2211] : memref<81920xf32, #tpu.memory_space<hbm>> -> memref<2560xf32, #tpu.memory_space<hbm>>
        %dma_start3A_2216 = tpu.memref_slice %arg8[%mul3A_2211] : memref<81920xf32, #tpu.memory_space<hbm>> -> memref<2560xf32, #tpu.memory_space<hbm>>
        %dma_start3A_2217 = arith.constant 0 : i32
        %dma_start3A_2218 = tpu.memref_slice %run_scoped3A_13[%dma_start3A_2217] : memref<2576xf32, #tpu.memory_space<vmem>> -> memref<2560xf32, #tpu.memory_space<vmem>>
        tpu.enqueue_dma source(%dma_start3A_2218 : memref<2560xf32, #tpu.memory_space<vmem>>) target(%dma_start3A_2216 : memref<2560xf32, #tpu.memory_space<hbm>>) target_semaphore(%run_scoped3A_2212 : memref<!tpu.dma_semaphore, #tpu.memory_space<semaphore_mem>>)
        %dma_wait3A_2219 = arith.constant 0 : i32
        %dma_wait3A_2220 = tpu.memref_slice %run_scoped3A_13[%dma_wait3A_2219] : memref<2576xf32, #tpu.memory_space<vmem>> -> memref<2560xf32, #tpu.memory_space<vmem>>
        %dma_wait3A_2221 = tpu.memref_slice %arg8[%mul3A_2211] : memref<81920xf32, #tpu.memory_space<hbm>> -> memref<2560xf32, #tpu.memory_space<hbm>>
        %dma_wait3A_2222 = tpu.memref_slice %arg8[%mul3A_2211] : memref<81920xf32, #tpu.memory_space<hbm>> -> memref<2560xf32, #tpu.memory_space<hbm>>
        %dma_wait3A_2223 = arith.constant 0 : i32
        %dma_wait3A_2224 = tpu.memref_slice %run_scoped3A_13[%dma_wait3A_2223] : memref<2576xf32, #tpu.memory_space<vmem>> -> memref<2560xf32, #tpu.memory_space<vmem>>
        tpu.wait_dma2 semaphore(%run_scoped3A_2212 : memref<!tpu.dma_semaphore, #tpu.memory_space<semaphore_mem>>) src(%dma_wait3A_2224 : memref<2560xf32, #tpu.memory_space<vmem>>) dst(%dma_wait3A_2222 : memref<2560xf32, #tpu.memory_space<hbm>>)
        tpu.yield
      }) : () -> ()
      tpu.yield
    }) : () -> ()
    return
  }
}

</mosaic_0001>

<sc_bundles>
// kernel: _sc_call.3.cloned.1.call-start
scs
__scs_entry_jumppad:
0x0: {  	(pc) =	sbr.rel $0x88, $3  }
0x1: {  	(tag) =	ssettag $0x0;
	lr =	simm.s32 $0x1  }
0x2: {  	[smem:$0x3F9C] =	sst lr;
	_ =	strace $0xD0000000  }
0x3: {  	_ = 	snop  }
0x4: {  	_ = 	snop  }
0x5: {  	_ = 	snop  }
0x6: {  	_ = 	snop  }
0x7: {  	_ = 	snop  }
__scs_overlays_trampoline_lowered:
0x8: {  	[smem:$0x3FAB] =	sst s0  }
0x9: {  	[smem:$0x3FAC] =	sst s1  }
0xa: {  	[smem:$0x3FAD] =	sst s2  }
0xb: {  	[smem:$0x3FAE] =	sst s3  }
0xc: {  	[smem:$0x3FAF] =	sst s4  }
0xd: {  	[smem:$0x3FB0] =	sst s5  }
0xe: {  	[smem:$0x3FB1] =	sst s6  }
0xf: {  	[smem:$0x3FB2] =	sst s7  }
0x10: {  	[smem:$0x3FB3] =	sst s8  }
0x11: {  	[smem:$0x3FB4] =	sst s9;
	s0 =	simm.s32 @!p0 $0x0  }
0x12: {  	s1 =	sld [smem:$0x3F9A];
	s0 =	simm.s32 @p0 $0x1  }
0x13: {  	[smem:$0x3FB5] =	sst s0;
	s0 =	simm.s32 @!p1 $0x0  }
0x14: {  	s2 =	sld [smem:$0x3F99];
	s0 =	simm.s32 @p1 $0x1  }
0x15: {  	[smem:$0x3FB6] =	sst s0;
	s0 =	simm.s32 @!p2 $0x0  }
0x16: {  	s3 =	sld [smem:$0x3FDB];
	s0 =	simm.s32 @p2 $0x1  }
0x17: {  	s4 =	simm.s32 $0x1BF5;
	[smem:$0x3FB8] =	sst s0  }
0x18: {  	s0 =	sld [smem:$0x3F9B];
	_ =	swait.ge [sflag:s4], $0x0  }
0x19: {  	s7 =	sld [smem:$0x3F9C]  }
0x1a: {  	s8 =	sadd.s32 $0xFFFFE003, lr  }
0x1b: {  	s9 =	sadd.s32 $0xFFFFFEF7, lr;
	s5 =	simm.s32 $0xFFFFFFFF;
	p2 =	slt.u32 s8, $0xFFFFF086  }
0x1c: {  	p1 =	slt.u32 s9, $0xF7A;
	s5 =	simm.s32 @!p2 $0x0  }
0x1d: {  	s5 =	simm.s32 @p1 $0x1;
	p0 =	seq.s32 s7, s2  }
0x1e: {  	s7 =	smul.u32 @!p0 $0xF7A, s2;
	p2 =	seq.s32 @!p0 s5, $0x0  }
0x1f: {  	s9 =	smul.u32 $0xF7A, s1;
	s8 =	simm.s32 @!p0 $0x1BF5;
	p2 =	por !p2, p0  }
0x20: {  	[sflag:s8] =	ssyncset.s32 @!p0 $0xFFFFF086;
	s6 =	sadd.s32 @!p0 s3, s7;
	s7 =	simm.s32 @!p0 $0x108  }
0x21: {  	s3 =	sadd.s32 s3, s9;
	s6 =	sadd.s32 @!p0 $0x88, s6;
	s7 =	simm.s32 @p2 $0x1082  }
0x22: {  	[simem:s7], [sflag:s8] =	dma.local @!p0 [hbm:s6], $0xF7A  }
0x23: {  	s9 =	sor.u32 $0xD0000000, s2;
	s6 =	simm.s32 $0x108;
	_ =	swait.ge @!p0 [sflag:s8], $0x0  }
0x24: {  	s3 =	sadd.s32 $0x88, s3;
	s6 =	simm.s32 @!p1 $0x1082;
	[sflag:s4] =	ssyncset.s32 $0xFFFFF086  }
0x25: {  	[simem:s6], [sflag:s4] =	dma.local [hbm:s3], $0xF7A  }
0x26: {  	[smem:$0x3F9C] =	sst s1;
	(tag) =	ssettag s2;
	_ =	strace s9  }
0x27: {  	s1 =	sld [smem:$0x3FAC]  }
0x28: {  	s2 =	sld [smem:$0x3FAD]  }
0x29: {  	s4 =	sld [smem:$0x3FAF]  }
0x2a: {  	p0 =	seq.s32 s5, $0x0;
	s5 =	sld [smem:$0x3FB0]  }
0x2b: {  	s6 =	sld [smem:$0x3FB1]  }
0x2c: {  	s7 =	sld [smem:$0x3FB2]  }
0x2d: {  	s3 =	simm.s32 $0x108;
	s8 =	sld [smem:$0x3FB3]  }
0x2e: {  	s3 =	simm.s32 @!p0 $0x1082;
	s9 =	sld [smem:$0x3FB4]  }
0x2f: {  	lr =	sadd.s32 s0, s3;
	s0 =	sld [smem:$0x3FAB]  }
0x30: {  	s3 =	sld [smem:$0x3FAE]  }
0x31: {  	[smem:$0x3FB7] =	sst s10  }
0x32: {  	s10 =	sld [smem:$0x3FB5];
	_ =	sdelay $0x3  }
0x33: {  	p0 =	seq.s32 s10, $0x1;
	s10 =	sld [smem:$0x3FB7];
	_ =	sdelay $0x3  }
0x34: {  	[smem:$0x3FB7] =	sst s10  }
0x35: {  	s10 =	sld [smem:$0x3FB6];
	_ =	sdelay $0x3  }
0x36: {  	p1 =	seq.s32 s10, $0x1;
	s10 =	sld [smem:$0x3FB7];
	_ =	sdelay $0x3  }
0x37: {  	[smem:$0x3FB7] =	sst s10  }
0x38: {  	s10 =	sld [smem:$0x3FB8]  }
0x39: {  	_ = 	snop;
	(pc) =	sbr.ind lr, $3  }
0x3a: {  	_ = 	snop  }
0x3b: {  	_ = 	snop  }
0x3c: {  	p2 =	seq.s32 s10, $0x1;
	s10 =	sld [smem:$0x3FB7]  }
0x3d: {  	_ =	shalt  }
0x3e: {  	_ =	shalt  }
0x3f: {  	_ =	shalt  }
0x40: {  	_ =	shalt  }
0x41: {  	_ =	shalt  }
0x42: {  	_ =	shalt  }
0x43: {  	_ =	shalt  }
0x44: {  	_ =	shalt  }
0x45: {  	_ =	shalt  }
0x46: {  	_ =	shalt  }
0x47: {  	_ =	shalt  }
0x48: {  	_ =	shalt  }
0x49: {  	_ =	shalt  }
0x4a: {  	_ =	shalt  }
0x4b: {  	_ =	shalt  }
0x4c: {  	_ =	shalt  }
0x4d: {  	_ =	shalt  }
0x4e: {  	_ =	shalt  }
0x4f: {  	_ =	shalt  }
0x50: {  	_ =	shalt  }
0x51: {  	_ =	shalt  }
0x52: {  	_ =	shalt  }
0x53: {  	_ =	shalt  }
0x54: {  	_ =	shalt  }
0x55: {  	_ =	shalt  }
0x56: {  	_ =	shalt  }
0x57: {  	_ =	shalt  }
0x58: {  	_ =	shalt  }
0x59: {  	_ =	shalt  }
0x5a: {  	_ =	shalt  }
0x5b: {  	_ =	shalt  }
0x5c: {  	_ =	shalt  }
0x5d: {  	_ =	shalt  }
0x5e: {  	_ =	shalt  }
0x5f: {  	_ =	shalt  }
0x60: {  	_ =	shalt  }
0x61: {  	_ =	shalt  }
0x62: {  	_ =	shalt  }
0x63: {  	_ =	shalt  }
0x64: {  	_ =	shalt  }
0x65: {  	_ =	shalt  }
0x66: {  	_ =	shalt  }
0x67: {  	_ =	shalt  }
0x68: {  	_ =	shalt  }
0x69: {  	_ =	shalt  }
0x6a: {  	_ =	shalt  }
0x6b: {  	_ =	shalt  }
0x6c: {  	_ =	shalt  }
0x6d: {  	_ =	shalt  }
0x6e: {  	_ =	shalt  }
0x6f: {  	_ =	shalt  }
0x70: {  	_ =	shalt  }
0x71: {  	_ =	shalt  }
0x72: {  	_ =	shalt  }
0x73: {  	_ =	shalt  }
0x74: {  	_ =	shalt  }
0x75: {  	_ =	shalt  }
0x76: {  	_ =	shalt  }
0x77: {  	_ =	shalt  }
0x78: {  	_ =	shalt  }
0x79: {  	_ =	shalt  }
0x7a: {  	_ =	shalt  }
0x7b: {  	_ =	shalt  }
0x7c: {  	_ =	shalt  }
0x7d: {  	_ =	shalt  }
0x7e: {  	_ =	shalt  }
0x7f: {  	_ =	shalt  }
0x80: {  	_ =	shalt  }
0x81: {  	_ =	shalt  }
0x82: {  	_ =	shalt  }
0x83: {  	_ =	shalt  }
0x84: {  	_ =	shalt  }
0x85: {  	_ =	shalt  }
0x86: {  	_ =	shalt  }
0x87: {  	_ =	shalt  }
.Lfunc_end0:
.L_simem_size_0:
called_computation_lowered:
.L_overlay_start_0:
0x88: {  	s2 =	sld [smem:$0x3FD9]  }
0x89: {  	s3 =	sld [smem:$0x3FFE];
	_ =	sdelay $0x1  }
0x8a: {  	s1 =	srdreg.scid  }
0x8b: {  	s0 =	sand.u32 $0x1, s1  }
0x8c: {  	s3 =	sadd.s32 s3, s2;
	s2 =	sshll.u32 s0, $0xA  }
0x8d: {  	s3 =	sadd.s32 s3, s2  }
0x8e: {  	[smem:$0x3FC3] =	sst s3  }
0x8f: {  	_ = 	snop  }
0x90: {  	s5 =	sld [smem:$0x3FC9]  }
0x91: {  	s6 =	sld [smem:$0x3FC8]  }
0x92: {  	s4 =	sld [smem:$0x3FD0]  }
0x93: {  	s3 =	sld [smem:$0x3FC7]  }
0x94: {  	s7 =	sld [smem:$0x3FC6]  }
0x95: {  	s9 =	simm.s32 $0xD;
	s10 =	simm.s32 $0x90;
	s8 =	sld [smem:$0x3FC5]  }
0x96: {  	[smem:s10], [sflag:s9] =	dma.local [hbm:s4], $0x1  }
0x97: {  	_ =	swait.eq [sflag:s9], $0x1  }
0x98: {  	[sflag:s9] =	ssyncset.done $0x0;
	s15 =	sld [smem:$0x90]  }
0x99: {  	s17 =	simm.s32 $0x0;
	s16 =	sld [smem:$0x91];
	[sflag:s9] =	ssyncadd.s32 $0xFFFFFFFF  }
0x9a: {  	[smem:$0xF] =	sst s17  }
0x9b: {  	(tm) =	ssettm $0x1  }
0x9c: {  	s11 =	sld [smem:$0x3FFB];
	_ =	sdelay $0x3  }
0x9d: {  	_ =	strace s11  }
0x9e: {  	s11 =	sld [smem:$0x3FFC];
	_ =	sdelay $0x3  }
0x9f: {  	_ =	strace s11  }
0xa0: {  	s11 =	sld [smem:$0x3FFD];
	_ =	sdelay $0x3  }
0xa1: {  	_ =	strace s11  }
0xa2: {  	_ =	strace $0x8FFFFFFF  }
0xa3: {  	s18 =	sld [smem:$0x3FDB];
	_ =	sdelay $0x2  }
0xa4: {  	s12 =	simm.s32 $_scs_section_size;
	s13 =	simm.s32 $_tile_overlayer_lowered  }
0xa5: {  	s19 =	simm.s32 $_size__tile_overlayer_lowered;
	s13 =	sshll.u32 s13, $0x1;
	s11 =	sadd.s32 s12, s18  }
0xa6: {  	s14 =	simm.s32 $0x1BFF;
	s12 =	sshll.u32 s19, $0x1;
	s13 =	sadd.s32 s13, s11  }
0xa7: {  	[timem:s17], [sflag:s14] =	dma.local [hbm:s13], s12  }
0xa8: {  	_ =	swait.ge [sflag:s14], s12  }
0xa9: {  	s12 =	ssub.s32 $0x0, s12;
	[sflag:s14] =	ssyncset.done $0x0  }
0xaa: {  	[sflag:s14] =	ssyncadd.s32 s12;
	_ =	sdelay $0x1  }
0xab: {  	s20 =	simm.s32 $0x1B8B  }
0xac: {  	_ =	swait.ge [sflag:s20], $0x1  }
0xad: {  	[sflag:s20] =	ssyncset.done $0x0  }
0xae: {  	s21 =	simm.s32 $0x1B8E;
	[sflag:s20] =	ssyncadd.s32 $0xFFFFFFFF  }
0xaf: {  	s22 =	simm.s32 $execute0_lowered;
	[smem:$0x3FD2] =	sst s21  }
0xb0: {  	s12 =	sshll.u32 s22, $0x1;
	_ =	strace $0x80000046;
	[dreg:$0x1] =	wrdreg $0xFFFFFFFF  }
0xb1: {  	s23 =	simm.s32 $_size_execute0_lowered;
	s11 =	sadd.s32 s11, s12;
	[dreg:$0x0] =	wrdreg $0x0  }
0xb2: {  	s12 =	sshll.u32 s23, $0x1;
	[dreg:$0x2] =	wrdreg s11  }
0xb3: {  	[dreg:$0x3] =	wrdreg s12  }
0xb4: {  	[dreg:$0x4] =	wrdreg $0xC0  }
0xb5: {  	_ =	task [dreg:s17], $0x5FFFF  }
0xb6: {  	[dreg:$0x1] =	wrdreg $0xFFFFFFFF  }
0xb7: {  	[dreg:$0x0] =	wrdreg $0x60  }
0xb8: {  	[dreg:$0x2] =	wrdreg s5  }
0xb9: {  	[dreg:$0x3] =	wrdreg s6  }
0xba: {  	[dreg:$0x4] =	wrdreg s3  }
0xbb: {  	[dreg:$0x5] =	wrdreg s7  }
0xbc: {  	[dreg:$0x6] =	wrdreg s8  }
0xbd: {  	[dreg:$0x7] =	wrdreg s15  }
0xbe: {  	[dreg:$0x8] =	wrdreg s16  }
0xbf: {  	[dreg:$0x9] =	wrdreg $0x0  }
0xc0: {  	[dreg:$0xa] =	wrdreg $0x90000  }
0xc1: {  	s24 =	simm.s32 $0xA;
	[dreg:$0xb] =	wrdreg $0x9  }
0xc2: {  	_ =	task.clear_ibuf [dreg:s17], $0xCFFFF;
	_ =	swait.ge [sflag:s24], $0x1  }
0xc3: {  	[sflag:s24] =	ssyncset.done $0x0  }
0xc4: {  	s25 =	sshll.u32 s0, $0x7;
	[sflag:s24] =	ssyncadd.s32 $0xFFFFFFFF  }
0xc5: {  	s28 =	simm.s32 $0x10;
	s26 =	sadd.s32 s25, s3;
	s5 =	simm.s32 $0xC  }
0xc6: {  	[smem:s28], [sflag:s5] =	dma.local [hbm:s26], $0x10  }
0xc7: {  	_ =	swait.ge [sflag:s5], $0x10  }
0xc8: {  	[sflag:s5] =	ssyncset.done $0x0  }
0xc9: {  	[sflag:s5] =	ssyncadd.s32 $0xFFFFFFF0  }
0xca: {  	s29 =	sld [smem:$0x10];
	_ =	sdelay $0x2  }
0xcb: {  	s30 =	smul.u32 $0x280000, s0  }
0xcc: {  	s31 =	smul.u32 $0xC000, s29;
	_ =	sdelay $0x1  }
0xcd: {  	s6 =	sadd.s32 s30, s15;
	s8 =	sshra.s32 s31, $0x2  }
0xce: {  	s4 =	simm.s32 $0xB;
	s7 =	sadd.s32 $0x400, s6;
	s8 =	sshrl.u32 s8, $0x3  }
0xcf: {  	[hbm:s7], [sflag:s4] =	dma.local [spmem:s8], $0x600  }
0xd0: {  	s8 =	simm.s32 $0x8;
	s9 =	sld [smem:$0x11]  }
.LBB1_1:
0xd1: {  	p0 =	sne.s32 s8, $0x1FC;
	_ =	sdelay $0x2  }
0xd2: {  	s9 =	smul.u32 $0xC000, s9;
	_ =	sdelay $0x1  }
.Ltmp0:
0xd3: {  	s9 =	sshra.s32 s9, $0x2;
	(pc) =	sbr.rel @p0 .LBB1_1-.Ltmp0, $3  }
0xd4: {  	s10 =	sshra.s32 s8, $0x2;
	s7 =	sadd.s32 $0xA00, s7;
	s9 =	sshrl.u32 s9, $0x3  }
0xd5: {  	[hbm:s7], [sflag:s4] =	dma.local [spmem:s9], $0x600  }
0xd6: {  	s8 =	sadd.s32 $0x4, s8;
	s9 =	sld [smem:s10+$0x10]  }
0xd7: {  	_ =	sdelay $0x2  }
0xd8: {  	s8 =	smul.u32 $0xC000, s9;
	_ =	sdelay $0x1  }
0xd9: {  	s8 =	sshra.s32 s8, $0x2  }
0xda: {  	s7 =	sadd.s32 $0xA00, s7;
	s28 =	sor.u32 $0x80, s2;
	s8 =	sshrl.u32 s8, $0x3  }
0xdb: {  	[hbm:s7], [sflag:s4] =	dma.local [spmem:s8], $0x600  }
0xdc: {  	s7 =	sshrl.u32 s28, $0x3  }
0xdd: {  	s29 =	simm.s32 $0x10;
	s30 =	simm.s32 $0xC;
	s7 =	sadd.s32 s7, s3  }
0xde: {  	[smem:s29], [sflag:s5] =	dma.local [hbm:s7], $0x10  }
0xdf: {  	_ =	swait.ge [sflag:s30], $0x10  }
0xe0: {  	[sflag:s30] =	ssyncset.done $0x0  }
0xe1: {  	[sflag:s30] =	ssyncadd.s32 $0xFFFFFFF0  }
0xe2: {  	s7 =	sld [smem:$0x10];
	_ =	sdelay $0x3  }
0xe3: {  	s7 =	smul.u32 $0xC000, s7;
	_ =	sdelay $0x1  }
0xe4: {  	s31 =	sshra.s32 s7, $0x2  }
0xe5: {  	s7 =	sadd.s32 $0x50400, s6;
	s8 =	sshrl.u32 s31, $0x3  }
0xe6: {  	[hbm:s7], [sflag:s4] =	dma.local [spmem:s8], $0x600  }
0xe7: {  	s8 =	simm.s32 $0x8;
	s9 =	sld [smem:$0x11]  }
.LBB1_3:
0xe8: {  	p0 =	sne.s32 s8, $0x1FC;
	_ =	sdelay $0x2  }
0xe9: {  	s9 =	smul.u32 $0xC000, s9;
	_ =	sdelay $0x1  }
.Ltmp1:
0xea: {  	s9 =	sshra.s32 s9, $0x2;
	(pc) =	sbr.rel @p0 .LBB1_3-.Ltmp1, $3  }
0xeb: {  	s10 =	sshra.s32 s8, $0x2;
	s7 =	sadd.s32 $0xA00, s7;
	s9 =	sshrl.u32 s9, $0x3  }
0xec: {  	[hbm:s7], [sflag:s4] =	dma.local [spmem:s9], $0x600  }
0xed: {  	s8 =	sadd.s32 $0x4, s8;
	s9 =	sld [smem:s10+$0x10]  }
0xee: {  	_ =	sdelay $0x2  }
0xef: {  	s8 =	smul.u32 $0xC000, s9;
	_ =	sdelay $0x1  }
0xf0: {  	s8 =	sshra.s32 s8, $0x2  }
0xf1: {  	s7 =	sadd.s32 $0xA00, s7;
	s28 =	sor.u32 $0x100, s2;
	s8 =	sshrl.u32 s8, $0x3  }
0xf2: {  	[hbm:s7], [sflag:s4] =	dma.local [spmem:s8], $0x600  }
0xf3: {  	s7 =	sshrl.u32 s28, $0x3  }
0xf4: {  	s29 =	simm.s32 $0x10;
	s30 =	simm.s32 $0xC;
	s7 =	sadd.s32 s7, s3  }
0xf5: {  	[smem:s29], [sflag:s5] =	dma.local [hbm:s7], $0x10  }
0xf6: {  	_ =	swait.ge [sflag:s30], $0x10  }
0xf7: {  	[sflag:s30] =	ssyncset.done $0x0  }
0xf8: {  	[sflag:s30] =	ssyncadd.s32 $0xFFFFFFF0  }
0xf9: {  	s7 =	sld [smem:$0x10];
	_ =	sdelay $0x3  }
0xfa: {  	s7 =	smul.u32 $0xC000, s7;
	_ =	sdelay $0x1  }
0xfb: {  	s31 =	sshra.s32 s7, $0x2  }
0xfc: {  	s7 =	sadd.s32 $0xA0400, s6;
	s8 =	sshrl.u32 s31, $0x3  }
0xfd: {  	[hbm:s7], [sflag:s4] =	dma.local [spmem:s8], $0x600  }
0xfe: {  	s8 =	simm.s32 $0x8;
	s9 =	sld [smem:$0x11]  }
.LBB1_5:
0xff: {  	p0 =	sne.s32 s8, $0x1FC;
	_ =	sdelay $0x2  }
0x100: {  	s9 =	smul.u32 $0xC000, s9;
	_ =	sdelay $0x1  }
.Ltmp2:
0x101: {  	s9 =	sshra.s32 s9, $0x2;
	(pc) =	sbr.rel @p0 .LBB1_5-.Ltmp2, $3  }
0x102: {  	s10 =	sshra.s32 s8, $0x2;
	s7 =	sadd.s32 $0xA00, s7;
	s9 =	sshrl.u32 s9, $0x3  }
0x103: {  	[hbm:s7], [sflag:s4] =	dma.local [spmem:s9], $0x600  }
0x104: {  	s8 =	sadd.s32 $0x4, s8;
	s9 =	sld [smem:s10+$0x10]  }
0x105: {  	_ =	sdelay $0x2  }
0x106: {  	s8 =	smul.u32 $0xC000, s9;
	_ =	sdelay $0x1  }
0x107: {  	s8 =	sshra.s32 s8, $0x2  }
0x108: {  	s7 =	sadd.s32 $0xA00, s7;
	s28 =	sor.u32 $0x180, s2;
	s8 =	sshrl.u32 s8, $0x3  }
0x109: {  	[hbm:s7], [sflag:s4] =	dma.local [spmem:s8], $0x600  }
0x10a: {  	s7 =	sshrl.u32 s28, $0x3  }
0x10b: {  	s29 =	simm.s32 $0x10;
	s30 =	simm.s32 $0xC;
	s7 =	sadd.s32 s7, s3  }
0x10c: {  	[smem:s29], [sflag:s5] =	dma.local [hbm:s7], $0x10  }
0x10d: {  	_ =	swait.ge [sflag:s30], $0x10  }
0x10e: {  	[sflag:s30] =	ssyncset.done $0x0  }
0x10f: {  	[sflag:s30] =	ssyncadd.s32 $0xFFFFFFF0  }
0x110: {  	s7 =	sld [smem:$0x10];
	_ =	sdelay $0x3  }
0x111: {  	s7 =	smul.u32 $0xC000, s7;
	_ =	sdelay $0x1  }
0x112: {  	s31 =	sshra.s32 s7, $0x2  }
0x113: {  	s7 =	sadd.s32 $0xF0400, s6;
	s8 =	sshrl.u32 s31, $0x3  }
0x114: {  	[hbm:s7], [sflag:s4] =	dma.local [spmem:s8], $0x600  }
0x115: {  	s8 =	simm.s32 $0x8;
	s9 =	sld [smem:$0x11]  }
.LBB1_7:
0x116: {  	p0 =	sne.s32 s8, $0x1FC;
	_ =	sdelay $0x2  }
0x117: {  	s9 =	smul.u32 $0xC000, s9;
	_ =	sdelay $0x1  }
.Ltmp3:
0x118: {  	s9 =	sshra.s32 s9, $0x2;
	(pc) =	sbr.rel @p0 .LBB1_7-.Ltmp3, $3  }
0x119: {  	s10 =	sshra.s32 s8, $0x2;
	s7 =	sadd.s32 $0xA00, s7;
	s9 =	sshrl.u32 s9, $0x3  }
0x11a: {  	[hbm:s7], [sflag:s4] =	dma.local [spmem:s9], $0x600  }
0x11b: {  	s8 =	sadd.s32 $0x4, s8;
	s9 =	sld [smem:s10+$0x10]  }
0x11c: {  	_ =	sdelay $0x2  }
0x11d: {  	s8 =	smul.u32 $0xC000, s9;
	_ =	sdelay $0x1  }
0x11e: {  	s8 =	sshra.s32 s8, $0x2  }
0x11f: {  	s7 =	sadd.s32 $0xA00, s7;
	s28 =	sor.u32 $0x200, s2;
	s8 =	sshrl.u32 s8, $0x3  }
0x120: {  	[hbm:s7], [sflag:s4] =	dma.local [spmem:s8], $0x600  }
0x121: {  	s7 =	sshrl.u32 s28, $0x3  }
0x122: {  	s29 =	simm.s32 $0x10;
	s30 =	simm.s32 $0xC;
	s7 =	sadd.s32 s7, s3  }
0x123: {  	[smem:s29], [sflag:s5] =	dma.local [hbm:s7], $0x10  }
0x124: {  	_ =	swait.ge [sflag:s30], $0x10  }
0x125: {  	[sflag:s30] =	ssyncset.done $0x0  }
0x126: {  	[sflag:s30] =	ssyncadd.s32 $0xFFFFFFF0  }
0x127: {  	s7 =	sld [smem:$0x10];
	_ =	sdelay $0x3  }
0x128: {  	s7 =	smul.u32 $0xC000, s7;
	_ =	sdelay $0x1  }
0x129: {  	s31 =	sshra.s32 s7, $0x2  }
0x12a: {  	s7 =	sadd.s32 $0x140400, s6;
	s8 =	sshrl.u32 s31, $0x3  }
0x12b: {  	[hbm:s7], [sflag:s4] =	dma.local [spmem:s8], $0x600  }
0x12c: {  	s8 =	simm.s32 $0x8;
	s9 =	sld [smem:$0x11]  }
.LBB1_9:
0x12d: {  	p0 =	sne.s32 s8, $0x1FC;
	_ =	sdelay $0x2  }
0x12e: {  	s9 =	smul.u32 $0xC000, s9;
	_ =	sdelay $0x1  }
.Ltmp4:
0x12f: {  	s9 =	sshra.s32 s9, $0x2;
	(pc) =	sbr.rel @p0 .LBB1_9-.Ltmp4, $3  }
0x130: {  	s10 =	sshra.s32 s8, $0x2;
	s7 =	sadd.s32 $0xA00, s7;
	s9 =	sshrl.u32 s9, $0x3  }
0x131: {  	[hbm:s7], [sflag:s4] =	dma.local [spmem:s9], $0x600  }
0x132: {  	s8 =	sadd.s32 $0x4, s8;
	s9 =	sld [smem:s10+$0x10]  }
0x133: {  	_ =	sdelay $0x2  }
0x134: {  	s8 =	smul.u32 $0xC000, s9;
	_ =	sdelay $0x1  }
0x135: {  	s8 =	sshra.s32 s8, $0x2  }
0x136: {  	s7 =	sadd.s32 $0xA00, s7;
	s28 =	sor.u32 $0x280, s2;
	s8 =	sshrl.u32 s8, $0x3  }
0x137: {  	[hbm:s7], [sflag:s4] =	dma.local [spmem:s8], $0x600  }
0x138: {  	s7 =	sshrl.u32 s28, $0x3  }
0x139: {  	s29 =	simm.s32 $0x10;
	s30 =	simm.s32 $0xC;
	s7 =	sadd.s32 s7, s3  }
0x13a: {  	[smem:s29], [sflag:s5] =	dma.local [hbm:s7], $0x10  }
0x13b: {  	_ =	swait.ge [sflag:s30], $0x10  }
0x13c: {  	[sflag:s30] =	ssyncset.done $0x0  }
0x13d: {  	[sflag:s30] =	ssyncadd.s32 $0xFFFFFFF0  }
0x13e: {  	s7 =	sld [smem:$0x10];
	_ =	sdelay $0x3  }
0x13f: {  	s7 =	smul.u32 $0xC000, s7;
	_ =	sdelay $0x1  }
0x140: {  	s31 =	sshra.s32 s7, $0x2  }
0x141: {  	s7 =	sadd.s32 $0x190400, s6;
	s8 =	sshrl.u32 s31, $0x3  }
0x142: {  	[hbm:s7], [sflag:s4] =	dma.local [spmem:s8], $0x600  }
0x143: {  	s8 =	simm.s32 $0x8;
	s9 =	sld [smem:$0x11]  }
.LBB1_11:
0x144: {  	p0 =	sne.s32 s8, $0x1FC;
	_ =	sdelay $0x2  }
0x145: {  	s9 =	smul.u32 $0xC000, s9;
	_ =	sdelay $0x1  }
.Ltmp5:
0x146: {  	s9 =	sshra.s32 s9, $0x2;
	(pc) =	sbr.rel @p0 .LBB1_11-.Ltmp5, $3  }
0x147: {  	s10 =	sshra.s32 s8, $0x2;
	s7 =	sadd.s32 $0xA00, s7;
	s9 =	sshrl.u32 s9, $0x3  }
0x148: {  	[hbm:s7], [sflag:s4] =	dma.local [spmem:s9], $0x600  }
0x149: {  	s8 =	sadd.s32 $0x4, s8;
	s9 =	sld [smem:s10+$0x10]  }
0x14a: {  	_ =	sdelay $0x2  }
0x14b: {  	s8 =	smul.u32 $0xC000, s9;
	_ =	sdelay $0x1  }
0x14c: {  	s8 =	sshra.s32 s8, $0x2  }
0x14d: {  	s7 =	sadd.s32 $0xA00, s7;
	s28 =	sor.u32 $0x300, s2;
	s8 =	sshrl.u32 s8, $0x3  }
0x14e: {  	[hbm:s7], [sflag:s4] =	dma.local [spmem:s8], $0x600  }
0x14f: {  	s7 =	sshrl.u32 s28, $0x3  }
0x150: {  	s29 =	simm.s32 $0x10;
	s30 =	simm.s32 $0xC;
	s7 =	sadd.s32 s7, s3  }
0x151: {  	[smem:s29], [sflag:s5] =	dma.local [hbm:s7], $0x10  }
0x152: {  	_ =	swait.ge [sflag:s30], $0x10  }
0x153: {  	[sflag:s30] =	ssyncset.done $0x0  }
0x154: {  	[sflag:s30] =	ssyncadd.s32 $0xFFFFFFF0  }
0x155: {  	s7 =	sld [smem:$0x10];
	_ =	sdelay $0x3  }
0x156: {  	s7 =	smul.u32 $0xC000, s7;
	_ =	sdelay $0x1  }
0x157: {  	s31 =	sshra.s32 s7, $0x2  }
0x158: {  	s7 =	sadd.s32 $0x1E0400, s6;
	s8 =	sshrl.u32 s31, $0x3  }
0x159: {  	[hbm:s7], [sflag:s4] =	dma.local [spmem:s8], $0x600  }
0x15a: {  	s8 =	simm.s32 $0x8;
	s9 =	sld [smem:$0x11]  }
.LBB1_13:
0x15b: {  	p0 =	sne.s32 s8, $0x1FC;
	_ =	sdelay $0x2  }
0x15c: {  	s9 =	smul.u32 $0xC000, s9;
	_ =	sdelay $0x1  }
.Ltmp6:
0x15d: {  	s9 =	sshra.s32 s9, $0x2;
	(pc) =	sbr.rel @p0 .LBB1_13-.Ltmp6, $3  }
0x15e: {  	s10 =	sshra.s32 s8, $0x2;
	s7 =	sadd.s32 $0xA00, s7;
	s9 =	sshrl.u32 s9, $0x3  }
0x15f: {  	[hbm:s7], [sflag:s4] =	dma.local [spmem:s9], $0x600  }
0x160: {  	s8 =	sadd.s32 $0x4, s8;
	s9 =	sld [smem:s10+$0x10]  }
0x161: {  	_ =	sdelay $0x2  }
0x162: {  	s8 =	smul.u32 $0xC000, s9  }
0x163: {  	s7 =	sadd.s32 $0xA00, s7;
	s2 =	sor.u32 $0x380, s2  }
0x164: {  	s29 =	simm.s32 $0x10;
	s2 =	sshrl.u32 s2, $0x3;
	s8 =	sshra.s32 s8, $0x2  }
0x165: {  	s30 =	simm.s32 $0xC;
	s2 =	sadd.s32 s2, s3;
	s8 =	sshrl.u32 s8, $0x3  }
0x166: {  	[hbm:s7], [sflag:s4] =	dma.local [spmem:s8], $0x600  }
0x167: {  	[smem:s29], [sflag:s5] =	dma.local [hbm:s2], $0x10  }
0x168: {  	_ =	swait.ge [sflag:s30], $0x10  }
0x169: {  	[sflag:s30] =	ssyncset.done $0x0  }
0x16a: {  	[sflag:s30] =	ssyncadd.s32 $0xFFFFFFF0  }
0x16b: {  	s2 =	sld [smem:$0x10];
	_ =	sdelay $0x3  }
0x16c: {  	s2 =	smul.u32 $0xC000, s2;
	_ =	sdelay $0x1  }
0x16d: {  	s31 =	sshra.s32 s2, $0x2  }
0x16e: {  	s2 =	sadd.s32 $0x230400, s6;
	s3 =	sshrl.u32 s31, $0x3  }
0x16f: {  	[hbm:s2], [sflag:s4] =	dma.local [spmem:s3], $0x600  }
0x170: {  	s3 =	simm.s32 $0x8;
	s5 =	sld [smem:$0x11]  }
.LBB1_15:
0x171: {  	p0 =	sne.s32 s3, $0x1FC;
	_ =	sdelay $0x2  }
0x172: {  	s5 =	smul.u32 $0xC000, s5;
	_ =	sdelay $0x1  }
.Ltmp7:
0x173: {  	s5 =	sshra.s32 s5, $0x2;
	(pc) =	sbr.rel @p0 .LBB1_15-.Ltmp7, $3  }
0x174: {  	s6 =	sshra.s32 s3, $0x2;
	s2 =	sadd.s32 $0xA00, s2;
	s5 =	sshrl.u32 s5, $0x3  }
0x175: {  	[hbm:s2], [sflag:s4] =	dma.local [spmem:s5], $0x600  }
0x176: {  	s3 =	sadd.s32 $0x4, s3;
	s5 =	sld [smem:s6+$0x10]  }
0x177: {  	_ =	sdelay $0x2  }
0x178: {  	s3 =	smul.u32 $0xC000, s5;
	_ =	sdelay $0x1  }
0x179: {  	s3 =	sshra.s32 s3, $0x2  }
0x17a: {  	s2 =	sadd.s32 $0xA00, s2;
	s3 =	sshrl.u32 s3, $0x3  }
0x17b: {  	[hbm:s2], [sflag:s4] =	dma.local [spmem:s3], $0x600  }
0x17c: {  	s2 =	simm.s32 $0xB  }
0x17d: {  	_ =	swait.ge [sflag:s2], $0x600  }
0x17e: {  	s3 =	simm.s32 $0x3FF;
	[sflag:s2] =	ssyncset.done $0x0  }
.LBB1_17:
0x17f: {  	p0 =	sne.s32 s3, $0x1;
	s3 =	sadd.s32 $0xFFFFFFFF, s3;
	[sflag:s2] =	ssyncadd.s32 $0xFFFFFA00  }
.Ltmp8:
0x180: {  	(pc) =	sbr.rel @p0 .LBB1_17-.Ltmp8, $3  }
0x181: {  	_ = 	snop  }
0x182: {  	_ =	swait.ge [sflag:s2], $0x600  }
0x183: {  	[sflag:s2] =	ssyncset.done $0x0  }
0x184: {  	[sflag:s2] =	ssyncadd.s32 $0xFFFFFA00  }
0x185: {  	_ =	strace $0x90000046  }
0x186: {  	s26 =	simm.s32 $0x9;
	_ =	strace $0x80000048  }
0x187: {  	_ =	swait.ge [sflag:s26], $0x1  }
0x188: {  	[sflag:s26] =	ssyncadd.s32 $0xFFFFFFFF  }
0x189: {  	_ =	strace $0x90000048  }
0x18a: {  	_ =	sfence  }
0x18b: {  	s28 =	sld [smem:$0x0];
	_ =	sdelay $0x2  }
0x18c: {  	s3 =	sshll.u32 s1, $0xD;
	s29 =	sshrl.u32 s1, $0x2  }
0x18d: {  	s30 =	sand.u32 $0x4000, s3;
	s1 =	sadd.s32 s29, s28  }
0x18e: {  	s0 =	sor.u32 s30, s0;
	s1 =	sshll.u32 s1, $0x11  }
0x18f: {  	s0 =	sor.u32 s1, s0  }
0x190: {  	s0 =	sadd.s32 $0x8F2B, s0  }
0x191: {  	[sflag:s0] =	ssyncadd.remote.s32 $0x1  }
0x192: {  	_ =	sfence.sel $0xFFFF  }
0x193: {  	[dreg:$0x0] =	wrdreg $0xFFFFFFFF;
	(pc) =	sbr.abs _section_cstart, $3  }
0x194: {  	s31 =	simm.s32 $0x0;
	[dreg:$0x1] =	wrdreg $0xFFFFFFFF  }
0x195: {  	_ =	task.clear_ibuf [dreg:s31], $0x2FFFF;
	_ =	strace $0x9FFFFFFF  }
0x196: {  	(tm) =	ssettm $0x7FFFFFFF  }
0x197: {  	_ =	shalt  }
tec
execute0_lowered:
.L_overlay_start_1:
0x0: {  	(tag) =	ssettag $0x1  }
0x1: {  	s0 =	rddreg [dreg:$0x0]  }
0x2: {  	s16 =	rddreg [dreg:$0x1]  }
0x3: {  	s9 =	rddreg [dreg:$0x2]  }
0x4: {  	v0 =	vlaneseq.u32;
	s7 =	rddreg [dreg:$0x3];
	vm0 =	vcmask $0x1714  }
0x5: {  	s6 =	rddreg [dreg:$0x5];
	vm1 =	vcmask $0x300;
	v12 =	vimm.s32 $0x0;
	vm2 =	vcmask $0x704  }
0x6: {  	s10 =	rddreg [dreg:$0x6];
	v14 =	vimm.s32 $0x380;
	vm3 =	vcmask $0x2300;
	v15 =	vimm.s32 $0x3380  }
0x7: {  	s1 =	stileid.u32;
	s13 =	rddreg [dreg:$0x7];
	vm4 =	vcmask $0x3B38;
	v20 =	vimm.s32 $0xEDCBA987;
	v14 =	vsel vm3, $0x0, v14  }
0x8: {  	s17 =	rddreg [dreg:$0x8];
	s2 =	sshll.u32 s1, $0x3;
	s3 =	smul.u32 $0x5, s1;
	vm3 =	vcmask $0xB08;
	v15 =	vsel vm1, $0x2000, v15;
	v12 =	vsel vm0, $0xC0FF, v12  }
0x9: {  	s29 =	simm.s32 $0x9;
	s30 =	simm.s32 $0x9030;
	v20 =	vunpack.c.l.s4.s8 v20;
	v1 =	vadd.s32 s2, v0;
	s2 =	sor.u32 $0x10, s1;
	v15 =	vsel vm2, $0x2080, v15  }
0xa: {  	s28 =	simm.s32 $0x2;
	s31 =	simm.s32 $0x15030;
	v2 =	vshll.u32 v1, $0x2;
	s4 =	sshll.u32 s2, $0x3;
	v5 =	vadd.s32 s3, v0;
	v15 =	vsel vm3, $0x2100, v15  }
0xb: {  	s15 =	smul.u32 $0xC000, s1;
	s23 =	sshll.u32 s1, $0x1;
	s3 =	sor.u32 $0x20, s1;
	v4 =	vand.u32 $0x3E0, v2;
	v3 =	vadd.s32 s4, v0;
	v2 =	vand.u32 $0x7, v0  }
0xc: {  	s16 =	sadd.s32 $0x100, s16;
	s5 =	smul.u32 $0x5, s2;
	v20 =	vunpack.c.0.s8.s32 v20;
	s8 =	sshll.u32 s3, $0x3;
	v3 =	vmin.u32 v3, $0x17F;
	v13 =	vor.u32 v2, v4  }
0xd: {  	p0 =	sne.s32 s1, $0x0;
	s24 =	sshrl.u32 s15, $0x2;
	s25 =	smul.u32 $0xC000, s2;
	v4 =	vmin.u32 v5, $0xEF;
	v7 =	vadd.s32 s8, v0;
	v5 =	vshll.u32 v3, $0x2  }
0xe: {  	s2 =	sshll.u32 s2, $0x4;
	s4 =	srdreg.scid;
	s14 =	smul.u32 $0x5, s3;
	v8 =	vadd.s32 s5, v0;
	v6 =	vand.u32 $0x7, v3;
	v5 =	vand.u32 $0x7E0, v5  }
0xf: {  	s18 =	sadd.s32 s24, s13;
	s26 =	smul.u32 $0xC000, s3;
	s5 =	simm.s32 $0x0;
	v11 =	vperm.xlane v13, v2;
	v17 =	vor.u32 v6, v5;
	v5 =	vmin.u32 v7, $0x17F  }
0x10: {  	s24 =	sshll.u32 s1, $0x4;
	s2 =	sadd.s32 s2, s17;
	[smem:$0x7FF] =	sst s5;
	v7 =	vshrl.u32 v0, $0x3;
	v9 =	vand.u32 $0x7, v5;
	v6 =	vshll.u32 v5, $0x2  }
0x11: {  	s19 =	sadd.s32 $0x1000, s18;
	_ =	strace $0x80000047;
	[dreg:$0xa] =	wrdreg s16;
	v21 =	vperm.xlane v17, v2;
	v10 =	vand.u32 $0x7E0, v6;
	v6 =	vmul.u32 $0x8, v7  }
0x12: {  	s12 =	sand.u32 $0x1, s4;
	s15 =	sshrl.u32 s25, $0x2;
	[dreg:$0xc] =	wrdreg s19;
	v7 =	vmin.u32 v8, $0xEF;
	v8 =	vadd.s32 s14, v0;
	v18 =	vor.u32 v9, v10  }
0x13: {  	s8 =	sadd.s32 $0x100, s0;
	s20 =	sadd.s32 s15, s13;
	[dreg:$0xb] =	wrdreg s18;
	v8 =	vmin.u32 v8, $0xEF;
	v10 =	vadd.s32 v6, v11;
	v11 =	vimm.s32 $0x1380  }
0x14: {  	s22 =	ssub.s32 $0x2, s12;
	s21 =	sshrl.u32 s26, $0x2;
	[dreg:$0xe] =	wrdreg s20;
	v9 =	vimm.f32 $0.0e+00;
	v23 =	vperm.xlane v18, v2;
	v11 =	vsel vm1, $0x0, v11  }
0x15: {  	s26 =	smul.u32 $0x50000, s1;
	s18 =	sadd.s32 $0x2000, s18;
	[dreg:$0x16] =	wrdreg s2;
	vm1 =	vcmask $0xF0C;
	v11 =	vsel vm2, $0x80, v11;
	vm2 =	vcmask $0x1310  }
0x16: {  	s15 =	smul.u32 $0x28000, s12;
	s19 =	sadd.s32 $0x2000, s20;
	[dreg:$0xd] =	wrdreg s18;
	v15 =	vsel vm1, $0x2180, v15;
	v11 =	vsel vm3, $0x100, v11;
	vm3 =	vcmask $0x1B18  }
0x17: {  	s11 =	sshrl.u32 s22, $0x1;
	s16 =	sadd.s32 s21, s13;
	[dreg:$0x15] =	wrdreg s19;
	v15 =	vsel vm2, $0x2200, v15;
	v16 =	vsel vm1, $0x180, v11;
	v11 =	vor.u32 $0x8, v0  }
0x18: {  	s11 =	ssub.s32 s22, s11;
	s21 =	sadd.s32 $0x1000, s16;
	[dreg:$0xf] =	wrdreg s16;
	vm1 =	vcmask $0x1F1C;
	v15 =	vsel vm0, $0x2280, v15;
	v16 =	vsel vm2, $0x200, v16  }
0x19: {  	s6 =	sadd.s32 s26, s6;
	s26 =	sadd.s32 $0x2000, s16;
	[dreg:$0x18] =	wrdreg s21;
	vm2 =	vcmask $0x2320;
	v15 =	vsel vm3, $0x2300, v15;
	v13 =	vperm.xlane v13, v11  }
0x1a: {  	s18 =	simm.s32 $0x192B0;
	[dreg:$0x1d] =	wrdreg s26;
	s14 =	sor.u32 s12, s23;
	v22 =	vperm.xlane v17, v11;
	v24 =	vperm.xlane v18, v11;
	v17 =	vadd.s32 v6, v21  }
0x1b: {  	s21 =	simm.s32 $0xF030;
	s26 =	simm.s32 $0x4;
	s23 =	smul.u32 $0x78, s14;
	v21 =	vand.u32 $0xF, v20;
	v16 =	vsel vm0, $0x280, v16;
	vm0 =	vcmask $0x2724  }
0x1c: {  	s22 =	sshll.u32 s14, $0x3;
	s25 =	smul.u32 $0x140, s14;
	s14 =	sadd.s32 $0x1000, s20;
	v15 =	vsel vm1, $0x2380, v15;
	v16 =	vsel vm3, $0x300, v16;
	vm3 =	vcmask $0x2B28  }
0x1d: {  	s20 =	sadd.s32 s15, s6;
	s15 =	simm.s32 $0x11030;
	[dreg:$0x14] =	wrdreg s14;
	v15 =	vsel vm2, $0x3000, v15;
	v14 =	vsel vm0, $0x80, v14;
	v16 =	vsel vm1, $0x380, v16  }
0x1e: {  	s6 =	simm.s32 $0x17030;
	s9 =	sadd.s32 s9, s22;
	[dreg:$0x17] =	wrdreg s20;
	v13 =	vadd.s32 v6, v13;
	vm1 =	vcmask $0x2F2C;
	v16 =	vsel vm2, $0x1000, v16  }
0x1f: {  	s22 =	sshll.u32 s3, $0x4;
	s14 =	simm.s32 $0xE830;
	s20 =	simm.s32 $0x18030;
	v15 =	vsel vm0, $0x3080, v15;
	v14 =	vsel vm3, $0x100, v14;
	v16 =	vsel vm0, $0x1080, v16  }
0x20: {  	[dreg:$0x10] =	wrdreg s9;
	s9 =	sadd.s32 s24, s17;
	s7 =	sadd.s32 s7, s23;
	vm2 =	vcmask $0x3330;
	v15 =	vsel vm3, $0x3100, v15;
	v16 =	vsel vm3, $0x1100, v16  }
0x21: {  	s13 =	sadd.s32 s10, s25;
	s23 =	sand.u32 $0x3, s4;
	[dreg:$0x11] =	wrdreg s9;
	v14 =	vsel vm1, $0x180, v14;
	v15 =	vsel vm1, $0x3180, v15;
	v16 =	vsel vm1, $0x1180, v16  }
0x22: {  	s2 =	sadd.s32 s22, s17;
	s24 =	sshrl.u32 s4, $0x2;
	[dreg:$0x12] =	wrdreg s7;
	v14 =	vsel vm2, $0x200, v14;
	vm3 =	vcmask $0x3734;
	v16 =	vsel vm2, $0x1200, v16  }
0x23: {  	s25 =	smax.u32 s11, $0x1;
	s4 =	simm.s32 $0x1;
	[dreg:$0x13] =	wrdreg s13;
	v19 =	vsel vm2, $0x3200, v15;
	v15 =	vsel vm3, $0x280, v14;
	v16 =	vsel vm3, $0x1280, v16  }
0x24: {  	s10 =	simm.s32 $0xD830;
	s17 =	simm.s32 $0x19830;
	[dreg:$0x19] =	wrdreg s2;
	v14 =	vsel vm4, $0x1300, v16;
	v16 =	vsel vm3, $0x3280, v19;
	v19 =	vimm.s32 $0x65432100  }
.Ltmp9:
0x25: {  	s22 =	simm.s32 $0x17830;
	[dreg:$0x1a] =	wrdreg s24;
	v18 =	vadd.s32 v6, v22;
	v20 =	vadd.s32 v6, v24;
	v19 =	vunpack.c.l.s4.s8 v19;
	(pc) =	sbr.rel .LBB2_1-.Ltmp9, $4  }
0x26: {  	s11 =	simm.s32 $0x6;
	s1 =	sor.u32 $0x4, s23;
	[dreg:$0x1b] =	wrdreg s25;
	v22 =	vadd.s32 $0xE, v0;
	v24 =	vadd.s32 $0x2C, v0;
	vm0 =	vmmov $0xffff  }
0x27: {  	s9 =	simm.s32 $0xD030;
	s13 =	simm.s32 $0xE030;
	s7 =	simm.s32 $0x13030;
	vm1 =	vmmov $0x1f;
	v15 =	vsel vm4, $0x300, v15;
	v25 =	vunpack.c.0.s8.s32 v19  }
0x28: {  	s23 =	simm.s32 $0x18830;
	s24 =	simm.s32 $0x3;
	s1 =	sshll.u32 @!p0 s1, $0xE;
	vm2 =	vmmov $0xff;
	vm3 =	vmmov $0x3fff;
	v16 =	vsel vm4, $0x3300, v16  }
0x29: {  	s25 =	simm.s32 $0x5;
	s2 =	simm.s32 $0x0;
	[dreg:$0x1c] =	wrdreg s1;
	v19 =	vadd.s32 v6, v23;
	v23 =	vadd.s32 $0x1D, v0;
	v21 =	vcombine.low v25, v21  }
.LBB2_4:
0x2a: {  	s1 =	simm.s32 $0x7  }
0x2b: {  	_ =	swait.ge [sflag:s1], $0x2000  }
0x2c: {  	[sflag:s1] =	ssyncset.done $0x0  }
0x2d: {  	[sflag:s1] =	ssyncadd.s32 $0xFFFFE000  }
0x2e: {  	_ =	swait.ge [sflag:s1], $0x2000  }
0x2f: {  	[sflag:s1] =	ssyncset.done $0x0  }
0x30: {  	s3 =	simm.s32 $0x8;
	[sflag:s1] =	ssyncadd.s32 $0xFFFFE000  }
0x31: {  	_ =	swait.ge [sflag:s3], $0x2000  }
0x32: {  	[sflag:s3] =	ssyncset.done $0x0  }
0x33: {  	[sflag:s3] =	ssyncadd.s32 $0xFFFFE000  }
0x34: {  	_ =	swait.ge [sflag:s3], $0x2000  }
0x35: {  	[sflag:s3] =	ssyncset.done $0x0  }
0x36: {  	s2 =	simm.s32 $0x19BB0;
	s12 =	rddreg [dreg:$0x13];
	[sflag:s3] =	ssyncadd.s32 $0xFFFFE000  }
0x37: {  	[hbm4b:s12+s5] =	stream.linear.scatter [tilespmem:s2], [sflag:$0x9], $0xA00, $0x38;
	[tilespmem:$0x1A630] =	vst v63  }
0x38: {  	_ =	swait.ge [sflag:s29], $0xA00  }
0x39: {  	s16 =	rddreg [dreg:$0x1e]  }
0x3a: {  	s19 =	rddreg [dreg:$0x1b];
	s2 =	sadd.s32 $0x1, s16  }
0x3b: {  	p1 =	sne.s32 s2, s19  }
.Ltmp10:
0x3c: {  	_ = 	snop;
	(pc) =	sbr.rel @!p1 .LBB2_5-.Ltmp10, $3  }
0x3d: {  	_ =	sdelay $0x1  }
0x3e: {  	[sflag:s29] =	ssyncset.done $0x0  }
0x3f: {  	[sflag:s29] =	ssyncadd.s32 $0xFFFFF600  }
.LBB2_1:
0x40: {  	[dreg:$0x1e] =	wrdreg s2  }
0x41: {  	s1 =	rddreg [dreg:$0x4];
	s16 =	simm.s32 $0x19730  }
0x42: {  	[tilespmem:s16], [sflag:$0x9] =	stream.linear.gather [hbm4b:s1+s5], $0x100, $0x38;
	[tilespmem:$0x1A630] =	vst v63  }
0x43: {  	_ =	swait.ge [sflag:s29], $0x100  }
0x44: {  	[sflag:s29] =	ssyncset.done $0x0  }
0x45: {  	[sflag:s29] =	ssyncadd.s32 $0xFFFFFF00  }
0x46: {  	[tilespmem:$0x11030] =	vst v9  }
0x47: {  	[tilespmem:$0x11040] =	vst v9  }
0x48: {  	[tilespmem:$0x11050] =	vst v9  }
0x49: {  	[tilespmem:$0x11060] =	vst v9  }
0x4a: {  	[tilespmem:$0x11070] =	vst v9  }
0x4b: {  	[tilespmem:$0x11080] =	vst v9  }
0x4c: {  	[tilespmem:$0x11090] =	vst v9  }
0x4d: {  	[tilespmem:$0x110A0] =	vst v9  }
0x4e: {  	[tilespmem:$0x11430] =	vst v9  }
0x4f: {  	[tilespmem:$0x11440] =	vst v9  }
0x50: {  	[tilespmem:$0x11450] =	vst v9  }
0x51: {  	[tilespmem:$0x11460] =	vst v9  }
0x52: {  	[tilespmem:$0x11470] =	vst v9  }
0x53: {  	[tilespmem:$0x11480] =	vst v9  }
0x54: {  	[tilespmem:$0x11490] =	vst v9  }
0x55: {  	[tilespmem:$0x114A0] =	vst v9  }
0x56: {  	[tilespmem:$0x11830] =	vst v9  }
0x57: {  	[tilespmem:$0x11840] =	vst v9  }
0x58: {  	[tilespmem:$0x11850] =	vst v9  }
0x59: {  	[tilespmem:$0x11860] =	vst v9  }
0x5a: {  	[tilespmem:$0x11870] =	vst v9  }
0x5b: {  	[tilespmem:$0x11880] =	vst v9  }
0x5c: {  	[tilespmem:$0x11890] =	vst v9  }
0x5d: {  	[tilespmem:$0x118A0] =	vst v9  }
0x5e: {  	[tilespmem:$0x11C30] =	vst v9  }
0x5f: {  	[tilespmem:$0x11C40] =	vst v9  }
0x60: {  	[tilespmem:$0x11C50] =	vst v9  }
0x61: {  	[tilespmem:$0x11C60] =	vst v9  }
0x62: {  	[tilespmem:$0x11C70] =	vst v9  }
0x63: {  	[tilespmem:$0x11C80] =	vst v9  }
0x64: {  	[tilespmem:$0x11C90] =	vst v9  }
0x65: {  	[tilespmem:$0x11CA0] =	vst v9  }
0x66: {  	[tilespmem:$0x110B0] =	vst v9  }
0x67: {  	[tilespmem:$0x110C0] =	vst v9  }
0x68: {  	[tilespmem:$0x110D0] =	vst v9  }
0x69: {  	[tilespmem:$0x110E0] =	vst v9  }
0x6a: {  	[tilespmem:$0x110F0] =	vst v9  }
0x6b: {  	[tilespmem:$0x11100] =	vst v9  }
0x6c: {  	[tilespmem:$0x11110] =	vst v9  }
0x6d: {  	[tilespmem:$0x11120] =	vst v9  }
0x6e: {  	[tilespmem:$0x114B0] =	vst v9  }
0x6f: {  	[tilespmem:$0x114C0] =	vst v9  }
0x70: {  	[tilespmem:$0x114D0] =	vst v9  }
0x71: {  	[tilespmem:$0x114E0] =	vst v9  }
0x72: {  	[tilespmem:$0x114F0] =	vst v9  }
0x73: {  	[tilespmem:$0x11500] =	vst v9  }
0x74: {  	[tilespmem:$0x11510] =	vst v9  }
0x75: {  	[tilespmem:$0x11520] =	vst v9  }
0x76: {  	[tilespmem:$0x118B0] =	vst v9  }
0x77: {  	[tilespmem:$0x118C0] =	vst v9  }
0x78: {  	[tilespmem:$0x118D0] =	vst v9  }
0x79: {  	[tilespmem:$0x118E0] =	vst v9  }
0x7a: {  	[tilespmem:$0x118F0] =	vst v9  }
0x7b: {  	[tilespmem:$0x11900] =	vst v9  }
0x7c: {  	[tilespmem:$0x11910] =	vst v9  }
0x7d: {  	[tilespmem:$0x11920] =	vst v9  }
0x7e: {  	[tilespmem:$0x11CB0] =	vst v9  }
0x7f: {  	[tilespmem:$0x11CC0] =	vst v9  }
0x80: {  	[tilespmem:$0x11CD0] =	vst v9  }
0x81: {  	[tilespmem:$0x11CE0] =	vst v9  }
0x82: {  	[tilespmem:$0x11CF0] =	vst v9  }
0x83: {  	[tilespmem:$0x11D00] =	vst v9  }
0x84: {  	[tilespmem:$0x11D10] =	vst v9  }
0x85: {  	[tilespmem:$0x11D20] =	vst v9  }
0x86: {  	[tilespmem:$0x11130] =	vst v9  }
0x87: {  	[tilespmem:$0x11140] =	vst v9  }
0x88: {  	[tilespmem:$0x11150] =	vst v9  }
0x89: {  	[tilespmem:$0x11160] =	vst v9  }
0x8a: {  	[tilespmem:$0x11170] =	vst v9  }
0x8b: {  	[tilespmem:$0x11180] =	vst v9  }
0x8c: {  	[tilespmem:$0x11190] =	vst v9  }
0x8d: {  	[tilespmem:$0x111A0] =	vst v9  }
0x8e: {  	[tilespmem:$0x11530] =	vst v9  }
0x8f: {  	[tilespmem:$0x11540] =	vst v9  }
0x90: {  	[tilespmem:$0x11550] =	vst v9  }
0x91: {  	[tilespmem:$0x11560] =	vst v9  }
0x92: {  	[tilespmem:$0x11570] =	vst v9  }
0x93: {  	[tilespmem:$0x11580] =	vst v9  }
0x94: {  	[tilespmem:$0x11590] =	vst v9  }
0x95: {  	[tilespmem:$0x115A0] =	vst v9  }
0x96: {  	[tilespmem:$0x11930] =	vst v9  }
0x97: {  	[tilespmem:$0x11940] =	vst v9  }
0x98: {  	[tilespmem:$0x11950] =	vst v9  }
0x99: {  	[tilespmem:$0x11960] =	vst v9  }
0x9a: {  	[tilespmem:$0x11970] =	vst v9  }
0x9b: {  	[tilespmem:$0x11980] =	vst v9  }
0x9c: {  	[tilespmem:$0x11990] =	vst v9  }
0x9d: {  	[tilespmem:$0x119A0] =	vst v9  }
0x9e: {  	[tilespmem:$0x11D30] =	vst v9  }
0x9f: {  	[tilespmem:$0x11D40] =	vst v9  }
0xa0: {  	[tilespmem:$0x11D50] =	vst v9  }
0xa1: {  	[tilespmem:$0x11D60] =	vst v9  }
0xa2: {  	[tilespmem:$0x11D70] =	vst v9  }
0xa3: {  	[tilespmem:$0x11D80] =	vst v9  }
0xa4: {  	[tilespmem:$0x11D90] =	vst v9  }
0xa5: {  	[tilespmem:$0x11DA0] =	vst v9  }
0xa6: {  	[tilespmem:$0x111B0] =	vst v9  }
0xa7: {  	[tilespmem:$0x111C0] =	vst v9  }
0xa8: {  	[tilespmem:$0x111D0] =	vst v9  }
0xa9: {  	[tilespmem:$0x111E0] =	vst v9  }
0xaa: {  	[tilespmem:$0x111F0] =	vst v9  }
0xab: {  	[tilespmem:$0x11200] =	vst v9  }
0xac: {  	[tilespmem:$0x11210] =	vst v9  }
0xad: {  	[tilespmem:$0x11220] =	vst v9  }
0xae: {  	[tilespmem:$0x115B0] =	vst v9  }
0xaf: {  	[tilespmem:$0x115C0] =	vst v9  }
0xb0: {  	[tilespmem:$0x115D0] =	vst v9  }
0xb1: {  	[tilespmem:$0x115E0] =	vst v9  }
0xb2: {  	[tilespmem:$0x115F0] =	vst v9  }
0xb3: {  	[tilespmem:$0x11600] =	vst v9  }
0xb4: {  	[tilespmem:$0x11610] =	vst v9  }
0xb5: {  	[tilespmem:$0x11620] =	vst v9  }
0xb6: {  	[tilespmem:$0x119B0] =	vst v9  }
0xb7: {  	[tilespmem:$0x119C0] =	vst v9  }
0xb8: {  	[tilespmem:$0x119D0] =	vst v9  }
0xb9: {  	[tilespmem:$0x119E0] =	vst v9  }
0xba: {  	[tilespmem:$0x119F0] =	vst v9  }
0xbb: {  	[tilespmem:$0x11A00] =	vst v9  }
0xbc: {  	[tilespmem:$0x11A10] =	vst v9  }
0xbd: {  	[tilespmem:$0x11A20] =	vst v9  }
0xbe: {  	[tilespmem:$0x11DB0] =	vst v9  }
0xbf: {  	[tilespmem:$0x11DC0] =	vst v9  }
0xc0: {  	[tilespmem:$0x11DD0] =	vst v9  }
0xc1: {  	[tilespmem:$0x11DE0] =	vst v9  }
0xc2: {  	[tilespmem:$0x11DF0] =	vst v9  }
0xc3: {  	[tilespmem:$0x11E00] =	vst v9  }
0xc4: {  	[tilespmem:$0x11E10] =	vst v9  }
0xc5: {  	[tilespmem:$0x11E20] =	vst v9  }
0xc6: {  	[tilespmem:$0x11230] =	vst v9  }
0xc7: {  	[tilespmem:$0x11240] =	vst v9  }
0xc8: {  	[tilespmem:$0x11250] =	vst v9  }
0xc9: {  	[tilespmem:$0x11260] =	vst v9  }
0xca: {  	[tilespmem:$0x11270] =	vst v9  }
0xcb: {  	[tilespmem:$0x11280] =	vst v9  }
0xcc: {  	[tilespmem:$0x11290] =	vst v9  }
0xcd: {  	[tilespmem:$0x112A0] =	vst v9  }
0xce: {  	[tilespmem:$0x11630] =	vst v9  }
0xcf: {  	[tilespmem:$0x11640] =	vst v9  }
0xd0: {  	[tilespmem:$0x11650] =	vst v9  }
0xd1: {  	[tilespmem:$0x11660] =	vst v9  }
0xd2: {  	[tilespmem:$0x11670] =	vst v9  }
0xd3: {  	[tilespmem:$0x11680] =	vst v9  }
0xd4: {  	[tilespmem:$0x11690] =	vst v9  }
0xd5: {  	[tilespmem:$0x116A0] =	vst v9  }
0xd6: {  	[tilespmem:$0x11A30] =	vst v9  }
0xd7: {  	[tilespmem:$0x11A40] =	vst v9  }
0xd8: {  	[tilespmem:$0x11A50] =	vst v9  }
0xd9: {  	[tilespmem:$0x11A60] =	vst v9  }
0xda: {  	[tilespmem:$0x11A70] =	vst v9  }
0xdb: {  	[tilespmem:$0x11A80] =	vst v9  }
0xdc: {  	[tilespmem:$0x11A90] =	vst v9  }
0xdd: {  	[tilespmem:$0x11AA0] =	vst v9  }
0xde: {  	[tilespmem:$0x11E30] =	vst v9  }
0xdf: {  	[tilespmem:$0x11E40] =	vst v9  }
0xe0: {  	[tilespmem:$0x11E50] =	vst v9  }
0xe1: {  	[tilespmem:$0x11E60] =	vst v9  }
0xe2: {  	[tilespmem:$0x11E70] =	vst v9  }
0xe3: {  	[tilespmem:$0x11E80] =	vst v9  }
0xe4: {  	[tilespmem:$0x11E90] =	vst v9  }
0xe5: {  	[tilespmem:$0x11EA0] =	vst v9  }
0xe6: {  	[tilespmem:$0x112B0] =	vst v9  }
0xe7: {  	[tilespmem:$0x112C0] =	vst v9  }
0xe8: {  	[tilespmem:$0x112D0] =	vst v9  }
0xe9: {  	[tilespmem:$0x112E0] =	vst v9  }
0xea: {  	[tilespmem:$0x112F0] =	vst v9  }
0xeb: {  	[tilespmem:$0x11300] =	vst v9  }
0xec: {  	[tilespmem:$0x11310] =	vst v9  }
0xed: {  	[tilespmem:$0x11320] =	vst v9  }
0xee: {  	[tilespmem:$0x116B0] =	vst v9  }
0xef: {  	[tilespmem:$0x116C0] =	vst v9  }
0xf0: {  	[tilespmem:$0x116D0] =	vst v9  }
0xf1: {  	[tilespmem:$0x116E0] =	vst v9  }
0xf2: {  	[tilespmem:$0x116F0] =	vst v9  }
0xf3: {  	[tilespmem:$0x11700] =	vst v9  }
0xf4: {  	[tilespmem:$0x11710] =	vst v9  }
0xf5: {  	[tilespmem:$0x11720] =	vst v9  }
0xf6: {  	[tilespmem:$0x11AB0] =	vst v9  }
0xf7: {  	[tilespmem:$0x11AC0] =	vst v9  }
0xf8: {  	[tilespmem:$0x11AD0] =	vst v9  }
0xf9: {  	[tilespmem:$0x11AE0] =	vst v9  }
0xfa: {  	[tilespmem:$0x11AF0] =	vst v9  }
0xfb: {  	[tilespmem:$0x11B00] =	vst v9  }
0xfc: {  	[tilespmem:$0x11B10] =	vst v9  }
0xfd: {  	[tilespmem:$0x11B20] =	vst v9  }
0xfe: {  	[tilespmem:$0x11EB0] =	vst v9  }
0xff: {  	[tilespmem:$0x11EC0] =	vst v9  }
0x100: {  	[tilespmem:$0x11ED0] =	vst v9  }
0x101: {  	[tilespmem:$0x11EE0] =	vst v9  }
0x102: {  	[tilespmem:$0x11EF0] =	vst v9  }
0x103: {  	[tilespmem:$0x11F00] =	vst v9  }
0x104: {  	[tilespmem:$0x11F10] =	vst v9  }
0x105: {  	[tilespmem:$0x11F20] =	vst v9  }
0x106: {  	[tilespmem:$0x11330] =	vst v9  }
0x107: {  	[tilespmem:$0x11340] =	vst v9  }
0x108: {  	[tilespmem:$0x11350] =	vst v9  }
0x109: {  	[tilespmem:$0x11360] =	vst v9  }
0x10a: {  	[tilespmem:$0x11370] =	vst v9  }
0x10b: {  	[tilespmem:$0x11380] =	vst v9  }
0x10c: {  	[tilespmem:$0x11390] =	vst v9  }
0x10d: {  	[tilespmem:$0x113A0] =	vst v9  }
0x10e: {  	[tilespmem:$0x11730] =	vst v9  }
0x10f: {  	[tilespmem:$0x11740] =	vst v9  }
0x110: {  	[tilespmem:$0x11750] =	vst v9  }
0x111: {  	[tilespmem:$0x11760] =	vst v9  }
0x112: {  	[tilespmem:$0x11770] =	vst v9  }
0x113: {  	[tilespmem:$0x11780] =	vst v9  }
0x114: {  	[tilespmem:$0x11790] =	vst v9  }
0x115: {  	[tilespmem:$0x117A0] =	vst v9  }
0x116: {  	[tilespmem:$0x11B30] =	vst v9  }
0x117: {  	[tilespmem:$0x11B40] =	vst v9  }
0x118: {  	[tilespmem:$0x11B50] =	vst v9  }
0x119: {  	[tilespmem:$0x11B60] =	vst v9  }
0x11a: {  	[tilespmem:$0x11B70] =	vst v9  }
0x11b: {  	[tilespmem:$0x11B80] =	vst v9  }
0x11c: {  	[tilespmem:$0x11B90] =	vst v9  }
0x11d: {  	[tilespmem:$0x11BA0] =	vst v9  }
0x11e: {  	[tilespmem:$0x11F30] =	vst v9  }
0x11f: {  	[tilespmem:$0x11F40] =	vst v9  }
0x120: {  	[tilespmem:$0x11F50] =	vst v9  }
0x121: {  	[tilespmem:$0x11F60] =	vst v9  }
0x122: {  	[tilespmem:$0x11F70] =	vst v9  }
0x123: {  	[tilespmem:$0x11F80] =	vst v9  }
0x124: {  	[tilespmem:$0x11F90] =	vst v9  }
0x125: {  	[tilespmem:$0x11FA0] =	vst v9  }
0x126: {  	[tilespmem:$0x113B0] =	vst v9  }
0x127: {  	[tilespmem:$0x113C0] =	vst v9  }
0x128: {  	[tilespmem:$0x113D0] =	vst v9  }
0x129: {  	[tilespmem:$0x113E0] =	vst v9  }
0x12a: {  	[tilespmem:$0x113F0] =	vst v9  }
0x12b: {  	[tilespmem:$0x11400] =	vst v9  }
0x12c: {  	[tilespmem:$0x11410] =	vst v9  }
0x12d: {  	[tilespmem:$0x11420] =	vst v9  }
0x12e: {  	[tilespmem:$0x117B0] =	vst v9  }
0x12f: {  	[tilespmem:$0x117C0] =	vst v9  }
0x130: {  	[tilespmem:$0x117D0] =	vst v9  }
0x131: {  	[tilespmem:$0x117E0] =	vst v9  }
0x132: {  	[tilespmem:$0x117F0] =	vst v9  }
0x133: {  	[tilespmem:$0x11800] =	vst v9  }
0x134: {  	[tilespmem:$0x11810] =	vst v9  }
0x135: {  	[tilespmem:$0x11820] =	vst v9  }
0x136: {  	[tilespmem:$0x11BB0] =	vst v9  }
0x137: {  	[tilespmem:$0x11BC0] =	vst v9  }
0x138: {  	[tilespmem:$0x11BD0] =	vst v9  }
0x139: {  	[tilespmem:$0x11BE0] =	vst v9  }
0x13a: {  	[tilespmem:$0x11BF0] =	vst v9  }
0x13b: {  	[tilespmem:$0x11C00] =	vst v9  }
0x13c: {  	[tilespmem:$0x11C10] =	vst v9  }
0x13d: {  	[tilespmem:$0x11C20] =	vst v9  }
0x13e: {  	[tilespmem:$0x11FB0] =	vst v9  }
0x13f: {  	[tilespmem:$0x11FC0] =	vst v9  }
0x140: {  	[tilespmem:$0x11FD0] =	vst v9  }
0x141: {  	[tilespmem:$0x11FE0] =	vst v9  }
0x142: {  	[tilespmem:$0x11FF0] =	vst v9  }
0x143: {  	[tilespmem:$0x12000] =	vst v9  }
0x144: {  	[tilespmem:$0x12010] =	vst v9  }
0x145: {  	[tilespmem:$0x12020] =	vst v9  }
0x146: {  	[tilespmem:$0x19230] =	vst v1;
	s1 =	rddreg [dreg:$0x1]  }
0x147: {  	[tilespmem:s30], [sflag:$0x1] =	stream.indirect_vreg.gather [hbm4b:s1+s5], $0x80, v10, vm0, $0xb8;
	[tilespmem:$0x1A630] =	vst v63  }
0x148: {  	s3 =	simm.s32 $0x9830;
	s2 =	rddreg [dreg:$0xa]  }
0x149: {  	[tilespmem:s3], [sflag:$0x1] =	stream.indirect_vreg.gather [hbm4b:s2+s5], $0x80, v10, vm0, $0xb8;
	[tilespmem:$0x1A630] =	vst v63  }
0x14a: {  	s19 =	simm.s32 $0xA030  }
0x14b: {  	[tilespmem:s19], [sflag:$0x1] =	stream.indirect_vreg.gather [hbm4b:s1+s5], $0x80, v13, vm0, $0xb8;
	[tilespmem:$0x1A630] =	vst v63  }
0x14c: {  	s12 =	simm.s32 $0xA830  }
0x14d: {  	[tilespmem:s12], [sflag:$0x1] =	stream.indirect_vreg.gather [hbm4b:s2+s5], $0x80, v13, vm0, $0xb8;
	[tilespmem:$0x1A630] =	vst v63  }
0x14e: {  	_ =	swait.ge [sflag:s4], $0x2000  }
0x14f: {  	[sflag:s4] =	ssyncset.done $0x0  }
0x150: {  	s12 =	simm.s32 $0x19730;
	[sflag:s4] =	ssyncadd.s32 $0xFFFFE000  }
0x151: {  	v25 =	vld.idx.msk [tilespmem:v4+s12+$0x0], $0xffff;
	_ =	sdelay $0x4  }
0x152: {  	v25 =	vsel vm1, v25, v12  }
0x153: {  	v26 =	vshll.u32 v25, $0x2  }
0x154: {  	v27 =	vand.u32 $0x7, v25;
	v26 =	vand.u32 $0xFFFFFFE0, v26  }
0x155: {  	v26 =	vor.u32 v27, v26  }
0x156: {  	v27 =	vperm.xlane v26, v2;
	_ =	sdelay $0x1  }
0x157: {  	v27 =	vadd.s32 v6, v27;
	_ =	sdelay $0x1  }
0x158: {  	v26 =	vperm.xlane v26, v11;
	_ =	sdelay $0x1  }
0x159: {  	[tilespmem:$0x19230] =	vst v25;
	v25 =	vadd.s32 v6, v26  }
0x15a: {  	[tilespmem:s9], [sflag:$0x1] =	stream.indirect_vreg.gather [hbm4b:s0+s5], $0x80, v27, vm0, $0xb8;
	[tilespmem:$0x1A630] =	vst v63  }
0x15b: {  	_ = 	snop  }
0x15c: {  	[tilespmem:s10], [sflag:$0x1] =	stream.indirect_vreg.gather [hbm4b:s8+s5], $0x80, v27, vm0, $0xb8;
	[tilespmem:$0x1A630] =	vst v63  }
0x15d: {  	_ = 	snop  }
0x15e: {  	[tilespmem:s13], [sflag:$0x1] =	stream.indirect_vreg.gather [hbm4b:s0+s5], $0x80, v25, vm0, $0xb8;
	[tilespmem:$0x1A630] =	vst v63  }
0x15f: {  	_ = 	snop  }
0x160: {  	[tilespmem:s14], [sflag:$0x1] =	stream.indirect_vreg.gather [hbm4b:s8+s5], $0x80, v25, vm0, $0xb8;
	[tilespmem:$0x1A630] =	vst v63  }
0x161: {  	_ =	swait.ge [sflag:s4], $0x2000  }
0x162: {  	[sflag:s4] =	ssyncset.done $0x0  }
0x163: {  	[sflag:s4] =	ssyncadd.s32 $0xFFFFE000  }
0x164: {  	[tilespmem:$0xD330] =	vst v9  }
0x165: {  	[tilespmem:$0xD340] =	vst v9  }
0x166: {  	[tilespmem:$0xD350] =	vst v9  }
0x167: {  	[tilespmem:$0xD360] =	vst v9  }
0x168: {  	[tilespmem:$0xD370] =	vst v9  }
0x169: {  	[tilespmem:$0xD380] =	vst v9  }
0x16a: {  	[tilespmem:$0xD390] =	vst v9  }
0x16b: {  	[tilespmem:$0xD3A0] =	vst v9  }
0x16c: {  	[tilespmem:$0xD730] =	vst v9  }
0x16d: {  	[tilespmem:$0xD740] =	vst v9  }
0x16e: {  	[tilespmem:$0xD750] =	vst v9  }
0x16f: {  	[tilespmem:$0xD760] =	vst v9  }
0x170: {  	[tilespmem:$0xD770] =	vst v9  }
0x171: {  	[tilespmem:$0xD780] =	vst v9  }
0x172: {  	[tilespmem:$0xD790] =	vst v9  }
0x173: {  	[tilespmem:$0xD7A0] =	vst v9  }
0x174: {  	[tilespmem:$0xDB30] =	vst v9  }
0x175: {  	[tilespmem:$0xDB40] =	vst v9  }
0x176: {  	[tilespmem:$0xDB50] =	vst v9  }
0x177: {  	[tilespmem:$0xDB60] =	vst v9  }
0x178: {  	[tilespmem:$0xDB70] =	vst v9  }
0x179: {  	[tilespmem:$0xDB80] =	vst v9  }
0x17a: {  	[tilespmem:$0xDB90] =	vst v9  }
0x17b: {  	[tilespmem:$0xDBA0] =	vst v9  }
0x17c: {  	[tilespmem:$0xDF30] =	vst v9  }
0x17d: {  	[tilespmem:$0xDF40] =	vst v9  }
0x17e: {  	[tilespmem:$0xDF50] =	vst v9  }
0x17f: {  	[tilespmem:$0xDF60] =	vst v9  }
0x180: {  	[tilespmem:$0xDF70] =	vst v9  }
0x181: {  	[tilespmem:$0xDF80] =	vst v9  }
0x182: {  	[tilespmem:$0xDF90] =	vst v9  }
0x183: {  	[tilespmem:$0xDFA0] =	vst v9  }
0x184: {  	[tilespmem:$0xD3B0] =	vst v9  }
0x185: {  	[tilespmem:$0xD3C0] =	vst v9  }
0x186: {  	[tilespmem:$0xD3D0] =	vst v9  }
0x187: {  	[tilespmem:$0xD3E0] =	vst v9  }
0x188: {  	[tilespmem:$0xD3F0] =	vst v9  }
0x189: {  	[tilespmem:$0xD400] =	vst v9  }
0x18a: {  	[tilespmem:$0xD410] =	vst v9  }
0x18b: {  	[tilespmem:$0xD420] =	vst v9  }
0x18c: {  	[tilespmem:$0xD7B0] =	vst v9  }
0x18d: {  	[tilespmem:$0xD7C0] =	vst v9  }
0x18e: {  	[tilespmem:$0xD7D0] =	vst v9  }
0x18f: {  	[tilespmem:$0xD7E0] =	vst v9  }
0x190: {  	[tilespmem:$0xD7F0] =	vst v9  }
0x191: {  	[tilespmem:$0xD800] =	vst v9  }
0x192: {  	[tilespmem:$0xD810] =	vst v9  }
0x193: {  	[tilespmem:$0xD820] =	vst v9  }
0x194: {  	[tilespmem:$0xDBB0] =	vst v9  }
0x195: {  	[tilespmem:$0xDBC0] =	vst v9  }
0x196: {  	[tilespmem:$0xDBD0] =	vst v9  }
0x197: {  	[tilespmem:$0xDBE0] =	vst v9  }
0x198: {  	[tilespmem:$0xDBF0] =	vst v9  }
0x199: {  	[tilespmem:$0xDC00] =	vst v9  }
0x19a: {  	[tilespmem:$0xDC10] =	vst v9  }
0x19b: {  	[tilespmem:$0xDC20] =	vst v9  }
0x19c: {  	[tilespmem:$0xDFB0] =	vst v9  }
0x19d: {  	[tilespmem:$0xDFC0] =	vst v9  }
0x19e: {  	[tilespmem:$0xDFD0] =	vst v9  }
0x19f: {  	[tilespmem:$0xDFE0] =	vst v9  }
0x1a0: {  	[tilespmem:$0xDFF0] =	vst v9  }
0x1a1: {  	[tilespmem:$0xE000] =	vst v9  }
0x1a2: {  	[tilespmem:$0xE010] =	vst v9  }
0x1a3: {  	s16 =	rddreg [dreg:$0xb];
	[tilespmem:$0xE020] =	vst v9  }
0x1a4: {  	[spmem:s16] =	stream.linear.scatter [tilespmem:s30], [sflag:$0x9], $0x1000, $0x38;
	[tilespmem:$0x1A630] =	vst v63  }
0x1a5: {  	_ =	swait.ge [sflag:s29], $0x1000  }
0x1a6: {  	[sflag:s29] =	ssyncset.done $0x0  }
0x1a7: {  	s16 =	rddreg [dreg:$0xc];
	[sflag:s29] =	ssyncadd.s32 $0xFFFFF000  }
0x1a8: {  	[spmem:s16] =	stream.linear.scatter [tilespmem:s9], [sflag:$0x9], $0x1000, $0x38;
	[tilespmem:$0x1A630] =	vst v63  }
0x1a9: {  	_ =	swait.ge [sflag:s29], $0x1000  }
0x1aa: {  	[sflag:s29] =	ssyncset.done $0x0  }
0x1ab: {  	s16 =	rddreg [dreg:$0xd];
	[sflag:s29] =	ssyncadd.s32 $0xFFFFF000  }
0x1ac: {  	[spmem:s16] =	stream.linear.scatter [tilespmem:s15], [sflag:$0x9], $0x1000, $0x38;
	[tilespmem:$0x1A630] =	vst v63  }
0x1ad: {  	_ =	swait.ge [sflag:s29], $0x1000  }
0x1ae: {  	[sflag:s29] =	ssyncset.done $0x0  }
0x1af: {  	[sflag:s29] =	ssyncadd.s32 $0xFFFFF000  }
0x1b0: {  	v25 =	vld.idx.msk [tilespmem:v14+s30+$0x0], $0xffff  }
0x1b1: {  	v26 =	vld.idx.msk [tilespmem:v15+s9+$0x0], $0xffff;
	_ =	sdelay $0x4  }
0x1b2: {  	v25 =	vsel vm2, v25, v26  }
0x1b3: {  	vm4 =	vlt.f32 v25, $0.0e+00;
	vm5 =	vgt.f32 v25, $0.0e+00  }
0x1b4: {  	vm4 =	vmor vm5, vm4  }
0x1b5: {  	v25 =	vsel vm4, $0x3F800000, v9  }
0x1b6: {  	v25 =	vnsel vm3, $0x0, v25  }
0x1b7: {  	s16 =	simm.s32 $0x19B30;
	s3 =	rddreg [dreg:$0x11];
	[tilespmem:$0x19B30] =	vst v25  }
0x1b8: {  	[spmem:s3] =	stream.linear.scatter [tilespmem:s16], [sflag:$0x9], $0x10, $0x38;
	[tilespmem:$0x1A630] =	vst v63  }
0x1b9: {  	_ =	swait.ge [sflag:s29], $0x10  }
0x1ba: {  	[sflag:s29] =	ssyncset.done $0x0  }
0x1bb: {  	[sflag:s29] =	ssyncadd.s32 $0xFFFFFFF0  }
0x1bc: {  	[tilespmem:$0x19230] =	vst v3  }
0x1bd: {  	[tilespmem:s30], [sflag:$0x1] =	stream.indirect_vreg.gather [hbm4b:s1+s5], $0x80, v17, vm0, $0xb8;
	[tilespmem:$0x1A630] =	vst v63  }
0x1be: {  	s3 =	simm.s32 $0x9830  }
0x1bf: {  	[tilespmem:s3], [sflag:$0x1] =	stream.indirect_vreg.gather [hbm4b:s2+s5], $0x80, v17, vm0, $0xb8;
	[tilespmem:$0x1A630] =	vst v63  }
0x1c0: {  	s3 =	simm.s32 $0xA030  }
0x1c1: {  	[tilespmem:s3], [sflag:$0x1] =	stream.indirect_vreg.gather [hbm4b:s1+s5], $0x80, v18, vm0, $0xb8;
	[tilespmem:$0x1A630] =	vst v63  }
0x1c2: {  	s19 =	simm.s32 $0xA830  }
0x1c3: {  	[tilespmem:s19], [sflag:$0x1] =	stream.indirect_vreg.gather [hbm4b:s2+s5], $0x80, v18, vm0, $0xb8;
	[tilespmem:$0x1A630] =	vst v63  }
0x1c4: {  	_ =	swait.ge [sflag:s4], $0x2000  }
0x1c5: {  	[sflag:s4] =	ssyncset.done $0x0  }
0x1c6: {  	[sflag:s4] =	ssyncadd.s32 $0xFFFFE000  }
0x1c7: {  	v25 =	vld.idx.msk [tilespmem:v7+s12+$0x0], $0xffff;
	_ =	sdelay $0x4  }
0x1c8: {  	v25 =	vsel vm1, v25, v12  }
0x1c9: {  	v26 =	vshll.u32 v25, $0x2  }
0x1ca: {  	v27 =	vand.u32 $0x7, v25;
	v26 =	vand.u32 $0xFFFFFFE0, v26  }
0x1cb: {  	v26 =	vor.u32 v27, v26  }
0x1cc: {  	v27 =	vperm.xlane v26, v2;
	_ =	sdelay $0x1  }
0x1cd: {  	v27 =	vadd.s32 v6, v27;
	_ =	sdelay $0x1  }
0x1ce: {  	v26 =	vperm.xlane v26, v11;
	_ =	sdelay $0x1  }
0x1cf: {  	[tilespmem:$0x19230] =	vst v25;
	v25 =	vadd.s32 v6, v26  }
0x1d0: {  	[tilespmem:s9], [sflag:$0x1] =	stream.indirect_vreg.gather [hbm4b:s0+s5], $0x80, v27, vm0, $0xb8;
	[tilespmem:$0x1A630] =	vst v63  }
0x1d1: {  	_ = 	snop  }
0x1d2: {  	[tilespmem:s10], [sflag:$0x1] =	stream.indirect_vreg.gather [hbm4b:s8+s5], $0x80, v27, vm0, $0xb8;
	[tilespmem:$0x1A630] =	vst v63  }
0x1d3: {  	_ = 	snop  }
0x1d4: {  	[tilespmem:s13], [sflag:$0x1] =	stream.indirect_vreg.gather [hbm4b:s0+s5], $0x80, v25, vm0, $0xb8;
	[tilespmem:$0x1A630] =	vst v63  }
0x1d5: {  	_ = 	snop  }
0x1d6: {  	[tilespmem:s14], [sflag:$0x1] =	stream.indirect_vreg.gather [hbm4b:s8+s5], $0x80, v25, vm0, $0xb8;
	[tilespmem:$0x1A630] =	vst v63  }
0x1d7: {  	_ =	swait.ge [sflag:s4], $0x2000  }
0x1d8: {  	[sflag:s4] =	ssyncset.done $0x0  }
0x1d9: {  	[sflag:s4] =	ssyncadd.s32 $0xFFFFE000  }
0x1da: {  	[tilespmem:$0xD330] =	vst v9  }
0x1db: {  	[tilespmem:$0xD340] =	vst v9  }
0x1dc: {  	[tilespmem:$0xD350] =	vst v9  }
0x1dd: {  	[tilespmem:$0xD360] =	vst v9  }
0x1de: {  	[tilespmem:$0xD370] =	vst v9  }
0x1df: {  	[tilespmem:$0xD380] =	vst v9  }
0x1e0: {  	[tilespmem:$0xD390] =	vst v9  }
0x1e1: {  	[tilespmem:$0xD3A0] =	vst v9  }
0x1e2: {  	[tilespmem:$0xD730] =	vst v9  }
0x1e3: {  	[tilespmem:$0xD740] =	vst v9  }
0x1e4: {  	[tilespmem:$0xD750] =	vst v9  }
0x1e5: {  	[tilespmem:$0xD760] =	vst v9  }
0x1e6: {  	[tilespmem:$0xD770] =	vst v9  }
0x1e7: {  	[tilespmem:$0xD780] =	vst v9  }
0x1e8: {  	[tilespmem:$0xD790] =	vst v9  }
0x1e9: {  	[tilespmem:$0xD7A0] =	vst v9  }
0x1ea: {  	[tilespmem:$0xDB30] =	vst v9  }
0x1eb: {  	[tilespmem:$0xDB40] =	vst v9  }
0x1ec: {  	[tilespmem:$0xDB50] =	vst v9  }
0x1ed: {  	[tilespmem:$0xDB60] =	vst v9  }
0x1ee: {  	[tilespmem:$0xDB70] =	vst v9  }
0x1ef: {  	[tilespmem:$0xDB80] =	vst v9  }
0x1f0: {  	[tilespmem:$0xDB90] =	vst v9  }
0x1f1: {  	[tilespmem:$0xDBA0] =	vst v9  }
0x1f2: {  	[tilespmem:$0xDF30] =	vst v9  }
0x1f3: {  	[tilespmem:$0xDF40] =	vst v9  }
0x1f4: {  	[tilespmem:$0xDF50] =	vst v9  }
0x1f5: {  	[tilespmem:$0xDF60] =	vst v9  }
0x1f6: {  	[tilespmem:$0xDF70] =	vst v9  }
0x1f7: {  	[tilespmem:$0xDF80] =	vst v9  }
0x1f8: {  	[tilespmem:$0xDF90] =	vst v9  }
0x1f9: {  	[tilespmem:$0xDFA0] =	vst v9  }
0x1fa: {  	[tilespmem:$0xD3B0] =	vst v9  }
0x1fb: {  	[tilespmem:$0xD3C0] =	vst v9  }
0x1fc: {  	[tilespmem:$0xD3D0] =	vst v9  }
0x1fd: {  	[tilespmem:$0xD3E0] =	vst v9  }
0x1fe: {  	[tilespmem:$0xD3F0] =	vst v9  }
0x1ff: {  	[tilespmem:$0xD400] =	vst v9  }
0x200: {  	[tilespmem:$0xD410] =	vst v9  }
0x201: {  	[tilespmem:$0xD420] =	vst v9  }
0x202: {  	[tilespmem:$0xD7B0] =	vst v9  }
0x203: {  	[tilespmem:$0xD7C0] =	vst v9  }
0x204: {  	[tilespmem:$0xD7D0] =	vst v9  }
0x205: {  	[tilespmem:$0xD7E0] =	vst v9  }
0x206: {  	[tilespmem:$0xD7F0] =	vst v9  }
0x207: {  	[tilespmem:$0xD800] =	vst v9  }
0x208: {  	[tilespmem:$0xD810] =	vst v9  }
0x209: {  	[tilespmem:$0xD820] =	vst v9  }
0x20a: {  	[tilespmem:$0xDBB0] =	vst v9  }
0x20b: {  	[tilespmem:$0xDBC0] =	vst v9  }
0x20c: {  	[tilespmem:$0xDBD0] =	vst v9  }
0x20d: {  	[tilespmem:$0xDBE0] =	vst v9  }
0x20e: {  	[tilespmem:$0xDBF0] =	vst v9  }
0x20f: {  	[tilespmem:$0xDC00] =	vst v9  }
0x210: {  	[tilespmem:$0xDC10] =	vst v9  }
0x211: {  	[tilespmem:$0xDC20] =	vst v9  }
0x212: {  	[tilespmem:$0xDFB0] =	vst v9  }
0x213: {  	[tilespmem:$0xDFC0] =	vst v9  }
0x214: {  	[tilespmem:$0xDFD0] =	vst v9  }
0x215: {  	[tilespmem:$0xDFE0] =	vst v9  }
0x216: {  	[tilespmem:$0xDFF0] =	vst v9  }
0x217: {  	[tilespmem:$0xE000] =	vst v9  }
0x218: {  	[tilespmem:$0xE010] =	vst v9  }
0x219: {  	s3 =	rddreg [dreg:$0xe];
	[tilespmem:$0xE020] =	vst v9  }
0x21a: {  	[spmem:s3] =	stream.linear.scatter [tilespmem:s30], [sflag:$0x9], $0x1000, $0x38;
	[tilespmem:$0x1A630] =	vst v63  }
0x21b: {  	_ =	swait.ge [sflag:s29], $0x1000  }
0x21c: {  	[sflag:s29] =	ssyncset.done $0x0  }
0x21d: {  	s3 =	rddreg [dreg:$0x14];
	[sflag:s29] =	ssyncadd.s32 $0xFFFFF000  }
0x21e: {  	[spmem:s3] =	stream.linear.scatter [tilespmem:s9], [sflag:$0x9], $0x1000, $0x38;
	[tilespmem:$0x1A630] =	vst v63  }
0x21f: {  	_ =	swait.ge [sflag:s29], $0x1000  }
0x220: {  	[sflag:s29] =	ssyncset.done $0x0  }
0x221: {  	s3 =	rddreg [dreg:$0x15];
	[sflag:s29] =	ssyncadd.s32 $0xFFFFF000  }
0x222: {  	[spmem:s3] =	stream.linear.scatter [tilespmem:s15], [sflag:$0x9], $0x1000, $0x38;
	[tilespmem:$0x1A630] =	vst v63  }
0x223: {  	_ =	swait.ge [sflag:s29], $0x1000  }
0x224: {  	[sflag:s29] =	ssyncset.done $0x0  }
0x225: {  	[sflag:s29] =	ssyncadd.s32 $0xFFFFF000  }
0x226: {  	v25 =	vld.idx.msk [tilespmem:v14+s30+$0x0], $0xffff  }
0x227: {  	v26 =	vld.idx.msk [tilespmem:v15+s9+$0x0], $0xffff;
	_ =	sdelay $0x4  }
0x228: {  	v25 =	vsel vm2, v25, v26  }
0x229: {  	vm4 =	vlt.f32 v25, $0.0e+00;
	vm5 =	vgt.f32 v25, $0.0e+00  }
0x22a: {  	vm4 =	vmor vm5, vm4  }
0x22b: {  	v25 =	vsel vm4, $0x3F800000, v9  }
0x22c: {  	v25 =	vnsel vm3, $0x0, v25  }
0x22d: {  	s3 =	rddreg [dreg:$0x16];
	[tilespmem:$0x19B30] =	vst v25  }
0x22e: {  	[spmem:s3] =	stream.linear.scatter [tilespmem:s16], [sflag:$0x9], $0x10, $0x38;
	[tilespmem:$0x1A630] =	vst v63  }
0x22f: {  	_ =	swait.ge [sflag:s29], $0x10  }
0x230: {  	[sflag:s29] =	ssyncset.done $0x0  }
0x231: {  	[sflag:s29] =	ssyncadd.s32 $0xFFFFFFF0  }
0x232: {  	[tilespmem:$0x19230] =	vst v5  }
0x233: {  	[tilespmem:s30], [sflag:$0x1] =	stream.indirect_vreg.gather [hbm4b:s1+s5], $0x80, v19, vm0, $0xb8;
	[tilespmem:$0x1A630] =	vst v63  }
0x234: {  	s3 =	simm.s32 $0x9830  }
0x235: {  	[tilespmem:s3], [sflag:$0x1] =	stream.indirect_vreg.gather [hbm4b:s2+s5], $0x80, v19, vm0, $0xb8;
	[tilespmem:$0x1A630] =	vst v63  }
0x236: {  	s3 =	simm.s32 $0xA030  }
0x237: {  	[tilespmem:s3], [sflag:$0x1] =	stream.indirect_vreg.gather [hbm4b:s1+s5], $0x80, v20, vm0, $0xb8;
	[tilespmem:$0x1A630] =	vst v63  }
0x238: {  	s19 =	simm.s32 $0xA830  }
0x239: {  	[tilespmem:s19], [sflag:$0x1] =	stream.indirect_vreg.gather [hbm4b:s2+s5], $0x80, v20, vm0, $0xb8;
	[tilespmem:$0x1A630] =	vst v63  }
0x23a: {  	_ =	swait.ge [sflag:s4], $0x2000  }
0x23b: {  	[sflag:s4] =	ssyncset.done $0x0  }
0x23c: {  	s12 =	simm.s32 $0x19730;
	[sflag:s4] =	ssyncadd.s32 $0xFFFFE000  }
0x23d: {  	v25 =	vld.idx.msk [tilespmem:v8+s12+$0x0], $0xffff;
	_ =	sdelay $0x4  }
0x23e: {  	v25 =	vsel vm1, v25, v12  }
0x23f: {  	v26 =	vshll.u32 v25, $0x2  }
0x240: {  	v27 =	vand.u32 $0x7, v25;
	v26 =	vand.u32 $0xFFFFFFE0, v26  }
0x241: {  	v26 =	vor.u32 v27, v26  }
0x242: {  	v27 =	vperm.xlane v26, v2;
	_ =	sdelay $0x1  }
0x243: {  	v27 =	vadd.s32 v6, v27;
	_ =	sdelay $0x1  }
0x244: {  	v26 =	vperm.xlane v26, v11;
	_ =	sdelay $0x1  }
0x245: {  	[tilespmem:$0x19230] =	vst v25;
	v25 =	vadd.s32 v6, v26  }
0x246: {  	[tilespmem:s9], [sflag:$0x1] =	stream.indirect_vreg.gather [hbm4b:s0+s5], $0x80, v27, vm0, $0xb8;
	[tilespmem:$0x1A630] =	vst v63  }
0x247: {  	_ = 	snop  }
0x248: {  	[tilespmem:s10], [sflag:$0x1] =	stream.indirect_vreg.gather [hbm4b:s8+s5], $0x80, v27, vm0, $0xb8;
	[tilespmem:$0x1A630] =	vst v63  }
0x249: {  	_ = 	snop  }
0x24a: {  	[tilespmem:s13], [sflag:$0x1] =	stream.indirect_vreg.gather [hbm4b:s0+s5], $0x80, v25, vm0, $0xb8;
	[tilespmem:$0x1A630] =	vst v63  }
0x24b: {  	_ = 	snop  }
0x24c: {  	[tilespmem:s14], [sflag:$0x1] =	stream.indirect_vreg.gather [hbm4b:s8+s5], $0x80, v25, vm0, $0xb8;
	[tilespmem:$0x1A630] =	vst v63  }
0x24d: {  	_ =	swait.ge [sflag:s4], $0x2000  }
0x24e: {  	[sflag:s4] =	ssyncset.done $0x0  }
0x24f: {  	[sflag:s4] =	ssyncadd.s32 $0xFFFFE000  }
0x250: {  	[tilespmem:$0xD330] =	vst v9  }
0x251: {  	[tilespmem:$0xD340] =	vst v9  }
0x252: {  	[tilespmem:$0xD350] =	vst v9  }
0x253: {  	[tilespmem:$0xD360] =	vst v9  }
0x254: {  	[tilespmem:$0xD370] =	vst v9  }
0x255: {  	[tilespmem:$0xD380] =	vst v9  }
0x256: {  	[tilespmem:$0xD390] =	vst v9  }
0x257: {  	[tilespmem:$0xD3A0] =	vst v9  }
0x258: {  	[tilespmem:$0xD730] =	vst v9  }
0x259: {  	[tilespmem:$0xD740] =	vst v9  }
0x25a: {  	[tilespmem:$0xD750] =	vst v9  }
0x25b: {  	[tilespmem:$0xD760] =	vst v9  }
0x25c: {  	[tilespmem:$0xD770] =	vst v9  }
0x25d: {  	[tilespmem:$0xD780] =	vst v9  }
0x25e: {  	[tilespmem:$0xD790] =	vst v9  }
0x25f: {  	[tilespmem:$0xD7A0] =	vst v9  }
0x260: {  	[tilespmem:$0xDB30] =	vst v9  }
0x261: {  	[tilespmem:$0xDB40] =	vst v9  }
0x262: {  	[tilespmem:$0xDB50] =	vst v9  }
0x263: {  	[tilespmem:$0xDB60] =	vst v9  }
0x264: {  	[tilespmem:$0xDB70] =	vst v9  }
0x265: {  	[tilespmem:$0xDB80] =	vst v9  }
0x266: {  	[tilespmem:$0xDB90] =	vst v9  }
0x267: {  	[tilespmem:$0xDBA0] =	vst v9  }
0x268: {  	[tilespmem:$0xDF30] =	vst v9  }
0x269: {  	[tilespmem:$0xDF40] =	vst v9  }
0x26a: {  	[tilespmem:$0xDF50] =	vst v9  }
0x26b: {  	[tilespmem:$0xDF60] =	vst v9  }
0x26c: {  	[tilespmem:$0xDF70] =	vst v9  }
0x26d: {  	[tilespmem:$0xDF80] =	vst v9  }
0x26e: {  	[tilespmem:$0xDF90] =	vst v9  }
0x26f: {  	[tilespmem:$0xDFA0] =	vst v9  }
0x270: {  	[tilespmem:$0xD3B0] =	vst v9  }
0x271: {  	[tilespmem:$0xD3C0] =	vst v9  }
0x272: {  	[tilespmem:$0xD3D0] =	vst v9  }
0x273: {  	[tilespmem:$0xD3E0] =	vst v9  }
0x274: {  	[tilespmem:$0xD3F0] =	vst v9  }
0x275: {  	[tilespmem:$0xD400] =	vst v9  }
0x276: {  	[tilespmem:$0xD410] =	vst v9  }
0x277: {  	[tilespmem:$0xD420] =	vst v9  }
0x278: {  	[tilespmem:$0xD7B0] =	vst v9  }
0x279: {  	[tilespmem:$0xD7C0] =	vst v9  }
0x27a: {  	[tilespmem:$0xD7D0] =	vst v9  }
0x27b: {  	[tilespmem:$0xD7E0] =	vst v9  }
0x27c: {  	[tilespmem:$0xD7F0] =	vst v9  }
0x27d: {  	[tilespmem:$0xD800] =	vst v9  }
0x27e: {  	[tilespmem:$0xD810] =	vst v9  }
0x27f: {  	[tilespmem:$0xD820] =	vst v9  }
0x280: {  	[tilespmem:$0xDBB0] =	vst v9  }
0x281: {  	[tilespmem:$0xDBC0] =	vst v9  }
0x282: {  	[tilespmem:$0xDBD0] =	vst v9  }
0x283: {  	[tilespmem:$0xDBE0] =	vst v9  }
0x284: {  	[tilespmem:$0xDBF0] =	vst v9  }
0x285: {  	[tilespmem:$0xDC00] =	vst v9  }
0x286: {  	[tilespmem:$0xDC10] =	vst v9  }
0x287: {  	[tilespmem:$0xDC20] =	vst v9  }
0x288: {  	[tilespmem:$0xDFB0] =	vst v9  }
0x289: {  	[tilespmem:$0xDFC0] =	vst v9  }
0x28a: {  	[tilespmem:$0xDFD0] =	vst v9  }
0x28b: {  	[tilespmem:$0xDFE0] =	vst v9  }
0x28c: {  	[tilespmem:$0xDFF0] =	vst v9  }
0x28d: {  	[tilespmem:$0xE000] =	vst v9  }
0x28e: {  	[tilespmem:$0xE010] =	vst v9  }
0x28f: {  	s2 =	rddreg [dreg:$0xf];
	[tilespmem:$0xE020] =	vst v9  }
0x290: {  	[spmem:s2] =	stream.linear.scatter [tilespmem:s30], [sflag:$0x9], $0x1000, $0x38;
	[tilespmem:$0x1A630] =	vst v63  }
0x291: {  	_ =	swait.ge [sflag:s29], $0x1000  }
0x292: {  	[sflag:s29] =	ssyncset.done $0x0  }
0x293: {  	s3 =	rddreg [dreg:$0x18];
	[sflag:s29] =	ssyncadd.s32 $0xFFFFF000  }
0x294: {  	[spmem:s3] =	stream.linear.scatter [tilespmem:s9], [sflag:$0x9], $0x1000, $0x38;
	[tilespmem:$0x1A630] =	vst v63  }
0x295: {  	_ =	swait.ge [sflag:s29], $0x1000  }
0x296: {  	[sflag:s29] =	ssyncset.done $0x0  }
0x297: {  	s12 =	rddreg [dreg:$0x1d];
	[sflag:s29] =	ssyncadd.s32 $0xFFFFF000  }
0x298: {  	[spmem:s12] =	stream.linear.scatter [tilespmem:s15], [sflag:$0x9], $0x1000, $0x38;
	[tilespmem:$0x1A630] =	vst v63  }
0x299: {  	_ =	swait.ge [sflag:s29], $0x1000  }
0x29a: {  	[sflag:s29] =	ssyncset.done $0x0  }
0x29b: {  	[sflag:s29] =	ssyncadd.s32 $0xFFFFF000  }
0x29c: {  	v25 =	vld.idx.msk [tilespmem:v14+s30+$0x0], $0xffff  }
0x29d: {  	v26 =	vld.idx.msk [tilespmem:v15+s9+$0x0], $0xffff;
	_ =	sdelay $0x4  }
0x29e: {  	v25 =	vsel vm2, v25, v26  }
0x29f: {  	vm4 =	vlt.f32 v25, $0.0e+00;
	vm5 =	vgt.f32 v25, $0.0e+00  }
0x2a0: {  	vm4 =	vmor vm5, vm4  }
0x2a1: {  	v25 =	vsel vm4, $0x3F800000, v9  }
0x2a2: {  	v25 =	vnsel vm3, $0x0, v25  }
0x2a3: {  	s2 =	rddreg [dreg:$0x19];
	[tilespmem:$0x19B30] =	vst v25  }
0x2a4: {  	[spmem:s2] =	stream.linear.scatter [tilespmem:s16], [sflag:$0x9], $0x10, $0x38;
	[tilespmem:$0x1A630] =	vst v63  }
0x2a5: {  	_ =	swait.ge [sflag:s29], $0x10  }
0x2a6: {  	[sflag:s29] =	ssyncset.done $0x0  }
0x2a7: {  	[sflag:s29] =	ssyncadd.s32 $0xFFFFFFF0  }
0x2a8: {  	s3 =	simm.s32 @!p0 $0x100000;
	[bflag:$0x0] =	sbarrier.arrive $0xFFFF  }
0x2a9: {  	[smem:s3], [sflag:$0x0] =	smem.add.s32 @!p0 $0x0;
	s3 =	simm.s32 @!p0 $0x0  }
0x2aa: {  	_ =	swait.done @!p0 [sflag:s3]  }
0x2ab: {  	s12 =	ssyncread @!p0 [sflag:$0x0];
	_ =	sdelay $0x1  }
0x2ac: {  	s1 =	rddreg [dreg:$0x1a]  }
0x2ad: {  	s12 =	sadd.s32 @!p0 s1, s12  }
0x2ae: {  	s1 =	rddreg [dreg:$0x1c];
	s12 =	sshll.u32 @!p0 s12, $0x11  }
0x2af: {  	[sflag:s3] =	ssyncset.s32 @!p0 $0x0;
	s12 =	sor.u32 @!p0 s12, s1  }
0x2b0: {  	[sflag:s3] =	ssyncset.done @!p0 $0x0;
	s3 =	sor.u32 @!p0 $0xA, s12  }
0x2b1: {  	[sflag:s3] =	ssyncadd.remote.s32 @!p0 $0x1  }
0x2b2: {  	s3 =	rddreg [dreg:$0x8]  }
0x2b3: {  	[tilespmem:s17], [sflag:$0x9] =	stream.linear.gather [spmem:s3], $0x300, $0x38;
	[tilespmem:$0x1A630] =	vst v63  }
0x2b4: {  	_ =	swait.ge [sflag:s29], $0x300  }
0x2b5: {  	[sflag:s29] =	ssyncset.done $0x0  }
0x2b6: {  	s16 =	simm.s32 $0x196B0;
	s12 =	rddreg [dreg:$0x10];
	[sflag:s29] =	ssyncadd.s32 $0xFFFFFD00  }
0x2b7: {  	[tilespmem:s16], [sflag:$0x9] =	stream.linear.gather [hbm4b:s12+s5], $0x40, $0x38;
	[tilespmem:$0x1A630] =	vst v63  }
0x2b8: {  	_ =	swait.ge [sflag:s29], $0x40  }
0x2b9: {  	[sflag:s29] =	ssyncset.done $0x0  }
0x2ba: {  	s2 =	rddreg [dreg:$0x12];
	[sflag:s29] =	ssyncadd.s32 $0xFFFFFFC0  }
0x2bb: {  	[tilespmem:s18], [sflag:$0x9] =	stream.linear.gather [hbm4b:s2+s5], $0x3C0, $0x38;
	[tilespmem:$0x1A630] =	vst v63  }
0x2bc: {  	_ =	swait.ge [sflag:s29], $0x3C0  }
0x2bd: {  	[sflag:s29] =	ssyncset.done $0x0  }
0x2be: {  	[sflag:s29] =	ssyncadd.s32 $0xFFFFFC40  }
0x2bf: {  	v25 =	vld.idx.msk [tilespmem:v21+s18+$0x0], $0xffff;
	_ =	sdelay $0x3  }
0x2c0: {  	vm4 =	veq.s32 v0, $0x0  }
0x2c1: {  	v25 =	vsel vm4, $0xC0FE, v25  }
0x2c2: {  	v26 =	vshll.u32 v25, $0x2  }
0x2c3: {  	v27 =	vand.u32 $0x7, v25;
	v26 =	vand.u32 $0xFFFFFFE0, v26  }
0x2c4: {  	v26 =	vor.u32 v27, v26  }
0x2c5: {  	v27 =	vld.idx.msk [tilespmem:v22+s18+$0x0], $0xffff;
	v28 =	vperm.xlane v26, v2;
	_ =	sdelay $0x1  }
0x2c6: {  	v28 =	vadd.s32 v6, v28;
	_ =	sdelay $0x1  }
0x2c7: {  	v26 =	vperm.xlane v26, v11  }
0x2c8: {  	[tilespmem:$0x19030] =	vst v25;
	v25 =	vsel vm4, $0xC0FE, v27  }
0x2c9: {  	[tilespmem:$0x19040] =	vst v25;
	v25 =	vadd.s32 v6, v26  }
0x2ca: {  	[tilespmem:s30], [sflag:$0x1] =	stream.indirect_vreg.gather [hbm4b:s0+s5], $0x80, v28, vm0, $0xb8;
	[tilespmem:$0x1A630] =	vst v63  }
0x2cb: {  	s3 =	simm.s32 $0x9830  }
0x2cc: {  	[tilespmem:s3], [sflag:$0x1] =	stream.indirect_vreg.gather [hbm4b:s8+s5], $0x80, v28, vm0, $0xb8;
	[tilespmem:$0x1A630] =	vst v63  }
0x2cd: {  	s12 =	simm.s32 $0xA030  }
0x2ce: {  	[tilespmem:s12], [sflag:$0x1] =	stream.indirect_vreg.gather [hbm4b:s0+s5], $0x80, v25, vm0, $0xb8;
	[tilespmem:$0x1A630] =	vst v63  }
0x2cf: {  	s19 =	simm.s32 $0xA830  }
0x2d0: {  	[tilespmem:s19], [sflag:$0x1] =	stream.indirect_vreg.gather [hbm4b:s8+s5], $0x80, v25, vm0, $0xb8;
	[tilespmem:$0x1A630] =	vst v63  }
0x2d1: {  	v25 =	vld [tilespmem:$0x19040];
	_ =	sdelay $0x4  }
0x2d2: {  	v26 =	vshll.u32 v25, $0x2  }
0x2d3: {  	v25 =	vand.u32 $0x7, v25;
	v26 =	vand.u32 $0xFFFFFFE0, v26  }
0x2d4: {  	v25 =	vor.u32 v25, v26  }
0x2d5: {  	v26 =	vperm.xlane v25, v2;
	_ =	sdelay $0x1  }
0x2d6: {  	v26 =	vadd.s32 v6, v26;
	_ =	sdelay $0x1  }
0x2d7: {  	v25 =	vperm.xlane v25, v11;
	_ =	sdelay $0x1  }
0x2d8: {  	s16 =	simm.s32 $0xB030;
	v25 =	vadd.s32 v6, v25  }
0x2d9: {  	[tilespmem:s16], [sflag:$0x1] =	stream.indirect_vreg.gather [hbm4b:s0+s5], $0x80, v26, vm0, $0xb8;
	[tilespmem:$0x1A630] =	vst v63  }
0x2da: {  	s19 =	simm.s32 $0xB830  }
0x2db: {  	[tilespmem:s19], [sflag:$0x1] =	stream.indirect_vreg.gather [hbm4b:s8+s5], $0x80, v26, vm0, $0xb8;
	[tilespmem:$0x1A630] =	vst v63  }
0x2dc: {  	s2 =	simm.s32 $0xC030  }
0x2dd: {  	[tilespmem:s2], [sflag:$0x1] =	stream.indirect_vreg.gather [hbm4b:s0+s5], $0x80, v25, vm0, $0xb8;
	[tilespmem:$0x1A630] =	vst v63  }
0x2de: {  	s3 =	simm.s32 $0xC830  }
0x2df: {  	[tilespmem:s3], [sflag:$0x1] =	stream.indirect_vreg.gather [hbm4b:s8+s5], $0x80, v25, vm0, $0xb8;
	[tilespmem:$0x1A630] =	vst v63  }
0x2e0: {  	v25 =	vld.idx.msk [tilespmem:v23+s18+$0x0], $0xffff;
	_ =	sdelay $0x4  }
0x2e1: {  	v25 =	vsel vm4, $0xC0FE, v25  }
0x2e2: {  	v26 =	vshll.u32 v25, $0x2  }
0x2e3: {  	v27 =	vand.u32 $0x7, v25;
	v26 =	vand.u32 $0xFFFFFFE0, v26  }
0x2e4: {  	v26 =	vor.u32 v27, v26  }
0x2e5: {  	v27 =	vld.idx.msk [tilespmem:v24+s18+$0x0], $0xffff;
	v63 =	vperm.xlane v26, v2;
	_ =	sdelay $0x1  }
0x2e6: {  	v28 =	vadd.s32 v6, v63;
	_ =	sdelay $0x1  }
0x2e7: {  	v26 =	vperm.xlane v26, v11  }
0x2e8: {  	[tilespmem:$0x190B0] =	vst v25;
	v25 =	vsel vm4, $0xC0FE, v27  }
0x2e9: {  	[tilespmem:$0x190C0] =	vst v25;
	v25 =	vadd.s32 v6, v26  }
0x2ea: {  	[tilespmem:s9], [sflag:$0x2] =	stream.indirect_vreg.gather [hbm4b:s0+s5], $0x80, v28, vm0, $0xb8;
	[tilespmem:$0x1A630] =	vst v63  }
0x2eb: {  	_ = 	snop  }
0x2ec: {  	[tilespmem:s10], [sflag:$0x2] =	stream.indirect_vreg.gather [hbm4b:s8+s5], $0x80, v28, vm0, $0xb8;
	[tilespmem:$0x1A630] =	vst v63  }
0x2ed: {  	_ = 	snop  }
0x2ee: {  	[tilespmem:s13], [sflag:$0x2] =	stream.indirect_vreg.gather [hbm4b:s0+s5], $0x80, v25, vm0, $0xb8;
	[tilespmem:$0x1A630] =	vst v63  }
0x2ef: {  	_ = 	snop  }
0x2f0: {  	[tilespmem:s14], [sflag:$0x2] =	stream.indirect_vreg.gather [hbm4b:s8+s5], $0x80, v25, vm0, $0xb8;
	[tilespmem:$0x1A630] =	vst v63  }
0x2f1: {  	v25 =	vld [tilespmem:$0x190C0];
	_ =	sdelay $0x4  }
0x2f2: {  	v26 =	vshll.u32 v25, $0x2  }
0x2f3: {  	v25 =	vand.u32 $0x7, v25;
	v26 =	vand.u32 $0xFFFFFFE0, v26  }
0x2f4: {  	v25 =	vor.u32 v25, v26  }
0x2f5: {  	v26 =	vperm.xlane v25, v2;
	_ =	sdelay $0x1  }
0x2f6: {  	v26 =	vadd.s32 v6, v26;
	_ =	sdelay $0x1  }
0x2f7: {  	v25 =	vperm.xlane v25, v11;
	_ =	sdelay $0x1  }
0x2f8: {  	v25 =	vadd.s32 v6, v25  }
0x2f9: {  	[tilespmem:s21], [sflag:$0x2] =	stream.indirect_vreg.gather [hbm4b:s0+s5], $0x80, v26, vm0, $0xb8;
	[tilespmem:$0x1A630] =	vst v63  }
0x2fa: {  	s12 =	simm.s32 $0xF830  }
0x2fb: {  	[tilespmem:s12], [sflag:$0x2] =	stream.indirect_vreg.gather [hbm4b:s8+s5], $0x80, v26, vm0, $0xb8;
	[tilespmem:$0x1A630] =	vst v63  }
0x2fc: {  	s16 =	simm.s32 $0x10030  }
0x2fd: {  	[tilespmem:s16], [sflag:$0x2] =	stream.indirect_vreg.gather [hbm4b:s0+s5], $0x80, v25, vm0, $0xb8;
	[tilespmem:$0x1A630] =	vst v63  }
0x2fe: {  	s19 =	simm.s32 $0x10830;
	s3 =	rddreg [dreg:$0x17]  }
0x2ff: {  	[tilespmem:s19], [sflag:$0x2] =	stream.indirect_vreg.gather [hbm4b:s8+s5], $0x80, v25, vm0, $0xb8;
	[tilespmem:$0x1A630] =	vst v63  }
0x300: {  	s12 =	simm.s32 $0xA4;
	s16 =	simm.s32 $0x196B4;
	s19 =	simm.s32 $0x19C50  }
.LBB2_2:
0x301: {  	_ =	swait.ge [sflag:s4], $0x4000  }
0x302: {  	[sflag:s4] =	ssyncset.done $0x0  }
0x303: {  	[sflag:s4] =	ssyncadd.s32 $0xFFFFC000  }
0x304: {  	v25 =	vld [tilespmem:s16+$0xFFFFFFFC];
	_ =	sdelay $0x4  }
0x305: {  	(v2sf) =	vpush v25, $0x0;
	_ =	sdelay $0xe  }
0x306: {  	s2 =	spop (v2sf)  }
0x307: {  	s2 =	sshll.u32 s2, $0x4  }
0x308: {  	v25 =	vor.u32 s2, v0  }
0x309: {  	v26 =	vld.idx.msk [tilespmem:v14+s30+$0x0], $0xffff;
	_ =	sdelay $0x3  }
0x30a: {  	v25 =	vld.idx.msk [tilespmem:v25+s17+$0x0], $0xffff  }
0x30b: {  	vm5 =	vlt.f32 v26, $0.0e+00;
	vm6 =	vgt.f32 v26, $0.0e+00  }
0x30c: {  	vm5 =	vmor vm6, vm5  }
0x30d: {  	[tilespmem:s19+$0xFFFFFF80] =	vst v9;
	v26 =	vsel vm5, $0x3F800000, v9  }
0x30e: {  	[tilespmem:s19+$0xFFFFFF60] =	vst v26  }
0x30f: {  	[tilespmem:s19+$0xFFFFFF70] =	vst v25  }
0x310: {  	[hbm4b:s3+s5] =	stream.linear.scatter [tilespmem:s30], [sflag:$0x5], $0x2000, $0x38;
	[tilespmem:$0x1A630] =	vst v63  }
0x311: {  	v25 =	vld [tilespmem:s16+$0xFFFFFFFD];
	_ =	sdelay $0x4  }
0x312: {  	(v2sf) =	vpush v25, $0x0;
	_ =	sdelay $0xe  }
0x313: {  	s1 =	spop (v2sf)  }
0x314: {  	s2 =	sshll.u32 s1, $0x4  }
0x315: {  	v25 =	vor.u32 s2, v0  }
0x316: {  	v26 =	vld.idx.msk [tilespmem:v16+s30+$0x0], $0xffff;
	_ =	sdelay $0x3  }
0x317: {  	v25 =	vld.idx.msk [tilespmem:v25+s17+$0x0], $0xffff  }
0x318: {  	vm5 =	vlt.f32 v26, $0.0e+00;
	vm6 =	vgt.f32 v26, $0.0e+00  }
0x319: {  	vm5 =	vmor vm6, vm5  }
0x31a: {  	[tilespmem:s19+$0xFFFFFFA8] =	vst v9;
	v26 =	vsel vm5, $0x3F800000, v9  }
0x31b: {  	[tilespmem:s19+$0xFFFFFF88] =	vst v26  }
0x31c: {  	p1 =	seq.s32 s12, $0xA4;
	s1 =	simm.s32 $0xB030;
	s2 =	sadd.s32 $0xA00, s3;
	[tilespmem:s19+$0xFFFFFF98] =	vst v25  }
0x31d: {  	[hbm4b:s2+s5] =	stream.linear.scatter [tilespmem:s1], [sflag:$0x5], $0x2000, $0x38;
	[tilespmem:$0x1A630] =	vst v63  }
0x31e: {  	s2 =	simm.s32 @!p1 $0x7  }
0x31f: {  	s1 =	sadd.s32 $0xFFFFFF97, s12;
	_ =	swait.ge @!p1 [sflag:s2], $0x2000  }
0x320: {  	v25 =	vadd.s32 s1, v0;
	[sflag:s2] =	ssyncset.done @!p1 $0x0  }
0x321: {  	[sflag:s2] =	ssyncadd.s32 @!p1 $0xFFFFE000  }
0x322: {  	_ =	swait.ge @!p1 [sflag:s2], $0x2000  }
0x323: {  	[sflag:s2] =	ssyncset.done @!p1 $0x0  }
0x324: {  	[sflag:s2] =	ssyncadd.s32 @!p1 $0xFFFFE000  }
0x325: {  	v25 =	vld.idx.msk [tilespmem:v25+s18+$0x0], $0xffff;
	_ =	sdelay $0x2  }
0x326: {  	s2 =	sadd.s32 $0xFFFFFFA6, s12  }
0x327: {  	v26 =	vadd.s32 s2, v0  }
0x328: {  	v25 =	vsel vm4, $0xC0FE, v25  }
0x329: {  	v27 =	vshll.u32 v25, $0x2  }
0x32a: {  	v28 =	vand.u32 $0x7, v25;
	v27 =	vand.u32 $0xFFFFFFE0, v27  }
0x32b: {  	v27 =	vor.u32 v28, v27  }
0x32c: {  	v26 =	vld.idx.msk [tilespmem:v26+s18+$0x0], $0xffff;
	v28 =	vperm.xlane v27, v2;
	_ =	sdelay $0x1  }
0x32d: {  	v28 =	vadd.s32 v6, v28;
	_ =	sdelay $0x1  }
0x32e: {  	v27 =	vperm.xlane v27, v11  }
0x32f: {  	[tilespmem:$0x19130] =	vst v25;
	v25 =	vsel vm4, $0xC0FE, v26  }
0x330: {  	[tilespmem:$0x19140] =	vst v25;
	v25 =	vadd.s32 v6, v27  }
0x331: {  	[tilespmem:s15], [sflag:$0x3] =	stream.indirect_vreg.gather [hbm4b:s0+s5], $0x80, v28, vm0, $0xb8;
	[tilespmem:$0x1A630] =	vst v63  }
0x332: {  	s2 =	simm.s32 $0x11830  }
0x333: {  	[tilespmem:s2], [sflag:$0x3] =	stream.indirect_vreg.gather [hbm4b:s8+s5], $0x80, v28, vm0, $0xb8;
	[tilespmem:$0x1A630] =	vst v63  }
0x334: {  	s2 =	simm.s32 $0x12030  }
0x335: {  	[tilespmem:s2], [sflag:$0x3] =	stream.indirect_vreg.gather [hbm4b:s0+s5], $0x80, v25, vm0, $0xb8;
	[tilespmem:$0x1A630] =	vst v63  }
0x336: {  	s2 =	simm.s32 $0x12830  }
0x337: {  	[tilespmem:s2], [sflag:$0x3] =	stream.indirect_vreg.gather [hbm4b:s8+s5], $0x80, v25, vm0, $0xb8;
	[tilespmem:$0x1A630] =	vst v63  }
0x338: {  	v25 =	vld [tilespmem:$0x19140];
	_ =	sdelay $0x4  }
0x339: {  	v26 =	vshll.u32 v25, $0x2  }
0x33a: {  	v25 =	vand.u32 $0x7, v25;
	v26 =	vand.u32 $0xFFFFFFE0, v26  }
0x33b: {  	v25 =	vor.u32 v25, v26  }
0x33c: {  	v26 =	vperm.xlane v25, v2;
	_ =	sdelay $0x1  }
0x33d: {  	v26 =	vadd.s32 v6, v26;
	_ =	sdelay $0x1  }
0x33e: {  	v25 =	vperm.xlane v25, v11;
	_ =	sdelay $0x1  }
0x33f: {  	v25 =	vadd.s32 v6, v25  }
0x340: {  	[tilespmem:s7], [sflag:$0x3] =	stream.indirect_vreg.gather [hbm4b:s0+s5], $0x80, v26, vm0, $0xb8;
	[tilespmem:$0x1A630] =	vst v63  }
0x341: {  	s2 =	simm.s32 $0x13830  }
0x342: {  	[tilespmem:s2], [sflag:$0x3] =	stream.indirect_vreg.gather [hbm4b:s8+s5], $0x80, v26, vm0, $0xb8;
	[tilespmem:$0x1A630] =	vst v63  }
0x343: {  	s2 =	simm.s32 $0x14030  }
0x344: {  	[tilespmem:s2], [sflag:$0x3] =	stream.indirect_vreg.gather [hbm4b:s0+s5], $0x80, v25, vm0, $0xb8;
	[tilespmem:$0x1A630] =	vst v63  }
0x345: {  	s2 =	simm.s32 $0x14830  }
0x346: {  	[tilespmem:s2], [sflag:$0x3] =	stream.indirect_vreg.gather [hbm4b:s8+s5], $0x80, v25, vm0, $0xb8;
	[tilespmem:$0x1A630] =	vst v63  }
0x347: {  	_ =	swait.ge [sflag:s28], $0x4000  }
0x348: {  	[sflag:s28] =	ssyncset.done $0x0  }
0x349: {  	[sflag:s28] =	ssyncadd.s32 $0xFFFFC000  }
0x34a: {  	v25 =	vld [tilespmem:s16+$0xFFFFFFFE];
	_ =	sdelay $0x4  }
0x34b: {  	(v2sf) =	vpush v25, $0x0;
	_ =	sdelay $0xe  }
0x34c: {  	s2 =	spop (v2sf)  }
0x34d: {  	s1 =	sshll.u32 s2, $0x4  }
0x34e: {  	v25 =	vor.u32 s1, v0  }
0x34f: {  	v26 =	vld.idx.msk [tilespmem:v14+s9+$0x0], $0xffff;
	_ =	sdelay $0x3  }
0x350: {  	v25 =	vld.idx.msk [tilespmem:v25+s17+$0x0], $0xffff  }
0x351: {  	vm5 =	vlt.f32 v26, $0.0e+00;
	vm6 =	vgt.f32 v26, $0.0e+00  }
0x352: {  	vm5 =	vmor vm6, vm5  }
0x353: {  	[tilespmem:s19+$0xFFFFFFD0] =	vst v9;
	v26 =	vsel vm5, $0x3F800000, v9  }
0x354: {  	[tilespmem:s19+$0xFFFFFFB0] =	vst v26  }
0x355: {  	s2 =	sadd.s32 $0x1400, s3;
	[tilespmem:s19+$0xFFFFFFC0] =	vst v25  }
0x356: {  	[hbm4b:s2+s5] =	stream.linear.scatter [tilespmem:s9], [sflag:$0x6], $0x2000, $0x38;
	[tilespmem:$0x1A630] =	vst v63  }
0x357: {  	v25 =	vld [tilespmem:s16+$0xFFFFFFFF];
	_ =	sdelay $0x4  }
0x358: {  	(v2sf) =	vpush v25, $0x0;
	_ =	sdelay $0xe  }
0x359: {  	s2 =	spop (v2sf)  }
0x35a: {  	s1 =	sshll.u32 s2, $0x4  }
0x35b: {  	v25 =	vor.u32 s1, v0  }
0x35c: {  	v26 =	vld.idx.msk [tilespmem:v16+s9+$0x0], $0xffff;
	_ =	sdelay $0x3  }
0x35d: {  	v25 =	vld.idx.msk [tilespmem:v25+s17+$0x0], $0xffff  }
0x35e: {  	vm5 =	vlt.f32 v26, $0.0e+00;
	vm6 =	vgt.f32 v26, $0.0e+00  }
0x35f: {  	vm5 =	vmor vm6, vm5  }
0x360: {  	[tilespmem:s19+$0xFFFFFFF8] =	vst v9;
	v26 =	vsel vm5, $0x3F800000, v9  }
0x361: {  	[tilespmem:s19+$0xFFFFFFD8] =	vst v26  }
0x362: {  	s2 =	sadd.s32 $0x1E00, s3;
	s1 =	simm.s32 @!p1 $0x8;
	[tilespmem:s19+$0xFFFFFFE8] =	vst v25  }
0x363: {  	[hbm4b:s2+s5] =	stream.linear.scatter [tilespmem:s21], [sflag:$0x6], $0x2000, $0x38;
	[tilespmem:$0x1A630] =	vst v63  }
0x364: {  	s2 =	sadd.s32 $0xFFFFFFB5, s12;
	_ =	swait.ge @!p1 [sflag:s1], $0x2000  }
0x365: {  	v25 =	vadd.s32 s2, v0;
	[sflag:s1] =	ssyncset.done @!p1 $0x0  }
0x366: {  	[sflag:s1] =	ssyncadd.s32 @!p1 $0xFFFFE000  }
0x367: {  	_ =	swait.ge @!p1 [sflag:s1], $0x2000  }
0x368: {  	[sflag:s1] =	ssyncset.done @!p1 $0x0  }
0x369: {  	[sflag:s1] =	ssyncadd.s32 @!p1 $0xFFFFE000  }
0x36a: {  	v25 =	vld.idx.msk [tilespmem:v25+s18+$0x0], $0xffff;
	_ =	sdelay $0x2  }
0x36b: {  	s2 =	sadd.s32 $0xFFFFFFC4, s12  }
0x36c: {  	v26 =	vadd.s32 s2, v0  }
0x36d: {  	v25 =	vsel vm4, $0xC0FE, v25  }
0x36e: {  	v27 =	vshll.u32 v25, $0x2  }
0x36f: {  	v63 =	vand.u32 $0x7, v25;
	v27 =	vand.u32 $0xFFFFFFE0, v27  }
0x370: {  	v27 =	vor.u32 v63, v27  }
0x371: {  	v26 =	vld.idx.msk [tilespmem:v26+s18+$0x0], $0xffff;
	v28 =	vperm.xlane v27, v2;
	_ =	sdelay $0x1  }
0x372: {  	v28 =	vadd.s32 v6, v28;
	_ =	sdelay $0x1  }
0x373: {  	v27 =	vperm.xlane v27, v11  }
0x374: {  	[tilespmem:$0x191B0] =	vst v25;
	v25 =	vsel vm4, $0xC0FE, v26  }
0x375: {  	[tilespmem:$0x191C0] =	vst v25;
	v25 =	vadd.s32 v6, v27  }
0x376: {  	[tilespmem:s31], [sflag:$0x4] =	stream.indirect_vreg.gather [hbm4b:s0+s5], $0x80, v28, vm0, $0xb8;
	[tilespmem:$0x1A630] =	vst v63  }
0x377: {  	s2 =	simm.s32 $0x15830  }
0x378: {  	[tilespmem:s2], [sflag:$0x4] =	stream.indirect_vreg.gather [hbm4b:s8+s5], $0x80, v28, vm0, $0xb8;
	[tilespmem:$0x1A630] =	vst v63  }
0x379: {  	s2 =	simm.s32 $0x16030  }
0x37a: {  	[tilespmem:s2], [sflag:$0x4] =	stream.indirect_vreg.gather [hbm4b:s0+s5], $0x80, v25, vm0, $0xb8;
	[tilespmem:$0x1A630] =	vst v63  }
0x37b: {  	s2 =	simm.s32 $0x16830  }
0x37c: {  	[tilespmem:s2], [sflag:$0x4] =	stream.indirect_vreg.gather [hbm4b:s8+s5], $0x80, v25, vm0, $0xb8;
	[tilespmem:$0x1A630] =	vst v63  }
0x37d: {  	v25 =	vld [tilespmem:$0x191C0];
	_ =	sdelay $0x4  }
0x37e: {  	v26 =	vshll.u32 v25, $0x2  }
0x37f: {  	v25 =	vand.u32 $0x7, v25;
	v26 =	vand.u32 $0xFFFFFFE0, v26  }
0x380: {  	v25 =	vor.u32 v25, v26  }
0x381: {  	v26 =	vperm.xlane v25, v2;
	_ =	sdelay $0x1  }
0x382: {  	v26 =	vadd.s32 v6, v26;
	_ =	sdelay $0x1  }
0x383: {  	v25 =	vperm.xlane v25, v11;
	_ =	sdelay $0x1  }
0x384: {  	v25 =	vadd.s32 v6, v25  }
0x385: {  	[tilespmem:s6], [sflag:$0x4] =	stream.indirect_vreg.gather [hbm4b:s0+s5], $0x80, v26, vm0, $0xb8;
	[tilespmem:$0x1A630] =	vst v63  }
0x386: {  	_ = 	snop  }
0x387: {  	[tilespmem:s22], [sflag:$0x4] =	stream.indirect_vreg.gather [hbm4b:s8+s5], $0x80, v26, vm0, $0xb8;
	[tilespmem:$0x1A630] =	vst v63  }
0x388: {  	_ = 	snop  }
0x389: {  	[tilespmem:s20], [sflag:$0x4] =	stream.indirect_vreg.gather [hbm4b:s0+s5], $0x80, v25, vm0, $0xb8;
	[tilespmem:$0x1A630] =	vst v63  }
0x38a: {  	_ = 	snop  }
0x38b: {  	[tilespmem:s23], [sflag:$0x4] =	stream.indirect_vreg.gather [hbm4b:s8+s5], $0x80, v25, vm0, $0xb8;
	[tilespmem:$0x1A630] =	vst v63  }
0x38c: {  	_ =	swait.ge [sflag:s24], $0x4000  }
0x38d: {  	[sflag:s24] =	ssyncset.done $0x0  }
0x38e: {  	[sflag:s24] =	ssyncadd.s32 $0xFFFFC000  }
0x38f: {  	v25 =	vld [tilespmem:s16+$0x0];
	_ =	sdelay $0x4  }
0x390: {  	(v2sf) =	vpush v25, $0x0;
	_ =	sdelay $0xe  }
0x391: {  	s2 =	spop (v2sf)  }
0x392: {  	s1 =	sshll.u32 s2, $0x4  }
0x393: {  	v25 =	vor.u32 s1, v0  }
0x394: {  	v26 =	vld.idx.msk [tilespmem:v14+s15+$0x0], $0xffff;
	_ =	sdelay $0x3  }
0x395: {  	v25 =	vld.idx.msk [tilespmem:v25+s17+$0x0], $0xffff  }
0x396: {  	vm5 =	vlt.f32 v26, $0.0e+00;
	vm6 =	vgt.f32 v26, $0.0e+00  }
0x397: {  	vm5 =	vmor vm6, vm5  }
0x398: {  	[tilespmem:s19+$0x20] =	vst v9;
	v26 =	vsel vm5, $0x3F800000, v9  }
0x399: {  	[tilespmem:s19+$0x0] =	vst v26  }
0x39a: {  	s2 =	sadd.s32 $0x2800, s3;
	[tilespmem:s19+$0x10] =	vst v25  }
0x39b: {  	[hbm4b:s2+s5] =	stream.linear.scatter [tilespmem:s15], [sflag:$0x7], $0x2000, $0x38;
	[tilespmem:$0x1A630] =	vst v63  }
0x39c: {  	v25 =	vld [tilespmem:s16+$0x1];
	_ =	sdelay $0x4  }
0x39d: {  	(v2sf) =	vpush v25, $0x0;
	_ =	sdelay $0xe  }
0x39e: {  	s2 =	spop (v2sf)  }
0x39f: {  	s1 =	sshll.u32 s2, $0x4  }
0x3a0: {  	v25 =	vor.u32 s1, v0  }
0x3a1: {  	v26 =	vld.idx.msk [tilespmem:v16+s15+$0x0], $0xffff;
	_ =	sdelay $0x3  }
0x3a2: {  	v25 =	vld.idx.msk [tilespmem:v25+s17+$0x0], $0xffff  }
0x3a3: {  	vm5 =	vlt.f32 v26, $0.0e+00;
	vm6 =	vgt.f32 v26, $0.0e+00  }
0x3a4: {  	vm5 =	vmor vm6, vm5  }
0x3a5: {  	[tilespmem:s19+$0x48] =	vst v9;
	v26 =	vsel vm5, $0x3F800000, v9  }
0x3a6: {  	[tilespmem:s19+$0x28] =	vst v26  }
0x3a7: {  	p1 =	seq.s32 s12, $0x3EC;
	s2 =	sadd.s32 $0x3200, s3;
	[tilespmem:s19+$0x38] =	vst v25  }
0x3a8: {  	[hbm4b:s2+s5] =	stream.linear.scatter [tilespmem:s7], [sflag:$0x7], $0x2000, $0x38;
	[tilespmem:$0x1A630] =	vst v63  }
0x3a9: {  	s1 =	sadd.s32 @!p1 $0xFFFFFFD3, s12;
	v25 =	vlaneseq.u32 @!p1;
	_ =	swait.ge [sflag:s25], $0x2000  }
0x3aa: {  	v26 =	vadd.s32 @!p1 s1, v25;
	[sflag:s25] =	ssyncset.done $0x0  }
0x3ab: {  	[sflag:s25] =	ssyncadd.s32 $0xFFFFE000  }
0x3ac: {  	_ =	swait.ge [sflag:s25], $0x2000  }
0x3ad: {  	[sflag:s25] =	ssyncset.done $0x0  }
0x3ae: {  	s1 =	simm.s32 @!p1 $0x192B0;
	[sflag:s25] =	ssyncadd.s32 $0xFFFFE000  }
0x3af: {  	v26 =	vld.idx.msk @!p1 [tilespmem:v26+s1+$0x0], $0xffff;
	_ =	sdelay $0x2  }
0x3b0: {  	s2 =	sadd.s32 @!p1 $0xFFFFFFE2, s12  }
0x3b1: {  	vm5 =	veq.s32 @!p1 v25, $0x0;
	v27 =	vadd.s32 @!p1 s2, v25  }
0x3b2: {  	v26 =	vsel @!p1 vm5, $0xC0FE, v26  }
0x3b3: {  	v28 =	vshll.u32 @!p1 v26, $0x2  }
0x3b4: {  	v29 =	vand.u32 @!p1 $0x7, v26;
	v28 =	vand.u32 @!p1 $0xFFFFFFE0, v28  }
0x3b5: {  	v30 =	vshrl.u32 @!p1 v25, $0x3;
	v28 =	vor.u32 @!p1 v29, v28;
	v29 =	vand.u32 @!p1 $0x7, v25  }
0x3b6: {  	v30 =	vmul.u32 @!p1 $0x8, v30;
	v27 =	vld.idx.msk @!p1 [tilespmem:v27+s1+$0x0], $0xffff;
	v31 =	vperm.xlane @!p1 v28, v29;
	_ =	sdelay $0x1  }
0x3b7: {  	v31 =	vadd.s32 @!p1 v30, v31  }
0x3b8: {  	v25 =	vor.u32 @!p1 $0x8, v25  }
0x3b9: {  	v28 =	vperm.xlane @!p1 v28, v25  }
0x3ba: {  	[tilespmem:$0x19030] =	vst @!p1 v26;
	v26 =	vsel @!p1 vm5, $0xC0FE, v27  }
0x3bb: {  	s2 =	simm.s32 @!p1 $0x9030;
	s1 =	simm.s32 @!p1 $0x0;
	vm5 =	vmmov @!p1 $0xffff;
	[tilespmem:$0x19040] =	vst @!p1 v26;
	v26 =	vadd.s32 @!p1 v30, v28  }
0x3bc: {  	[tilespmem:s2], [sflag:$0x1] =	stream.indirect_vreg.gather @!p1 [hbm4b:s0+s1], $0x80, v31, vm5, $0xb8;
	[tilespmem:$0x1A630] =	vst v63  }
0x3bd: {  	s2 =	simm.s32 @!p1 $0x9830  }
0x3be: {  	[tilespmem:s2], [sflag:$0x1] =	stream.indirect_vreg.gather @!p1 [hbm4b:s8+s1], $0x80, v31, vm5, $0xb8;
	[tilespmem:$0x1A630] =	vst v63  }
0x3bf: {  	s2 =	simm.s32 @!p1 $0xA030  }
0x3c0: {  	[tilespmem:s2], [sflag:$0x1] =	stream.indirect_vreg.gather @!p1 [hbm4b:s0+s1], $0x80, v26, vm5, $0xb8;
	[tilespmem:$0x1A630] =	vst v63  }
0x3c1: {  	s2 =	simm.s32 @!p1 $0xA830  }
0x3c2: {  	[tilespmem:s2], [sflag:$0x1] =	stream.indirect_vreg.gather @!p1 [hbm4b:s8+s1], $0x80, v26, vm5, $0xb8;
	[tilespmem:$0x1A630] =	vst v63  }
0x3c3: {  	v26 =	vld @!p1 [tilespmem:$0x19040];
	_ =	sdelay $0x4  }
0x3c4: {  	v27 =	vshll.u32 @!p1 v26, $0x2  }
0x3c5: {  	v26 =	vand.u32 @!p1 $0x7, v26;
	v27 =	vand.u32 @!p1 $0xFFFFFFE0, v27  }
0x3c6: {  	v26 =	vor.u32 @!p1 v26, v27  }
0x3c7: {  	v27 =	vperm.xlane @!p1 v26, v29;
	_ =	sdelay $0x1  }
0x3c8: {  	v27 =	vadd.s32 @!p1 v30, v27;
	_ =	sdelay $0x1  }
0x3c9: {  	v25 =	vperm.xlane @!p1 v26, v25;
	_ =	sdelay $0x1  }
0x3ca: {  	s2 =	simm.s32 @!p1 $0xB030;
	v25 =	vadd.s32 @!p1 v30, v25  }
0x3cb: {  	[tilespmem:s2], [sflag:$0x1] =	stream.indirect_vreg.gather @!p1 [hbm4b:s0+s1], $0x80, v27, vm5, $0xb8;
	[tilespmem:$0x1A630] =	vst v63  }
0x3cc: {  	s2 =	simm.s32 @!p1 $0xB830  }
0x3cd: {  	[tilespmem:s2], [sflag:$0x1] =	stream.indirect_vreg.gather @!p1 [hbm4b:s8+s1], $0x80, v27, vm5, $0xb8;
	[tilespmem:$0x1A630] =	vst v63  }
0x3ce: {  	s2 =	simm.s32 @!p1 $0xC030  }
0x3cf: {  	[tilespmem:s2], [sflag:$0x1] =	stream.indirect_vreg.gather @!p1 [hbm4b:s0+s1], $0x80, v25, vm5, $0xb8;
	[tilespmem:$0x1A630] =	vst v63  }
0x3d0: {  	s2 =	simm.s32 @!p1 $0xC830  }
0x3d1: {  	[tilespmem:s2], [sflag:$0x1] =	stream.indirect_vreg.gather @!p1 [hbm4b:s8+s1], $0x80, v25, vm5, $0xb8;
	[tilespmem:$0x1A630] =	vst v63  }
0x3d2: {  	_ =	swait.ge [sflag:s26], $0x4000  }
0x3d3: {  	[sflag:s26] =	ssyncset.done $0x0  }
0x3d4: {  	[sflag:s26] =	ssyncadd.s32 $0xFFFFC000  }
0x3d5: {  	v25 =	vld [tilespmem:s16+$0x2];
	_ =	sdelay $0x4  }
0x3d6: {  	(v2sf) =	vpush v25, $0x0;
	_ =	sdelay $0xe  }
0x3d7: {  	s2 =	spop (v2sf)  }
0x3d8: {  	s1 =	sshll.u32 s2, $0x4  }
0x3d9: {  	v25 =	vor.u32 s1, v0  }
0x3da: {  	v26 =	vld.idx.msk [tilespmem:v14+s31+$0x0], $0xffff;
	_ =	sdelay $0x3  }
0x3db: {  	v25 =	vld.idx.msk [tilespmem:v25+s17+$0x0], $0xffff  }
0x3dc: {  	vm5 =	vlt.f32 v26, $0.0e+00;
	vm6 =	vgt.f32 v26, $0.0e+00  }
0x3dd: {  	vm5 =	vmor vm6, vm5  }
0x3de: {  	[tilespmem:s19+$0x70] =	vst v9;
	v26 =	vsel vm5, $0x3F800000, v9  }
0x3df: {  	[tilespmem:s19+$0x50] =	vst v26  }
0x3e0: {  	s2 =	sadd.s32 $0x3C00, s3;
	[tilespmem:s19+$0x60] =	vst v25  }
0x3e1: {  	[hbm4b:s2+s5] =	stream.linear.scatter [tilespmem:s31], [sflag:$0x8], $0x2000, $0x38;
	[tilespmem:$0x1A630] =	vst v63  }
0x3e2: {  	v25 =	vld [tilespmem:s16+$0x3];
	_ =	sdelay $0x4  }
0x3e3: {  	(v2sf) =	vpush v25, $0x0;
	_ =	sdelay $0xe  }
0x3e4: {  	s2 =	spop (v2sf)  }
0x3e5: {  	s1 =	sshll.u32 s2, $0x4  }
0x3e6: {  	v25 =	vor.u32 s1, v0  }
0x3e7: {  	v26 =	vld.idx.msk [tilespmem:v16+s31+$0x0], $0xffff;
	_ =	sdelay $0x3  }
0x3e8: {  	v25 =	vld.idx.msk [tilespmem:v25+s17+$0x0], $0xffff  }
0x3e9: {  	vm5 =	vlt.f32 v26, $0.0e+00;
	vm6 =	vgt.f32 v26, $0.0e+00  }
0x3ea: {  	vm5 =	vmor vm6, vm5  }
0x3eb: {  	[tilespmem:s19+$0x98] =	vst v9;
	v26 =	vsel vm5, $0x3F800000, v9  }
0x3ec: {  	[tilespmem:s19+$0x78] =	vst v26  }
0x3ed: {  	s2 =	sadd.s32 $0x4600, s3;
	[tilespmem:s19+$0x88] =	vst v25  }
0x3ee: {  	[hbm4b:s2+s5] =	stream.linear.scatter [tilespmem:s6], [sflag:$0x8], $0x2000, $0x38;
	[tilespmem:$0x1A630] =	vst v63  }
0x3ef: {  	_ =	swait.ge [sflag:s11], $0x2000  }
.Ltmp11:
0x3f0: {  	[sflag:s11] =	ssyncset.done $0x0;
	(pc) =	sbr.rel @p1 .LBB2_4-.Ltmp11, $4  }
0x3f1: {  	[sflag:s11] =	ssyncadd.s32 $0xFFFFE000  }
0x3f2: {  	_ =	swait.ge [sflag:s11], $0x2000  }
0x3f3: {  	[sflag:s11] =	ssyncset.done $0x0  }
0x3f4: {  	[sflag:s11] =	ssyncadd.s32 $0xFFFFE000  }
0x3f5: {  	s1 =	sadd.s32 $0xFFFFFFF1, s12  }
0x3f6: {  	v25 =	vadd.s32 s1, v0;
	_ =	sdelay $0x4  }
0x3f7: {  	v25 =	vld.idx.msk [tilespmem:v25+s18+$0x0], $0xffff;
	_ =	sdelay $0x3  }
0x3f8: {  	vm5 =	veq.s32 v0, $0x0;
	v26 =	vadd.s32 s12, v0  }
0x3f9: {  	v25 =	vsel vm5, $0xC0FE, v25  }
0x3fa: {  	v27 =	vshll.u32 v25, $0x2  }
0x3fb: {  	v28 =	vand.u32 $0x7, v25;
	v27 =	vand.u32 $0xFFFFFFE0, v27  }
0x3fc: {  	v27 =	vor.u32 v28, v27  }
0x3fd: {  	v26 =	vld.idx.msk [tilespmem:v26+s18+$0x0], $0xffff;
	v28 =	vperm.xlane v27, v2;
	_ =	sdelay $0x1  }
0x3fe: {  	v28 =	vadd.s32 v6, v28;
	_ =	sdelay $0x1  }
0x3ff: {  	v27 =	vperm.xlane v27, v11  }
0x400: {  	[tilespmem:$0x190B0] =	vst v25;
	v25 =	vsel vm5, $0xC0FE, v26  }
0x401: {  	[tilespmem:$0x190C0] =	vst v25;
	v25 =	vadd.s32 v6, v27  }
0x402: {  	[tilespmem:s9], [sflag:$0x2] =	stream.indirect_vreg.gather [hbm4b:s0+s5], $0x80, v28, vm0, $0xb8;
	[tilespmem:$0x1A630] =	vst v63  }
0x403: {  	_ = 	snop  }
0x404: {  	[tilespmem:s10], [sflag:$0x2] =	stream.indirect_vreg.gather [hbm4b:s8+s5], $0x80, v28, vm0, $0xb8;
	[tilespmem:$0x1A630] =	vst v63  }
0x405: {  	_ = 	snop  }
0x406: {  	[tilespmem:s13], [sflag:$0x2] =	stream.indirect_vreg.gather [hbm4b:s0+s5], $0x80, v25, vm0, $0xb8;
	[tilespmem:$0x1A630] =	vst v63  }
0x407: {  	_ = 	snop  }
0x408: {  	[tilespmem:s14], [sflag:$0x2] =	stream.indirect_vreg.gather [hbm4b:s8+s5], $0x80, v25, vm0, $0xb8;
	[tilespmem:$0x1A630] =	vst v63  }
0x409: {  	v25 =	vld [tilespmem:$0x190C0];
	_ =	sdelay $0x4  }
0x40a: {  	v26 =	vshll.u32 v25, $0x2  }
0x40b: {  	v25 =	vand.u32 $0x7, v25;
	v26 =	vand.u32 $0xFFFFFFE0, v26  }
0x40c: {  	v25 =	vor.u32 v25, v26  }
0x40d: {  	v26 =	vperm.xlane v25, v2;
	_ =	sdelay $0x1  }
0x40e: {  	v26 =	vadd.s32 v6, v26;
	_ =	sdelay $0x2  }
0x40f: {  	v25 =	vperm.xlane v25, v11;
	_ =	sdelay $0x1  }
0x410: {  	v25 =	vadd.s32 v6, v25;
	[tilespmem:s21], [sflag:$0x2] =	stream.indirect_vreg.gather [hbm4b:s0+s5], $0x80, v26, vm0, $0xb8;
	[tilespmem:$0x1A630] =	vst v63  }
0x411: {  	s2 =	simm.s32 $0xF830  }
0x412: {  	[tilespmem:s2], [sflag:$0x2] =	stream.indirect_vreg.gather [hbm4b:s8+s5], $0x80, v26, vm0, $0xb8;
	[tilespmem:$0x1A630] =	vst v63  }
.Ltmp12:
0x413: {  	_ = 	snop;
	(pc) =	sbr.rel .LBB2_2-.Ltmp12, $4  }
0x414: {  	s12 =	sadd.s32 $0x78, s12;
	s3 =	sadd.s32 $0x5000, s3;
	s2 =	simm.s32 $0x10030  }
0x415: {  	[tilespmem:s2], [sflag:$0x2] =	stream.indirect_vreg.gather [hbm4b:s0+s5], $0x80, v25, vm0, $0xb8;
	[tilespmem:$0x1A630] =	vst v63  }
0x416: {  	s16 =	sadd.s32 $0x8, s16;
	s19 =	sadd.s32 $0x140, s19;
	s2 =	simm.s32 $0x10830  }
0x417: {  	[tilespmem:s2], [sflag:$0x2] =	stream.indirect_vreg.gather [hbm4b:s8+s5], $0x80, v25, vm0, $0xb8;
	[tilespmem:$0x1A630] =	vst v63  }
.LBB2_5:
0x418: {  	_ =	sfence.sel $0x180000  }
0x419: {  	[bflag:$0x0] =	sbarrier.arrive $0xFFFF  }
0x41a: {  	_ =	strace $0x90000047  }
0x41b: {  	[bflag:$0x2] =	sbarrier.arrive $0xFFFF  }
0x41c: {  	s0 =	rddreg [dreg:$0x9]  }
0x41d: {  	s0 =	sadd.s32 @!p0 $0x100000, s0  }
0x41e: {  	[sflag:s0] =	ssyncadd.tile.s32 @!p0 $0x1;
	_ =	shalt  }
.Lfunc_end2:
_tile_overlayer_lowered:
.L_overlay_start_2:
0x41f: {  	(tag) =	ssettag $0x2  }
0x420: {  	s0 =	rddreg [dreg:$0x0];
	s2 =	stileid.u32  }
0x421: {  	s1 =	rddreg [dreg:$0x1];
	p0 =	sne.s32 s2, $0x0  }
0x422: {  	s3 =	rddreg [dreg:$0x2];
	[bflag:$0x3] =	sbarrier.arrive $0xFFFF;
	s2 =	simm.s32 @!p0 $0x1C01  }
0x423: {  	[timem:s3], [sflag:s2] =	dma.local @!p0 [hbm:s0], s1  }
0x424: {  	s0 =	simm.s32 @!p0 $0x1  }
0x425: {  	_ =	swait.ge @!p0 [sflag:s0], s1  }
0x426: {  	s1 =	ssub.s32 @!p0 $0x0, s1;
	[sflag:s0] =	ssyncset.done @!p0 $0x0  }
0x427: {  	[sflag:s0] =	ssyncadd.s32 @!p0 s1  }
0x428: {  	[bflag:$0x3] =	sbarrier.arrive $0xFFFF  }
0x429: {  	_ =	shalt  }

</sc_bundles>
